<compile_context>
chip_gen: v7x
topology: tpu7x:2x2x1
jax: 0.10.2.dev20260603
libtpu: 0.0.44.dev20260713+nightly
codegen_flags: <defaults>
</compile_context>

<pallas_src>
import functools

import jax
import jax.numpy as jnp
import numpy as np
from jax import lax
from jax.experimental import pallas as pl
from jax.experimental.pallas import tpu as pltpu
from jax.experimental.pallas import tpu_sc as plsc

_N = 10000
_E = 320000
_HID = 128
_H = 8
_C = 16
_NC = 2
_NS = 16
_NW = _NC * _NS
_B = 40
_NB = _E // _B
_NITER = _NB // _NW
_B2 = 80
_NB2 = _E // _B2
_NITER2 = _NB2 // _NW
_ROWS = 632
_ROWS_LAST = _N - 15 * _ROWS

_BN = 1000


def _elu(v):
    return jnp.where(v > 0, v, jnp.exp(v) - 1.0)


def _bcast_lane(v, lane):
    idx = jnp.full((16,), lane, dtype=jnp.int32)
    return lax.gather(
        v, idx[:, None],
        dimension_numbers=lax.GatherDimensionNumbers(
            offset_dims=(), collapsed_slice_dims=(0,), start_index_map=(0,)),
        slice_sizes=(1,),
        mode=lax.GatherScatterMode.PROMISE_IN_BOUNDS)



def _proj_body(x_ref, Wp_ref, bp_ref, Wl_ref, bl_ref, Wr_ref, br_ref,
               xl_ref, xr_ref):
    h = jnp.dot(x_ref[...], Wp_ref[...], preferred_element_type=jnp.float32)
    h = _elu(h + bp_ref[...])
    xl_ref[...] = jnp.dot(h, Wl_ref[...],
                          preferred_element_type=jnp.float32) + bl_ref[...]
    xr_ref[...] = jnp.dot(h, Wr_ref[...],
                          preferred_element_type=jnp.float32) + br_ref[...]


def _tc_proj(x, Wp, bp, Wl, bl, Wr, br):
    full = lambda r, c: pl.BlockSpec((r, c), lambda i: (0, 0))
    return pl.pallas_call(
        _proj_body,
        grid=(_N // _BN,),
        in_specs=[
            pl.BlockSpec((_BN, _HID), lambda i: (i, 0)),
            full(_HID, _HID), full(1, _HID),
            full(_HID, _HID), full(1, _HID),
            full(_HID, _HID), full(1, _HID),
        ],
        out_specs=[pl.BlockSpec((_BN, _HID), lambda i: (i, 0))] * 2,
        out_shape=[jax.ShapeDtypeStruct((_N, _HID), jnp.float32)] * 2,
    )(x, Wp, bp.reshape(1, _HID), Wl, bl.reshape(1, _HID),
      Wr, br.reshape(1, _HID))


def _combine_h(sd_ref, dd_ref, S_ref, bo_ref):
    acc = sd_ref[0] + sd_ref[1]
    den = dd_ref[0] + dd_ref[1]
    denf = jnp.dot(den, S_ref[...], preferred_element_type=jnp.float32)
    return _elu(acc / (denf + 1e-16) + bo_ref[...])


def _comb_body(sd_ref, dd_ref, S_ref, bo_ref, Wl_ref, bl_ref, Wr_ref,
               br_ref, xl_ref, xr_ref):
    h = _combine_h(sd_ref, dd_ref, S_ref, bo_ref)
    xl_ref[...] = jnp.dot(h, Wl_ref[...],
                          preferred_element_type=jnp.float32) + bl_ref[...]
    xr_ref[...] = jnp.dot(h, Wr_ref[...],
                          preferred_element_type=jnp.float32) + br_ref[...]


def _tc_combine(sd, dd, S, bo, Wl, bl, Wr, br):
    full = lambda r, c: pl.BlockSpec((r, c), lambda i: (0, 0))
    return pl.pallas_call(
        _comb_body,
        grid=(_N // _BN,),
        in_specs=[
            pl.BlockSpec((_NC, _BN, _HID), lambda i: (0, i, 0)),
            pl.BlockSpec((_NC, _BN, 16), lambda i: (0, i, 0)),
            full(16, _HID), full(1, _HID),
            full(_HID, _HID), full(1, _HID),
            full(_HID, _HID), full(1, _HID),
        ],
        out_specs=[pl.BlockSpec((_BN, _HID), lambda i: (i, 0))] * 2,
        out_shape=[jax.ShapeDtypeStruct((_N, _HID), jnp.float32)] * 2,
    )(sd, dd, S, bo.reshape(1, _HID), Wl, bl.reshape(1, _HID),
      Wr, br.reshape(1, _HID))


def _final_body(sd_ref, dd_ref, S_ref, bo_ref, W1_ref, b1_ref, W2_ref,
                b2_ref, W3_ref, b3_ref, out_ref):
    h = _combine_h(sd_ref, dd_ref, S_ref, bo_ref)
    a = jnp.maximum(jnp.dot(h, W1_ref[...],
                            preferred_element_type=jnp.float32)
                    + b1_ref[...], 0.0)
    a = jnp.maximum(jnp.dot(a, W2_ref[...],
                            preferred_element_type=jnp.float32)
                    + b2_ref[...], 0.0)
    s = jnp.dot(a, W3_ref[...],
                preferred_element_type=jnp.float32) + b3_ref[...]
    out_ref[...] = jax.nn.sigmoid(s)


def _tc_final(sd, dd, S, bo, W1, b1, W2, b2, W3, b3):
    full = lambda r, c: pl.BlockSpec((r, c), lambda i: (0, 0))
    return pl.pallas_call(
        _final_body,
        grid=(_N // _BN,),
        in_specs=[
            pl.BlockSpec((_NC, _BN, _HID), lambda i: (0, i, 0)),
            pl.BlockSpec((_NC, _BN, 16), lambda i: (0, i, 0)),
            full(16, _HID), full(1, _HID),
            full(_HID, 512), full(1, 512),
            full(512, _HID), full(1, _HID),
            full(_HID, 1), full(1, 1),
        ],
        out_specs=pl.BlockSpec((_BN, 1), lambda i: (i, 0)),
        out_shape=jax.ShapeDtypeStruct((_N, 1), jnp.float32),
    )(sd, dd, S, bo.reshape(1, _HID), W1, b1.reshape(1, 512),
      W2, b2.reshape(1, _HID), W3, b3.reshape(1, 1))



def _sc_msg_body(xl_hbm, xr_hbm, src_hbm, dst_hbm, ea_hbm, we_hbm, att_hbm,
                 sd_out, ev_out,
                 sh, srcb0, dstb0, xlb0, xrb0, eab0,
                 srcb1, dstb1, xlb1, xrb1, eab1,
                 wrowb, denb, web, attb,
                 seml0, semr0, seml1, semr1):
    cid = lax.axis_index("c")
    sid = lax.axis_index("s")
    wid = sid * _NC + cid

    zero = jnp.zeros((16,), jnp.float32)
    lane = lax.iota(jnp.int32, 16)

    bufs = [(srcb0, dstb0, xlb0, xrb0, eab0, seml0, semr0),
            (srcb1, dstb1, xlb1, xrb1, eab1, seml1, semr1)]

    pltpu.sync_copy(we_hbm, web)
    pltpu.sync_copy(att_hbm, attb)

    def zrow(i, _):
        for j in range(_HID // 16):
            wrowb[i, j * 16:(j + 1) * 16] = zero
        return 0
    lax.fori_loop(0, _B, zrow, 0)

    rows = jnp.where(sid < 15, _ROWS, _ROWS_LAST)
    rbase = sid * _ROWS

    def zchunk(i, _):
        @pl.when(i * 8 < rows)
        def _():
            pltpu.sync_copy(wrowb.at[pl.ds(0, 8)],
                            sh.at[pl.ds(rbase + i * 8, 8)])
        return 0
    lax.fori_loop(0, _ROWS // 8, zchunk, 0)

    plsc.subcore_barrier()

    wevs = [[web[k, h * 16:(h + 1) * 16] for h in range(_H)] for k in range(4)]
    attvs = [attb[h, :] for h in range(_H)]

    def load(i, p):
        srcb, dstb, xlb, xrb, eab, seml, semr = bufs[p]
        b = wid + jnp.remainder(i, _NITER) * _NW
        base = b * _B
        pltpu.sync_copy(src_hbm.at[pl.ds(base, _B)], srcb)
        pltpu.sync_copy(dst_hbm.at[pl.ds(base, _B)], dstb)
        pltpu.async_copy(xl_hbm.at[srcb], xlb, seml)
        pltpu.async_copy(xr_hbm.at[dstb], xrb, semr)
        pltpu.sync_copy(ea_hbm.at[pl.ds(base, _B)], eab)

    def process(i, p):
        srcb, dstb, xlb, xrb, eab, seml, semr = bufs[p]
        pltpu.make_async_copy(xl_hbm.at[srcb], xlb, seml).wait()
        pltpu.make_async_copy(xr_hbm.at[dstb], xrb, semr).wait()
        base = (wid + i * _NW) * _B

        def edge_body(e, _):
            eav = eab[e, :]
            bc = [_bcast_lane(eav, k) for k in range(4)]
            denv = zero
            for h in range(_H):
                xlv = xlb[e, h * 16:(h + 1) * 16]
                xrv = xrb[e, h * 16:(h + 1) * 16]
                eev = (bc[0] * wevs[0][h] + bc[1] * wevs[1][h]
                       + bc[2] * wevs[2][h] + bc[3] * wevs[3][h])
                mv = xlv + xrv + eev
                mv = jnp.maximum(mv, 0.2 * mv)
                sv = plsc.cumsum(mv * attvs[h])
                ebv = jnp.exp(_bcast_lane(sv, 15))
                wrowb[e, h * 16:(h + 1) * 16] = ebv * xlv
                denv = jnp.where(lane == h, ebv, denv)
            denb[e, :] = denv
            return 0
        lax.fori_loop(0, _B, edge_body, 0)

        pltpu.sync_copy(wrowb, sh.at[dstb], add=True)
        pltpu.sync_copy(denb, ev_out.at[pl.ds(base, _B)])

    load(0, 0)

    def batch_body(j, _):
        load(2 * j + 1, 1)
        process(2 * j, 0)
        load(2 * j + 2, 0)
        process(2 * j + 1, 1)
        return 0
    lax.fori_loop(0, _NITER // 2, batch_body, 0)

    pltpu.make_async_copy(xl_hbm.at[srcb0], xlb0, seml0).wait()
    pltpu.make_async_copy(xr_hbm.at[dstb0], xrb0, semr0).wait()

    plsc.subcore_barrier()

    @pl.when(sid < 15)
    def _():
        pltpu.sync_copy(sh.at[pl.ds(rbase, _ROWS)],
                        sd_out.at[cid, pl.ds(rbase, _ROWS)])

    @pl.when(sid == 15)
    def _():
        pltpu.sync_copy(sh.at[pl.ds(15 * _ROWS, _ROWS_LAST)],
                        sd_out.at[cid, pl.ds(15 * _ROWS, _ROWS_LAST)])


def _sc_msg_pass(xl, xr, src, dst, eap, We, att):
    mesh = plsc.VectorSubcoreMesh(core_axis_name="c", subcore_axis_name="s",
                                  num_cores=_NC, num_subcores=_NS)
    k = pl.kernel(
        _sc_msg_body,
        out_type=(jax.ShapeDtypeStruct((_NC, _N, _HID), jnp.float32),
                  jax.ShapeDtypeStruct((_E, 16), jnp.float32)),
        mesh=mesh,
        scratch_types=[
            pltpu.VMEM_SHARED((_N, _HID), jnp.float32),
            pltpu.VMEM((_B,), jnp.int32),
            pltpu.VMEM((_B,), jnp.int32),
            pltpu.VMEM((_B, _HID), jnp.float32),
            pltpu.VMEM((_B, _HID), jnp.float32),
            pltpu.VMEM((_B, 16), jnp.float32),
            pltpu.VMEM((_B,), jnp.int32),
            pltpu.VMEM((_B,), jnp.int32),
            pltpu.VMEM((_B, _HID), jnp.float32),
            pltpu.VMEM((_B, _HID), jnp.float32),
            pltpu.VMEM((_B, 16), jnp.float32),
            pltpu.VMEM((_B, _HID), jnp.float32),
            pltpu.VMEM((_B, 16), jnp.float32),
            pltpu.VMEM((4, _HID), jnp.float32),
            pltpu.VMEM((_H, _C), jnp.float32),
            pltpu.SemaphoreType.DMA,
            pltpu.SemaphoreType.DMA,
            pltpu.SemaphoreType.DMA,
            pltpu.SemaphoreType.DMA,
        ],
        compiler_params=pltpu.CompilerParams(needs_layout_passes=False),
    )
    return k(xl, xr, src, dst, eap, We, att)



def _sc_den_body(ev_hbm, dst_hbm, dd_out,
                 sh, dstb, evb, sem):
    cid = lax.axis_index("c")
    sid = lax.axis_index("s")
    wid = sid * _NC + cid

    zero = jnp.zeros((16,), jnp.float32)

    def zrow(i, _):
        evb[i, :] = zero
        return 0
    lax.fori_loop(0, 8, zrow, 0)

    rows = jnp.where(sid < 15, _ROWS, _ROWS_LAST)
    rbase = sid * _ROWS

    def zchunk(i, _):
        @pl.when(i * 8 < rows)
        def _():
            pltpu.sync_copy(evb.at[pl.ds(0, 8)],
                            sh.at[pl.ds(rbase + i * 8, 8)])
        return 0
    lax.fori_loop(0, _ROWS // 8, zchunk, 0)

    plsc.subcore_barrier()

    def batch_body(i, _):
        b = wid + i * _NW
        base = b * _B2
        pltpu.sync_copy(dst_hbm.at[pl.ds(base, _B2)], dstb)
        pltpu.sync_copy(ev_hbm.at[pl.ds(base, _B2)], evb)
        pltpu.sync_copy(evb, sh.at[dstb], add=True)
        return 0
    lax.fori_loop(0, _NITER2, batch_body, 0)

    plsc.subcore_barrier()

    @pl.when(sid < 15)
    def _():
        pltpu.sync_copy(sh.at[pl.ds(rbase, _ROWS)],
                        dd_out.at[cid, pl.ds(rbase, _ROWS)])

    @pl.when(sid == 15)
    def _():
        pltpu.sync_copy(sh.at[pl.ds(15 * _ROWS, _ROWS_LAST)],
                        dd_out.at[cid, pl.ds(15 * _ROWS, _ROWS_LAST)])


def _sc_den_pass(ev, dst):
    mesh = plsc.VectorSubcoreMesh(core_axis_name="c", subcore_axis_name="s",
                                  num_cores=_NC, num_subcores=_NS)
    k = pl.kernel(
        _sc_den_body,
        out_type=jax.ShapeDtypeStruct((_NC, _N, 16), jnp.float32),
        mesh=mesh,
        scratch_types=[
            pltpu.VMEM_SHARED((_N, 16), jnp.float32),
            pltpu.VMEM((_B2,), jnp.int32),
            pltpu.VMEM((_B2, 16), jnp.float32),
            pltpu.SemaphoreType.DMA,
        ],
        compiler_params=pltpu.CompilerParams(needs_layout_passes=False),
    )
    return k(ev, dst)



def kernel(x, edge_index, edge_attr, Wp, bp,
           Wl1, bl1, Wr1, br1, We1, att1, bo1,
           Wl2, bl2, Wr2, br2, We2, att2, bo2,
           W1, b1, W2, b2, W3, b3):
    src = edge_index[0].astype(jnp.int32)
    dst = edge_index[1].astype(jnp.int32)
    eap = jnp.pad(edge_attr, ((0, 0), (0, 16 - edge_attr.shape[1])))

    S = np.zeros((16, _HID), np.float32)
    for h in range(_H):
        S[h, h * 16:(h + 1) * 16] = 1.0
    S = jnp.asarray(S)

    xl1, xr1 = _tc_proj(x, Wp, bp, Wl1, bl1, Wr1, br1)
    sd1, ev1 = _sc_msg_pass(xl1, xr1, src, dst, eap, We1, att1)
    dd1 = _sc_den_pass(ev1, dst)
    xl2, xr2 = _tc_combine(sd1, dd1, S, bo1, Wl2, bl2, Wr2, br2)
    sd2, ev2 = _sc_msg_pass(xl2, xr2, src, dst, eap, We2, att2)
    dd2 = _sc_den_pass(ev2, dst)
    return _tc_final(sd2, dd2, S, bo2, W1, b1, W2, b2, W3, b3)

# --- scband reference (transcript-rebuilt; emitter-appended) ---
"""Pipeline reference for scband-vid-sum-gnn-54614804136639 (READ-ONLY COPY).

The authoritative reference and input builder live on the scoring server;
editing this copy changes nothing except your own understanding.
"""

import jax, jax.numpy as jnp
import numpy as np

N = 10000
E = 320000
D_IN = 128
HID = 128
H = 8
C = HID // H
ED = 4


def setup_inputs(seed: int = 0) -> dict:
    key = jax.random.key(seed)
    ks = jax.random.split(key, 28)
    def nrm(k, shape, s=0.05):
        return jax.random.normal(k, shape, dtype=jnp.float32) * s
    inp = {}
    inp['x'] = jax.random.normal(ks[0], (N, D_IN), dtype=jnp.float32)
    inp['edge_index'] = jax.random.randint(ks[1], (2, E), 0, N)
    inp['edge_attr'] = jax.random.normal(ks[2], (E, ED), dtype=jnp.float32)
    # input_proj
    inp['Wp'] = nrm(ks[3], (D_IN, HID)); inp['bp'] = jnp.zeros((HID,), jnp.float32)
    # gat1 (GATv2: lin_l for source, lin_r for target, lin_edge, att, bias)
    inp['Wl1'] = nrm(ks[4], (HID, HID)); inp['bl1'] = jnp.zeros((HID,), jnp.float32)
    inp['Wr1'] = nrm(ks[5], (HID, HID)); inp['br1'] = jnp.zeros((HID,), jnp.float32)
    inp['We1'] = nrm(ks[6], (ED, HID))
    inp['att1'] = nrm(ks[7], (H, C))
    inp['bo1'] = jnp.zeros((HID,), jnp.float32)
    # gat2
    inp['Wl2'] = nrm(ks[8], (HID, HID)); inp['bl2'] = jnp.zeros((HID,), jnp.float32)
    inp['Wr2'] = nrm(ks[9], (HID, HID)); inp['br2'] = jnp.zeros((HID,), jnp.float32)
    inp['We2'] = nrm(ks[10], (ED, HID))
    inp['att2'] = nrm(ks[11], (H, C))
    inp['bo2'] = jnp.zeros((HID,), jnp.float32)
    # mlp head
    inp['W1'] = nrm(ks[12], (HID, 512)); inp['b1'] = jnp.zeros((512,), jnp.float32)
    inp['W2'] = nrm(ks[13], (512, 128)); inp['b2'] = jnp.zeros((128,), jnp.float32)
    inp['W3'] = nrm(ks[14], (128, 1)); inp['b3'] = jnp.zeros((1,), jnp.float32)
    return inp


def _gatv2(x, src, dst, edge_attr, Wl, bl, Wr, br, We, att, bias):
    n = x.shape[0]
    xl = (x @ Wl + bl).reshape(n, H, C)   # source transform
    xr = (x @ Wr + br).reshape(n, H, C)   # target transform
    ee = (edge_attr @ We).reshape(-1, H, C)
    m = jax.nn.leaky_relu(xl[src] + xr[dst] + ee, negative_slope=0.2)  # [E,H,C]
    logits = jnp.sum(m * att[None, :, :], axis=-1)  # [E,H]
    lmax = jax.ops.segment_max(logits, dst, num_segments=n)
    lmax = jax.lax.stop_gradient(jnp.where(jnp.isfinite(lmax), lmax, 0.0))
    ex = jnp.exp(logits - lmax[dst])
    den = jax.ops.segment_sum(ex, dst, num_segments=n)
    alpha = ex / (den[dst] + 1e-16)  # softmax over incoming edges per dst, per head
    out = jax.ops.segment_sum(alpha[:, :, None] * xl[src], dst, num_segments=n)  # [N,H,C]
    return out.reshape(n, HID) + bias


def reference(x, edge_index, edge_attr, Wp, bp,
              Wl1, bl1, Wr1, br1, We1, att1, bo1,
              Wl2, bl2, Wr2, br2, We2, att2, bo2,
              W1, b1, W2, b2, W3, b3):
    src = edge_index[0]
    dst = edge_index[1]
    h = jax.nn.elu(x @ Wp + bp)
    h = jax.nn.elu(_gatv2(h, src, dst, edge_attr, Wl1, bl1, Wr1, br1, We1, att1, bo1))
    h = jax.nn.elu(_gatv2(h, src, dst, edge_attr, Wl2, bl2, Wr2, br2, We2, att2, bo2))
    h = jax.nn.relu(h @ W1 + b1)
    h = jax.nn.relu(h @ W2 + b2)
    scores = jax.nn.sigmoid(h @ W3 + b3)
    return scores

if __name__ == "__main__":
    import jax
    _d = setup_inputs()
    print(jax.jit(kernel)(*tuple(_d.values())))

</pallas_src>

<mosaic_0001>
#map = affine_map<(d0, d1) -> (0, 0)>
#map1 = affine_map<(d0, d1) -> (0)>
#map2 = affine_map<(d0, d1) -> (0, 0, 0)>
module attributes {stable_mosaic.version = 14 : i64} {
  func.func @_sc_msg_body(%arg0: i32, %arg1: i32, %arg2: memref<10000x128xf32, #tpu.memory_space<hbm>>, %arg3: memref<10000x128xf32, #tpu.memory_space<hbm>>, %arg4: memref<320000xi32, #tpu.memory_space<hbm>>, %arg5: memref<320000xi32, #tpu.memory_space<hbm>>, %arg6: memref<320000x16xf32, #tpu.memory_space<hbm>>, %arg7: memref<4x128xf32, #tpu.memory_space<hbm>>, %arg8: memref<8x16xf32, #tpu.memory_space<hbm>>, %arg9: memref<2x10000x128xf32, #tpu.memory_space<hbm>>, %arg10: memref<320000x16xf32, #tpu.memory_space<hbm>>, %arg11: memref<10000x128xf32, #tpu.memory_space<vmem_shared>>, %arg12: memref<40xi32, #tpu.memory_space<vmem>>, %arg13: memref<40xi32, #tpu.memory_space<vmem>>, %arg14: memref<40x128xf32, #tpu.memory_space<vmem>>, %arg15: memref<40x128xf32, #tpu.memory_space<vmem>>, %arg16: memref<40x16xf32, #tpu.memory_space<vmem>>, %arg17: memref<40xi32, #tpu.memory_space<vmem>>, %arg18: memref<40xi32, #tpu.memory_space<vmem>>, %arg19: memref<40x128xf32, #tpu.memory_space<vmem>>, %arg20: memref<40x128xf32, #tpu.memory_space<vmem>>, %arg21: memref<40x16xf32, #tpu.memory_space<vmem>>, %arg22: memref<40x128xf32, #tpu.memory_space<vmem>>, %arg23: memref<40x16xf32, #tpu.memory_space<vmem>>, %arg24: memref<4x128xf32, #tpu.memory_space<vmem>>, %arg25: memref<8x16xf32, #tpu.memory_space<vmem>>, %arg26: memref<!tpu.dma_semaphore, #tpu.memory_space<semaphore_mem>>, %arg27: memref<!tpu.dma_semaphore, #tpu.memory_space<semaphore_mem>>, %arg28: memref<!tpu.dma_semaphore, #tpu.memory_space<semaphore_mem>>, %arg29: memref<!tpu.dma_semaphore, #tpu.memory_space<semaphore_mem>>) attributes {dimension_semantics = [#tpu.dimension_semantics<core_parallel>, #tpu.dimension_semantics<subcore_parallel>], iteration_bounds = array<i64: 2, 16>, scalar_prefetch = 0 : i64, scratch_operands = 19 : i64, tpu.core_type = #tpu.core_type<sc_vector_subcore>, window_params = [{transform_indices = #map}, {transform_indices = #map}, {transform_indices = #map1}, {transform_indices = #map1}, {transform_indices = #map}, {transform_indices = #map}, {transform_indices = #map}, {transform_indices = #map2}, {transform_indices = #map}]} {
    %mul3A = arith.constant 2 : i32
    %mul3A_0 = arith.muli %arg1, %mul3A : i32
    %add3A = arith.addi %mul3A_0, %arg0 : i32
    %broadcast_in_dim3A = arith.constant 0.000000e+00 : f32
    %broadcast_in_dim3A_1 = vector.broadcast %broadcast_in_dim3A : f32 to vector<16xf32>
    %iota3A = tpu.iota {dimensions = array<i32: 0>} : vector<16xi32>
    "tpu.region"() ({
      %run_scoped3A = tpu.sem_alloc : memref<!tpu.dma_semaphore, #tpu.memory_space<semaphore_mem>>
      tpu.enqueue_dma source(%arg7 : memref<4x128xf32, #tpu.memory_space<hbm>>) target(%arg24 : memref<4x128xf32, #tpu.memory_space<vmem>>) target_semaphore(%run_scoped3A : memref<!tpu.dma_semaphore, #tpu.memory_space<semaphore_mem>>)
      tpu.wait_dma2 semaphore(%run_scoped3A : memref<!tpu.dma_semaphore, #tpu.memory_space<semaphore_mem>>) src(%arg7 : memref<4x128xf32, #tpu.memory_space<hbm>>) dst(%arg24 : memref<4x128xf32, #tpu.memory_space<vmem>>)
      tpu.yield
    }) : () -> ()
    "tpu.region"() ({
      %run_scoped3A = tpu.sem_alloc : memref<!tpu.dma_semaphore, #tpu.memory_space<semaphore_mem>>
      tpu.enqueue_dma source(%arg8 : memref<8x16xf32, #tpu.memory_space<hbm>>) target(%arg25 : memref<8x16xf32, #tpu.memory_space<vmem>>) target_semaphore(%run_scoped3A : memref<!tpu.dma_semaphore, #tpu.memory_space<semaphore_mem>>)
      tpu.wait_dma2 semaphore(%run_scoped3A : memref<!tpu.dma_semaphore, #tpu.memory_space<semaphore_mem>>) src(%arg8 : memref<8x16xf32, #tpu.memory_space<hbm>>) dst(%arg25 : memref<8x16xf32, #tpu.memory_space<vmem>>)
      tpu.yield
    }) : () -> ()
    %scan3A = arith.constant 0 : i32
    %scan3A_2 = arith.constant 0 : i32
    %scan3A_3 = arith.constant 40 : i32
    %scan3A_4 = arith.addi %scan3A_2, %scan3A_3 : i32
    %scan3A_5 = arith.constant 1 : i32
    %scan3A_6 = scf.for %scan3A_222 = %scan3A_2 to %scan3A_4 step %scan3A_5 iter_args(%scan3A_223 = %scan3A) -> (i32)  : i32 {
      %swap3A = arith.index_cast %scan3A_222 : i32 to index
      %swap3A_224 = arith.constant 0 : index
      %swap3A_225 = tpu.vector_load %arg22[%swap3A, %swap3A_224] {strides = array<i32>} : memref<40x128xf32, #tpu.memory_space<vmem>>, vector<16xf32>,
      tpu.vector_store %arg22[%swap3A, %swap3A_224], %broadcast_in_dim3A_1 {strides = array<i32>} : memref<40x128xf32, #tpu.memory_space<vmem>>, vector<16xf32>,
      %swap3A_226 = arith.index_cast %scan3A_222 : i32 to index
      %swap3A_227 = arith.constant 16 : index
      %swap3A_228 = tpu.vector_load %arg22[%swap3A_226, %swap3A_227] {strides = array<i32>} : memref<40x128xf32, #tpu.memory_space<vmem>>, vector<16xf32>,
      tpu.vector_store %arg22[%swap3A_226, %swap3A_227], %broadcast_in_dim3A_1 {strides = array<i32>} : memref<40x128xf32, #tpu.memory_space<vmem>>, vector<16xf32>,
      %swap3A_229 = arith.index_cast %scan3A_222 : i32 to index
      %swap3A_230 = arith.constant 32 : index
      %swap3A_231 = tpu.vector_load %arg22[%swap3A_229, %swap3A_230] {strides = array<i32>} : memref<40x128xf32, #tpu.memory_space<vmem>>, vector<16xf32>,
      tpu.vector_store %arg22[%swap3A_229, %swap3A_230], %broadcast_in_dim3A_1 {strides = array<i32>} : memref<40x128xf32, #tpu.memory_space<vmem>>, vector<16xf32>,
      %swap3A_232 = arith.index_cast %scan3A_222 : i32 to index
      %swap3A_233 = arith.constant 48 : index
      %swap3A_234 = tpu.vector_load %arg22[%swap3A_232, %swap3A_233] {strides = array<i32>} : memref<40x128xf32, #tpu.memory_space<vmem>>, vector<16xf32>,
      tpu.vector_store %arg22[%swap3A_232, %swap3A_233], %broadcast_in_dim3A_1 {strides = array<i32>} : memref<40x128xf32, #tpu.memory_space<vmem>>, vector<16xf32>,
      %swap3A_235 = arith.index_cast %scan3A_222 : i32 to index
      %swap3A_236 = arith.constant 64 : index
      %swap3A_237 = tpu.vector_load %arg22[%swap3A_235, %swap3A_236] {strides = array<i32>} : memref<40x128xf32, #tpu.memory_space<vmem>>, vector<16xf32>,
      tpu.vector_store %arg22[%swap3A_235, %swap3A_236], %broadcast_in_dim3A_1 {strides = array<i32>} : memref<40x128xf32, #tpu.memory_space<vmem>>, vector<16xf32>,
      %swap3A_238 = arith.index_cast %scan3A_222 : i32 to index
      %swap3A_239 = arith.constant 80 : index
      %swap3A_240 = tpu.vector_load %arg22[%swap3A_238, %swap3A_239] {strides = array<i32>} : memref<40x128xf32, #tpu.memory_space<vmem>>, vector<16xf32>,
      tpu.vector_store %arg22[%swap3A_238, %swap3A_239], %broadcast_in_dim3A_1 {strides = array<i32>} : memref<40x128xf32, #tpu.memory_space<vmem>>, vector<16xf32>,
      %swap3A_241 = arith.index_cast %scan3A_222 : i32 to index
      %swap3A_242 = arith.constant 96 : index
      %swap3A_243 = tpu.vector_load %arg22[%swap3A_241, %swap3A_242] {strides = array<i32>} : memref<40x128xf32, #tpu.memory_space<vmem>>, vector<16xf32>,
      tpu.vector_store %arg22[%swap3A_241, %swap3A_242], %broadcast_in_dim3A_1 {strides = array<i32>} : memref<40x128xf32, #tpu.memory_space<vmem>>, vector<16xf32>,
      %swap3A_244 = arith.index_cast %scan3A_222 : i32 to index
      %swap3A_245 = arith.constant 112 : index
      %swap3A_246 = tpu.vector_load %arg22[%swap3A_244, %swap3A_245] {strides = array<i32>} : memref<40x128xf32, #tpu.memory_space<vmem>>, vector<16xf32>,
      tpu.vector_store %arg22[%swap3A_244, %swap3A_245], %broadcast_in_dim3A_1 {strides = array<i32>} : memref<40x128xf32, #tpu.memory_space<vmem>>, vector<16xf32>,
      %scan3A_247 = arith.constant 0 : i32
      scf.yield %scan3A_247 : i32
    }
    %scan3A_7 = arith.constant 40 : i32
    %lt3A = arith.constant 15 : i32
    %lt3A_8 = arith.cmpi slt, %arg1, %lt3A : i32
    %jit3A = arith.constant 632 : i32
    %jit3A_9 = arith.constant 520 : i32
    %select_n3A = arith.select %lt3A_8, %jit3A, %jit3A_9 : i32
    %mul3A_10 = arith.constant 632 : i32
    %mul3A_11 = arith.muli %arg1, %mul3A_10 : i32
    %scan3A_12 = arith.constant 0 : i32
    %scan3A_13 = arith.constant 0 : i32
    %scan3A_14 = arith.constant 79 : i32
    %scan3A_15 = arith.addi %scan3A_13, %scan3A_14 : i32
    %scan3A_16 = arith.constant 1 : i32
    %scan3A_17 = scf.for %scan3A_222 = %scan3A_13 to %scan3A_15 step %scan3A_16 iter_args(%scan3A_223 = %scan3A_12) -> (i32)  : i32 {
      %mul3A_224 = arith.constant 8 : i32
      %mul3A_225 = arith.muli %scan3A_222, %mul3A_224 : i32
      %lt3A_226 = arith.cmpi slt, %mul3A_225, %select_n3A : i32
      %convert_element_type3A_227 = arith.extui %lt3A_226 : i1 to i32
      %cond3A_228 = arith.constant 0 : i32
      %cond3A_229 = arith.cmpi ne, %convert_element_type3A_227, %cond3A_228 : i32
      scf.if %cond3A_229 {
        %mul3A_231 = arith.constant 8 : i32
        %mul3A_232 = arith.muli %scan3A_222, %mul3A_231 : i32
        %add3A_233 = arith.addi %mul3A_11, %mul3A_232 : i32
        "tpu.region"() ({
          %run_scoped3A = tpu.sem_alloc : memref<!tpu.dma_semaphore, #tpu.memory_space<semaphore_mem>>
          %dma_start3A_234 = arith.constant 0 : i32
          %dma_start3A_235 = arith.constant 0 : i32
          %dma_start3A_236 = tpu.memref_slice %arg22[%dma_start3A_234, %dma_start3A_235] : memref<40x128xf32, #tpu.memory_space<vmem>> -> memref<8x128xf32, #tpu.memory_space<vmem>>
          %dma_start3A_237 = arith.constant 0 : i32
          %dma_start3A_238 = tpu.memref_slice %arg11[%add3A_233, %dma_start3A_237] : memref<10000x128xf32, #tpu.memory_space<vmem_shared>> -> memref<8x128xf32, #tpu.memory_space<vmem_shared>>
          %dma_start3A_239 = arith.constant 0 : i32
          %dma_start3A_240 = tpu.memref_slice %arg11[%add3A_233, %dma_start3A_239] : memref<10000x128xf32, #tpu.memory_space<vmem_shared>> -> memref<8x128xf32, #tpu.memory_space<vmem_shared>>
          %dma_start3A_241 = arith.constant 0 : i32
          %dma_start3A_242 = arith.constant 0 : i32
          %dma_start3A_243 = tpu.memref_slice %arg22[%dma_start3A_241, %dma_start3A_242] : memref<40x128xf32, #tpu.memory_space<vmem>> -> memref<8x128xf32, #tpu.memory_space<vmem>>
          tpu.enqueue_dma source(%dma_start3A_243 : memref<8x128xf32, #tpu.memory_space<vmem>>) target(%dma_start3A_240 : memref<8x128xf32, #tpu.memory_space<vmem_shared>>) target_semaphore(%run_scoped3A : memref<!tpu.dma_semaphore, #tpu.memory_space<semaphore_mem>>)
          %dma_wait3A_244 = arith.constant 0 : i32
          %dma_wait3A_245 = arith.constant 0 : i32
          %dma_wait3A_246 = tpu.memref_slice %arg22[%dma_wait3A_244, %dma_wait3A_245] : memref<40x128xf32, #tpu.memory_space<vmem>> -> memref<8x128xf32, #tpu.memory_space<vmem>>
          %dma_wait3A_247 = arith.constant 0 : i32
          %dma_wait3A_248 = tpu.memref_slice %arg11[%add3A_233, %dma_wait3A_247] : memref<10000x128xf32, #tpu.memory_space<vmem_shared>> -> memref<8x128xf32, #tpu.memory_space<vmem_shared>>
          %dma_wait3A_249 = arith.constant 0 : i32
          %dma_wait3A_250 = tpu.memref_slice %arg11[%add3A_233, %dma_wait3A_249] : memref<10000x128xf32, #tpu.memory_space<vmem_shared>> -> memref<8x128xf32, #tpu.memory_space<vmem_shared>>
          %dma_wait3A_251 = arith.constant 0 : i32
          %dma_wait3A_252 = arith.constant 0 : i32
          %dma_wait3A_253 = tpu.memref_slice %arg22[%dma_wait3A_251, %dma_wait3A_252] : memref<40x128xf32, #tpu.memory_space<vmem>> -> memref<8x128xf32, #tpu.memory_space<vmem>>
          tpu.wait_dma2 semaphore(%run_scoped3A : memref<!tpu.dma_semaphore, #tpu.memory_space<semaphore_mem>>) src(%dma_wait3A_253 : memref<8x128xf32, #tpu.memory_space<vmem>>) dst(%dma_wait3A_250 : memref<8x128xf32, #tpu.memory_space<vmem_shared>>)
          tpu.yield
        }) : () -> ()
      } else {
      }
      %scan3A_230 = arith.constant 0 : i32
      scf.yield %scan3A_230 : i32
    }
    %scan3A_18 = arith.constant 79 : i32
    %barrier3A = arith.constant 0 : index
    tpu.barrier barrier_id(%barrier3A)
    %get3A = arith.constant 0 : i32
    %get3A_19 = arith.index_cast %get3A : i32 to index
    %get3A_20 = arith.constant 0 : index
    %get3A_21 = tpu.vector_load %arg24[%get3A_19, %get3A_20] {strides = array<i32>} : memref<4x128xf32, #tpu.memory_space<vmem>>, vector<16xf32>,
    %get3A_22 = arith.constant 0 : i32
    %get3A_23 = arith.index_cast %get3A_22 : i32 to index
    %get3A_24 = arith.constant 16 : index
    %get3A_25 = tpu.vector_load %arg24[%get3A_23, %get3A_24] {strides = array<i32>} : memref<4x128xf32, #tpu.memory_space<vmem>>, vector<16xf32>,
    %get3A_26 = arith.constant 0 : i32
    %get3A_27 = arith.index_cast %get3A_26 : i32 to index
    %get3A_28 = arith.constant 32 : index
    %get3A_29 = tpu.vector_load %arg24[%get3A_27, %get3A_28] {strides = array<i32>} : memref<4x128xf32, #tpu.memory_space<vmem>>, vector<16xf32>,
    %get3A_30 = arith.constant 0 : i32
    %get3A_31 = arith.index_cast %get3A_30 : i32 to index
    %get3A_32 = arith.constant 48 : index
    %get3A_33 = tpu.vector_load %arg24[%get3A_31, %get3A_32] {strides = array<i32>} : memref<4x128xf32, #tpu.memory_space<vmem>>, vector<16xf32>,
    %get3A_34 = arith.constant 0 : i32
    %get3A_35 = arith.index_cast %get3A_34 : i32 to index
    %get3A_36 = arith.constant 64 : index
    %get3A_37 = tpu.vector_load %arg24[%get3A_35, %get3A_36] {strides = array<i32>} : memref<4x128xf32, #tpu.memory_space<vmem>>, vector<16xf32>,
    %get3A_38 = arith.constant 0 : i32
    %get3A_39 = arith.index_cast %get3A_38 : i32 to index
    %get3A_40 = arith.constant 80 : index
    %get3A_41 = tpu.vector_load %arg24[%get3A_39, %get3A_40] {strides = array<i32>} : memref<4x128xf32, #tpu.memory_space<vmem>>, vector<16xf32>,
    %get3A_42 = arith.constant 0 : i32
    %get3A_43 = arith.index_cast %get3A_42 : i32 to index
    %get3A_44 = arith.constant 96 : index
    %get3A_45 = tpu.vector_load %arg24[%get3A_43, %get3A_44] {strides = array<i32>} : memref<4x128xf32, #tpu.memory_space<vmem>>, vector<16xf32>,
    %get3A_46 = arith.constant 0 : i32
    %get3A_47 = arith.index_cast %get3A_46 : i32 to index
    %get3A_48 = arith.constant 112 : index
    %get3A_49 = tpu.vector_load %arg24[%get3A_47, %get3A_48] {strides = array<i32>} : memref<4x128xf32, #tpu.memory_space<vmem>>, vector<16xf32>,
    %get3A_50 = arith.constant 1 : i32
    %get3A_51 = arith.index_cast %get3A_50 : i32 to index
    %get3A_52 = arith.constant 0 : index
    %get3A_53 = tpu.vector_load %arg24[%get3A_51, %get3A_52] {strides = array<i32>} : memref<4x128xf32, #tpu.memory_space<vmem>>, vector<16xf32>,
    %get3A_54 = arith.constant 1 : i32
    %get3A_55 = arith.index_cast %get3A_54 : i32 to index
    %get3A_56 = arith.constant 16 : index
    %get3A_57 = tpu.vector_load %arg24[%get3A_55, %get3A_56] {strides = array<i32>} : memref<4x128xf32, #tpu.memory_space<vmem>>, vector<16xf32>,
    %get3A_58 = arith.constant 1 : i32
    %get3A_59 = arith.index_cast %get3A_58 : i32 to index
    %get3A_60 = arith.constant 32 : index
    %get3A_61 = tpu.vector_load %arg24[%get3A_59, %get3A_60] {strides = array<i32>} : memref<4x128xf32, #tpu.memory_space<vmem>>, vector<16xf32>,
    %get3A_62 = arith.constant 1 : i32
    %get3A_63 = arith.index_cast %get3A_62 : i32 to index
    %get3A_64 = arith.constant 48 : index
    %get3A_65 = tpu.vector_load %arg24[%get3A_63, %get3A_64] {strides = array<i32>} : memref<4x128xf32, #tpu.memory_space<vmem>>, vector<16xf32>,
    %get3A_66 = arith.constant 1 : i32
    %get3A_67 = arith.index_cast %get3A_66 : i32 to index
    %get3A_68 = arith.constant 64 : index
    %get3A_69 = tpu.vector_load %arg24[%get3A_67, %get3A_68] {strides = array<i32>} : memref<4x128xf32, #tpu.memory_space<vmem>>, vector<16xf32>,
    %get3A_70 = arith.constant 1 : i32
    %get3A_71 = arith.index_cast %get3A_70 : i32 to index
    %get3A_72 = arith.constant 80 : index
    %get3A_73 = tpu.vector_load %arg24[%get3A_71, %get3A_72] {strides = array<i32>} : memref<4x128xf32, #tpu.memory_space<vmem>>, vector<16xf32>,
    %get3A_74 = arith.constant 1 : i32
    %get3A_75 = arith.index_cast %get3A_74 : i32 to index
    %get3A_76 = arith.constant 96 : index
    %get3A_77 = tpu.vector_load %arg24[%get3A_75, %get3A_76] {strides = array<i32>} : memref<4x128xf32, #tpu.memory_space<vmem>>, vector<16xf32>,
    %get3A_78 = arith.constant 1 : i32
    %get3A_79 = arith.index_cast %get3A_78 : i32 to index
    %get3A_80 = arith.constant 112 : index
    %get3A_81 = tpu.vector_load %arg24[%get3A_79, %get3A_80] {strides = array<i32>} : memref<4x128xf32, #tpu.memory_space<vmem>>, vector<16xf32>,
    %get3A_82 = arith.constant 2 : i32
    %get3A_83 = arith.index_cast %get3A_82 : i32 to index
    %get3A_84 = arith.constant 0 : index
    %get3A_85 = tpu.vector_load %arg24[%get3A_83, %get3A_84] {strides = array<i32>} : memref<4x128xf32, #tpu.memory_space<vmem>>, vector<16xf32>,
    %get3A_86 = arith.constant 2 : i32
    %get3A_87 = arith.index_cast %get3A_86 : i32 to index
    %get3A_88 = arith.constant 16 : index
    %get3A_89 = tpu.vector_load %arg24[%get3A_87, %get3A_88] {strides = array<i32>} : memref<4x128xf32, #tpu.memory_space<vmem>>, vector<16xf32>,
    %get3A_90 = arith.constant 2 : i32
    %get3A_91 = arith.index_cast %get3A_90 : i32 to index
    %get3A_92 = arith.constant 32 : index
    %get3A_93 = tpu.vector_load %arg24[%get3A_91, %get3A_92] {strides = array<i32>} : memref<4x128xf32, #tpu.memory_space<vmem>>, vector<16xf32>,
    %get3A_94 = arith.constant 2 : i32
    %get3A_95 = arith.index_cast %get3A_94 : i32 to index
    %get3A_96 = arith.constant 48 : index
    %get3A_97 = tpu.vector_load %arg24[%get3A_95, %get3A_96] {strides = array<i32>} : memref<4x128xf32, #tpu.memory_space<vmem>>, vector<16xf32>,
    %get3A_98 = arith.constant 2 : i32
    %get3A_99 = arith.index_cast %get3A_98 : i32 to index
    %get3A_100 = arith.constant 64 : index
    %get3A_101 = tpu.vector_load %arg24[%get3A_99, %get3A_100] {strides = array<i32>} : memref<4x128xf32, #tpu.memory_space<vmem>>, vector<16xf32>,
    %get3A_102 = arith.constant 2 : i32
    %get3A_103 = arith.index_cast %get3A_102 : i32 to index
    %get3A_104 = arith.constant 80 : index
    %get3A_105 = tpu.vector_load %arg24[%get3A_103, %get3A_104] {strides = array<i32>} : memref<4x128xf32, #tpu.memory_space<vmem>>, vector<16xf32>,
    %get3A_106 = arith.constant 2 : i32
    %get3A_107 = arith.index_cast %get3A_106 : i32 to index
    %get3A_108 = arith.constant 96 : index
    %get3A_109 = tpu.vector_load %arg24[%get3A_107, %get3A_108] {strides = array<i32>} : memref<4x128xf32, #tpu.memory_space<vmem>>, vector<16xf32>,
    %get3A_110 = arith.constant 2 : i32
    %get3A_111 = arith.index_cast %get3A_110 : i32 to index
    %get3A_112 = arith.constant 112 : index
    %get3A_113 = tpu.vector_load %arg24[%get3A_111, %get3A_112] {strides = array<i32>} : memref<4x128xf32, #tpu.memory_space<vmem>>, vector<16xf32>,
    %get3A_114 = arith.constant 3 : i32
    %get3A_115 = arith.index_cast %get3A_114 : i32 to index
    %get3A_116 = arith.constant 0 : index
    %get3A_117 = tpu.vector_load %arg24[%get3A_115, %get3A_116] {strides = array<i32>} : memref<4x128xf32, #tpu.memory_space<vmem>>, vector<16xf32>,
    %get3A_118 = arith.constant 3 : i32
    %get3A_119 = arith.index_cast %get3A_118 : i32 to index
    %get3A_120 = arith.constant 16 : index
    %get3A_121 = tpu.vector_load %arg24[%get3A_119, %get3A_120] {strides = array<i32>} : memref<4x128xf32, #tpu.memory_space<vmem>>, vector<16xf32>,
    %get3A_122 = arith.constant 3 : i32
    %get3A_123 = arith.index_cast %get3A_122 : i32 to index
    %get3A_124 = arith.constant 32 : index
    %get3A_125 = tpu.vector_load %arg24[%get3A_123, %get3A_124] {strides = array<i32>} : memref<4x128xf32, #tpu.memory_space<vmem>>, vector<16xf32>,
    %get3A_126 = arith.constant 3 : i32
    %get3A_127 = arith.index_cast %get3A_126 : i32 to index
    %get3A_128 = arith.constant 48 : index
    %get3A_129 = tpu.vector_load %arg24[%get3A_127, %get3A_128] {strides = array<i32>} : memref<4x128xf32, #tpu.memory_space<vmem>>, vector<16xf32>,
    %get3A_130 = arith.constant 3 : i32
    %get3A_131 = arith.index_cast %get3A_130 : i32 to index
    %get3A_132 = arith.constant 64 : index
    %get3A_133 = tpu.vector_load %arg24[%get3A_131, %get3A_132] {strides = array<i32>} : memref<4x128xf32, #tpu.memory_space<vmem>>, vector<16xf32>,
    %get3A_134 = arith.constant 3 : i32
    %get3A_135 = arith.index_cast %get3A_134 : i32 to index
    %get3A_136 = arith.constant 80 : index
    %get3A_137 = tpu.vector_load %arg24[%get3A_135, %get3A_136] {strides = array<i32>} : memref<4x128xf32, #tpu.memory_space<vmem>>, vector<16xf32>,
    %get3A_138 = arith.constant 3 : i32
    %get3A_139 = arith.index_cast %get3A_138 : i32 to index
    %get3A_140 = arith.constant 96 : index
    %get3A_141 = tpu.vector_load %arg24[%get3A_139, %get3A_140] {strides = array<i32>} : memref<4x128xf32, #tpu.memory_space<vmem>>, vector<16xf32>,
    %get3A_142 = arith.constant 3 : i32
    %get3A_143 = arith.index_cast %get3A_142 : i32 to index
    %get3A_144 = arith.constant 112 : index
    %get3A_145 = tpu.vector_load %arg24[%get3A_143, %get3A_144] {strides = array<i32>} : memref<4x128xf32, #tpu.memory_space<vmem>>, vector<16xf32>,
    %get3A_146 = arith.constant 0 : i32
    %get3A_147 = arith.index_cast %get3A_146 : i32 to index
    %get3A_148 = arith.constant 0 : index
    %get3A_149 = tpu.vector_load %arg25[%get3A_147, %get3A_148] {strides = array<i32>} : memref<8x16xf32, #tpu.memory_space<vmem>>, vector<16xf32>,
    %get3A_150 = arith.constant 1 : i32
    %get3A_151 = arith.index_cast %get3A_150 : i32 to index
    %get3A_152 = arith.constant 0 : index
    %get3A_153 = tpu.vector_load %arg25[%get3A_151, %get3A_152] {strides = array<i32>} : memref<8x16xf32, #tpu.memory_space<vmem>>, vector<16xf32>,
    %get3A_154 = arith.constant 2 : i32
    %get3A_155 = arith.index_cast %get3A_154 : i32 to index
    %get3A_156 = arith.constant 0 : index
    %get3A_157 = tpu.vector_load %arg25[%get3A_155, %get3A_156] {strides = array<i32>} : memref<8x16xf32, #tpu.memory_space<vmem>>, vector<16xf32>,
    %get3A_158 = arith.constant 3 : i32
    %get3A_159 = arith.index_cast %get3A_158 : i32 to index
    %get3A_160 = arith.constant 0 : index
    %get3A_161 = tpu.vector_load %arg25[%get3A_159, %get3A_160] {strides = array<i32>} : memref<8x16xf32, #tpu.memory_space<vmem>>, vector<16xf32>,
    %get3A_162 = arith.constant 4 : i32
    %get3A_163 = arith.index_cast %get3A_162 : i32 to index
    %get3A_164 = arith.constant 0 : index
    %get3A_165 = tpu.vector_load %arg25[%get3A_163, %get3A_164] {strides = array<i32>} : memref<8x16xf32, #tpu.memory_space<vmem>>, vector<16xf32>,
    %get3A_166 = arith.constant 5 : i32
    %get3A_167 = arith.index_cast %get3A_166 : i32 to index
    %get3A_168 = arith.constant 0 : index
    %get3A_169 = tpu.vector_load %arg25[%get3A_167, %get3A_168] {strides = array<i32>} : memref<8x16xf32, #tpu.memory_space<vmem>>, vector<16xf32>,
    %get3A_170 = arith.constant 6 : i32
    %get3A_171 = arith.index_cast %get3A_170 : i32 to index
    %get3A_172 = arith.constant 0 : index
    %get3A_173 = tpu.vector_load %arg25[%get3A_171, %get3A_172] {strides = array<i32>} : memref<8x16xf32, #tpu.memory_space<vmem>>, vector<16xf32>,
    %get3A_174 = arith.constant 7 : i32
    %get3A_175 = arith.index_cast %get3A_174 : i32 to index
    %get3A_176 = arith.constant 0 : index
    %get3A_177 = tpu.vector_load %arg25[%get3A_175, %get3A_176] {strides = array<i32>} : memref<8x16xf32, #tpu.memory_space<vmem>>, vector<16xf32>,
    %jit3A_178 = arith.constant 0 : i32
    %jit3A_179 = arith.constant 250 : i32
    %eq3A = arith.constant 0 : i32
    %eq3A_180 = arith.cmpi eq, %jit3A_179, %eq3A : i32
    %jit3A_181 = arith.constant 1 : i32
    %select_n3A_182 = arith.select %eq3A_180, %jit3A_181, %jit3A_179 : i32
    %rem3A = arith.remsi %jit3A_178, %select_n3A_182 : i32
    %ne3A = arith.constant 0 : i32
    %ne3A_183 = arith.cmpi ne, %rem3A, %ne3A : i32
    %lt3A_184 = arith.constant 0 : i32
    %lt3A_185 = arith.cmpi slt, %rem3A, %lt3A_184 : i32
    %lt3A_186 = arith.constant 0 : i32
    %lt3A_187 = arith.cmpi slt, %select_n3A_182, %lt3A_186 : i32
    %ne3A_188 = arith.xori %lt3A_185, %lt3A_187 : i1
    %and3A = arith.andi %ne3A_188, %ne3A_183 : i1
    %add3A_189 = arith.addi %rem3A, %select_n3A_182 : i32
    %select_n3A_190 = arith.select %and3A, %add3A_189, %rem3A : i32
    %mul3A_191 = arith.constant 32 : i32
    %mul3A_192 = arith.muli %select_n3A_190, %mul3A_191 : i32
    %add3A_193 = arith.addi %add3A, %mul3A_192 : i32
    %mul3A_194 = arith.constant 40 : i32
    %mul3A_195 = arith.muli %add3A_193, %mul3A_194 : i32
    "tpu.region"() ({
      %run_scoped3A = tpu.sem_alloc : memref<!tpu.dma_semaphore, #tpu.memory_space<semaphore_mem>>
      %dma_start3A_222 = tpu.memref_slice %arg4[%mul3A_195] : memref<320000xi32, #tpu.memory_space<hbm>> -> memref<40xi32, #tpu.memory_space<hbm>>
      %dma_start3A_223 = tpu.memref_slice %arg4[%mul3A_195] : memref<320000xi32, #tpu.memory_space<hbm>> -> memref<40xi32, #tpu.memory_space<hbm>>
      tpu.enqueue_dma source(%dma_start3A_223 : memref<40xi32, #tpu.memory_space<hbm>>) target(%arg12 : memref<40xi32, #tpu.memory_space<vmem>>) target_semaphore(%run_scoped3A : memref<!tpu.dma_semaphore, #tpu.memory_space<semaphore_mem>>)
      %dma_wait3A_224 = tpu.memref_slice %arg4[%mul3A_195] : memref<320000xi32, #tpu.memory_space<hbm>> -> memref<40xi32, #tpu.memory_space<hbm>>
      %dma_wait3A_225 = tpu.memref_slice %arg4[%mul3A_195] : memref<320000xi32, #tpu.memory_space<hbm>> -> memref<40xi32, #tpu.memory_space<hbm>>
      tpu.wait_dma2 semaphore(%run_scoped3A : memref<!tpu.dma_semaphore, #tpu.memory_space<semaphore_mem>>) src(%dma_wait3A_225 : memref<40xi32, #tpu.memory_space<hbm>>) dst(%arg12 : memref<40xi32, #tpu.memory_space<vmem>>)
      tpu.yield
    }) : () -> ()
    "tpu.region"() ({
      %run_scoped3A = tpu.sem_alloc : memref<!tpu.dma_semaphore, #tpu.memory_space<semaphore_mem>>
      %dma_start3A_222 = tpu.memref_slice %arg5[%mul3A_195] : memref<320000xi32, #tpu.memory_space<hbm>> -> memref<40xi32, #tpu.memory_space<hbm>>
      %dma_start3A_223 = tpu.memref_slice %arg5[%mul3A_195] : memref<320000xi32, #tpu.memory_space<hbm>> -> memref<40xi32, #tpu.memory_space<hbm>>
      tpu.enqueue_dma source(%dma_start3A_223 : memref<40xi32, #tpu.memory_space<hbm>>) target(%arg13 : memref<40xi32, #tpu.memory_space<vmem>>) target_semaphore(%run_scoped3A : memref<!tpu.dma_semaphore, #tpu.memory_space<semaphore_mem>>)
      %dma_wait3A_224 = tpu.memref_slice %arg5[%mul3A_195] : memref<320000xi32, #tpu.memory_space<hbm>> -> memref<40xi32, #tpu.memory_space<hbm>>
      %dma_wait3A_225 = tpu.memref_slice %arg5[%mul3A_195] : memref<320000xi32, #tpu.memory_space<hbm>> -> memref<40xi32, #tpu.memory_space<hbm>>
      tpu.wait_dma2 semaphore(%run_scoped3A : memref<!tpu.dma_semaphore, #tpu.memory_space<semaphore_mem>>) src(%dma_wait3A_225 : memref<40xi32, #tpu.memory_space<hbm>>) dst(%arg13 : memref<40xi32, #tpu.memory_space<vmem>>)
      tpu.yield
    }) : () -> ()
    %dma_start3A = arith.constant 0 : i32
    %dma_start3A_196 = arith.constant 0 : i32
    %dma_start3A_197 = tpu.memref_slice %arg2[%dma_start3A, %dma_start3A_196] : memref<10000x128xf32, #tpu.memory_space<hbm>> -> memref<10000x128xf32, #tpu.memory_space<hbm>>
    tpu.enqueue_indirect_dma source(%dma_start3A_197 : memref<10000x128xf32, #tpu.memory_space<hbm>>) target(%arg14 : memref<40x128xf32, #tpu.memory_space<vmem>>) offsets(%arg12 : memref<40xi32, #tpu.memory_space<vmem>>) semaphore(%arg26 : memref<!tpu.dma_semaphore, #tpu.memory_space<semaphore_mem>>)
    %dma_start3A_198 = arith.constant 0 : i32
    %dma_start3A_199 = arith.constant 0 : i32
    %dma_start3A_200 = tpu.memref_slice %arg3[%dma_start3A_198, %dma_start3A_199] : memref<10000x128xf32, #tpu.memory_space<hbm>> -> memref<10000x128xf32, #tpu.memory_space<hbm>>
    tpu.enqueue_indirect_dma source(%dma_start3A_200 : memref<10000x128xf32, #tpu.memory_space<hbm>>) target(%arg15 : memref<40x128xf32, #tpu.memory_space<vmem>>) offsets(%arg13 : memref<40xi32, #tpu.memory_space<vmem>>) semaphore(%arg27 : memref<!tpu.dma_semaphore, #tpu.memory_space<semaphore_mem>>)
    "tpu.region"() ({
      %run_scoped3A = tpu.sem_alloc : memref<!tpu.dma_semaphore, #tpu.memory_space<semaphore_mem>>
      %dma_start3A_222 = arith.constant 0 : i32
      %dma_start3A_223 = tpu.memref_slice %arg6[%mul3A_195, %dma_start3A_222] : memref<320000x16xf32, #tpu.memory_space<hbm>> -> memref<40x16xf32, #tpu.memory_space<hbm>>
      %dma_start3A_224 = arith.constant 0 : i32
      %dma_start3A_225 = tpu.memref_slice %arg6[%mul3A_195, %dma_start3A_224] : memref<320000x16xf32, #tpu.memory_space<hbm>> -> memref<40x16xf32, #tpu.memory_space<hbm>>
      tpu.enqueue_dma source(%dma_start3A_225 : memref<40x16xf32, #tpu.memory_space<hbm>>) target(%arg16 : memref<40x16xf32, #tpu.memory_space<vmem>>) target_semaphore(%run_scoped3A : memref<!tpu.dma_semaphore, #tpu.memory_space<semaphore_mem>>)
      %dma_wait3A_226 = arith.constant 0 : i32
      %dma_wait3A_227 = tpu.memref_slice %arg6[%mul3A_195, %dma_wait3A_226] : memref<320000x16xf32, #tpu.memory_space<hbm>> -> memref<40x16xf32, #tpu.memory_space<hbm>>
      %dma_wait3A_228 = arith.constant 0 : i32
      %dma_wait3A_229 = tpu.memref_slice %arg6[%mul3A_195, %dma_wait3A_228] : memref<320000x16xf32, #tpu.memory_space<hbm>> -> memref<40x16xf32, #tpu.memory_space<hbm>>
      tpu.wait_dma2 semaphore(%run_scoped3A : memref<!tpu.dma_semaphore, #tpu.memory_space<semaphore_mem>>) src(%dma_wait3A_229 : memref<40x16xf32, #tpu.memory_space<hbm>>) dst(%arg16 : memref<40x16xf32, #tpu.memory_space<vmem>>)
      tpu.yield
    }) : () -> ()
    %scan3A_201 = arith.constant 0 : i32
    %scan3A_202 = arith.constant 0 : i32
    %scan3A_203 = arith.constant 125 : i32
    %scan3A_204 = arith.addi %scan3A_202, %scan3A_203 : i32
    %scan3A_205 = arith.constant 1 : i32
    %scan3A_206 = scf.for %scan3A_222 = %scan3A_202 to %scan3A_204 step %scan3A_205 iter_args(%scan3A_223 = %scan3A_201) -> (i32)  : i32 {
      %mul3A_224 = arith.constant 2 : i32
      %mul3A_225 = arith.muli %mul3A_224, %scan3A_222 : i32
      %add3A_226 = arith.constant 1 : i32
      %add3A_227 = arith.addi %mul3A_225, %add3A_226 : i32
      %jit3A_228 = arith.constant 250 : i32
      %eq3A_229 = arith.constant 0 : i32
      %eq3A_230 = arith.cmpi eq, %jit3A_228, %eq3A_229 : i32
      %jit3A_231 = arith.constant 1 : i32
      %select_n3A_232 = arith.select %eq3A_230, %jit3A_231, %jit3A_228 : i32
      %rem3A_233 = arith.remsi %add3A_227, %select_n3A_232 : i32
      %ne3A_234 = arith.constant 0 : i32
      %ne3A_235 = arith.cmpi ne, %rem3A_233, %ne3A_234 : i32
      %lt3A_236 = arith.constant 0 : i32
      %lt3A_237 = arith.cmpi slt, %rem3A_233, %lt3A_236 : i32
      %lt3A_238 = arith.constant 0 : i32
      %lt3A_239 = arith.cmpi slt, %select_n3A_232, %lt3A_238 : i32
      %ne3A_240 = arith.xori %lt3A_237, %lt3A_239 : i1
      %and3A_241 = arith.andi %ne3A_240, %ne3A_235 : i1
      %add3A_242 = arith.addi %rem3A_233, %select_n3A_232 : i32
      %select_n3A_243 = arith.select %and3A_241, %add3A_242, %rem3A_233 : i32
      %mul3A_244 = arith.constant 32 : i32
      %mul3A_245 = arith.muli %select_n3A_243, %mul3A_244 : i32
      %add3A_246 = arith.addi %add3A, %mul3A_245 : i32
      %mul3A_247 = arith.constant 40 : i32
      %mul3A_248 = arith.muli %add3A_246, %mul3A_247 : i32
      "tpu.region"() ({
        %run_scoped3A = tpu.sem_alloc : memref<!tpu.dma_semaphore, #tpu.memory_space<semaphore_mem>>
        %dma_start3A_329 = tpu.memref_slice %arg4[%mul3A_248] : memref<320000xi32, #tpu.memory_space<hbm>> -> memref<40xi32, #tpu.memory_space<hbm>>
        %dma_start3A_330 = tpu.memref_slice %arg4[%mul3A_248] : memref<320000xi32, #tpu.memory_space<hbm>> -> memref<40xi32, #tpu.memory_space<hbm>>
        tpu.enqueue_dma source(%dma_start3A_330 : memref<40xi32, #tpu.memory_space<hbm>>) target(%arg17 : memref<40xi32, #tpu.memory_space<vmem>>) target_semaphore(%run_scoped3A : memref<!tpu.dma_semaphore, #tpu.memory_space<semaphore_mem>>)
        %dma_wait3A_331 = tpu.memref_slice %arg4[%mul3A_248] : memref<320000xi32, #tpu.memory_space<hbm>> -> memref<40xi32, #tpu.memory_space<hbm>>
        %dma_wait3A_332 = tpu.memref_slice %arg4[%mul3A_248] : memref<320000xi32, #tpu.memory_space<hbm>> -> memref<40xi32, #tpu.memory_space<hbm>>
        tpu.wait_dma2 semaphore(%run_scoped3A : memref<!tpu.dma_semaphore, #tpu.memory_space<semaphore_mem>>) src(%dma_wait3A_332 : memref<40xi32, #tpu.memory_space<hbm>>) dst(%arg17 : memref<40xi32, #tpu.memory_space<vmem>>)
        tpu.yield
      }) : () -> ()
      "tpu.region"() ({
        %run_scoped3A = tpu.sem_alloc : memref<!tpu.dma_semaphore, #tpu.memory_space<semaphore_mem>>
        %dma_start3A_329 = tpu.memref_slice %arg5[%mul3A_248] : memref<320000xi32, #tpu.memory_space<hbm>> -> memref<40xi32, #tpu.memory_space<hbm>>
        %dma_start3A_330 = tpu.memref_slice %arg5[%mul3A_248] : memref<320000xi32, #tpu.memory_space<hbm>> -> memref<40xi32, #tpu.memory_space<hbm>>
        tpu.enqueue_dma source(%dma_start3A_330 : memref<40xi32, #tpu.memory_space<hbm>>) target(%arg18 : memref<40xi32, #tpu.memory_space<vmem>>) target_semaphore(%run_scoped3A : memref<!tpu.dma_semaphore, #tpu.memory_space<semaphore_mem>>)
        %dma_wait3A_331 = tpu.memref_slice %arg5[%mul3A_248] : memref<320000xi32, #tpu.memory_space<hbm>> -> memref<40xi32, #tpu.memory_space<hbm>>
        %dma_wait3A_332 = tpu.memref_slice %arg5[%mul3A_248] : memref<320000xi32, #tpu.memory_space<hbm>> -> memref<40xi32, #tpu.memory_space<hbm>>
        tpu.wait_dma2 semaphore(%run_scoped3A : memref<!tpu.dma_semaphore, #tpu.memory_space<semaphore_mem>>) src(%dma_wait3A_332 : memref<40xi32, #tpu.memory_space<hbm>>) dst(%arg18 : memref<40xi32, #tpu.memory_space<vmem>>)
        tpu.yield
      }) : () -> ()
      %dma_start3A_249 = arith.constant 0 : i32
      %dma_start3A_250 = arith.constant 0 : i32
      %dma_start3A_251 = tpu.memref_slice %arg2[%dma_start3A_249, %dma_start3A_250] : memref<10000x128xf32, #tpu.memory_space<hbm>> -> memref<10000x128xf32, #tpu.memory_space<hbm>>
      tpu.enqueue_indirect_dma source(%dma_start3A_251 : memref<10000x128xf32, #tpu.memory_space<hbm>>) target(%arg19 : memref<40x128xf32, #tpu.memory_space<vmem>>) offsets(%arg17 : memref<40xi32, #tpu.memory_space<vmem>>) semaphore(%arg28 : memref<!tpu.dma_semaphore, #tpu.memory_space<semaphore_mem>>)
      %dma_start3A_252 = arith.constant 0 : i32
      %dma_start3A_253 = arith.constant 0 : i32
      %dma_start3A_254 = tpu.memref_slice %arg3[%dma_start3A_252, %dma_start3A_253] : memref<10000x128xf32, #tpu.memory_space<hbm>> -> memref<10000x128xf32, #tpu.memory_space<hbm>>
      tpu.enqueue_indirect_dma source(%dma_start3A_254 : memref<10000x128xf32, #tpu.memory_space<hbm>>) target(%arg20 : memref<40x128xf32, #tpu.memory_space<vmem>>) offsets(%arg18 : memref<40xi32, #tpu.memory_space<vmem>>) semaphore(%arg29 : memref<!tpu.dma_semaphore, #tpu.memory_space<semaphore_mem>>)
      "tpu.region"() ({
        %run_scoped3A = tpu.sem_alloc : memref<!tpu.dma_semaphore, #tpu.memory_space<semaphore_mem>>
        %dma_start3A_329 = arith.constant 0 : i32
        %dma_start3A_330 = tpu.memref_slice %arg6[%mul3A_248, %dma_start3A_329] : memref<320000x16xf32, #tpu.memory_space<hbm>> -> memref<40x16xf32, #tpu.memory_space<hbm>>
        %dma_start3A_331 = arith.constant 0 : i32
        %dma_start3A_332 = tpu.memref_slice %arg6[%mul3A_248, %dma_start3A_331] : memref<320000x16xf32, #tpu.memory_space<hbm>> -> memref<40x16xf32, #tpu.memory_space<hbm>>
        tpu.enqueue_dma source(%dma_start3A_332 : memref<40x16xf32, #tpu.memory_space<hbm>>) target(%arg21 : memref<40x16xf32, #tpu.memory_space<vmem>>) target_semaphore(%run_scoped3A : memref<!tpu.dma_semaphore, #tpu.memory_space<semaphore_mem>>)
        %dma_wait3A_333 = arith.constant 0 : i32
        %dma_wait3A_334 = tpu.memref_slice %arg6[%mul3A_248, %dma_wait3A_333] : memref<320000x16xf32, #tpu.memory_space<hbm>> -> memref<40x16xf32, #tpu.memory_space<hbm>>
        %dma_wait3A_335 = arith.constant 0 : i32
        %dma_wait3A_336 = tpu.memref_slice %arg6[%mul3A_248, %dma_wait3A_335] : memref<320000x16xf32, #tpu.memory_space<hbm>> -> memref<40x16xf32, #tpu.memory_space<hbm>>
        tpu.wait_dma2 semaphore(%run_scoped3A : memref<!tpu.dma_semaphore, #tpu.memory_space<semaphore_mem>>) src(%dma_wait3A_336 : memref<40x16xf32, #tpu.memory_space<hbm>>) dst(%arg21 : memref<40x16xf32, #tpu.memory_space<vmem>>)
        tpu.yield
      }) : () -> ()
      %mul3A_255 = arith.constant 2 : i32
      %mul3A_256 = arith.muli %mul3A_255, %scan3A_222 : i32
      %dma_wait3A_257 = arith.constant 0 : i32
      %dma_wait3A_258 = arith.constant 0 : i32
      %dma_wait3A_259 = tpu.memref_slice %arg2[%dma_wait3A_257, %dma_wait3A_258] : memref<10000x128xf32, #tpu.memory_space<hbm>> -> memref<10000x128xf32, #tpu.memory_space<hbm>>
      tpu.wait_indirect_dma semaphore(%arg26 : memref<!tpu.dma_semaphore, #tpu.memory_space<semaphore_mem>>) src(%dma_wait3A_259 : memref<10000x128xf32, #tpu.memory_space<hbm>>) dst(%arg14 : memref<40x128xf32, #tpu.memory_space<vmem>>)
      %dma_wait3A_260 = arith.constant 0 : i32
      %dma_wait3A_261 = arith.constant 0 : i32
      %dma_wait3A_262 = tpu.memref_slice %arg3[%dma_wait3A_260, %dma_wait3A_261] : memref<10000x128xf32, #tpu.memory_space<hbm>> -> memref<10000x128xf32, #tpu.memory_space<hbm>>
      tpu.wait_indirect_dma semaphore(%arg27 : memref<!tpu.dma_semaphore, #tpu.memory_space<semaphore_mem>>) src(%dma_wait3A_262 : memref<10000x128xf32, #tpu.memory_space<hbm>>) dst(%arg15 : memref<40x128xf32, #tpu.memory_space<vmem>>)
      %mul3A_263 = arith.constant 32 : i32
      %mul3A_264 = arith.muli %mul3A_256, %mul3A_263 : i32
      %add3A_265 = arith.addi %add3A, %mul3A_264 : i32
      %mul3A_266 = arith.constant 40 : i32
      %mul3A_267 = arith.muli %add3A_265, %mul3A_266 : i32
      %scan3A_268 = arith.constant 0 : i32
      %scan3A_269 = arith.constant 0 : i32
      %scan3A_270 = arith.constant 40 : i32
      %scan3A_271 = arith.addi %scan3A_269, %scan3A_270 : i32
      %scan3A_272 = arith.constant 1 : i32
      %scan3A_273 = scf.for %scan3A_329 = %scan3A_269 to %scan3A_271 step %scan3A_272 iter_args(%scan3A_330 = %scan3A_268) -> (i32)  : i32 {
        %get3A_331 = arith.index_cast %scan3A_329 : i32 to index
        %get3A_332 = arith.constant 0 : index
        %get3A_333 = tpu.vector_load %arg16[%get3A_331, %get3A_332] {strides = array<i32>} : memref<40x16xf32, #tpu.memory_space<vmem>>, vector<16xf32>,
        %broadcast_in_dim3A_334 = arith.constant 0 : i32
        %broadcast_in_dim3A_335 = vector.broadcast %broadcast_in_dim3A_334 : i32 to vector<16xi32>
        %broadcast_in_dim3A_336 = vector.shape_cast %broadcast_in_dim3A_335 : vector<16xi32> to vector<16x1xi32>
        %gather3A = vector.shape_cast %broadcast_in_dim3A_336 : vector<16x1xi32> to vector<16xi32>
        %gather3A_337 = tpu.dynamic_gather %get3A_333[%gather3A] in [0] : vector<16xf32>, vector<16xi32> -> vector<16xf32>
        %broadcast_in_dim3A_338 = arith.constant 1 : i32
        %broadcast_in_dim3A_339 = vector.broadcast %broadcast_in_dim3A_338 : i32 to vector<16xi32>
        %broadcast_in_dim3A_340 = vector.shape_cast %broadcast_in_dim3A_339 : vector<16xi32> to vector<16x1xi32>
        %gather3A_341 = vector.shape_cast %broadcast_in_dim3A_340 : vector<16x1xi32> to vector<16xi32>
        %gather3A_342 = tpu.dynamic_gather %get3A_333[%gather3A_341] in [0] : vector<16xf32>, vector<16xi32> -> vector<16xf32>
        %broadcast_in_dim3A_343 = arith.constant 2 : i32
        %broadcast_in_dim3A_344 = vector.broadcast %broadcast_in_dim3A_343 : i32 to vector<16xi32>
        %broadcast_in_dim3A_345 = vector.shape_cast %broadcast_in_dim3A_344 : vector<16xi32> to vector<16x1xi32>
        %gather3A_346 = vector.shape_cast %broadcast_in_dim3A_345 : vector<16x1xi32> to vector<16xi32>
        %gather3A_347 = tpu.dynamic_gather %get3A_333[%gather3A_346] in [0] : vector<16xf32>, vector<16xi32> -> vector<16xf32>
        %broadcast_in_dim3A_348 = arith.constant 3 : i32
        %broadcast_in_dim3A_349 = vector.broadcast %broadcast_in_dim3A_348 : i32 to vector<16xi32>
        %broadcast_in_dim3A_350 = vector.shape_cast %broadcast_in_dim3A_349 : vector<16xi32> to vector<16x1xi32>
        %gather3A_351 = vector.shape_cast %broadcast_in_dim3A_350 : vector<16x1xi32> to vector<16xi32>
        %gather3A_352 = tpu.dynamic_gather %get3A_333[%gather3A_351] in [0] : vector<16xf32>, vector<16xi32> -> vector<16xf32>
        %get3A_353 = arith.index_cast %scan3A_329 : i32 to index
        %get3A_354 = arith.constant 0 : index
        %get3A_355 = tpu.vector_load %arg14[%get3A_353, %get3A_354] {strides = array<i32>} : memref<40x128xf32, #tpu.memory_space<vmem>>, vector<16xf32>,
        %get3A_356 = arith.index_cast %scan3A_329 : i32 to index
        %get3A_357 = arith.constant 0 : index
        %get3A_358 = tpu.vector_load %arg15[%get3A_356, %get3A_357] {strides = array<i32>} : memref<40x128xf32, #tpu.memory_space<vmem>>, vector<16xf32>,
        %mul3A_359 = arith.mulf %gather3A_337, %get3A_21 : vector<16xf32>
        %mul3A_360 = arith.mulf %gather3A_342, %get3A_53 : vector<16xf32>
        %add3A_361 = arith.addf %mul3A_359, %mul3A_360 : vector<16xf32>
        %mul3A_362 = arith.mulf %gather3A_347, %get3A_85 : vector<16xf32>
        %add3A_363 = arith.addf %add3A_361, %mul3A_362 : vector<16xf32>
        %mul3A_364 = arith.mulf %gather3A_352, %get3A_117 : vector<16xf32>
        %add3A_365 = arith.addf %add3A_363, %mul3A_364 : vector<16xf32>
        %add3A_366 = arith.addf %get3A_355, %get3A_358 : vector<16xf32>
        %add3A_367 = arith.addf %add3A_366, %add3A_365 : vector<16xf32>
        %mul3A_368 = arith.constant 2.000000e-01 : f32
        %mul3A_369 = vector.broadcast %mul3A_368 : f32 to vector<16xf32>
        %mul3A_370 = arith.mulf %mul3A_369, %add3A_367 : vector<16xf32>
        %max3A = arith.maximumf %add3A_367, %mul3A_370 : vector<16xf32>
        %mul3A_371 = arith.mulf %max3A, %get3A_149 : vector<16xf32>
        %broadcast_in_dim3A_372 = arith.constant true
        %broadcast_in_dim3A_373 = vector.broadcast %broadcast_in_dim3A_372 : i1 to vector<16xi1>
        %masked_cumsum3A = tpu.scan <sum>, %mul3A_371 masked %broadcast_in_dim3A_373 : vector<16xf32>, vector<16xi1> -> vector<16xf32>
        %broadcast_in_dim3A_374 = arith.constant 15 : i32
        %broadcast_in_dim3A_375 = vector.broadcast %broadcast_in_dim3A_374 : i32 to vector<16xi32>
        %broadcast_in_dim3A_376 = vector.shape_cast %broadcast_in_dim3A_375 : vector<16xi32> to vector<16x1xi32>
        %gather3A_377 = vector.shape_cast %broadcast_in_dim3A_376 : vector<16x1xi32> to vector<16xi32>
        %gather3A_378 = tpu.dynamic_gather %masked_cumsum3A[%gather3A_377] in [0] : vector<16xf32>, vector<16xi32> -> vector<16xf32>
        %exp3A = math.exp %gather3A_378 : vector<16xf32>
        %mul3A_379 = arith.mulf %exp3A, %get3A_355 : vector<16xf32>
        %swap3A = arith.index_cast %scan3A_329 : i32 to index
        %swap3A_380 = arith.constant 0 : index
        %swap3A_381 = tpu.vector_load %arg22[%swap3A, %swap3A_380] {strides = array<i32>} : memref<40x128xf32, #tpu.memory_space<vmem>>, vector<16xf32>,
        tpu.vector_store %arg22[%swap3A, %swap3A_380], %mul3A_379 {strides = array<i32>} : memref<40x128xf32, #tpu.memory_space<vmem>>, vector<16xf32>,
        %eq3A_382 = arith.constant 0 : i32
        %eq3A_383 = vector.broadcast %eq3A_382 : i32 to vector<16xi32>
        %eq3A_384 = arith.cmpi eq, %iota3A, %eq3A_383 : vector<16xi32>
        %select_n3A_385 = arith.select %eq3A_384, %exp3A, %broadcast_in_dim3A_1 : vector<16xi1>, vector<16xf32>
        %get3A_386 = arith.index_cast %scan3A_329 : i32 to index
        %get3A_387 = arith.constant 16 : index
        %get3A_388 = tpu.vector_load %arg14[%get3A_386, %get3A_387] {strides = array<i32>} : memref<40x128xf32, #tpu.memory_space<vmem>>, vector<16xf32>,
        %get3A_389 = arith.index_cast %scan3A_329 : i32 to index
        %get3A_390 = arith.constant 16 : index
        %get3A_391 = tpu.vector_load %arg15[%get3A_389, %get3A_390] {strides = array<i32>} : memref<40x128xf32, #tpu.memory_space<vmem>>, vector<16xf32>,
        %mul3A_392 = arith.mulf %gather3A_337, %get3A_25 : vector<16xf32>
        %mul3A_393 = arith.mulf %gather3A_342, %get3A_57 : vector<16xf32>
        %add3A_394 = arith.addf %mul3A_392, %mul3A_393 : vector<16xf32>
        %mul3A_395 = arith.mulf %gather3A_347, %get3A_89 : vector<16xf32>
        %add3A_396 = arith.addf %add3A_394, %mul3A_395 : vector<16xf32>
        %mul3A_397 = arith.mulf %gather3A_352, %get3A_121 : vector<16xf32>
        %add3A_398 = arith.addf %add3A_396, %mul3A_397 : vector<16xf32>
        %add3A_399 = arith.addf %get3A_388, %get3A_391 : vector<16xf32>
        %add3A_400 = arith.addf %add3A_399, %add3A_398 : vector<16xf32>
        %mul3A_401 = arith.constant 2.000000e-01 : f32
        %mul3A_402 = vector.broadcast %mul3A_401 : f32 to vector<16xf32>
        %mul3A_403 = arith.mulf %mul3A_402, %add3A_400 : vector<16xf32>
        %max3A_404 = arith.maximumf %add3A_400, %mul3A_403 : vector<16xf32>
        %mul3A_405 = arith.mulf %max3A_404, %get3A_153 : vector<16xf32>
        %broadcast_in_dim3A_406 = arith.constant true
        %broadcast_in_dim3A_407 = vector.broadcast %broadcast_in_dim3A_406 : i1 to vector<16xi1>
        %masked_cumsum3A_408 = tpu.scan <sum>, %mul3A_405 masked %broadcast_in_dim3A_407 : vector<16xf32>, vector<16xi1> -> vector<16xf32>
        %broadcast_in_dim3A_409 = arith.constant 15 : i32
        %broadcast_in_dim3A_410 = vector.broadcast %broadcast_in_dim3A_409 : i32 to vector<16xi32>
        %broadcast_in_dim3A_411 = vector.shape_cast %broadcast_in_dim3A_410 : vector<16xi32> to vector<16x1xi32>
        %gather3A_412 = vector.shape_cast %broadcast_in_dim3A_411 : vector<16x1xi32> to vector<16xi32>
        %gather3A_413 = tpu.dynamic_gather %masked_cumsum3A_408[%gather3A_412] in [0] : vector<16xf32>, vector<16xi32> -> vector<16xf32>
        %exp3A_414 = math.exp %gather3A_413 : vector<16xf32>
        %mul3A_415 = arith.mulf %exp3A_414, %get3A_388 : vector<16xf32>
        %swap3A_416 = arith.index_cast %scan3A_329 : i32 to index
        %swap3A_417 = arith.constant 16 : index
        %swap3A_418 = tpu.vector_load %arg22[%swap3A_416, %swap3A_417] {strides = array<i32>} : memref<40x128xf32, #tpu.memory_space<vmem>>, vector<16xf32>,
        tpu.vector_store %arg22[%swap3A_416, %swap3A_417], %mul3A_415 {strides = array<i32>} : memref<40x128xf32, #tpu.memory_space<vmem>>, vector<16xf32>,
        %eq3A_419 = arith.constant 1 : i32
        %eq3A_420 = vector.broadcast %eq3A_419 : i32 to vector<16xi32>
        %eq3A_421 = arith.cmpi eq, %iota3A, %eq3A_420 : vector<16xi32>
        %select_n3A_422 = arith.select %eq3A_421, %exp3A_414, %select_n3A_385 : vector<16xi1>, vector<16xf32>
        %get3A_423 = arith.index_cast %scan3A_329 : i32 to index
        %get3A_424 = arith.constant 32 : index
        %get3A_425 = tpu.vector_load %arg14[%get3A_423, %get3A_424] {strides = array<i32>} : memref<40x128xf32, #tpu.memory_space<vmem>>, vector<16xf32>,
        %get3A_426 = arith.index_cast %scan3A_329 : i32 to index
        %get3A_427 = arith.constant 32 : index
        %get3A_428 = tpu.vector_load %arg15[%get3A_426, %get3A_427] {strides = array<i32>} : memref<40x128xf32, #tpu.memory_space<vmem>>, vector<16xf32>,
        %mul3A_429 = arith.mulf %gather3A_337, %get3A_29 : vector<16xf32>
        %mul3A_430 = arith.mulf %gather3A_342, %get3A_61 : vector<16xf32>
        %add3A_431 = arith.addf %mul3A_429, %mul3A_430 : vector<16xf32>
        %mul3A_432 = arith.mulf %gather3A_347, %get3A_93 : vector<16xf32>
        %add3A_433 = arith.addf %add3A_431, %mul3A_432 : vector<16xf32>
        %mul3A_434 = arith.mulf %gather3A_352, %get3A_125 : vector<16xf32>
        %add3A_435 = arith.addf %add3A_433, %mul3A_434 : vector<16xf32>
        %add3A_436 = arith.addf %get3A_425, %get3A_428 : vector<16xf32>
        %add3A_437 = arith.addf %add3A_436, %add3A_435 : vector<16xf32>
        %mul3A_438 = arith.constant 2.000000e-01 : f32
        %mul3A_439 = vector.broadcast %mul3A_438 : f32 to vector<16xf32>
        %mul3A_440 = arith.mulf %mul3A_439, %add3A_437 : vector<16xf32>
        %max3A_441 = arith.maximumf %add3A_437, %mul3A_440 : vector<16xf32>
        %mul3A_442 = arith.mulf %max3A_441, %get3A_157 : vector<16xf32>
        %broadcast_in_dim3A_443 = arith.constant true
        %broadcast_in_dim3A_444 = vector.broadcast %broadcast_in_dim3A_443 : i1 to vector<16xi1>
        %masked_cumsum3A_445 = tpu.scan <sum>, %mul3A_442 masked %broadcast_in_dim3A_444 : vector<16xf32>, vector<16xi1> -> vector<16xf32>
        %broadcast_in_dim3A_446 = arith.constant 15 : i32
        %broadcast_in_dim3A_447 = vector.broadcast %broadcast_in_dim3A_446 : i32 to vector<16xi32>
        %broadcast_in_dim3A_448 = vector.shape_cast %broadcast_in_dim3A_447 : vector<16xi32> to vector<16x1xi32>
        %gather3A_449 = vector.shape_cast %broadcast_in_dim3A_448 : vector<16x1xi32> to vector<16xi32>
        %gather3A_450 = tpu.dynamic_gather %masked_cumsum3A_445[%gather3A_449] in [0] : vector<16xf32>, vector<16xi32> -> vector<16xf32>
        %exp3A_451 = math.exp %gather3A_450 : vector<16xf32>
        %mul3A_452 = arith.mulf %exp3A_451, %get3A_425 : vector<16xf32>
        %swap3A_453 = arith.index_cast %scan3A_329 : i32 to index
        %swap3A_454 = arith.constant 32 : index
        %swap3A_455 = tpu.vector_load %arg22[%swap3A_453, %swap3A_454] {strides = array<i32>} : memref<40x128xf32, #tpu.memory_space<vmem>>, vector<16xf32>,
        tpu.vector_store %arg22[%swap3A_453, %swap3A_454], %mul3A_452 {strides = array<i32>} : memref<40x128xf32, #tpu.memory_space<vmem>>, vector<16xf32>,
        %eq3A_456 = arith.constant 2 : i32
        %eq3A_457 = vector.broadcast %eq3A_456 : i32 to vector<16xi32>
        %eq3A_458 = arith.cmpi eq, %iota3A, %eq3A_457 : vector<16xi32>
        %select_n3A_459 = arith.select %eq3A_458, %exp3A_451, %select_n3A_422 : vector<16xi1>, vector<16xf32>
        %get3A_460 = arith.index_cast %scan3A_329 : i32 to index
        %get3A_461 = arith.constant 48 : index
        %get3A_462 = tpu.vector_load %arg14[%get3A_460, %get3A_461] {strides = array<i32>} : memref<40x128xf32, #tpu.memory_space<vmem>>, vector<16xf32>,
        %get3A_463 = arith.index_cast %scan3A_329 : i32 to index
        %get3A_464 = arith.constant 48 : index
        %get3A_465 = tpu.vector_load %arg15[%get3A_463, %get3A_464] {strides = array<i32>} : memref<40x128xf32, #tpu.memory_space<vmem>>, vector<16xf32>,
        %mul3A_466 = arith.mulf %gather3A_337, %get3A_33 : vector<16xf32>
        %mul3A_467 = arith.mulf %gather3A_342, %get3A_65 : vector<16xf32>
        %add3A_468 = arith.addf %mul3A_466, %mul3A_467 : vector<16xf32>
        %mul3A_469 = arith.mulf %gather3A_347, %get3A_97 : vector<16xf32>
        %add3A_470 = arith.addf %add3A_468, %mul3A_469 : vector<16xf32>
        %mul3A_471 = arith.mulf %gather3A_352, %get3A_129 : vector<16xf32>
        %add3A_472 = arith.addf %add3A_470, %mul3A_471 : vector<16xf32>
        %add3A_473 = arith.addf %get3A_462, %get3A_465 : vector<16xf32>
        %add3A_474 = arith.addf %add3A_473, %add3A_472 : vector<16xf32>
        %mul3A_475 = arith.constant 2.000000e-01 : f32
        %mul3A_476 = vector.broadcast %mul3A_475 : f32 to vector<16xf32>
        %mul3A_477 = arith.mulf %mul3A_476, %add3A_474 : vector<16xf32>
        %max3A_478 = arith.maximumf %add3A_474, %mul3A_477 : vector<16xf32>
        %mul3A_479 = arith.mulf %max3A_478, %get3A_161 : vector<16xf32>
        %broadcast_in_dim3A_480 = arith.constant true
        %broadcast_in_dim3A_481 = vector.broadcast %broadcast_in_dim3A_480 : i1 to vector<16xi1>
        %masked_cumsum3A_482 = tpu.scan <sum>, %mul3A_479 masked %broadcast_in_dim3A_481 : vector<16xf32>, vector<16xi1> -> vector<16xf32>
        %broadcast_in_dim3A_483 = arith.constant 15 : i32
        %broadcast_in_dim3A_484 = vector.broadcast %broadcast_in_dim3A_483 : i32 to vector<16xi32>
        %broadcast_in_dim3A_485 = vector.shape_cast %broadcast_in_dim3A_484 : vector<16xi32> to vector<16x1xi32>
        %gather3A_486 = vector.shape_cast %broadcast_in_dim3A_485 : vector<16x1xi32> to vector<16xi32>
        %gather3A_487 = tpu.dynamic_gather %masked_cumsum3A_482[%gather3A_486] in [0] : vector<16xf32>, vector<16xi32> -> vector<16xf32>
        %exp3A_488 = math.exp %gather3A_487 : vector<16xf32>
        %mul3A_489 = arith.mulf %exp3A_488, %get3A_462 : vector<16xf32>
        %swap3A_490 = arith.index_cast %scan3A_329 : i32 to index
        %swap3A_491 = arith.constant 48 : index
        %swap3A_492 = tpu.vector_load %arg22[%swap3A_490, %swap3A_491] {strides = array<i32>} : memref<40x128xf32, #tpu.memory_space<vmem>>, vector<16xf32>,
        tpu.vector_store %arg22[%swap3A_490, %swap3A_491], %mul3A_489 {strides = array<i32>} : memref<40x128xf32, #tpu.memory_space<vmem>>, vector<16xf32>,
        %eq3A_493 = arith.constant 3 : i32
        %eq3A_494 = vector.broadcast %eq3A_493 : i32 to vector<16xi32>
        %eq3A_495 = arith.cmpi eq, %iota3A, %eq3A_494 : vector<16xi32>
        %select_n3A_496 = arith.select %eq3A_495, %exp3A_488, %select_n3A_459 : vector<16xi1>, vector<16xf32>
        %get3A_497 = arith.index_cast %scan3A_329 : i32 to index
        %get3A_498 = arith.constant 64 : index
        %get3A_499 = tpu.vector_load %arg14[%get3A_497, %get3A_498] {strides = array<i32>} : memref<40x128xf32, #tpu.memory_space<vmem>>, vector<16xf32>,
        %get3A_500 = arith.index_cast %scan3A_329 : i32 to index
        %get3A_501 = arith.constant 64 : index
        %get3A_502 = tpu.vector_load %arg15[%get3A_500, %get3A_501] {strides = array<i32>} : memref<40x128xf32, #tpu.memory_space<vmem>>, vector<16xf32>,
        %mul3A_503 = arith.mulf %gather3A_337, %get3A_37 : vector<16xf32>
        %mul3A_504 = arith.mulf %gather3A_342, %get3A_69 : vector<16xf32>
        %add3A_505 = arith.addf %mul3A_503, %mul3A_504 : vector<16xf32>
        %mul3A_506 = arith.mulf %gather3A_347, %get3A_101 : vector<16xf32>
        %add3A_507 = arith.addf %add3A_505, %mul3A_506 : vector<16xf32>
        %mul3A_508 = arith.mulf %gather3A_352, %get3A_133 : vector<16xf32>
        %add3A_509 = arith.addf %add3A_507, %mul3A_508 : vector<16xf32>
        %add3A_510 = arith.addf %get3A_499, %get3A_502 : vector<16xf32>
        %add3A_511 = arith.addf %add3A_510, %add3A_509 : vector<16xf32>
        %mul3A_512 = arith.constant 2.000000e-01 : f32
        %mul3A_513 = vector.broadcast %mul3A_512 : f32 to vector<16xf32>
        %mul3A_514 = arith.mulf %mul3A_513, %add3A_511 : vector<16xf32>
        %max3A_515 = arith.maximumf %add3A_511, %mul3A_514 : vector<16xf32>
        %mul3A_516 = arith.mulf %max3A_515, %get3A_165 : vector<16xf32>
        %broadcast_in_dim3A_517 = arith.constant true
        %broadcast_in_dim3A_518 = vector.broadcast %broadcast_in_dim3A_517 : i1 to vector<16xi1>
        %masked_cumsum3A_519 = tpu.scan <sum>, %mul3A_516 masked %broadcast_in_dim3A_518 : vector<16xf32>, vector<16xi1> -> vector<16xf32>
        %broadcast_in_dim3A_520 = arith.constant 15 : i32
        %broadcast_in_dim3A_521 = vector.broadcast %broadcast_in_dim3A_520 : i32 to vector<16xi32>
        %broadcast_in_dim3A_522 = vector.shape_cast %broadcast_in_dim3A_521 : vector<16xi32> to vector<16x1xi32>
        %gather3A_523 = vector.shape_cast %broadcast_in_dim3A_522 : vector<16x1xi32> to vector<16xi32>
        %gather3A_524 = tpu.dynamic_gather %masked_cumsum3A_519[%gather3A_523] in [0] : vector<16xf32>, vector<16xi32> -> vector<16xf32>
        %exp3A_525 = math.exp %gather3A_524 : vector<16xf32>
        %mul3A_526 = arith.mulf %exp3A_525, %get3A_499 : vector<16xf32>
        %swap3A_527 = arith.index_cast %scan3A_329 : i32 to index
        %swap3A_528 = arith.constant 64 : index
        %swap3A_529 = tpu.vector_load %arg22[%swap3A_527, %swap3A_528] {strides = array<i32>} : memref<40x128xf32, #tpu.memory_space<vmem>>, vector<16xf32>,
        tpu.vector_store %arg22[%swap3A_527, %swap3A_528], %mul3A_526 {strides = array<i32>} : memref<40x128xf32, #tpu.memory_space<vmem>>, vector<16xf32>,
        %eq3A_530 = arith.constant 4 : i32
        %eq3A_531 = vector.broadcast %eq3A_530 : i32 to vector<16xi32>
        %eq3A_532 = arith.cmpi eq, %iota3A, %eq3A_531 : vector<16xi32>
        %select_n3A_533 = arith.select %eq3A_532, %exp3A_525, %select_n3A_496 : vector<16xi1>, vector<16xf32>
        %get3A_534 = arith.index_cast %scan3A_329 : i32 to index
        %get3A_535 = arith.constant 80 : index
        %get3A_536 = tpu.vector_load %arg14[%get3A_534, %get3A_535] {strides = array<i32>} : memref<40x128xf32, #tpu.memory_space<vmem>>, vector<16xf32>,
        %get3A_537 = arith.index_cast %scan3A_329 : i32 to index
        %get3A_538 = arith.constant 80 : index
        %get3A_539 = tpu.vector_load %arg15[%get3A_537, %get3A_538] {strides = array<i32>} : memref<40x128xf32, #tpu.memory_space<vmem>>, vector<16xf32>,
        %mul3A_540 = arith.mulf %gather3A_337, %get3A_41 : vector<16xf32>
        %mul3A_541 = arith.mulf %gather3A_342, %get3A_73 : vector<16xf32>
        %add3A_542 = arith.addf %mul3A_540, %mul3A_541 : vector<16xf32>
        %mul3A_543 = arith.mulf %gather3A_347, %get3A_105 : vector<16xf32>
        %add3A_544 = arith.addf %add3A_542, %mul3A_543 : vector<16xf32>
        %mul3A_545 = arith.mulf %gather3A_352, %get3A_137 : vector<16xf32>
        %add3A_546 = arith.addf %add3A_544, %mul3A_545 : vector<16xf32>
        %add3A_547 = arith.addf %get3A_536, %get3A_539 : vector<16xf32>
        %add3A_548 = arith.addf %add3A_547, %add3A_546 : vector<16xf32>
        %mul3A_549 = arith.constant 2.000000e-01 : f32
        %mul3A_550 = vector.broadcast %mul3A_549 : f32 to vector<16xf32>
        %mul3A_551 = arith.mulf %mul3A_550, %add3A_548 : vector<16xf32>
        %max3A_552 = arith.maximumf %add3A_548, %mul3A_551 : vector<16xf32>
        %mul3A_553 = arith.mulf %max3A_552, %get3A_169 : vector<16xf32>
        %broadcast_in_dim3A_554 = arith.constant true
        %broadcast_in_dim3A_555 = vector.broadcast %broadcast_in_dim3A_554 : i1 to vector<16xi1>
        %masked_cumsum3A_556 = tpu.scan <sum>, %mul3A_553 masked %broadcast_in_dim3A_555 : vector<16xf32>, vector<16xi1> -> vector<16xf32>
        %broadcast_in_dim3A_557 = arith.constant 15 : i32
        %broadcast_in_dim3A_558 = vector.broadcast %broadcast_in_dim3A_557 : i32 to vector<16xi32>
        %broadcast_in_dim3A_559 = vector.shape_cast %broadcast_in_dim3A_558 : vector<16xi32> to vector<16x1xi32>
        %gather3A_560 = vector.shape_cast %broadcast_in_dim3A_559 : vector<16x1xi32> to vector<16xi32>
        %gather3A_561 = tpu.dynamic_gather %masked_cumsum3A_556[%gather3A_560] in [0] : vector<16xf32>, vector<16xi32> -> vector<16xf32>
        %exp3A_562 = math.exp %gather3A_561 : vector<16xf32>
        %mul3A_563 = arith.mulf %exp3A_562, %get3A_536 : vector<16xf32>
        %swap3A_564 = arith.index_cast %scan3A_329 : i32 to index
        %swap3A_565 = arith.constant 80 : index
        %swap3A_566 = tpu.vector_load %arg22[%swap3A_564, %swap3A_565] {strides = array<i32>} : memref<40x128xf32, #tpu.memory_space<vmem>>, vector<16xf32>,
        tpu.vector_store %arg22[%swap3A_564, %swap3A_565], %mul3A_563 {strides = array<i32>} : memref<40x128xf32, #tpu.memory_space<vmem>>, vector<16xf32>,
        %eq3A_567 = arith.constant 5 : i32
        %eq3A_568 = vector.broadcast %eq3A_567 : i32 to vector<16xi32>
        %eq3A_569 = arith.cmpi eq, %iota3A, %eq3A_568 : vector<16xi32>
        %select_n3A_570 = arith.select %eq3A_569, %exp3A_562, %select_n3A_533 : vector<16xi1>, vector<16xf32>
        %get3A_571 = arith.index_cast %scan3A_329 : i32 to index
        %get3A_572 = arith.constant 96 : index
        %get3A_573 = tpu.vector_load %arg14[%get3A_571, %get3A_572] {strides = array<i32>} : memref<40x128xf32, #tpu.memory_space<vmem>>, vector<16xf32>,
        %get3A_574 = arith.index_cast %scan3A_329 : i32 to index
        %get3A_575 = arith.constant 96 : index
        %get3A_576 = tpu.vector_load %arg15[%get3A_574, %get3A_575] {strides = array<i32>} : memref<40x128xf32, #tpu.memory_space<vmem>>, vector<16xf32>,
        %mul3A_577 = arith.mulf %gather3A_337, %get3A_45 : vector<16xf32>
        %mul3A_578 = arith.mulf %gather3A_342, %get3A_77 : vector<16xf32>
        %add3A_579 = arith.addf %mul3A_577, %mul3A_578 : vector<16xf32>
        %mul3A_580 = arith.mulf %gather3A_347, %get3A_109 : vector<16xf32>
        %add3A_581 = arith.addf %add3A_579, %mul3A_580 : vector<16xf32>
        %mul3A_582 = arith.mulf %gather3A_352, %get3A_141 : vector<16xf32>
        %add3A_583 = arith.addf %add3A_581, %mul3A_582 : vector<16xf32>
        %add3A_584 = arith.addf %get3A_573, %get3A_576 : vector<16xf32>
        %add3A_585 = arith.addf %add3A_584, %add3A_583 : vector<16xf32>
        %mul3A_586 = arith.constant 2.000000e-01 : f32
        %mul3A_587 = vector.broadcast %mul3A_586 : f32 to vector<16xf32>
        %mul3A_588 = arith.mulf %mul3A_587, %add3A_585 : vector<16xf32>
        %max3A_589 = arith.maximumf %add3A_585, %mul3A_588 : vector<16xf32>
        %mul3A_590 = arith.mulf %max3A_589, %get3A_173 : vector<16xf32>
        %broadcast_in_dim3A_591 = arith.constant true
        %broadcast_in_dim3A_592 = vector.broadcast %broadcast_in_dim3A_591 : i1 to vector<16xi1>
        %masked_cumsum3A_593 = tpu.scan <sum>, %mul3A_590 masked %broadcast_in_dim3A_592 : vector<16xf32>, vector<16xi1> -> vector<16xf32>
        %broadcast_in_dim3A_594 = arith.constant 15 : i32
        %broadcast_in_dim3A_595 = vector.broadcast %broadcast_in_dim3A_594 : i32 to vector<16xi32>
        %broadcast_in_dim3A_596 = vector.shape_cast %broadcast_in_dim3A_595 : vector<16xi32> to vector<16x1xi32>
        %gather3A_597 = vector.shape_cast %broadcast_in_dim3A_596 : vector<16x1xi32> to vector<16xi32>
        %gather3A_598 = tpu.dynamic_gather %masked_cumsum3A_593[%gather3A_597] in [0] : vector<16xf32>, vector<16xi32> -> vector<16xf32>
        %exp3A_599 = math.exp %gather3A_598 : vector<16xf32>
        %mul3A_600 = arith.mulf %exp3A_599, %get3A_573 : vector<16xf32>
        %swap3A_601 = arith.index_cast %scan3A_329 : i32 to index
        %swap3A_602 = arith.constant 96 : index
        %swap3A_603 = tpu.vector_load %arg22[%swap3A_601, %swap3A_602] {strides = array<i32>} : memref<40x128xf32, #tpu.memory_space<vmem>>, vector<16xf32>,
        tpu.vector_store %arg22[%swap3A_601, %swap3A_602], %mul3A_600 {strides = array<i32>} : memref<40x128xf32, #tpu.memory_space<vmem>>, vector<16xf32>,
        %eq3A_604 = arith.constant 6 : i32
        %eq3A_605 = vector.broadcast %eq3A_604 : i32 to vector<16xi32>
        %eq3A_606 = arith.cmpi eq, %iota3A, %eq3A_605 : vector<16xi32>
        %select_n3A_607 = arith.select %eq3A_606, %exp3A_599, %select_n3A_570 : vector<16xi1>, vector<16xf32>
        %get3A_608 = arith.index_cast %scan3A_329 : i32 to index
        %get3A_609 = arith.constant 112 : index
        %get3A_610 = tpu.vector_load %arg14[%get3A_608, %get3A_609] {strides = array<i32>} : memref<40x128xf32, #tpu.memory_space<vmem>>, vector<16xf32>,
        %get3A_611 = arith.index_cast %scan3A_329 : i32 to index
        %get3A_612 = arith.constant 112 : index
        %get3A_613 = tpu.vector_load %arg15[%get3A_611, %get3A_612] {strides = array<i32>} : memref<40x128xf32, #tpu.memory_space<vmem>>, vector<16xf32>,
        %mul3A_614 = arith.mulf %gather3A_337, %get3A_49 : vector<16xf32>
        %mul3A_615 = arith.mulf %gather3A_342, %get3A_81 : vector<16xf32>
        %add3A_616 = arith.addf %mul3A_614, %mul3A_615 : vector<16xf32>
        %mul3A_617 = arith.mulf %gather3A_347, %get3A_113 : vector<16xf32>
        %add3A_618 = arith.addf %add3A_616, %mul3A_617 : vector<16xf32>
        %mul3A_619 = arith.mulf %gather3A_352, %get3A_145 : vector<16xf32>
        %add3A_620 = arith.addf %add3A_618, %mul3A_619 : vector<16xf32>
        %add3A_621 = arith.addf %get3A_610, %get3A_613 : vector<16xf32>
        %add3A_622 = arith.addf %add3A_621, %add3A_620 : vector<16xf32>
        %mul3A_623 = arith.constant 2.000000e-01 : f32
        %mul3A_624 = vector.broadcast %mul3A_623 : f32 to vector<16xf32>
        %mul3A_625 = arith.mulf %mul3A_624, %add3A_622 : vector<16xf32>
        %max3A_626 = arith.maximumf %add3A_622, %mul3A_625 : vector<16xf32>
        %mul3A_627 = arith.mulf %max3A_626, %get3A_177 : vector<16xf32>
        %broadcast_in_dim3A_628 = arith.constant true
        %broadcast_in_dim3A_629 = vector.broadcast %broadcast_in_dim3A_628 : i1 to vector<16xi1>
        %masked_cumsum3A_630 = tpu.scan <sum>, %mul3A_627 masked %broadcast_in_dim3A_629 : vector<16xf32>, vector<16xi1> -> vector<16xf32>
        %broadcast_in_dim3A_631 = arith.constant 15 : i32
        %broadcast_in_dim3A_632 = vector.broadcast %broadcast_in_dim3A_631 : i32 to vector<16xi32>
        %broadcast_in_dim3A_633 = vector.shape_cast %broadcast_in_dim3A_632 : vector<16xi32> to vector<16x1xi32>
        %gather3A_634 = vector.shape_cast %broadcast_in_dim3A_633 : vector<16x1xi32> to vector<16xi32>
        %gather3A_635 = tpu.dynamic_gather %masked_cumsum3A_630[%gather3A_634] in [0] : vector<16xf32>, vector<16xi32> -> vector<16xf32>
        %exp3A_636 = math.exp %gather3A_635 : vector<16xf32>
        %mul3A_637 = arith.mulf %exp3A_636, %get3A_610 : vector<16xf32>
        %swap3A_638 = arith.index_cast %scan3A_329 : i32 to index
        %swap3A_639 = arith.constant 112 : index
        %swap3A_640 = tpu.vector_load %arg22[%swap3A_638, %swap3A_639] {strides = array<i32>} : memref<40x128xf32, #tpu.memory_space<vmem>>, vector<16xf32>,
        tpu.vector_store %arg22[%swap3A_638, %swap3A_639], %mul3A_637 {strides = array<i32>} : memref<40x128xf32, #tpu.memory_space<vmem>>, vector<16xf32>,
        %eq3A_641 = arith.constant 7 : i32
        %eq3A_642 = vector.broadcast %eq3A_641 : i32 to vector<16xi32>
        %eq3A_643 = arith.cmpi eq, %iota3A, %eq3A_642 : vector<16xi32>
        %select_n3A_644 = arith.select %eq3A_643, %exp3A_636, %select_n3A_607 : vector<16xi1>, vector<16xf32>
        %swap3A_645 = arith.index_cast %scan3A_329 : i32 to index
        %swap3A_646 = arith.constant 0 : index
        %swap3A_647 = tpu.vector_load %arg23[%swap3A_645, %swap3A_646] {strides = array<i32>} : memref<40x16xf32, #tpu.memory_space<vmem>>, vector<16xf32>,
        tpu.vector_store %arg23[%swap3A_645, %swap3A_646], %select_n3A_644 {strides = array<i32>} : memref<40x16xf32, #tpu.memory_space<vmem>>, vector<16xf32>,
        %scan3A_648 = arith.constant 0 : i32
        scf.yield %scan3A_648 : i32
      }
      %scan3A_274 = arith.constant 40 : i32
      "tpu.region"() ({
        %run_scoped3A = tpu.sem_alloc : memref<!tpu.dma_semaphore, #tpu.memory_space<semaphore_mem>>
        %dma_start3A_329 = arith.constant 0 : i32
        %dma_start3A_330 = arith.constant 0 : i32
        %dma_start3A_331 = tpu.memref_slice %arg11[%dma_start3A_329, %dma_start3A_330] : memref<10000x128xf32, #tpu.memory_space<vmem_shared>> -> memref<10000x128xf32, #tpu.memory_space<vmem_shared>>
        tpu.enqueue_indirect_dma source(%arg22 : memref<40x128xf32, #tpu.memory_space<vmem>>) target(%dma_start3A_331 : memref<10000x128xf32, #tpu.memory_space<vmem_shared>>) offsets(%arg13 : memref<40xi32, #tpu.memory_space<vmem>>) semaphore(%run_scoped3A : memref<!tpu.dma_semaphore, #tpu.memory_space<semaphore_mem>>) {add = true}
        %dma_wait3A_332 = arith.constant 0 : i32
        %dma_wait3A_333 = arith.constant 0 : i32
        %dma_wait3A_334 = tpu.memref_slice %arg11[%dma_wait3A_332, %dma_wait3A_333] : memref<10000x128xf32, #tpu.memory_space<vmem_shared>> -> memref<10000x128xf32, #tpu.memory_space<vmem_shared>>
        tpu.wait_indirect_dma semaphore(%run_scoped3A : memref<!tpu.dma_semaphore, #tpu.memory_space<semaphore_mem>>) src(%arg22 : memref<40x128xf32, #tpu.memory_space<vmem>>) dst(%dma_wait3A_334 : memref<10000x128xf32, #tpu.memory_space<vmem_shared>>)
        tpu.yield
      }) : () -> ()
      "tpu.region"() ({
        %run_scoped3A = tpu.sem_alloc : memref<!tpu.dma_semaphore, #tpu.memory_space<semaphore_mem>>
        %dma_start3A_329 = arith.constant 0 : i32
        %dma_start3A_330 = tpu.memref_slice %arg10[%mul3A_267, %dma_start3A_329] : memref<320000x16xf32, #tpu.memory_space<hbm>> -> memref<40x16xf32, #tpu.memory_space<hbm>>
        %dma_start3A_331 = arith.constant 0 : i32
        %dma_start3A_332 = tpu.memref_slice %arg10[%mul3A_267, %dma_start3A_331] : memref<320000x16xf32, #tpu.memory_space<hbm>> -> memref<40x16xf32, #tpu.memory_space<hbm>>
        tpu.enqueue_dma source(%arg23 : memref<40x16xf32, #tpu.memory_space<vmem>>) target(%dma_start3A_332 : memref<40x16xf32, #tpu.memory_space<hbm>>) target_semaphore(%run_scoped3A : memref<!tpu.dma_semaphore, #tpu.memory_space<semaphore_mem>>)
        %dma_wait3A_333 = arith.constant 0 : i32
        %dma_wait3A_334 = tpu.memref_slice %arg10[%mul3A_267, %dma_wait3A_333] : memref<320000x16xf32, #tpu.memory_space<hbm>> -> memref<40x16xf32, #tpu.memory_space<hbm>>
        %dma_wait3A_335 = arith.constant 0 : i32
        %dma_wait3A_336 = tpu.memref_slice %arg10[%mul3A_267, %dma_wait3A_335] : memref<320000x16xf32, #tpu.memory_space<hbm>> -> memref<40x16xf32, #tpu.memory_space<hbm>>
        tpu.wait_dma2 semaphore(%run_scoped3A : memref<!tpu.dma_semaphore, #tpu.memory_space<semaphore_mem>>) src(%arg23 : memref<40x16xf32, #tpu.memory_space<vmem>>) dst(%dma_wait3A_336 : memref<40x16xf32, #tpu.memory_space<hbm>>)
        tpu.yield
      }) : () -> ()
      %mul3A_275 = arith.constant 2 : i32
      %mul3A_276 = arith.muli %mul3A_275, %scan3A_222 : i32
      %add3A_277 = arith.constant 2 : i32
      %add3A_278 = arith.addi %mul3A_276, %add3A_277 : i32
      %jit3A_279 = arith.constant 250 : i32
      %eq3A_280 = arith.constant 0 : i32
      %eq3A_281 = arith.cmpi eq, %jit3A_279, %eq3A_280 : i32
      %jit3A_282 = arith.constant 1 : i32
      %select_n3A_283 = arith.select %eq3A_281, %jit3A_282, %jit3A_279 : i32
      %rem3A_284 = arith.remsi %add3A_278, %select_n3A_283 : i32
      %ne3A_285 = arith.constant 0 : i32
      %ne3A_286 = arith.cmpi ne, %rem3A_284, %ne3A_285 : i32
      %lt3A_287 = arith.constant 0 : i32
      %lt3A_288 = arith.cmpi slt, %rem3A_284, %lt3A_287 : i32
      %lt3A_289 = arith.constant 0 : i32
      %lt3A_290 = arith.cmpi slt, %select_n3A_283, %lt3A_289 : i32
      %ne3A_291 = arith.xori %lt3A_288, %lt3A_290 : i1
      %and3A_292 = arith.andi %ne3A_291, %ne3A_286 : i1
      %add3A_293 = arith.addi %rem3A_284, %select_n3A_283 : i32
      %select_n3A_294 = arith.select %and3A_292, %add3A_293, %rem3A_284 : i32
      %mul3A_295 = arith.constant 32 : i32
      %mul3A_296 = arith.muli %select_n3A_294, %mul3A_295 : i32
      %add3A_297 = arith.addi %add3A, %mul3A_296 : i32
      %mul3A_298 = arith.constant 40 : i32
      %mul3A_299 = arith.muli %add3A_297, %mul3A_298 : i32
      "tpu.region"() ({
        %run_scoped3A = tpu.sem_alloc : memref<!tpu.dma_semaphore, #tpu.memory_space<semaphore_mem>>
        %dma_start3A_329 = tpu.memref_slice %arg4[%mul3A_299] : memref<320000xi32, #tpu.memory_space<hbm>> -> memref<40xi32, #tpu.memory_space<hbm>>
        %dma_start3A_330 = tpu.memref_slice %arg4[%mul3A_299] : memref<320000xi32, #tpu.memory_space<hbm>> -> memref<40xi32, #tpu.memory_space<hbm>>
        tpu.enqueue_dma source(%dma_start3A_330 : memref<40xi32, #tpu.memory_space<hbm>>) target(%arg12 : memref<40xi32, #tpu.memory_space<vmem>>) target_semaphore(%run_scoped3A : memref<!tpu.dma_semaphore, #tpu.memory_space<semaphore_mem>>)
        %dma_wait3A_331 = tpu.memref_slice %arg4[%mul3A_299] : memref<320000xi32, #tpu.memory_space<hbm>> -> memref<40xi32, #tpu.memory_space<hbm>>
        %dma_wait3A_332 = tpu.memref_slice %arg4[%mul3A_299] : memref<320000xi32, #tpu.memory_space<hbm>> -> memref<40xi32, #tpu.memory_space<hbm>>
        tpu.wait_dma2 semaphore(%run_scoped3A : memref<!tpu.dma_semaphore, #tpu.memory_space<semaphore_mem>>) src(%dma_wait3A_332 : memref<40xi32, #tpu.memory_space<hbm>>) dst(%arg12 : memref<40xi32, #tpu.memory_space<vmem>>)
        tpu.yield
      }) : () -> ()
      "tpu.region"() ({
        %run_scoped3A = tpu.sem_alloc : memref<!tpu.dma_semaphore, #tpu.memory_space<semaphore_mem>>
        %dma_start3A_329 = tpu.memref_slice %arg5[%mul3A_299] : memref<320000xi32, #tpu.memory_space<hbm>> -> memref<40xi32, #tpu.memory_space<hbm>>
        %dma_start3A_330 = tpu.memref_slice %arg5[%mul3A_299] : memref<320000xi32, #tpu.memory_space<hbm>> -> memref<40xi32, #tpu.memory_space<hbm>>
        tpu.enqueue_dma source(%dma_start3A_330 : memref<40xi32, #tpu.memory_space<hbm>>) target(%arg13 : memref<40xi32, #tpu.memory_space<vmem>>) target_semaphore(%run_scoped3A : memref<!tpu.dma_semaphore, #tpu.memory_space<semaphore_mem>>)
        %dma_wait3A_331 = tpu.memref_slice %arg5[%mul3A_299] : memref<320000xi32, #tpu.memory_space<hbm>> -> memref<40xi32, #tpu.memory_space<hbm>>
        %dma_wait3A_332 = tpu.memref_slice %arg5[%mul3A_299] : memref<320000xi32, #tpu.memory_space<hbm>> -> memref<40xi32, #tpu.memory_space<hbm>>
        tpu.wait_dma2 semaphore(%run_scoped3A : memref<!tpu.dma_semaphore, #tpu.memory_space<semaphore_mem>>) src(%dma_wait3A_332 : memref<40xi32, #tpu.memory_space<hbm>>) dst(%arg13 : memref<40xi32, #tpu.memory_space<vmem>>)
        tpu.yield
      }) : () -> ()
      %dma_start3A_300 = arith.constant 0 : i32
      %dma_start3A_301 = arith.constant 0 : i32
      %dma_start3A_302 = tpu.memref_slice %arg2[%dma_start3A_300, %dma_start3A_301] : memref<10000x128xf32, #tpu.memory_space<hbm>> -> memref<10000x128xf32, #tpu.memory_space<hbm>>
      tpu.enqueue_indirect_dma source(%dma_start3A_302 : memref<10000x128xf32, #tpu.memory_space<hbm>>) target(%arg14 : memref<40x128xf32, #tpu.memory_space<vmem>>) offsets(%arg12 : memref<40xi32, #tpu.memory_space<vmem>>) semaphore(%arg26 : memref<!tpu.dma_semaphore, #tpu.memory_space<semaphore_mem>>)
      %dma_start3A_303 = arith.constant 0 : i32
      %dma_start3A_304 = arith.constant 0 : i32
      %dma_start3A_305 = tpu.memref_slice %arg3[%dma_start3A_303, %dma_start3A_304] : memref<10000x128xf32, #tpu.memory_space<hbm>> -> memref<10000x128xf32, #tpu.memory_space<hbm>>
      tpu.enqueue_indirect_dma source(%dma_start3A_305 : memref<10000x128xf32, #tpu.memory_space<hbm>>) target(%arg15 : memref<40x128xf32, #tpu.memory_space<vmem>>) offsets(%arg13 : memref<40xi32, #tpu.memory_space<vmem>>) semaphore(%arg27 : memref<!tpu.dma_semaphore, #tpu.memory_space<semaphore_mem>>)
      "tpu.region"() ({
        %run_scoped3A = tpu.sem_alloc : memref<!tpu.dma_semaphore, #tpu.memory_space<semaphore_mem>>
        %dma_start3A_329 = arith.constant 0 : i32
        %dma_start3A_330 = tpu.memref_slice %arg6[%mul3A_299, %dma_start3A_329] : memref<320000x16xf32, #tpu.memory_space<hbm>> -> memref<40x16xf32, #tpu.memory_space<hbm>>
        %dma_start3A_331 = arith.constant 0 : i32
        %dma_start3A_332 = tpu.memref_slice %arg6[%mul3A_299, %dma_start3A_331] : memref<320000x16xf32, #tpu.memory_space<hbm>> -> memref<40x16xf32, #tpu.memory_space<hbm>>
        tpu.enqueue_dma source(%dma_start3A_332 : memref<40x16xf32, #tpu.memory_space<hbm>>) target(%arg16 : memref<40x16xf32, #tpu.memory_space<vmem>>) target_semaphore(%run_scoped3A : memref<!tpu.dma_semaphore, #tpu.memory_space<semaphore_mem>>)
        %dma_wait3A_333 = arith.constant 0 : i32
        %dma_wait3A_334 = tpu.memref_slice %arg6[%mul3A_299, %dma_wait3A_333] : memref<320000x16xf32, #tpu.memory_space<hbm>> -> memref<40x16xf32, #tpu.memory_space<hbm>>
        %dma_wait3A_335 = arith.constant 0 : i32
        %dma_wait3A_336 = tpu.memref_slice %arg6[%mul3A_299, %dma_wait3A_335] : memref<320000x16xf32, #tpu.memory_space<hbm>> -> memref<40x16xf32, #tpu.memory_space<hbm>>
        tpu.wait_dma2 semaphore(%run_scoped3A : memref<!tpu.dma_semaphore, #tpu.memory_space<semaphore_mem>>) src(%dma_wait3A_336 : memref<40x16xf32, #tpu.memory_space<hbm>>) dst(%arg16 : memref<40x16xf32, #tpu.memory_space<vmem>>)
        tpu.yield
      }) : () -> ()
      %mul3A_306 = arith.constant 2 : i32
      %mul3A_307 = arith.muli %mul3A_306, %scan3A_222 : i32
      %add3A_308 = arith.constant 1 : i32
      %add3A_309 = arith.addi %mul3A_307, %add3A_308 : i32
      %dma_wait3A_310 = arith.constant 0 : i32
      %dma_wait3A_311 = arith.constant 0 : i32
      %dma_wait3A_312 = tpu.memref_slice %arg2[%dma_wait3A_310, %dma_wait3A_311] : memref<10000x128xf32, #tpu.memory_space<hbm>> -> memref<10000x128xf32, #tpu.memory_space<hbm>>
      tpu.wait_indirect_dma semaphore(%arg28 : memref<!tpu.dma_semaphore, #tpu.memory_space<semaphore_mem>>) src(%dma_wait3A_312 : memref<10000x128xf32, #tpu.memory_space<hbm>>) dst(%arg19 : memref<40x128xf32, #tpu.memory_space<vmem>>)
      %dma_wait3A_313 = arith.constant 0 : i32
      %dma_wait3A_314 = arith.constant 0 : i32
      %dma_wait3A_315 = tpu.memref_slice %arg3[%dma_wait3A_313, %dma_wait3A_314] : memref<10000x128xf32, #tpu.memory_space<hbm>> -> memref<10000x128xf32, #tpu.memory_space<hbm>>
      tpu.wait_indirect_dma semaphore(%arg29 : memref<!tpu.dma_semaphore, #tpu.memory_space<semaphore_mem>>) src(%dma_wait3A_315 : memref<10000x128xf32, #tpu.memory_space<hbm>>) dst(%arg20 : memref<40x128xf32, #tpu.memory_space<vmem>>)
      %mul3A_316 = arith.constant 32 : i32
      %mul3A_317 = arith.muli %add3A_309, %mul3A_316 : i32
      %add3A_318 = arith.addi %add3A, %mul3A_317 : i32
      %mul3A_319 = arith.constant 40 : i32
      %mul3A_320 = arith.muli %add3A_318, %mul3A_319 : i32
      %scan3A_321 = arith.constant 0 : i32
      %scan3A_322 = arith.constant 0 : i32
      %scan3A_323 = arith.constant 40 : i32
      %scan3A_324 = arith.addi %scan3A_322, %scan3A_323 : i32
      %scan3A_325 = arith.constant 1 : i32
      %scan3A_326 = scf.for %scan3A_329 = %scan3A_322 to %scan3A_324 step %scan3A_325 iter_args(%scan3A_330 = %scan3A_321) -> (i32)  : i32 {
        %get3A_331 = arith.index_cast %scan3A_329 : i32 to index
        %get3A_332 = arith.constant 0 : index
        %get3A_333 = tpu.vector_load %arg21[%get3A_331, %get3A_332] {strides = array<i32>} : memref<40x16xf32, #tpu.memory_space<vmem>>, vector<16xf32>,
        %broadcast_in_dim3A_334 = arith.constant 0 : i32
        %broadcast_in_dim3A_335 = vector.broadcast %broadcast_in_dim3A_334 : i32 to vector<16xi32>
        %broadcast_in_dim3A_336 = vector.shape_cast %broadcast_in_dim3A_335 : vector<16xi32> to vector<16x1xi32>
        %gather3A = vector.shape_cast %broadcast_in_dim3A_336 : vector<16x1xi32> to vector<16xi32>
        %gather3A_337 = tpu.dynamic_gather %get3A_333[%gather3A] in [0] : vector<16xf32>, vector<16xi32> -> vector<16xf32>
        %broadcast_in_dim3A_338 = arith.constant 1 : i32
        %broadcast_in_dim3A_339 = vector.broadcast %broadcast_in_dim3A_338 : i32 to vector<16xi32>
        %broadcast_in_dim3A_340 = vector.shape_cast %broadcast_in_dim3A_339 : vector<16xi32> to vector<16x1xi32>
        %gather3A_341 = vector.shape_cast %broadcast_in_dim3A_340 : vector<16x1xi32> to vector<16xi32>
        %gather3A_342 = tpu.dynamic_gather %get3A_333[%gather3A_341] in [0] : vector<16xf32>, vector<16xi32> -> vector<16xf32>
        %broadcast_in_dim3A_343 = arith.constant 2 : i32
        %broadcast_in_dim3A_344 = vector.broadcast %broadcast_in_dim3A_343 : i32 to vector<16xi32>
        %broadcast_in_dim3A_345 = vector.shape_cast %broadcast_in_dim3A_344 : vector<16xi32> to vector<16x1xi32>
        %gather3A_346 = vector.shape_cast %broadcast_in_dim3A_345 : vector<16x1xi32> to vector<16xi32>
        %gather3A_347 = tpu.dynamic_gather %get3A_333[%gather3A_346] in [0] : vector<16xf32>, vector<16xi32> -> vector<16xf32>
        %broadcast_in_dim3A_348 = arith.constant 3 : i32
        %broadcast_in_dim3A_349 = vector.broadcast %broadcast_in_dim3A_348 : i32 to vector<16xi32>
        %broadcast_in_dim3A_350 = vector.shape_cast %broadcast_in_dim3A_349 : vector<16xi32> to vector<16x1xi32>
        %gather3A_351 = vector.shape_cast %broadcast_in_dim3A_350 : vector<16x1xi32> to vector<16xi32>
        %gather3A_352 = tpu.dynamic_gather %get3A_333[%gather3A_351] in [0] : vector<16xf32>, vector<16xi32> -> vector<16xf32>
        %get3A_353 = arith.index_cast %scan3A_329 : i32 to index
        %get3A_354 = arith.constant 0 : index
        %get3A_355 = tpu.vector_load %arg19[%get3A_353, %get3A_354] {strides = array<i32>} : memref<40x128xf32, #tpu.memory_space<vmem>>, vector<16xf32>,
        %get3A_356 = arith.index_cast %scan3A_329 : i32 to index
        %get3A_357 = arith.constant 0 : index
        %get3A_358 = tpu.vector_load %arg20[%get3A_356, %get3A_357] {strides = array<i32>} : memref<40x128xf32, #tpu.memory_space<vmem>>, vector<16xf32>,
        %mul3A_359 = arith.mulf %gather3A_337, %get3A_21 : vector<16xf32>
        %mul3A_360 = arith.mulf %gather3A_342, %get3A_53 : vector<16xf32>
        %add3A_361 = arith.addf %mul3A_359, %mul3A_360 : vector<16xf32>
        %mul3A_362 = arith.mulf %gather3A_347, %get3A_85 : vector<16xf32>
        %add3A_363 = arith.addf %add3A_361, %mul3A_362 : vector<16xf32>
        %mul3A_364 = arith.mulf %gather3A_352, %get3A_117 : vector<16xf32>
        %add3A_365 = arith.addf %add3A_363, %mul3A_364 : vector<16xf32>
        %add3A_366 = arith.addf %get3A_355, %get3A_358 : vector<16xf32>
        %add3A_367 = arith.addf %add3A_366, %add3A_365 : vector<16xf32>
        %mul3A_368 = arith.constant 2.000000e-01 : f32
        %mul3A_369 = vector.broadcast %mul3A_368 : f32 to vector<16xf32>
        %mul3A_370 = arith.mulf %mul3A_369, %add3A_367 : vector<16xf32>
        %max3A = arith.maximumf %add3A_367, %mul3A_370 : vector<16xf32>
        %mul3A_371 = arith.mulf %max3A, %get3A_149 : vector<16xf32>
        %broadcast_in_dim3A_372 = arith.constant true
        %broadcast_in_dim3A_373 = vector.broadcast %broadcast_in_dim3A_372 : i1 to vector<16xi1>
        %masked_cumsum3A = tpu.scan <sum>, %mul3A_371 masked %broadcast_in_dim3A_373 : vector<16xf32>, vector<16xi1> -> vector<16xf32>
        %broadcast_in_dim3A_374 = arith.constant 15 : i32
        %broadcast_in_dim3A_375 = vector.broadcast %broadcast_in_dim3A_374 : i32 to vector<16xi32>
        %broadcast_in_dim3A_376 = vector.shape_cast %broadcast_in_dim3A_375 : vector<16xi32> to vector<16x1xi32>
        %gather3A_377 = vector.shape_cast %broadcast_in_dim3A_376 : vector<16x1xi32> to vector<16xi32>
        %gather3A_378 = tpu.dynamic_gather %masked_cumsum3A[%gather3A_377] in [0] : vector<16xf32>, vector<16xi32> -> vector<16xf32>
        %exp3A = math.exp %gather3A_378 : vector<16xf32>
        %mul3A_379 = arith.mulf %exp3A, %get3A_355 : vector<16xf32>
        %swap3A = arith.index_cast %scan3A_329 : i32 to index
        %swap3A_380 = arith.constant 0 : index
        %swap3A_381 = tpu.vector_load %arg22[%swap3A, %swap3A_380] {strides = array<i32>} : memref<40x128xf32, #tpu.memory_space<vmem>>, vector<16xf32>,
        tpu.vector_store %arg22[%swap3A, %swap3A_380], %mul3A_379 {strides = array<i32>} : memref<40x128xf32, #tpu.memory_space<vmem>>, vector<16xf32>,
        %eq3A_382 = arith.constant 0 : i32
        %eq3A_383 = vector.broadcast %eq3A_382 : i32 to vector<16xi32>
        %eq3A_384 = arith.cmpi eq, %iota3A, %eq3A_383 : vector<16xi32>
        %select_n3A_385 = arith.select %eq3A_384, %exp3A, %broadcast_in_dim3A_1 : vector<16xi1>, vector<16xf32>
        %get3A_386 = arith.index_cast %scan3A_329 : i32 to index
        %get3A_387 = arith.constant 16 : index
        %get3A_388 = tpu.vector_load %arg19[%get3A_386, %get3A_387] {strides = array<i32>} : memref<40x128xf32, #tpu.memory_space<vmem>>, vector<16xf32>,
        %get3A_389 = arith.index_cast %scan3A_329 : i32 to index
        %get3A_390 = arith.constant 16 : index
        %get3A_391 = tpu.vector_load %arg20[%get3A_389, %get3A_390] {strides = array<i32>} : memref<40x128xf32, #tpu.memory_space<vmem>>, vector<16xf32>,
        %mul3A_392 = arith.mulf %gather3A_337, %get3A_25 : vector<16xf32>
        %mul3A_393 = arith.mulf %gather3A_342, %get3A_57 : vector<16xf32>
        %add3A_394 = arith.addf %mul3A_392, %mul3A_393 : vector<16xf32>
        %mul3A_395 = arith.mulf %gather3A_347, %get3A_89 : vector<16xf32>
        %add3A_396 = arith.addf %add3A_394, %mul3A_395 : vector<16xf32>
        %mul3A_397 = arith.mulf %gather3A_352, %get3A_121 : vector<16xf32>
        %add3A_398 = arith.addf %add3A_396, %mul3A_397 : vector<16xf32>
        %add3A_399 = arith.addf %get3A_388, %get3A_391 : vector<16xf32>
        %add3A_400 = arith.addf %add3A_399, %add3A_398 : vector<16xf32>
        %mul3A_401 = arith.constant 2.000000e-01 : f32
        %mul3A_402 = vector.broadcast %mul3A_401 : f32 to vector<16xf32>
        %mul3A_403 = arith.mulf %mul3A_402, %add3A_400 : vector<16xf32>
        %max3A_404 = arith.maximumf %add3A_400, %mul3A_403 : vector<16xf32>
        %mul3A_405 = arith.mulf %max3A_404, %get3A_153 : vector<16xf32>
        %broadcast_in_dim3A_406 = arith.constant true
        %broadcast_in_dim3A_407 = vector.broadcast %broadcast_in_dim3A_406 : i1 to vector<16xi1>
        %masked_cumsum3A_408 = tpu.scan <sum>, %mul3A_405 masked %broadcast_in_dim3A_407 : vector<16xf32>, vector<16xi1> -> vector<16xf32>
        %broadcast_in_dim3A_409 = arith.constant 15 : i32
        %broadcast_in_dim3A_410 = vector.broadcast %broadcast_in_dim3A_409 : i32 to vector<16xi32>
        %broadcast_in_dim3A_411 = vector.shape_cast %broadcast_in_dim3A_410 : vector<16xi32> to vector<16x1xi32>
        %gather3A_412 = vector.shape_cast %broadcast_in_dim3A_411 : vector<16x1xi32> to vector<16xi32>
        %gather3A_413 = tpu.dynamic_gather %masked_cumsum3A_408[%gather3A_412] in [0] : vector<16xf32>, vector<16xi32> -> vector<16xf32>
        %exp3A_414 = math.exp %gather3A_413 : vector<16xf32>
        %mul3A_415 = arith.mulf %exp3A_414, %get3A_388 : vector<16xf32>
        %swap3A_416 = arith.index_cast %scan3A_329 : i32 to index
        %swap3A_417 = arith.constant 16 : index
        %swap3A_418 = tpu.vector_load %arg22[%swap3A_416, %swap3A_417] {strides = array<i32>} : memref<40x128xf32, #tpu.memory_space<vmem>>, vector<16xf32>,
        tpu.vector_store %arg22[%swap3A_416, %swap3A_417], %mul3A_415 {strides = array<i32>} : memref<40x128xf32, #tpu.memory_space<vmem>>, vector<16xf32>,
        %eq3A_419 = arith.constant 1 : i32
        %eq3A_420 = vector.broadcast %eq3A_419 : i32 to vector<16xi32>
        %eq3A_421 = arith.cmpi eq, %iota3A, %eq3A_420 : vector<16xi32>
        %select_n3A_422 = arith.select %eq3A_421, %exp3A_414, %select_n3A_385 : vector<16xi1>, vector<16xf32>
        %get3A_423 = arith.index_cast %scan3A_329 : i32 to index
        %get3A_424 = arith.constant 32 : index
        %get3A_425 = tpu.vector_load %arg19[%get3A_423, %get3A_424] {strides = array<i32>} : memref<40x128xf32, #tpu.memory_space<vmem>>, vector<16xf32>,
        %get3A_426 = arith.index_cast %scan3A_329 : i32 to index
        %get3A_427 = arith.constant 32 : index
        %get3A_428 = tpu.vector_load %arg20[%get3A_426, %get3A_427] {strides = array<i32>} : memref<40x128xf32, #tpu.memory_space<vmem>>, vector<16xf32>,
        %mul3A_429 = arith.mulf %gather3A_337, %get3A_29 : vector<16xf32>
        %mul3A_430 = arith.mulf %gather3A_342, %get3A_61 : vector<16xf32>
        %add3A_431 = arith.addf %mul3A_429, %mul3A_430 : vector<16xf32>
        %mul3A_432 = arith.mulf %gather3A_347, %get3A_93 : vector<16xf32>
        %add3A_433 = arith.addf %add3A_431, %mul3A_432 : vector<16xf32>
        %mul3A_434 = arith.mulf %gather3A_352, %get3A_125 : vector<16xf32>
        %add3A_435 = arith.addf %add3A_433, %mul3A_434 : vector<16xf32>
        %add3A_436 = arith.addf %get3A_425, %get3A_428 : vector<16xf32>
        %add3A_437 = arith.addf %add3A_436, %add3A_435 : vector<16xf32>
        %mul3A_438 = arith.constant 2.000000e-01 : f32
        %mul3A_439 = vector.broadcast %mul3A_438 : f32 to vector<16xf32>
        %mul3A_440 = arith.mulf %mul3A_439, %add3A_437 : vector<16xf32>
        %max3A_441 = arith.maximumf %add3A_437, %mul3A_440 : vector<16xf32>
        %mul3A_442 = arith.mulf %max3A_441, %get3A_157 : vector<16xf32>
        %broadcast_in_dim3A_443 = arith.constant true
        %broadcast_in_dim3A_444 = vector.broadcast %broadcast_in_dim3A_443 : i1 to vector<16xi1>
        %masked_cumsum3A_445 = tpu.scan <sum>, %mul3A_442 masked %broadcast_in_dim3A_444 : vector<16xf32>, vector<16xi1> -> vector<16xf32>
        %broadcast_in_dim3A_446 = arith.constant 15 : i32
        %broadcast_in_dim3A_447 = vector.broadcast %broadcast_in_dim3A_446 : i32 to vector<16xi32>
        %broadcast_in_dim3A_448 = vector.shape_cast %broadcast_in_dim3A_447 : vector<16xi32> to vector<16x1xi32>
        %gather3A_449 = vector.shape_cast %broadcast_in_dim3A_448 : vector<16x1xi32> to vector<16xi32>
        %gather3A_450 = tpu.dynamic_gather %masked_cumsum3A_445[%gather3A_449] in [0] : vector<16xf32>, vector<16xi32> -> vector<16xf32>
        %exp3A_451 = math.exp %gather3A_450 : vector<16xf32>
        %mul3A_452 = arith.mulf %exp3A_451, %get3A_425 : vector<16xf32>
        %swap3A_453 = arith.index_cast %scan3A_329 : i32 to index
        %swap3A_454 = arith.constant 32 : index
        %swap3A_455 = tpu.vector_load %arg22[%swap3A_453, %swap3A_454] {strides = array<i32>} : memref<40x128xf32, #tpu.memory_space<vmem>>, vector<16xf32>,
        tpu.vector_store %arg22[%swap3A_453, %swap3A_454], %mul3A_452 {strides = array<i32>} : memref<40x128xf32, #tpu.memory_space<vmem>>, vector<16xf32>,
        %eq3A_456 = arith.constant 2 : i32
        %eq3A_457 = vector.broadcast %eq3A_456 : i32 to vector<16xi32>
        %eq3A_458 = arith.cmpi eq, %iota3A, %eq3A_457 : vector<16xi32>
        %select_n3A_459 = arith.select %eq3A_458, %exp3A_451, %select_n3A_422 : vector<16xi1>, vector<16xf32>
        %get3A_460 = arith.index_cast %scan3A_329 : i32 to index
        %get3A_461 = arith.constant 48 : index
        %get3A_462 = tpu.vector_load %arg19[%get3A_460, %get3A_461] {strides = array<i32>} : memref<40x128xf32, #tpu.memory_space<vmem>>, vector<16xf32>,
        %get3A_463 = arith.index_cast %scan3A_329 : i32 to index
        %get3A_464 = arith.constant 48 : index
        %get3A_465 = tpu.vector_load %arg20[%get3A_463, %get3A_464] {strides = array<i32>} : memref<40x128xf32, #tpu.memory_space<vmem>>, vector<16xf32>,
        %mul3A_466 = arith.mulf %gather3A_337, %get3A_33 : vector<16xf32>
        %mul3A_467 = arith.mulf %gather3A_342, %get3A_65 : vector<16xf32>
        %add3A_468 = arith.addf %mul3A_466, %mul3A_467 : vector<16xf32>
        %mul3A_469 = arith.mulf %gather3A_347, %get3A_97 : vector<16xf32>
        %add3A_470 = arith.addf %add3A_468, %mul3A_469 : vector<16xf32>
        %mul3A_471 = arith.mulf %gather3A_352, %get3A_129 : vector<16xf32>
        %add3A_472 = arith.addf %add3A_470, %mul3A_471 : vector<16xf32>
        %add3A_473 = arith.addf %get3A_462, %get3A_465 : vector<16xf32>
        %add3A_474 = arith.addf %add3A_473, %add3A_472 : vector<16xf32>
        %mul3A_475 = arith.constant 2.000000e-01 : f32
        %mul3A_476 = vector.broadcast %mul3A_475 : f32 to vector<16xf32>
        %mul3A_477 = arith.mulf %mul3A_476, %add3A_474 : vector<16xf32>
        %max3A_478 = arith.maximumf %add3A_474, %mul3A_477 : vector<16xf32>
        %mul3A_479 = arith.mulf %max3A_478, %get3A_161 : vector<16xf32>
        %broadcast_in_dim3A_480 = arith.constant true
        %broadcast_in_dim3A_481 = vector.broadcast %broadcast_in_dim3A_480 : i1 to vector<16xi1>
        %masked_cumsum3A_482 = tpu.scan <sum>, %mul3A_479 masked %broadcast_in_dim3A_481 : vector<16xf32>, vector<16xi1> -> vector<16xf32>
        %broadcast_in_dim3A_483 = arith.constant 15 : i32
        %broadcast_in_dim3A_484 = vector.broadcast %broadcast_in_dim3A_483 : i32 to vector<16xi32>
        %broadcast_in_dim3A_485 = vector.shape_cast %broadcast_in_dim3A_484 : vector<16xi32> to vector<16x1xi32>
        %gather3A_486 = vector.shape_cast %broadcast_in_dim3A_485 : vector<16x1xi32> to vector<16xi32>
        %gather3A_487 = tpu.dynamic_gather %masked_cumsum3A_482[%gather3A_486] in [0] : vector<16xf32>, vector<16xi32> -> vector<16xf32>
        %exp3A_488 = math.exp %gather3A_487 : vector<16xf32>
        %mul3A_489 = arith.mulf %exp3A_488, %get3A_462 : vector<16xf32>
        %swap3A_490 = arith.index_cast %scan3A_329 : i32 to index
        %swap3A_491 = arith.constant 48 : index
        %swap3A_492 = tpu.vector_load %arg22[%swap3A_490, %swap3A_491] {strides = array<i32>} : memref<40x128xf32, #tpu.memory_space<vmem>>, vector<16xf32>,
        tpu.vector_store %arg22[%swap3A_490, %swap3A_491], %mul3A_489 {strides = array<i32>} : memref<40x128xf32, #tpu.memory_space<vmem>>, vector<16xf32>,
        %eq3A_493 = arith.constant 3 : i32
        %eq3A_494 = vector.broadcast %eq3A_493 : i32 to vector<16xi32>
        %eq3A_495 = arith.cmpi eq, %iota3A, %eq3A_494 : vector<16xi32>
        %select_n3A_496 = arith.select %eq3A_495, %exp3A_488, %select_n3A_459 : vector<16xi1>, vector<16xf32>
        %get3A_497 = arith.index_cast %scan3A_329 : i32 to index
        %get3A_498 = arith.constant 64 : index
        %get3A_499 = tpu.vector_load %arg19[%get3A_497, %get3A_498] {strides = array<i32>} : memref<40x128xf32, #tpu.memory_space<vmem>>, vector<16xf32>,
        %get3A_500 = arith.index_cast %scan3A_329 : i32 to index
        %get3A_501 = arith.constant 64 : index
        %get3A_502 = tpu.vector_load %arg20[%get3A_500, %get3A_501] {strides = array<i32>} : memref<40x128xf32, #tpu.memory_space<vmem>>, vector<16xf32>,
        %mul3A_503 = arith.mulf %gather3A_337, %get3A_37 : vector<16xf32>
        %mul3A_504 = arith.mulf %gather3A_342, %get3A_69 : vector<16xf32>
        %add3A_505 = arith.addf %mul3A_503, %mul3A_504 : vector<16xf32>
        %mul3A_506 = arith.mulf %gather3A_347, %get3A_101 : vector<16xf32>
        %add3A_507 = arith.addf %add3A_505, %mul3A_506 : vector<16xf32>
        %mul3A_508 = arith.mulf %gather3A_352, %get3A_133 : vector<16xf32>
        %add3A_509 = arith.addf %add3A_507, %mul3A_508 : vector<16xf32>
        %add3A_510 = arith.addf %get3A_499, %get3A_502 : vector<16xf32>
        %add3A_511 = arith.addf %add3A_510, %add3A_509 : vector<16xf32>
        %mul3A_512 = arith.constant 2.000000e-01 : f32
        %mul3A_513 = vector.broadcast %mul3A_512 : f32 to vector<16xf32>
        %mul3A_514 = arith.mulf %mul3A_513, %add3A_511 : vector<16xf32>
        %max3A_515 = arith.maximumf %add3A_511, %mul3A_514 : vector<16xf32>
        %mul3A_516 = arith.mulf %max3A_515, %get3A_165 : vector<16xf32>
        %broadcast_in_dim3A_517 = arith.constant true
        %broadcast_in_dim3A_518 = vector.broadcast %broadcast_in_dim3A_517 : i1 to vector<16xi1>
        %masked_cumsum3A_519 = tpu.scan <sum>, %mul3A_516 masked %broadcast_in_dim3A_518 : vector<16xf32>, vector<16xi1> -> vector<16xf32>
        %broadcast_in_dim3A_520 = arith.constant 15 : i32
        %broadcast_in_dim3A_521 = vector.broadcast %broadcast_in_dim3A_520 : i32 to vector<16xi32>
        %broadcast_in_dim3A_522 = vector.shape_cast %broadcast_in_dim3A_521 : vector<16xi32> to vector<16x1xi32>
        %gather3A_523 = vector.shape_cast %broadcast_in_dim3A_522 : vector<16x1xi32> to vector<16xi32>
        %gather3A_524 = tpu.dynamic_gather %masked_cumsum3A_519[%gather3A_523] in [0] : vector<16xf32>, vector<16xi32> -> vector<16xf32>
        %exp3A_525 = math.exp %gather3A_524 : vector<16xf32>
        %mul3A_526 = arith.mulf %exp3A_525, %get3A_499 : vector<16xf32>
        %swap3A_527 = arith.index_cast %scan3A_329 : i32 to index
        %swap3A_528 = arith.constant 64 : index
        %swap3A_529 = tpu.vector_load %arg22[%swap3A_527, %swap3A_528] {strides = array<i32>} : memref<40x128xf32, #tpu.memory_space<vmem>>, vector<16xf32>,
        tpu.vector_store %arg22[%swap3A_527, %swap3A_528], %mul3A_526 {strides = array<i32>} : memref<40x128xf32, #tpu.memory_space<vmem>>, vector<16xf32>,
        %eq3A_530 = arith.constant 4 : i32
        %eq3A_531 = vector.broadcast %eq3A_530 : i32 to vector<16xi32>
        %eq3A_532 = arith.cmpi eq, %iota3A, %eq3A_531 : vector<16xi32>
        %select_n3A_533 = arith.select %eq3A_532, %exp3A_525, %select_n3A_496 : vector<16xi1>, vector<16xf32>
        %get3A_534 = arith.index_cast %scan3A_329 : i32 to index
        %get3A_535 = arith.constant 80 : index
        %get3A_536 = tpu.vector_load %arg19[%get3A_534, %get3A_535] {strides = array<i32>} : memref<40x128xf32, #tpu.memory_space<vmem>>, vector<16xf32>,
        %get3A_537 = arith.index_cast %scan3A_329 : i32 to index
        %get3A_538 = arith.constant 80 : index
        %get3A_539 = tpu.vector_load %arg20[%get3A_537, %get3A_538] {strides = array<i32>} : memref<40x128xf32, #tpu.memory_space<vmem>>, vector<16xf32>,
        %mul3A_540 = arith.mulf %gather3A_337, %get3A_41 : vector<16xf32>
        %mul3A_541 = arith.mulf %gather3A_342, %get3A_73 : vector<16xf32>
        %add3A_542 = arith.addf %mul3A_540, %mul3A_541 : vector<16xf32>
        %mul3A_543 = arith.mulf %gather3A_347, %get3A_105 : vector<16xf32>
        %add3A_544 = arith.addf %add3A_542, %mul3A_543 : vector<16xf32>
        %mul3A_545 = arith.mulf %gather3A_352, %get3A_137 : vector<16xf32>
        %add3A_546 = arith.addf %add3A_544, %mul3A_545 : vector<16xf32>
        %add3A_547 = arith.addf %get3A_536, %get3A_539 : vector<16xf32>
        %add3A_548 = arith.addf %add3A_547, %add3A_546 : vector<16xf32>
        %mul3A_549 = arith.constant 2.000000e-01 : f32
        %mul3A_550 = vector.broadcast %mul3A_549 : f32 to vector<16xf32>
        %mul3A_551 = arith.mulf %mul3A_550, %add3A_548 : vector<16xf32>
        %max3A_552 = arith.maximumf %add3A_548, %mul3A_551 : vector<16xf32>
        %mul3A_553 = arith.mulf %max3A_552, %get3A_169 : vector<16xf32>
        %broadcast_in_dim3A_554 = arith.constant true
        %broadcast_in_dim3A_555 = vector.broadcast %broadcast_in_dim3A_554 : i1 to vector<16xi1>
        %masked_cumsum3A_556 = tpu.scan <sum>, %mul3A_553 masked %broadcast_in_dim3A_555 : vector<16xf32>, vector<16xi1> -> vector<16xf32>
        %broadcast_in_dim3A_557 = arith.constant 15 : i32
        %broadcast_in_dim3A_558 = vector.broadcast %broadcast_in_dim3A_557 : i32 to vector<16xi32>
        %broadcast_in_dim3A_559 = vector.shape_cast %broadcast_in_dim3A_558 : vector<16xi32> to vector<16x1xi32>
        %gather3A_560 = vector.shape_cast %broadcast_in_dim3A_559 : vector<16x1xi32> to vector<16xi32>
        %gather3A_561 = tpu.dynamic_gather %masked_cumsum3A_556[%gather3A_560] in [0] : vector<16xf32>, vector<16xi32> -> vector<16xf32>
        %exp3A_562 = math.exp %gather3A_561 : vector<16xf32>
        %mul3A_563 = arith.mulf %exp3A_562, %get3A_536 : vector<16xf32>
        %swap3A_564 = arith.index_cast %scan3A_329 : i32 to index
        %swap3A_565 = arith.constant 80 : index
        %swap3A_566 = tpu.vector_load %arg22[%swap3A_564, %swap3A_565] {strides = array<i32>} : memref<40x128xf32, #tpu.memory_space<vmem>>, vector<16xf32>,
        tpu.vector_store %arg22[%swap3A_564, %swap3A_565], %mul3A_563 {strides = array<i32>} : memref<40x128xf32, #tpu.memory_space<vmem>>, vector<16xf32>,
        %eq3A_567 = arith.constant 5 : i32
        %eq3A_568 = vector.broadcast %eq3A_567 : i32 to vector<16xi32>
        %eq3A_569 = arith.cmpi eq, %iota3A, %eq3A_568 : vector<16xi32>
        %select_n3A_570 = arith.select %eq3A_569, %exp3A_562, %select_n3A_533 : vector<16xi1>, vector<16xf32>
        %get3A_571 = arith.index_cast %scan3A_329 : i32 to index
        %get3A_572 = arith.constant 96 : index
        %get3A_573 = tpu.vector_load %arg19[%get3A_571, %get3A_572] {strides = array<i32>} : memref<40x128xf32, #tpu.memory_space<vmem>>, vector<16xf32>,
        %get3A_574 = arith.index_cast %scan3A_329 : i32 to index
        %get3A_575 = arith.constant 96 : index
        %get3A_576 = tpu.vector_load %arg20[%get3A_574, %get3A_575] {strides = array<i32>} : memref<40x128xf32, #tpu.memory_space<vmem>>, vector<16xf32>,
        %mul3A_577 = arith.mulf %gather3A_337, %get3A_45 : vector<16xf32>
        %mul3A_578 = arith.mulf %gather3A_342, %get3A_77 : vector<16xf32>
        %add3A_579 = arith.addf %mul3A_577, %mul3A_578 : vector<16xf32>
        %mul3A_580 = arith.mulf %gather3A_347, %get3A_109 : vector<16xf32>
        %add3A_581 = arith.addf %add3A_579, %mul3A_580 : vector<16xf32>
        %mul3A_582 = arith.mulf %gather3A_352, %get3A_141 : vector<16xf32>
        %add3A_583 = arith.addf %add3A_581, %mul3A_582 : vector<16xf32>
        %add3A_584 = arith.addf %get3A_573, %get3A_576 : vector<16xf32>
        %add3A_585 = arith.addf %add3A_584, %add3A_583 : vector<16xf32>
        %mul3A_586 = arith.constant 2.000000e-01 : f32
        %mul3A_587 = vector.broadcast %mul3A_586 : f32 to vector<16xf32>
        %mul3A_588 = arith.mulf %mul3A_587, %add3A_585 : vector<16xf32>
        %max3A_589 = arith.maximumf %add3A_585, %mul3A_588 : vector<16xf32>
        %mul3A_590 = arith.mulf %max3A_589, %get3A_173 : vector<16xf32>
        %broadcast_in_dim3A_591 = arith.constant true
        %broadcast_in_dim3A_592 = vector.broadcast %broadcast_in_dim3A_591 : i1 to vector<16xi1>
        %masked_cumsum3A_593 = tpu.scan <sum>, %mul3A_590 masked %broadcast_in_dim3A_592 : vector<16xf32>, vector<16xi1> -> vector<16xf32>
        %broadcast_in_dim3A_594 = arith.constant 15 : i32
        %broadcast_in_dim3A_595 = vector.broadcast %broadcast_in_dim3A_594 : i32 to vector<16xi32>
        %broadcast_in_dim3A_596 = vector.shape_cast %broadcast_in_dim3A_595 : vector<16xi32> to vector<16x1xi32>
        %gather3A_597 = vector.shape_cast %broadcast_in_dim3A_596 : vector<16x1xi32> to vector<16xi32>
        %gather3A_598 = tpu.dynamic_gather %masked_cumsum3A_593[%gather3A_597] in [0] : vector<16xf32>, vector<16xi32> -> vector<16xf32>
        %exp3A_599 = math.exp %gather3A_598 : vector<16xf32>
        %mul3A_600 = arith.mulf %exp3A_599, %get3A_573 : vector<16xf32>
        %swap3A_601 = arith.index_cast %scan3A_329 : i32 to index
        %swap3A_602 = arith.constant 96 : index
        %swap3A_603 = tpu.vector_load %arg22[%swap3A_601, %swap3A_602] {strides = array<i32>} : memref<40x128xf32, #tpu.memory_space<vmem>>, vector<16xf32>,
        tpu.vector_store %arg22[%swap3A_601, %swap3A_602], %mul3A_600 {strides = array<i32>} : memref<40x128xf32, #tpu.memory_space<vmem>>, vector<16xf32>,
        %eq3A_604 = arith.constant 6 : i32
        %eq3A_605 = vector.broadcast %eq3A_604 : i32 to vector<16xi32>
        %eq3A_606 = arith.cmpi eq, %iota3A, %eq3A_605 : vector<16xi32>
        %select_n3A_607 = arith.select %eq3A_606, %exp3A_599, %select_n3A_570 : vector<16xi1>, vector<16xf32>
        %get3A_608 = arith.index_cast %scan3A_329 : i32 to index
        %get3A_609 = arith.constant 112 : index
        %get3A_610 = tpu.vector_load %arg19[%get3A_608, %get3A_609] {strides = array<i32>} : memref<40x128xf32, #tpu.memory_space<vmem>>, vector<16xf32>,
        %get3A_611 = arith.index_cast %scan3A_329 : i32 to index
        %get3A_612 = arith.constant 112 : index
        %get3A_613 = tpu.vector_load %arg20[%get3A_611, %get3A_612] {strides = array<i32>} : memref<40x128xf32, #tpu.memory_space<vmem>>, vector<16xf32>,
        %mul3A_614 = arith.mulf %gather3A_337, %get3A_49 : vector<16xf32>
        %mul3A_615 = arith.mulf %gather3A_342, %get3A_81 : vector<16xf32>
        %add3A_616 = arith.addf %mul3A_614, %mul3A_615 : vector<16xf32>
        %mul3A_617 = arith.mulf %gather3A_347, %get3A_113 : vector<16xf32>
        %add3A_618 = arith.addf %add3A_616, %mul3A_617 : vector<16xf32>
        %mul3A_619 = arith.mulf %gather3A_352, %get3A_145 : vector<16xf32>
        %add3A_620 = arith.addf %add3A_618, %mul3A_619 : vector<16xf32>
        %add3A_621 = arith.addf %get3A_610, %get3A_613 : vector<16xf32>
        %add3A_622 = arith.addf %add3A_621, %add3A_620 : vector<16xf32>
        %mul3A_623 = arith.constant 2.000000e-01 : f32
        %mul3A_624 = vector.broadcast %mul3A_623 : f32 to vector<16xf32>
        %mul3A_625 = arith.mulf %mul3A_624, %add3A_622 : vector<16xf32>
        %max3A_626 = arith.maximumf %add3A_622, %mul3A_625 : vector<16xf32>
        %mul3A_627 = arith.mulf %max3A_626, %get3A_177 : vector<16xf32>
        %broadcast_in_dim3A_628 = arith.constant true
        %broadcast_in_dim3A_629 = vector.broadcast %broadcast_in_dim3A_628 : i1 to vector<16xi1>
        %masked_cumsum3A_630 = tpu.scan <sum>, %mul3A_627 masked %broadcast_in_dim3A_629 : vector<16xf32>, vector<16xi1> -> vector<16xf32>
        %broadcast_in_dim3A_631 = arith.constant 15 : i32
        %broadcast_in_dim3A_632 = vector.broadcast %broadcast_in_dim3A_631 : i32 to vector<16xi32>
        %broadcast_in_dim3A_633 = vector.shape_cast %broadcast_in_dim3A_632 : vector<16xi32> to vector<16x1xi32>
        %gather3A_634 = vector.shape_cast %broadcast_in_dim3A_633 : vector<16x1xi32> to vector<16xi32>
        %gather3A_635 = tpu.dynamic_gather %masked_cumsum3A_630[%gather3A_634] in [0] : vector<16xf32>, vector<16xi32> -> vector<16xf32>
        %exp3A_636 = math.exp %gather3A_635 : vector<16xf32>
        %mul3A_637 = arith.mulf %exp3A_636, %get3A_610 : vector<16xf32>
        %swap3A_638 = arith.index_cast %scan3A_329 : i32 to index
        %swap3A_639 = arith.constant 112 : index
        %swap3A_640 = tpu.vector_load %arg22[%swap3A_638, %swap3A_639] {strides = array<i32>} : memref<40x128xf32, #tpu.memory_space<vmem>>, vector<16xf32>,
        tpu.vector_store %arg22[%swap3A_638, %swap3A_639], %mul3A_637 {strides = array<i32>} : memref<40x128xf32, #tpu.memory_space<vmem>>, vector<16xf32>,
        %eq3A_641 = arith.constant 7 : i32
        %eq3A_642 = vector.broadcast %eq3A_641 : i32 to vector<16xi32>
        %eq3A_643 = arith.cmpi eq, %iota3A, %eq3A_642 : vector<16xi32>
        %select_n3A_644 = arith.select %eq3A_643, %exp3A_636, %select_n3A_607 : vector<16xi1>, vector<16xf32>
        %swap3A_645 = arith.index_cast %scan3A_329 : i32 to index
        %swap3A_646 = arith.constant 0 : index
        %swap3A_647 = tpu.vector_load %arg23[%swap3A_645, %swap3A_646] {strides = array<i32>} : memref<40x16xf32, #tpu.memory_space<vmem>>, vector<16xf32>,
        tpu.vector_store %arg23[%swap3A_645, %swap3A_646], %select_n3A_644 {strides = array<i32>} : memref<40x16xf32, #tpu.memory_space<vmem>>, vector<16xf32>,
        %scan3A_648 = arith.constant 0 : i32
        scf.yield %scan3A_648 : i32
      }
      %scan3A_327 = arith.constant 40 : i32
      "tpu.region"() ({
        %run_scoped3A = tpu.sem_alloc : memref<!tpu.dma_semaphore, #tpu.memory_space<semaphore_mem>>
        %dma_start3A_329 = arith.constant 0 : i32
        %dma_start3A_330 = arith.constant 0 : i32
        %dma_start3A_331 = tpu.memref_slice %arg11[%dma_start3A_329, %dma_start3A_330] : memref<10000x128xf32, #tpu.memory_space<vmem_shared>> -> memref<10000x128xf32, #tpu.memory_space<vmem_shared>>
        tpu.enqueue_indirect_dma source(%arg22 : memref<40x128xf32, #tpu.memory_space<vmem>>) target(%dma_start3A_331 : memref<10000x128xf32, #tpu.memory_space<vmem_shared>>) offsets(%arg18 : memref<40xi32, #tpu.memory_space<vmem>>) semaphore(%run_scoped3A : memref<!tpu.dma_semaphore, #tpu.memory_space<semaphore_mem>>) {add = true}
        %dma_wait3A_332 = arith.constant 0 : i32
        %dma_wait3A_333 = arith.constant 0 : i32
        %dma_wait3A_334 = tpu.memref_slice %arg11[%dma_wait3A_332, %dma_wait3A_333] : memref<10000x128xf32, #tpu.memory_space<vmem_shared>> -> memref<10000x128xf32, #tpu.memory_space<vmem_shared>>
        tpu.wait_indirect_dma semaphore(%run_scoped3A : memref<!tpu.dma_semaphore, #tpu.memory_space<semaphore_mem>>) src(%arg22 : memref<40x128xf32, #tpu.memory_space<vmem>>) dst(%dma_wait3A_334 : memref<10000x128xf32, #tpu.memory_space<vmem_shared>>)
        tpu.yield
      }) : () -> ()
      "tpu.region"() ({
        %run_scoped3A = tpu.sem_alloc : memref<!tpu.dma_semaphore, #tpu.memory_space<semaphore_mem>>
        %dma_start3A_329 = arith.constant 0 : i32
        %dma_start3A_330 = tpu.memref_slice %arg10[%mul3A_320, %dma_start3A_329] : memref<320000x16xf32, #tpu.memory_space<hbm>> -> memref<40x16xf32, #tpu.memory_space<hbm>>
        %dma_start3A_331 = arith.constant 0 : i32
        %dma_start3A_332 = tpu.memref_slice %arg10[%mul3A_320, %dma_start3A_331] : memref<320000x16xf32, #tpu.memory_space<hbm>> -> memref<40x16xf32, #tpu.memory_space<hbm>>
        tpu.enqueue_dma source(%arg23 : memref<40x16xf32, #tpu.memory_space<vmem>>) target(%dma_start3A_332 : memref<40x16xf32, #tpu.memory_space<hbm>>) target_semaphore(%run_scoped3A : memref<!tpu.dma_semaphore, #tpu.memory_space<semaphore_mem>>)
        %dma_wait3A_333 = arith.constant 0 : i32
        %dma_wait3A_334 = tpu.memref_slice %arg10[%mul3A_320, %dma_wait3A_333] : memref<320000x16xf32, #tpu.memory_space<hbm>> -> memref<40x16xf32, #tpu.memory_space<hbm>>
        %dma_wait3A_335 = arith.constant 0 : i32
        %dma_wait3A_336 = tpu.memref_slice %arg10[%mul3A_320, %dma_wait3A_335] : memref<320000x16xf32, #tpu.memory_space<hbm>> -> memref<40x16xf32, #tpu.memory_space<hbm>>
        tpu.wait_dma2 semaphore(%run_scoped3A : memref<!tpu.dma_semaphore, #tpu.memory_space<semaphore_mem>>) src(%arg23 : memref<40x16xf32, #tpu.memory_space<vmem>>) dst(%dma_wait3A_336 : memref<40x16xf32, #tpu.memory_space<hbm>>)
        tpu.yield
      }) : () -> ()
      %scan3A_328 = arith.constant 0 : i32
      scf.yield %scan3A_328 : i32
    }
    %scan3A_207 = arith.constant 125 : i32
    %dma_wait3A = arith.constant 0 : i32
    %dma_wait3A_208 = arith.constant 0 : i32
    %dma_wait3A_209 = tpu.memref_slice %arg2[%dma_wait3A, %dma_wait3A_208] : memref<10000x128xf32, #tpu.memory_space<hbm>> -> memref<10000x128xf32, #tpu.memory_space<hbm>>
    tpu.wait_indirect_dma semaphore(%arg26 : memref<!tpu.dma_semaphore, #tpu.memory_space<semaphore_mem>>) src(%dma_wait3A_209 : memref<10000x128xf32, #tpu.memory_space<hbm>>) dst(%arg14 : memref<40x128xf32, #tpu.memory_space<vmem>>)
    %dma_wait3A_210 = arith.constant 0 : i32
    %dma_wait3A_211 = arith.constant 0 : i32
    %dma_wait3A_212 = tpu.memref_slice %arg3[%dma_wait3A_210, %dma_wait3A_211] : memref<10000x128xf32, #tpu.memory_space<hbm>> -> memref<10000x128xf32, #tpu.memory_space<hbm>>
    tpu.wait_indirect_dma semaphore(%arg27 : memref<!tpu.dma_semaphore, #tpu.memory_space<semaphore_mem>>) src(%dma_wait3A_212 : memref<10000x128xf32, #tpu.memory_space<hbm>>) dst(%arg15 : memref<40x128xf32, #tpu.memory_space<vmem>>)
    %barrier3A_213 = arith.constant 0 : index
    tpu.barrier barrier_id(%barrier3A_213)
    %lt3A_214 = arith.constant 15 : i32
    %lt3A_215 = arith.cmpi slt, %arg1, %lt3A_214 : i32
    %convert_element_type3A = arith.extui %lt3A_215 : i1 to i32
    %cond3A = arith.constant 0 : i32
    %cond3A_216 = arith.cmpi ne, %convert_element_type3A, %cond3A : i32
    scf.if %cond3A_216 {
      "tpu.region"() ({
        %run_scoped3A = tpu.sem_alloc : memref<!tpu.dma_semaphore, #tpu.memory_space<semaphore_mem>>
        %dma_start3A_222 = arith.constant 0 : i32
        %dma_start3A_223 = tpu.memref_slice %arg9[%arg0, %mul3A_11, %dma_start3A_222] : memref<2x10000x128xf32, #tpu.memory_space<hbm>> -> memref<1x632x128xf32, #tpu.memory_space<hbm>>
        %dma_start3A_224 = tpu.memref_squeeze %dma_start3A_223 : memref<1x632x128xf32, #tpu.memory_space<hbm>> -> memref<632x128xf32, #tpu.memory_space<hbm>>
        %dma_start3A_225 = arith.constant 0 : i32
        %dma_start3A_226 = tpu.memref_slice %arg11[%mul3A_11, %dma_start3A_225] : memref<10000x128xf32, #tpu.memory_space<vmem_shared>> -> memref<632x128xf32, #tpu.memory_space<vmem_shared>>
        tpu.enqueue_dma source(%dma_start3A_226 : memref<632x128xf32, #tpu.memory_space<vmem_shared>>) target(%dma_start3A_224 : memref<632x128xf32, #tpu.memory_space<hbm>>) target_semaphore(%run_scoped3A : memref<!tpu.dma_semaphore, #tpu.memory_space<semaphore_mem>>)
        %dma_wait3A_227 = arith.constant 0 : i32
        %dma_wait3A_228 = tpu.memref_slice %arg9[%arg0, %mul3A_11, %dma_wait3A_227] : memref<2x10000x128xf32, #tpu.memory_space<hbm>> -> memref<1x632x128xf32, #tpu.memory_space<hbm>>
        %dma_wait3A_229 = tpu.memref_squeeze %dma_wait3A_228 : memref<1x632x128xf32, #tpu.memory_space<hbm>> -> memref<632x128xf32, #tpu.memory_space<hbm>>
        %dma_wait3A_230 = arith.constant 0 : i32
        %dma_wait3A_231 = tpu.memref_slice %arg11[%mul3A_11, %dma_wait3A_230] : memref<10000x128xf32, #tpu.memory_space<vmem_shared>> -> memref<632x128xf32, #tpu.memory_space<vmem_shared>>
        tpu.wait_dma2 semaphore(%run_scoped3A : memref<!tpu.dma_semaphore, #tpu.memory_space<semaphore_mem>>) src(%dma_wait3A_231 : memref<632x128xf32, #tpu.memory_space<vmem_shared>>) dst(%dma_wait3A_229 : memref<632x128xf32, #tpu.memory_space<hbm>>)
        tpu.yield
      }) : () -> ()
    } else {
    }
    %eq3A_217 = arith.constant 15 : i32
    %eq3A_218 = arith.cmpi eq, %arg1, %eq3A_217 : i32
    %convert_element_type3A_219 = arith.extui %eq3A_218 : i1 to i32
    %cond3A_220 = arith.constant 0 : i32
    %cond3A_221 = arith.cmpi ne, %convert_element_type3A_219, %cond3A_220 : i32
    scf.if %cond3A_221 {
      "tpu.region"() ({
        %run_scoped3A = tpu.sem_alloc : memref<!tpu.dma_semaphore, #tpu.memory_space<semaphore_mem>>
        %dma_start3A_222 = arith.constant 9480 : i32
        %dma_start3A_223 = arith.constant 0 : i32
        %dma_start3A_224 = tpu.memref_slice %arg9[%arg0, %dma_start3A_222, %dma_start3A_223] : memref<2x10000x128xf32, #tpu.memory_space<hbm>> -> memref<1x520x128xf32, #tpu.memory_space<hbm>>
        %dma_start3A_225 = tpu.memref_squeeze %dma_start3A_224 : memref<1x520x128xf32, #tpu.memory_space<hbm>> -> memref<520x128xf32, #tpu.memory_space<hbm>>
        %dma_start3A_226 = arith.constant 9480 : i32
        %dma_start3A_227 = arith.constant 0 : i32
        %dma_start3A_228 = tpu.memref_slice %arg11[%dma_start3A_226, %dma_start3A_227] : memref<10000x128xf32, #tpu.memory_space<vmem_shared>> -> memref<520x128xf32, #tpu.memory_space<vmem_shared>>
        tpu.enqueue_dma source(%dma_start3A_228 : memref<520x128xf32, #tpu.memory_space<vmem_shared>>) target(%dma_start3A_225 : memref<520x128xf32, #tpu.memory_space<hbm>>) target_semaphore(%run_scoped3A : memref<!tpu.dma_semaphore, #tpu.memory_space<semaphore_mem>>)
        %dma_wait3A_229 = arith.constant 9480 : i32
        %dma_wait3A_230 = arith.constant 0 : i32
        %dma_wait3A_231 = tpu.memref_slice %arg9[%arg0, %dma_wait3A_229, %dma_wait3A_230] : memref<2x10000x128xf32, #tpu.memory_space<hbm>> -> memref<1x520x128xf32, #tpu.memory_space<hbm>>
        %dma_wait3A_232 = tpu.memref_squeeze %dma_wait3A_231 : memref<1x520x128xf32, #tpu.memory_space<hbm>> -> memref<520x128xf32, #tpu.memory_space<hbm>>
        %dma_wait3A_233 = arith.constant 9480 : i32
        %dma_wait3A_234 = arith.constant 0 : i32
        %dma_wait3A_235 = tpu.memref_slice %arg11[%dma_wait3A_233, %dma_wait3A_234] : memref<10000x128xf32, #tpu.memory_space<vmem_shared>> -> memref<520x128xf32, #tpu.memory_space<vmem_shared>>
        tpu.wait_dma2 semaphore(%run_scoped3A : memref<!tpu.dma_semaphore, #tpu.memory_space<semaphore_mem>>) src(%dma_wait3A_235 : memref<520x128xf32, #tpu.memory_space<vmem_shared>>) dst(%dma_wait3A_232 : memref<520x128xf32, #tpu.memory_space<hbm>>)
        tpu.yield
      }) : () -> ()
    } else {
    }
    return
  }
}

#map = affine_map<(d0, d1) -> (0, 0)>
#map1 = affine_map<(d0, d1) -> (0)>
#map2 = affine_map<(d0, d1) -> (0, 0, 0)>
module attributes {stable_mosaic.version = 14 : i64} {
  func.func @_sc_den_body(%arg0: i32, %arg1: i32, %arg2: memref<320000x16xf32, #tpu.memory_space<hbm>>, %arg3: memref<320000xi32, #tpu.memory_space<hbm>>, %arg4: memref<2x10000x16xf32, #tpu.memory_space<hbm>>, %arg5: memref<10000x16xf32, #tpu.memory_space<vmem_shared>>, %arg6: memref<80xi32, #tpu.memory_space<vmem>>, %arg7: memref<80x16xf32, #tpu.memory_space<vmem>>, %arg8: memref<!tpu.dma_semaphore, #tpu.memory_space<semaphore_mem>>) attributes {dimension_semantics = [#tpu.dimension_semantics<core_parallel>, #tpu.dimension_semantics<subcore_parallel>], iteration_bounds = array<i64: 2, 16>, scalar_prefetch = 0 : i64, scratch_operands = 4 : i64, tpu.core_type = #tpu.core_type<sc_vector_subcore>, window_params = [{transform_indices = #map}, {transform_indices = #map1}, {transform_indices = #map2}]} {
    %mul3A = arith.constant 2 : i32
    %mul3A_0 = arith.muli %arg1, %mul3A : i32
    %add3A = arith.addi %mul3A_0, %arg0 : i32
    %broadcast_in_dim3A = arith.constant 0.000000e+00 : f32
    %broadcast_in_dim3A_1 = vector.broadcast %broadcast_in_dim3A : f32 to vector<16xf32>
    %scan3A = arith.constant 0 : i32
    %scan3A_2 = arith.constant 0 : i32
    %scan3A_3 = arith.constant 8 : i32
    %scan3A_4 = arith.addi %scan3A_2, %scan3A_3 : i32
    %scan3A_5 = arith.constant 1 : i32
    %scan3A_6 = scf.for %scan3A_34 = %scan3A_2 to %scan3A_4 step %scan3A_5 iter_args(%scan3A_35 = %scan3A) -> (i32)  : i32 {
      %swap3A = arith.index_cast %scan3A_34 : i32 to index
      %swap3A_36 = arith.constant 0 : index
      %swap3A_37 = tpu.vector_load %arg7[%swap3A, %swap3A_36] {strides = array<i32>} : memref<80x16xf32, #tpu.memory_space<vmem>>, vector<16xf32>,
      tpu.vector_store %arg7[%swap3A, %swap3A_36], %broadcast_in_dim3A_1 {strides = array<i32>} : memref<80x16xf32, #tpu.memory_space<vmem>>, vector<16xf32>,
      %scan3A_38 = arith.constant 0 : i32
      scf.yield %scan3A_38 : i32
    }
    %scan3A_7 = arith.constant 8 : i32
    %lt3A = arith.constant 15 : i32
    %lt3A_8 = arith.cmpi slt, %arg1, %lt3A : i32
    %jit3A = arith.constant 632 : i32
    %jit3A_9 = arith.constant 520 : i32
    %select_n3A = arith.select %lt3A_8, %jit3A, %jit3A_9 : i32
    %mul3A_10 = arith.constant 632 : i32
    %mul3A_11 = arith.muli %arg1, %mul3A_10 : i32
    %scan3A_12 = arith.constant 0 : i32
    %scan3A_13 = arith.constant 0 : i32
    %scan3A_14 = arith.constant 79 : i32
    %scan3A_15 = arith.addi %scan3A_13, %scan3A_14 : i32
    %scan3A_16 = arith.constant 1 : i32
    %scan3A_17 = scf.for %scan3A_34 = %scan3A_13 to %scan3A_15 step %scan3A_16 iter_args(%scan3A_35 = %scan3A_12) -> (i32)  : i32 {
      %mul3A_36 = arith.constant 8 : i32
      %mul3A_37 = arith.muli %scan3A_34, %mul3A_36 : i32
      %lt3A_38 = arith.cmpi slt, %mul3A_37, %select_n3A : i32
      %convert_element_type3A_39 = arith.extui %lt3A_38 : i1 to i32
      %cond3A_40 = arith.constant 0 : i32
      %cond3A_41 = arith.cmpi ne, %convert_element_type3A_39, %cond3A_40 : i32
      scf.if %cond3A_41 {
        %mul3A_43 = arith.constant 8 : i32
        %mul3A_44 = arith.muli %scan3A_34, %mul3A_43 : i32
        %add3A_45 = arith.addi %mul3A_11, %mul3A_44 : i32
        "tpu.region"() ({
          %run_scoped3A = tpu.sem_alloc : memref<!tpu.dma_semaphore, #tpu.memory_space<semaphore_mem>>
          %dma_start3A = arith.constant 0 : i32
          %dma_start3A_46 = arith.constant 0 : i32
          %dma_start3A_47 = tpu.memref_slice %arg7[%dma_start3A, %dma_start3A_46] : memref<80x16xf32, #tpu.memory_space<vmem>> -> memref<8x16xf32, #tpu.memory_space<vmem>>
          %dma_start3A_48 = arith.constant 0 : i32
          %dma_start3A_49 = tpu.memref_slice %arg5[%add3A_45, %dma_start3A_48] : memref<10000x16xf32, #tpu.memory_space<vmem_shared>> -> memref<8x16xf32, #tpu.memory_space<vmem_shared>>
          %dma_start3A_50 = arith.constant 0 : i32
          %dma_start3A_51 = tpu.memref_slice %arg5[%add3A_45, %dma_start3A_50] : memref<10000x16xf32, #tpu.memory_space<vmem_shared>> -> memref<8x16xf32, #tpu.memory_space<vmem_shared>>
          %dma_start3A_52 = arith.constant 0 : i32
          %dma_start3A_53 = arith.constant 0 : i32
          %dma_start3A_54 = tpu.memref_slice %arg7[%dma_start3A_52, %dma_start3A_53] : memref<80x16xf32, #tpu.memory_space<vmem>> -> memref<8x16xf32, #tpu.memory_space<vmem>>
          tpu.enqueue_dma source(%dma_start3A_54 : memref<8x16xf32, #tpu.memory_space<vmem>>) target(%dma_start3A_51 : memref<8x16xf32, #tpu.memory_space<vmem_shared>>) target_semaphore(%run_scoped3A : memref<!tpu.dma_semaphore, #tpu.memory_space<semaphore_mem>>)
          %dma_wait3A = arith.constant 0 : i32
          %dma_wait3A_55 = arith.constant 0 : i32
          %dma_wait3A_56 = tpu.memref_slice %arg7[%dma_wait3A, %dma_wait3A_55] : memref<80x16xf32, #tpu.memory_space<vmem>> -> memref<8x16xf32, #tpu.memory_space<vmem>>
          %dma_wait3A_57 = arith.constant 0 : i32
          %dma_wait3A_58 = tpu.memref_slice %arg5[%add3A_45, %dma_wait3A_57] : memref<10000x16xf32, #tpu.memory_space<vmem_shared>> -> memref<8x16xf32, #tpu.memory_space<vmem_shared>>
          %dma_wait3A_59 = arith.constant 0 : i32
          %dma_wait3A_60 = tpu.memref_slice %arg5[%add3A_45, %dma_wait3A_59] : memref<10000x16xf32, #tpu.memory_space<vmem_shared>> -> memref<8x16xf32, #tpu.memory_space<vmem_shared>>
          %dma_wait3A_61 = arith.constant 0 : i32
          %dma_wait3A_62 = arith.constant 0 : i32
          %dma_wait3A_63 = tpu.memref_slice %arg7[%dma_wait3A_61, %dma_wait3A_62] : memref<80x16xf32, #tpu.memory_space<vmem>> -> memref<8x16xf32, #tpu.memory_space<vmem>>
          tpu.wait_dma2 semaphore(%run_scoped3A : memref<!tpu.dma_semaphore, #tpu.memory_space<semaphore_mem>>) src(%dma_wait3A_63 : memref<8x16xf32, #tpu.memory_space<vmem>>) dst(%dma_wait3A_60 : memref<8x16xf32, #tpu.memory_space<vmem_shared>>)
          tpu.yield
        }) : () -> ()
      } else {
      }
      %scan3A_42 = arith.constant 0 : i32
      scf.yield %scan3A_42 : i32
    }
    %scan3A_18 = arith.constant 79 : i32
    %barrier3A = arith.constant 0 : index
    tpu.barrier barrier_id(%barrier3A)
    %scan3A_19 = arith.constant 0 : i32
    %scan3A_20 = arith.constant 0 : i32
    %scan3A_21 = arith.constant 125 : i32
    %scan3A_22 = arith.addi %scan3A_20, %scan3A_21 : i32
    %scan3A_23 = arith.constant 1 : i32
    %scan3A_24 = scf.for %scan3A_34 = %scan3A_20 to %scan3A_22 step %scan3A_23 iter_args(%scan3A_35 = %scan3A_19) -> (i32)  : i32 {
      %mul3A_36 = arith.constant 32 : i32
      %mul3A_37 = arith.muli %scan3A_34, %mul3A_36 : i32
      %add3A_38 = arith.addi %add3A, %mul3A_37 : i32
      %mul3A_39 = arith.constant 80 : i32
      %mul3A_40 = arith.muli %add3A_38, %mul3A_39 : i32
      "tpu.region"() ({
        %run_scoped3A = tpu.sem_alloc : memref<!tpu.dma_semaphore, #tpu.memory_space<semaphore_mem>>
        %dma_start3A = tpu.memref_slice %arg3[%mul3A_40] : memref<320000xi32, #tpu.memory_space<hbm>> -> memref<80xi32, #tpu.memory_space<hbm>>
        %dma_start3A_42 = tpu.memref_slice %arg3[%mul3A_40] : memref<320000xi32, #tpu.memory_space<hbm>> -> memref<80xi32, #tpu.memory_space<hbm>>
        tpu.enqueue_dma source(%dma_start3A_42 : memref<80xi32, #tpu.memory_space<hbm>>) target(%arg6 : memref<80xi32, #tpu.memory_space<vmem>>) target_semaphore(%run_scoped3A : memref<!tpu.dma_semaphore, #tpu.memory_space<semaphore_mem>>)
        %dma_wait3A = tpu.memref_slice %arg3[%mul3A_40] : memref<320000xi32, #tpu.memory_space<hbm>> -> memref<80xi32, #tpu.memory_space<hbm>>
        %dma_wait3A_43 = tpu.memref_slice %arg3[%mul3A_40] : memref<320000xi32, #tpu.memory_space<hbm>> -> memref<80xi32, #tpu.memory_space<hbm>>
        tpu.wait_dma2 semaphore(%run_scoped3A : memref<!tpu.dma_semaphore, #tpu.memory_space<semaphore_mem>>) src(%dma_wait3A_43 : memref<80xi32, #tpu.memory_space<hbm>>) dst(%arg6 : memref<80xi32, #tpu.memory_space<vmem>>)
        tpu.yield
      }) : () -> ()
      "tpu.region"() ({
        %run_scoped3A = tpu.sem_alloc : memref<!tpu.dma_semaphore, #tpu.memory_space<semaphore_mem>>
        %dma_start3A = arith.constant 0 : i32
        %dma_start3A_42 = tpu.memref_slice %arg2[%mul3A_40, %dma_start3A] : memref<320000x16xf32, #tpu.memory_space<hbm>> -> memref<80x16xf32, #tpu.memory_space<hbm>>
        %dma_start3A_43 = arith.constant 0 : i32
        %dma_start3A_44 = tpu.memref_slice %arg2[%mul3A_40, %dma_start3A_43] : memref<320000x16xf32, #tpu.memory_space<hbm>> -> memref<80x16xf32, #tpu.memory_space<hbm>>
        tpu.enqueue_dma source(%dma_start3A_44 : memref<80x16xf32, #tpu.memory_space<hbm>>) target(%arg7 : memref<80x16xf32, #tpu.memory_space<vmem>>) target_semaphore(%run_scoped3A : memref<!tpu.dma_semaphore, #tpu.memory_space<semaphore_mem>>)
        %dma_wait3A = arith.constant 0 : i32
        %dma_wait3A_45 = tpu.memref_slice %arg2[%mul3A_40, %dma_wait3A] : memref<320000x16xf32, #tpu.memory_space<hbm>> -> memref<80x16xf32, #tpu.memory_space<hbm>>
        %dma_wait3A_46 = arith.constant 0 : i32
        %dma_wait3A_47 = tpu.memref_slice %arg2[%mul3A_40, %dma_wait3A_46] : memref<320000x16xf32, #tpu.memory_space<hbm>> -> memref<80x16xf32, #tpu.memory_space<hbm>>
        tpu.wait_dma2 semaphore(%run_scoped3A : memref<!tpu.dma_semaphore, #tpu.memory_space<semaphore_mem>>) src(%dma_wait3A_47 : memref<80x16xf32, #tpu.memory_space<hbm>>) dst(%arg7 : memref<80x16xf32, #tpu.memory_space<vmem>>)
        tpu.yield
      }) : () -> ()
      "tpu.region"() ({
        %run_scoped3A = tpu.sem_alloc : memref<!tpu.dma_semaphore, #tpu.memory_space<semaphore_mem>>
        %dma_start3A = arith.constant 0 : i32
        %dma_start3A_42 = arith.constant 0 : i32
        %dma_start3A_43 = tpu.memref_slice %arg5[%dma_start3A, %dma_start3A_42] : memref<10000x16xf32, #tpu.memory_space<vmem_shared>> -> memref<10000x16xf32, #tpu.memory_space<vmem_shared>>
        tpu.enqueue_indirect_dma source(%arg7 : memref<80x16xf32, #tpu.memory_space<vmem>>) target(%dma_start3A_43 : memref<10000x16xf32, #tpu.memory_space<vmem_shared>>) offsets(%arg6 : memref<80xi32, #tpu.memory_space<vmem>>) semaphore(%run_scoped3A : memref<!tpu.dma_semaphore, #tpu.memory_space<semaphore_mem>>) {add = true}
        %dma_wait3A = arith.constant 0 : i32
        %dma_wait3A_44 = arith.constant 0 : i32
        %dma_wait3A_45 = tpu.memref_slice %arg5[%dma_wait3A, %dma_wait3A_44] : memref<10000x16xf32, #tpu.memory_space<vmem_shared>> -> memref<10000x16xf32, #tpu.memory_space<vmem_shared>>
        tpu.wait_indirect_dma semaphore(%run_scoped3A : memref<!tpu.dma_semaphore, #tpu.memory_space<semaphore_mem>>) src(%arg7 : memref<80x16xf32, #tpu.memory_space<vmem>>) dst(%dma_wait3A_45 : memref<10000x16xf32, #tpu.memory_space<vmem_shared>>)
        tpu.yield
      }) : () -> ()
      %scan3A_41 = arith.constant 0 : i32
      scf.yield %scan3A_41 : i32
    }
    %scan3A_25 = arith.constant 125 : i32
    %barrier3A_26 = arith.constant 0 : index
    tpu.barrier barrier_id(%barrier3A_26)
    %lt3A_27 = arith.constant 15 : i32
    %lt3A_28 = arith.cmpi slt, %arg1, %lt3A_27 : i32
    %convert_element_type3A = arith.extui %lt3A_28 : i1 to i32
    %cond3A = arith.constant 0 : i32
    %cond3A_29 = arith.cmpi ne, %convert_element_type3A, %cond3A : i32
    scf.if %cond3A_29 {
      "tpu.region"() ({
        %run_scoped3A = tpu.sem_alloc : memref<!tpu.dma_semaphore, #tpu.memory_space<semaphore_mem>>
        %dma_start3A = arith.constant 0 : i32
        %dma_start3A_34 = tpu.memref_slice %arg4[%arg0, %mul3A_11, %dma_start3A] : memref<2x10000x16xf32, #tpu.memory_space<hbm>> -> memref<1x632x16xf32, #tpu.memory_space<hbm>>
        %dma_start3A_35 = tpu.memref_squeeze %dma_start3A_34 : memref<1x632x16xf32, #tpu.memory_space<hbm>> -> memref<632x16xf32, #tpu.memory_space<hbm>>
        %dma_start3A_36 = arith.constant 0 : i32
        %dma_start3A_37 = tpu.memref_slice %arg5[%mul3A_11, %dma_start3A_36] : memref<10000x16xf32, #tpu.memory_space<vmem_shared>> -> memref<632x16xf32, #tpu.memory_space<vmem_shared>>
        tpu.enqueue_dma source(%dma_start3A_37 : memref<632x16xf32, #tpu.memory_space<vmem_shared>>) target(%dma_start3A_35 : memref<632x16xf32, #tpu.memory_space<hbm>>) target_semaphore(%run_scoped3A : memref<!tpu.dma_semaphore, #tpu.memory_space<semaphore_mem>>)
        %dma_wait3A = arith.constant 0 : i32
        %dma_wait3A_38 = tpu.memref_slice %arg4[%arg0, %mul3A_11, %dma_wait3A] : memref<2x10000x16xf32, #tpu.memory_space<hbm>> -> memref<1x632x16xf32, #tpu.memory_space<hbm>>
        %dma_wait3A_39 = tpu.memref_squeeze %dma_wait3A_38 : memref<1x632x16xf32, #tpu.memory_space<hbm>> -> memref<632x16xf32, #tpu.memory_space<hbm>>
        %dma_wait3A_40 = arith.constant 0 : i32
        %dma_wait3A_41 = tpu.memref_slice %arg5[%mul3A_11, %dma_wait3A_40] : memref<10000x16xf32, #tpu.memory_space<vmem_shared>> -> memref<632x16xf32, #tpu.memory_space<vmem_shared>>
        tpu.wait_dma2 semaphore(%run_scoped3A : memref<!tpu.dma_semaphore, #tpu.memory_space<semaphore_mem>>) src(%dma_wait3A_41 : memref<632x16xf32, #tpu.memory_space<vmem_shared>>) dst(%dma_wait3A_39 : memref<632x16xf32, #tpu.memory_space<hbm>>)
        tpu.yield
      }) : () -> ()
    } else {
    }
    %eq3A = arith.constant 15 : i32
    %eq3A_30 = arith.cmpi eq, %arg1, %eq3A : i32
    %convert_element_type3A_31 = arith.extui %eq3A_30 : i1 to i32
    %cond3A_32 = arith.constant 0 : i32
    %cond3A_33 = arith.cmpi ne, %convert_element_type3A_31, %cond3A_32 : i32
    scf.if %cond3A_33 {
      "tpu.region"() ({
        %run_scoped3A = tpu.sem_alloc : memref<!tpu.dma_semaphore, #tpu.memory_space<semaphore_mem>>
        %dma_start3A = arith.constant 9480 : i32
        %dma_start3A_34 = arith.constant 0 : i32
        %dma_start3A_35 = tpu.memref_slice %arg4[%arg0, %dma_start3A, %dma_start3A_34] : memref<2x10000x16xf32, #tpu.memory_space<hbm>> -> memref<1x520x16xf32, #tpu.memory_space<hbm>>
        %dma_start3A_36 = tpu.memref_squeeze %dma_start3A_35 : memref<1x520x16xf32, #tpu.memory_space<hbm>> -> memref<520x16xf32, #tpu.memory_space<hbm>>
        %dma_start3A_37 = arith.constant 9480 : i32
        %dma_start3A_38 = arith.constant 0 : i32
        %dma_start3A_39 = tpu.memref_slice %arg5[%dma_start3A_37, %dma_start3A_38] : memref<10000x16xf32, #tpu.memory_space<vmem_shared>> -> memref<520x16xf32, #tpu.memory_space<vmem_shared>>
        tpu.enqueue_dma source(%dma_start3A_39 : memref<520x16xf32, #tpu.memory_space<vmem_shared>>) target(%dma_start3A_36 : memref<520x16xf32, #tpu.memory_space<hbm>>) target_semaphore(%run_scoped3A : memref<!tpu.dma_semaphore, #tpu.memory_space<semaphore_mem>>)
        %dma_wait3A = arith.constant 9480 : i32
        %dma_wait3A_40 = arith.constant 0 : i32
        %dma_wait3A_41 = tpu.memref_slice %arg4[%arg0, %dma_wait3A, %dma_wait3A_40] : memref<2x10000x16xf32, #tpu.memory_space<hbm>> -> memref<1x520x16xf32, #tpu.memory_space<hbm>>
        %dma_wait3A_42 = tpu.memref_squeeze %dma_wait3A_41 : memref<1x520x16xf32, #tpu.memory_space<hbm>> -> memref<520x16xf32, #tpu.memory_space<hbm>>
        %dma_wait3A_43 = arith.constant 9480 : i32
        %dma_wait3A_44 = arith.constant 0 : i32
        %dma_wait3A_45 = tpu.memref_slice %arg5[%dma_wait3A_43, %dma_wait3A_44] : memref<10000x16xf32, #tpu.memory_space<vmem_shared>> -> memref<520x16xf32, #tpu.memory_space<vmem_shared>>
        tpu.wait_dma2 semaphore(%run_scoped3A : memref<!tpu.dma_semaphore, #tpu.memory_space<semaphore_mem>>) src(%dma_wait3A_45 : memref<520x16xf32, #tpu.memory_space<vmem_shared>>) dst(%dma_wait3A_42 : memref<520x16xf32, #tpu.memory_space<hbm>>)
        tpu.yield
      }) : () -> ()
    } else {
    }
    return
  }
}

#map = affine_map<(d0, d1) -> (0, 0)>
#map1 = affine_map<(d0, d1) -> (0)>
#map2 = affine_map<(d0, d1) -> (0, 0, 0)>
module attributes {stable_mosaic.version = 14 : i64} {
  func.func @_sc_msg_body(%arg0: i32, %arg1: i32, %arg2: memref<10000x128xf32, #tpu.memory_space<hbm>>, %arg3: memref<10000x128xf32, #tpu.memory_space<hbm>>, %arg4: memref<320000xi32, #tpu.memory_space<hbm>>, %arg5: memref<320000xi32, #tpu.memory_space<hbm>>, %arg6: memref<320000x16xf32, #tpu.memory_space<hbm>>, %arg7: memref<4x128xf32, #tpu.memory_space<hbm>>, %arg8: memref<8x16xf32, #tpu.memory_space<hbm>>, %arg9: memref<2x10000x128xf32, #tpu.memory_space<hbm>>, %arg10: memref<320000x16xf32, #tpu.memory_space<hbm>>, %arg11: memref<10000x128xf32, #tpu.memory_space<vmem_shared>>, %arg12: memref<40xi32, #tpu.memory_space<vmem>>, %arg13: memref<40xi32, #tpu.memory_space<vmem>>, %arg14: memref<40x128xf32, #tpu.memory_space<vmem>>, %arg15: memref<40x128xf32, #tpu.memory_space<vmem>>, %arg16: memref<40x16xf32, #tpu.memory_space<vmem>>, %arg17: memref<40xi32, #tpu.memory_space<vmem>>, %arg18: memref<40xi32, #tpu.memory_space<vmem>>, %arg19: memref<40x128xf32, #tpu.memory_space<vmem>>, %arg20: memref<40x128xf32, #tpu.memory_space<vmem>>, %arg21: memref<40x16xf32, #tpu.memory_space<vmem>>, %arg22: memref<40x128xf32, #tpu.memory_space<vmem>>, %arg23: memref<40x16xf32, #tpu.memory_space<vmem>>, %arg24: memref<4x128xf32, #tpu.memory_space<vmem>>, %arg25: memref<8x16xf32, #tpu.memory_space<vmem>>, %arg26: memref<!tpu.dma_semaphore, #tpu.memory_space<semaphore_mem>>, %arg27: memref<!tpu.dma_semaphore, #tpu.memory_space<semaphore_mem>>, %arg28: memref<!tpu.dma_semaphore, #tpu.memory_space<semaphore_mem>>, %arg29: memref<!tpu.dma_semaphore, #tpu.memory_space<semaphore_mem>>) attributes {dimension_semantics = [#tpu.dimension_semantics<core_parallel>, #tpu.dimension_semantics<subcore_parallel>], iteration_bounds = array<i64: 2, 16>, scalar_prefetch = 0 : i64, scratch_operands = 19 : i64, tpu.core_type = #tpu.core_type<sc_vector_subcore>, window_params = [{transform_indices = #map}, {transform_indices = #map}, {transform_indices = #map1}, {transform_indices = #map1}, {transform_indices = #map}, {transform_indices = #map}, {transform_indices = #map}, {transform_indices = #map2}, {transform_indices = #map}]} {
    %mul3A = arith.constant 2 : i32
    %mul3A_0 = arith.muli %arg1, %mul3A : i32
    %add3A = arith.addi %mul3A_0, %arg0 : i32
    %broadcast_in_dim3A = arith.constant 0.000000e+00 : f32
    %broadcast_in_dim3A_1 = vector.broadcast %broadcast_in_dim3A : f32 to vector<16xf32>
    %iota3A = tpu.iota {dimensions = array<i32: 0>} : vector<16xi32>
    "tpu.region"() ({
      %run_scoped3A = tpu.sem_alloc : memref<!tpu.dma_semaphore, #tpu.memory_space<semaphore_mem>>
      tpu.enqueue_dma source(%arg7 : memref<4x128xf32, #tpu.memory_space<hbm>>) target(%arg24 : memref<4x128xf32, #tpu.memory_space<vmem>>) target_semaphore(%run_scoped3A : memref<!tpu.dma_semaphore, #tpu.memory_space<semaphore_mem>>)
      tpu.wait_dma2 semaphore(%run_scoped3A : memref<!tpu.dma_semaphore, #tpu.memory_space<semaphore_mem>>) src(%arg7 : memref<4x128xf32, #tpu.memory_space<hbm>>) dst(%arg24 : memref<4x128xf32, #tpu.memory_space<vmem>>)
      tpu.yield
    }) : () -> ()
    "tpu.region"() ({
      %run_scoped3A = tpu.sem_alloc : memref<!tpu.dma_semaphore, #tpu.memory_space<semaphore_mem>>
      tpu.enqueue_dma source(%arg8 : memref<8x16xf32, #tpu.memory_space<hbm>>) target(%arg25 : memref<8x16xf32, #tpu.memory_space<vmem>>) target_semaphore(%run_scoped3A : memref<!tpu.dma_semaphore, #tpu.memory_space<semaphore_mem>>)
      tpu.wait_dma2 semaphore(%run_scoped3A : memref<!tpu.dma_semaphore, #tpu.memory_space<semaphore_mem>>) src(%arg8 : memref<8x16xf32, #tpu.memory_space<hbm>>) dst(%arg25 : memref<8x16xf32, #tpu.memory_space<vmem>>)
      tpu.yield
    }) : () -> ()
    %scan3A = arith.constant 0 : i32
    %scan3A_2 = arith.constant 0 : i32
    %scan3A_3 = arith.constant 40 : i32
    %scan3A_4 = arith.addi %scan3A_2, %scan3A_3 : i32
    %scan3A_5 = arith.constant 1 : i32
    %scan3A_6 = scf.for %scan3A_222 = %scan3A_2 to %scan3A_4 step %scan3A_5 iter_args(%scan3A_223 = %scan3A) -> (i32)  : i32 {
      %swap3A = arith.index_cast %scan3A_222 : i32 to index
      %swap3A_224 = arith.constant 0 : index
      %swap3A_225 = tpu.vector_load %arg22[%swap3A, %swap3A_224] {strides = array<i32>} : memref<40x128xf32, #tpu.memory_space<vmem>>, vector<16xf32>,
      tpu.vector_store %arg22[%swap3A, %swap3A_224], %broadcast_in_dim3A_1 {strides = array<i32>} : memref<40x128xf32, #tpu.memory_space<vmem>>, vector<16xf32>,
      %swap3A_226 = arith.index_cast %scan3A_222 : i32 to index
      %swap3A_227 = arith.constant 16 : index
      %swap3A_228 = tpu.vector_load %arg22[%swap3A_226, %swap3A_227] {strides = array<i32>} : memref<40x128xf32, #tpu.memory_space<vmem>>, vector<16xf32>,
      tpu.vector_store %arg22[%swap3A_226, %swap3A_227], %broadcast_in_dim3A_1 {strides = array<i32>} : memref<40x128xf32, #tpu.memory_space<vmem>>, vector<16xf32>,
      %swap3A_229 = arith.index_cast %scan3A_222 : i32 to index
      %swap3A_230 = arith.constant 32 : index
      %swap3A_231 = tpu.vector_load %arg22[%swap3A_229, %swap3A_230] {strides = array<i32>} : memref<40x128xf32, #tpu.memory_space<vmem>>, vector<16xf32>,
      tpu.vector_store %arg22[%swap3A_229, %swap3A_230], %broadcast_in_dim3A_1 {strides = array<i32>} : memref<40x128xf32, #tpu.memory_space<vmem>>, vector<16xf32>,
      %swap3A_232 = arith.index_cast %scan3A_222 : i32 to index
      %swap3A_233 = arith.constant 48 : index
      %swap3A_234 = tpu.vector_load %arg22[%swap3A_232, %swap3A_233] {strides = array<i32>} : memref<40x128xf32, #tpu.memory_space<vmem>>, vector<16xf32>,
      tpu.vector_store %arg22[%swap3A_232, %swap3A_233], %broadcast_in_dim3A_1 {strides = array<i32>} : memref<40x128xf32, #tpu.memory_space<vmem>>, vector<16xf32>,
      %swap3A_235 = arith.index_cast %scan3A_222 : i32 to index
      %swap3A_236 = arith.constant 64 : index
      %swap3A_237 = tpu.vector_load %arg22[%swap3A_235, %swap3A_236] {strides = array<i32>} : memref<40x128xf32, #tpu.memory_space<vmem>>, vector<16xf32>,
      tpu.vector_store %arg22[%swap3A_235, %swap3A_236], %broadcast_in_dim3A_1 {strides = array<i32>} : memref<40x128xf32, #tpu.memory_space<vmem>>, vector<16xf32>,
      %swap3A_238 = arith.index_cast %scan3A_222 : i32 to index
      %swap3A_239 = arith.constant 80 : index
      %swap3A_240 = tpu.vector_load %arg22[%swap3A_238, %swap3A_239] {strides = array<i32>} : memref<40x128xf32, #tpu.memory_space<vmem>>, vector<16xf32>,
      tpu.vector_store %arg22[%swap3A_238, %swap3A_239], %broadcast_in_dim3A_1 {strides = array<i32>} : memref<40x128xf32, #tpu.memory_space<vmem>>, vector<16xf32>,
      %swap3A_241 = arith.index_cast %scan3A_222 : i32 to index
      %swap3A_242 = arith.constant 96 : index
      %swap3A_243 = tpu.vector_load %arg22[%swap3A_241, %swap3A_242] {strides = array<i32>} : memref<40x128xf32, #tpu.memory_space<vmem>>, vector<16xf32>,
      tpu.vector_store %arg22[%swap3A_241, %swap3A_242], %broadcast_in_dim3A_1 {strides = array<i32>} : memref<40x128xf32, #tpu.memory_space<vmem>>, vector<16xf32>,
      %swap3A_244 = arith.index_cast %scan3A_222 : i32 to index
      %swap3A_245 = arith.constant 112 : index
      %swap3A_246 = tpu.vector_load %arg22[%swap3A_244, %swap3A_245] {strides = array<i32>} : memref<40x128xf32, #tpu.memory_space<vmem>>, vector<16xf32>,
      tpu.vector_store %arg22[%swap3A_244, %swap3A_245], %broadcast_in_dim3A_1 {strides = array<i32>} : memref<40x128xf32, #tpu.memory_space<vmem>>, vector<16xf32>,
      %scan3A_247 = arith.constant 0 : i32
      scf.yield %scan3A_247 : i32
    }
    %scan3A_7 = arith.constant 40 : i32
    %lt3A = arith.constant 15 : i32
    %lt3A_8 = arith.cmpi slt, %arg1, %lt3A : i32
    %jit3A = arith.constant 632 : i32
    %jit3A_9 = arith.constant 520 : i32
    %select_n3A = arith.select %lt3A_8, %jit3A, %jit3A_9 : i32
    %mul3A_10 = arith.constant 632 : i32
    %mul3A_11 = arith.muli %arg1, %mul3A_10 : i32
    %scan3A_12 = arith.constant 0 : i32
    %scan3A_13 = arith.constant 0 : i32
    %scan3A_14 = arith.constant 79 : i32
    %scan3A_15 = arith.addi %scan3A_13, %scan3A_14 : i32
    %scan3A_16 = arith.constant 1 : i32
    %scan3A_17 = scf.for %scan3A_222 = %scan3A_13 to %scan3A_15 step %scan3A_16 iter_args(%scan3A_223 = %scan3A_12) -> (i32)  : i32 {
      %mul3A_224 = arith.constant 8 : i32
      %mul3A_225 = arith.muli %scan3A_222, %mul3A_224 : i32
      %lt3A_226 = arith.cmpi slt, %mul3A_225, %select_n3A : i32
      %convert_element_type3A_227 = arith.extui %lt3A_226 : i1 to i32
      %cond3A_228 = arith.constant 0 : i32
      %cond3A_229 = arith.cmpi ne, %convert_element_type3A_227, %cond3A_228 : i32
      scf.if %cond3A_229 {
        %mul3A_231 = arith.constant 8 : i32
        %mul3A_232 = arith.muli %scan3A_222, %mul3A_231 : i32
        %add3A_233 = arith.addi %mul3A_11, %mul3A_232 : i32
        "tpu.region"() ({
          %run_scoped3A = tpu.sem_alloc : memref<!tpu.dma_semaphore, #tpu.memory_space<semaphore_mem>>
          %dma_start3A_234 = arith.constant 0 : i32
          %dma_start3A_235 = arith.constant 0 : i32
          %dma_start3A_236 = tpu.memref_slice %arg22[%dma_start3A_234, %dma_start3A_235] : memref<40x128xf32, #tpu.memory_space<vmem>> -> memref<8x128xf32, #tpu.memory_space<vmem>>
          %dma_start3A_237 = arith.constant 0 : i32
          %dma_start3A_238 = tpu.memref_slice %arg11[%add3A_233, %dma_start3A_237] : memref<10000x128xf32, #tpu.memory_space<vmem_shared>> -> memref<8x128xf32, #tpu.memory_space<vmem_shared>>
          %dma_start3A_239 = arith.constant 0 : i32
          %dma_start3A_240 = tpu.memref_slice %arg11[%add3A_233, %dma_start3A_239] : memref<10000x128xf32, #tpu.memory_space<vmem_shared>> -> memref<8x128xf32, #tpu.memory_space<vmem_shared>>
          %dma_start3A_241 = arith.constant 0 : i32
          %dma_start3A_242 = arith.constant 0 : i32
          %dma_start3A_243 = tpu.memref_slice %arg22[%dma_start3A_241, %dma_start3A_242] : memref<40x128xf32, #tpu.memory_space<vmem>> -> memref<8x128xf32, #tpu.memory_space<vmem>>
          tpu.enqueue_dma source(%dma_start3A_243 : memref<8x128xf32, #tpu.memory_space<vmem>>) target(%dma_start3A_240 : memref<8x128xf32, #tpu.memory_space<vmem_shared>>) target_semaphore(%run_scoped3A : memref<!tpu.dma_semaphore, #tpu.memory_space<semaphore_mem>>)
          %dma_wait3A_244 = arith.constant 0 : i32
          %dma_wait3A_245 = arith.constant 0 : i32
          %dma_wait3A_246 = tpu.memref_slice %arg22[%dma_wait3A_244, %dma_wait3A_245] : memref<40x128xf32, #tpu.memory_space<vmem>> -> memref<8x128xf32, #tpu.memory_space<vmem>>
          %dma_wait3A_247 = arith.constant 0 : i32
          %dma_wait3A_248 = tpu.memref_slice %arg11[%add3A_233, %dma_wait3A_247] : memref<10000x128xf32, #tpu.memory_space<vmem_shared>> -> memref<8x128xf32, #tpu.memory_space<vmem_shared>>
          %dma_wait3A_249 = arith.constant 0 : i32
          %dma_wait3A_250 = tpu.memref_slice %arg11[%add3A_233, %dma_wait3A_249] : memref<10000x128xf32, #tpu.memory_space<vmem_shared>> -> memref<8x128xf32, #tpu.memory_space<vmem_shared>>
          %dma_wait3A_251 = arith.constant 0 : i32
          %dma_wait3A_252 = arith.constant 0 : i32
          %dma_wait3A_253 = tpu.memref_slice %arg22[%dma_wait3A_251, %dma_wait3A_252] : memref<40x128xf32, #tpu.memory_space<vmem>> -> memref<8x128xf32, #tpu.memory_space<vmem>>
          tpu.wait_dma2 semaphore(%run_scoped3A : memref<!tpu.dma_semaphore, #tpu.memory_space<semaphore_mem>>) src(%dma_wait3A_253 : memref<8x128xf32, #tpu.memory_space<vmem>>) dst(%dma_wait3A_250 : memref<8x128xf32, #tpu.memory_space<vmem_shared>>)
          tpu.yield
        }) : () -> ()
      } else {
      }
      %scan3A_230 = arith.constant 0 : i32
      scf.yield %scan3A_230 : i32
    }
    %scan3A_18 = arith.constant 79 : i32
    %barrier3A = arith.constant 0 : index
    tpu.barrier barrier_id(%barrier3A)
    %get3A = arith.constant 0 : i32
    %get3A_19 = arith.index_cast %get3A : i32 to index
    %get3A_20 = arith.constant 0 : index
    %get3A_21 = tpu.vector_load %arg24[%get3A_19, %get3A_20] {strides = array<i32>} : memref<4x128xf32, #tpu.memory_space<vmem>>, vector<16xf32>,
    %get3A_22 = arith.constant 0 : i32
    %get3A_23 = arith.index_cast %get3A_22 : i32 to index
    %get3A_24 = arith.constant 16 : index
    %get3A_25 = tpu.vector_load %arg24[%get3A_23, %get3A_24] {strides = array<i32>} : memref<4x128xf32, #tpu.memory_space<vmem>>, vector<16xf32>,
    %get3A_26 = arith.constant 0 : i32
    %get3A_27 = arith.index_cast %get3A_26 : i32 to index
    %get3A_28 = arith.constant 32 : index
    %get3A_29 = tpu.vector_load %arg24[%get3A_27, %get3A_28] {strides = array<i32>} : memref<4x128xf32, #tpu.memory_space<vmem>>, vector<16xf32>,
    %get3A_30 = arith.constant 0 : i32
    %get3A_31 = arith.index_cast %get3A_30 : i32 to index
    %get3A_32 = arith.constant 48 : index
    %get3A_33 = tpu.vector_load %arg24[%get3A_31, %get3A_32] {strides = array<i32>} : memref<4x128xf32, #tpu.memory_space<vmem>>, vector<16xf32>,
    %get3A_34 = arith.constant 0 : i32
    %get3A_35 = arith.index_cast %get3A_34 : i32 to index
    %get3A_36 = arith.constant 64 : index
    %get3A_37 = tpu.vector_load %arg24[%get3A_35, %get3A_36] {strides = array<i32>} : memref<4x128xf32, #tpu.memory_space<vmem>>, vector<16xf32>,
    %get3A_38 = arith.constant 0 : i32
    %get3A_39 = arith.index_cast %get3A_38 : i32 to index
    %get3A_40 = arith.constant 80 : index
    %get3A_41 = tpu.vector_load %arg24[%get3A_39, %get3A_40] {strides = array<i32>} : memref<4x128xf32, #tpu.memory_space<vmem>>, vector<16xf32>,
    %get3A_42 = arith.constant 0 : i32
    %get3A_43 = arith.index_cast %get3A_42 : i32 to index
    %get3A_44 = arith.constant 96 : index
    %get3A_45 = tpu.vector_load %arg24[%get3A_43, %get3A_44] {strides = array<i32>} : memref<4x128xf32, #tpu.memory_space<vmem>>, vector<16xf32>,
    %get3A_46 = arith.constant 0 : i32
    %get3A_47 = arith.index_cast %get3A_46 : i32 to index
    %get3A_48 = arith.constant 112 : index
    %get3A_49 = tpu.vector_load %arg24[%get3A_47, %get3A_48] {strides = array<i32>} : memref<4x128xf32, #tpu.memory_space<vmem>>, vector<16xf32>,
    %get3A_50 = arith.constant 1 : i32
    %get3A_51 = arith.index_cast %get3A_50 : i32 to index
    %get3A_52 = arith.constant 0 : index
    %get3A_53 = tpu.vector_load %arg24[%get3A_51, %get3A_52] {strides = array<i32>} : memref<4x128xf32, #tpu.memory_space<vmem>>, vector<16xf32>,
    %get3A_54 = arith.constant 1 : i32
    %get3A_55 = arith.index_cast %get3A_54 : i32 to index
    %get3A_56 = arith.constant 16 : index
    %get3A_57 = tpu.vector_load %arg24[%get3A_55, %get3A_56] {strides = array<i32>} : memref<4x128xf32, #tpu.memory_space<vmem>>, vector<16xf32>,
    %get3A_58 = arith.constant 1 : i32
    %get3A_59 = arith.index_cast %get3A_58 : i32 to index
    %get3A_60 = arith.constant 32 : index
    %get3A_61 = tpu.vector_load %arg24[%get3A_59, %get3A_60] {strides = array<i32>} : memref<4x128xf32, #tpu.memory_space<vmem>>, vector<16xf32>,
    %get3A_62 = arith.constant 1 : i32
    %get3A_63 = arith.index_cast %get3A_62 : i32 to index
    %get3A_64 = arith.constant 48 : index
    %get3A_65 = tpu.vector_load %arg24[%get3A_63, %get3A_64] {strides = array<i32>} : memref<4x128xf32, #tpu.memory_space<vmem>>, vector<16xf32>,
    %get3A_66 = arith.constant 1 : i32
    %get3A_67 = arith.index_cast %get3A_66 : i32 to index
    %get3A_68 = arith.constant 64 : index
    %get3A_69 = tpu.vector_load %arg24[%get3A_67, %get3A_68] {strides = array<i32>} : memref<4x128xf32, #tpu.memory_space<vmem>>, vector<16xf32>,
    %get3A_70 = arith.constant 1 : i32
    %get3A_71 = arith.index_cast %get3A_70 : i32 to index
    %get3A_72 = arith.constant 80 : index
    %get3A_73 = tpu.vector_load %arg24[%get3A_71, %get3A_72] {strides = array<i32>} : memref<4x128xf32, #tpu.memory_space<vmem>>, vector<16xf32>,
    %get3A_74 = arith.constant 1 : i32
    %get3A_75 = arith.index_cast %get3A_74 : i32 to index
    %get3A_76 = arith.constant 96 : index
    %get3A_77 = tpu.vector_load %arg24[%get3A_75, %get3A_76] {strides = array<i32>} : memref<4x128xf32, #tpu.memory_space<vmem>>, vector<16xf32>,
    %get3A_78 = arith.constant 1 : i32
    %get3A_79 = arith.index_cast %get3A_78 : i32 to index
    %get3A_80 = arith.constant 112 : index
    %get3A_81 = tpu.vector_load %arg24[%get3A_79, %get3A_80] {strides = array<i32>} : memref<4x128xf32, #tpu.memory_space<vmem>>, vector<16xf32>,
    %get3A_82 = arith.constant 2 : i32
    %get3A_83 = arith.index_cast %get3A_82 : i32 to index
    %get3A_84 = arith.constant 0 : index
    %get3A_85 = tpu.vector_load %arg24[%get3A_83, %get3A_84] {strides = array<i32>} : memref<4x128xf32, #tpu.memory_space<vmem>>, vector<16xf32>,
    %get3A_86 = arith.constant 2 : i32
    %get3A_87 = arith.index_cast %get3A_86 : i32 to index
    %get3A_88 = arith.constant 16 : index
    %get3A_89 = tpu.vector_load %arg24[%get3A_87, %get3A_88] {strides = array<i32>} : memref<4x128xf32, #tpu.memory_space<vmem>>, vector<16xf32>,
    %get3A_90 = arith.constant 2 : i32
    %get3A_91 = arith.index_cast %get3A_90 : i32 to index
    %get3A_92 = arith.constant 32 : index
    %get3A_93 = tpu.vector_load %arg24[%get3A_91, %get3A_92] {strides = array<i32>} : memref<4x128xf32, #tpu.memory_space<vmem>>, vector<16xf32>,
    %get3A_94 = arith.constant 2 : i32
    %get3A_95 = arith.index_cast %get3A_94 : i32 to index
    %get3A_96 = arith.constant 48 : index
    %get3A_97 = tpu.vector_load %arg24[%get3A_95, %get3A_96] {strides = array<i32>} : memref<4x128xf32, #tpu.memory_space<vmem>>, vector<16xf32>,
    %get3A_98 = arith.constant 2 : i32
    %get3A_99 = arith.index_cast %get3A_98 : i32 to index
    %get3A_100 = arith.constant 64 : index
    %get3A_101 = tpu.vector_load %arg24[%get3A_99, %get3A_100] {strides = array<i32>} : memref<4x128xf32, #tpu.memory_space<vmem>>, vector<16xf32>,
    %get3A_102 = arith.constant 2 : i32
    %get3A_103 = arith.index_cast %get3A_102 : i32 to index
    %get3A_104 = arith.constant 80 : index
    %get3A_105 = tpu.vector_load %arg24[%get3A_103, %get3A_104] {strides = array<i32>} : memref<4x128xf32, #tpu.memory_space<vmem>>, vector<16xf32>,
    %get3A_106 = arith.constant 2 : i32
    %get3A_107 = arith.index_cast %get3A_106 : i32 to index
    %get3A_108 = arith.constant 96 : index
    %get3A_109 = tpu.vector_load %arg24[%get3A_107, %get3A_108] {strides = array<i32>} : memref<4x128xf32, #tpu.memory_space<vmem>>, vector<16xf32>,
    %get3A_110 = arith.constant 2 : i32
    %get3A_111 = arith.index_cast %get3A_110 : i32 to index
    %get3A_112 = arith.constant 112 : index
    %get3A_113 = tpu.vector_load %arg24[%get3A_111, %get3A_112] {strides = array<i32>} : memref<4x128xf32, #tpu.memory_space<vmem>>, vector<16xf32>,
    %get3A_114 = arith.constant 3 : i32
    %get3A_115 = arith.index_cast %get3A_114 : i32 to index
    %get3A_116 = arith.constant 0 : index
    %get3A_117 = tpu.vector_load %arg24[%get3A_115, %get3A_116] {strides = array<i32>} : memref<4x128xf32, #tpu.memory_space<vmem>>, vector<16xf32>,
    %get3A_118 = arith.constant 3 : i32
    %get3A_119 = arith.index_cast %get3A_118 : i32 to index
    %get3A_120 = arith.constant 16 : index
    %get3A_121 = tpu.vector_load %arg24[%get3A_119, %get3A_120] {strides = array<i32>} : memref<4x128xf32, #tpu.memory_space<vmem>>, vector<16xf32>,
    %get3A_122 = arith.constant 3 : i32
    %get3A_123 = arith.index_cast %get3A_122 : i32 to index
    %get3A_124 = arith.constant 32 : index
    %get3A_125 = tpu.vector_load %arg24[%get3A_123, %get3A_124] {strides = array<i32>} : memref<4x128xf32, #tpu.memory_space<vmem>>, vector<16xf32>,
    %get3A_126 = arith.constant 3 : i32
    %get3A_127 = arith.index_cast %get3A_126 : i32 to index
    %get3A_128 = arith.constant 48 : index
    %get3A_129 = tpu.vector_load %arg24[%get3A_127, %get3A_128] {strides = array<i32>} : memref<4x128xf32, #tpu.memory_space<vmem>>, vector<16xf32>,
    %get3A_130 = arith.constant 3 : i32
    %get3A_131 = arith.index_cast %get3A_130 : i32 to index
    %get3A_132 = arith.constant 64 : index
    %get3A_133 = tpu.vector_load %arg24[%get3A_131, %get3A_132] {strides = array<i32>} : memref<4x128xf32, #tpu.memory_space<vmem>>, vector<16xf32>,
    %get3A_134 = arith.constant 3 : i32
    %get3A_135 = arith.index_cast %get3A_134 : i32 to index
    %get3A_136 = arith.constant 80 : index
    %get3A_137 = tpu.vector_load %arg24[%get3A_135, %get3A_136] {strides = array<i32>} : memref<4x128xf32, #tpu.memory_space<vmem>>, vector<16xf32>,
    %get3A_138 = arith.constant 3 : i32
    %get3A_139 = arith.index_cast %get3A_138 : i32 to index
    %get3A_140 = arith.constant 96 : index
    %get3A_141 = tpu.vector_load %arg24[%get3A_139, %get3A_140] {strides = array<i32>} : memref<4x128xf32, #tpu.memory_space<vmem>>, vector<16xf32>,
    %get3A_142 = arith.constant 3 : i32
    %get3A_143 = arith.index_cast %get3A_142 : i32 to index
    %get3A_144 = arith.constant 112 : index
    %get3A_145 = tpu.vector_load %arg24[%get3A_143, %get3A_144] {strides = array<i32>} : memref<4x128xf32, #tpu.memory_space<vmem>>, vector<16xf32>,
    %get3A_146 = arith.constant 0 : i32
    %get3A_147 = arith.index_cast %get3A_146 : i32 to index
    %get3A_148 = arith.constant 0 : index
    %get3A_149 = tpu.vector_load %arg25[%get3A_147, %get3A_148] {strides = array<i32>} : memref<8x16xf32, #tpu.memory_space<vmem>>, vector<16xf32>,
    %get3A_150 = arith.constant 1 : i32
    %get3A_151 = arith.index_cast %get3A_150 : i32 to index
    %get3A_152 = arith.constant 0 : index
    %get3A_153 = tpu.vector_load %arg25[%get3A_151, %get3A_152] {strides = array<i32>} : memref<8x16xf32, #tpu.memory_space<vmem>>, vector<16xf32>,
    %get3A_154 = arith.constant 2 : i32
    %get3A_155 = arith.index_cast %get3A_154 : i32 to index
    %get3A_156 = arith.constant 0 : index
    %get3A_157 = tpu.vector_load %arg25[%get3A_155, %get3A_156] {strides = array<i32>} : memref<8x16xf32, #tpu.memory_space<vmem>>, vector<16xf32>,
    %get3A_158 = arith.constant 3 : i32
    %get3A_159 = arith.index_cast %get3A_158 : i32 to index
    %get3A_160 = arith.constant 0 : index
    %get3A_161 = tpu.vector_load %arg25[%get3A_159, %get3A_160] {strides = array<i32>} : memref<8x16xf32, #tpu.memory_space<vmem>>, vector<16xf32>,
    %get3A_162 = arith.constant 4 : i32
    %get3A_163 = arith.index_cast %get3A_162 : i32 to index
    %get3A_164 = arith.constant 0 : index
    %get3A_165 = tpu.vector_load %arg25[%get3A_163, %get3A_164] {strides = array<i32>} : memref<8x16xf32, #tpu.memory_space<vmem>>, vector<16xf32>,
    %get3A_166 = arith.constant 5 : i32
    %get3A_167 = arith.index_cast %get3A_166 : i32 to index
    %get3A_168 = arith.constant 0 : index
    %get3A_169 = tpu.vector_load %arg25[%get3A_167, %get3A_168] {strides = array<i32>} : memref<8x16xf32, #tpu.memory_space<vmem>>, vector<16xf32>,
    %get3A_170 = arith.constant 6 : i32
    %get3A_171 = arith.index_cast %get3A_170 : i32 to index
    %get3A_172 = arith.constant 0 : index
    %get3A_173 = tpu.vector_load %arg25[%get3A_171, %get3A_172] {strides = array<i32>} : memref<8x16xf32, #tpu.memory_space<vmem>>, vector<16xf32>,
    %get3A_174 = arith.constant 7 : i32
    %get3A_175 = arith.index_cast %get3A_174 : i32 to index
    %get3A_176 = arith.constant 0 : index
    %get3A_177 = tpu.vector_load %arg25[%get3A_175, %get3A_176] {strides = array<i32>} : memref<8x16xf32, #tpu.memory_space<vmem>>, vector<16xf32>,
    %jit3A_178 = arith.constant 0 : i32
    %jit3A_179 = arith.constant 250 : i32
    %eq3A = arith.constant 0 : i32
    %eq3A_180 = arith.cmpi eq, %jit3A_179, %eq3A : i32
    %jit3A_181 = arith.constant 1 : i32
    %select_n3A_182 = arith.select %eq3A_180, %jit3A_181, %jit3A_179 : i32
    %rem3A = arith.remsi %jit3A_178, %select_n3A_182 : i32
    %ne3A = arith.constant 0 : i32
    %ne3A_183 = arith.cmpi ne, %rem3A, %ne3A : i32
    %lt3A_184 = arith.constant 0 : i32
    %lt3A_185 = arith.cmpi slt, %rem3A, %lt3A_184 : i32
    %lt3A_186 = arith.constant 0 : i32
    %lt3A_187 = arith.cmpi slt, %select_n3A_182, %lt3A_186 : i32
    %ne3A_188 = arith.xori %lt3A_185, %lt3A_187 : i1
    %and3A = arith.andi %ne3A_188, %ne3A_183 : i1
    %add3A_189 = arith.addi %rem3A, %select_n3A_182 : i32
    %select_n3A_190 = arith.select %and3A, %add3A_189, %rem3A : i32
    %mul3A_191 = arith.constant 32 : i32
    %mul3A_192 = arith.muli %select_n3A_190, %mul3A_191 : i32
    %add3A_193 = arith.addi %add3A, %mul3A_192 : i32
    %mul3A_194 = arith.constant 40 : i32
    %mul3A_195 = arith.muli %add3A_193, %mul3A_194 : i32
    "tpu.region"() ({
      %run_scoped3A = tpu.sem_alloc : memref<!tpu.dma_semaphore, #tpu.memory_space<semaphore_mem>>
      %dma_start3A_222 = tpu.memref_slice %arg4[%mul3A_195] : memref<320000xi32, #tpu.memory_space<hbm>> -> memref<40xi32, #tpu.memory_space<hbm>>
      %dma_start3A_223 = tpu.memref_slice %arg4[%mul3A_195] : memref<320000xi32, #tpu.memory_space<hbm>> -> memref<40xi32, #tpu.memory_space<hbm>>
      tpu.enqueue_dma source(%dma_start3A_223 : memref<40xi32, #tpu.memory_space<hbm>>) target(%arg12 : memref<40xi32, #tpu.memory_space<vmem>>) target_semaphore(%run_scoped3A : memref<!tpu.dma_semaphore, #tpu.memory_space<semaphore_mem>>)
      %dma_wait3A_224 = tpu.memref_slice %arg4[%mul3A_195] : memref<320000xi32, #tpu.memory_space<hbm>> -> memref<40xi32, #tpu.memory_space<hbm>>
      %dma_wait3A_225 = tpu.memref_slice %arg4[%mul3A_195] : memref<320000xi32, #tpu.memory_space<hbm>> -> memref<40xi32, #tpu.memory_space<hbm>>
      tpu.wait_dma2 semaphore(%run_scoped3A : memref<!tpu.dma_semaphore, #tpu.memory_space<semaphore_mem>>) src(%dma_wait3A_225 : memref<40xi32, #tpu.memory_space<hbm>>) dst(%arg12 : memref<40xi32, #tpu.memory_space<vmem>>)
      tpu.yield
    }) : () -> ()
    "tpu.region"() ({
      %run_scoped3A = tpu.sem_alloc : memref<!tpu.dma_semaphore, #tpu.memory_space<semaphore_mem>>
      %dma_start3A_222 = tpu.memref_slice %arg5[%mul3A_195] : memref<320000xi32, #tpu.memory_space<hbm>> -> memref<40xi32, #tpu.memory_space<hbm>>
      %dma_start3A_223 = tpu.memref_slice %arg5[%mul3A_195] : memref<320000xi32, #tpu.memory_space<hbm>> -> memref<40xi32, #tpu.memory_space<hbm>>
      tpu.enqueue_dma source(%dma_start3A_223 : memref<40xi32, #tpu.memory_space<hbm>>) target(%arg13 : memref<40xi32, #tpu.memory_space<vmem>>) target_semaphore(%run_scoped3A : memref<!tpu.dma_semaphore, #tpu.memory_space<semaphore_mem>>)
      %dma_wait3A_224 = tpu.memref_slice %arg5[%mul3A_195] : memref<320000xi32, #tpu.memory_space<hbm>> -> memref<40xi32, #tpu.memory_space<hbm>>
      %dma_wait3A_225 = tpu.memref_slice %arg5[%mul3A_195] : memref<320000xi32, #tpu.memory_space<hbm>> -> memref<40xi32, #tpu.memory_space<hbm>>
      tpu.wait_dma2 semaphore(%run_scoped3A : memref<!tpu.dma_semaphore, #tpu.memory_space<semaphore_mem>>) src(%dma_wait3A_225 : memref<40xi32, #tpu.memory_space<hbm>>) dst(%arg13 : memref<40xi32, #tpu.memory_space<vmem>>)
      tpu.yield
    }) : () -> ()
    %dma_start3A = arith.constant 0 : i32
    %dma_start3A_196 = arith.constant 0 : i32
    %dma_start3A_197 = tpu.memref_slice %arg2[%dma_start3A, %dma_start3A_196] : memref<10000x128xf32, #tpu.memory_space<hbm>> -> memref<10000x128xf32, #tpu.memory_space<hbm>>
    tpu.enqueue_indirect_dma source(%dma_start3A_197 : memref<10000x128xf32, #tpu.memory_space<hbm>>) target(%arg14 : memref<40x128xf32, #tpu.memory_space<vmem>>) offsets(%arg12 : memref<40xi32, #tpu.memory_space<vmem>>) semaphore(%arg26 : memref<!tpu.dma_semaphore, #tpu.memory_space<semaphore_mem>>)
    %dma_start3A_198 = arith.constant 0 : i32
    %dma_start3A_199 = arith.constant 0 : i32
    %dma_start3A_200 = tpu.memref_slice %arg3[%dma_start3A_198, %dma_start3A_199] : memref<10000x128xf32, #tpu.memory_space<hbm>> -> memref<10000x128xf32, #tpu.memory_space<hbm>>
    tpu.enqueue_indirect_dma source(%dma_start3A_200 : memref<10000x128xf32, #tpu.memory_space<hbm>>) target(%arg15 : memref<40x128xf32, #tpu.memory_space<vmem>>) offsets(%arg13 : memref<40xi32, #tpu.memory_space<vmem>>) semaphore(%arg27 : memref<!tpu.dma_semaphore, #tpu.memory_space<semaphore_mem>>)
    "tpu.region"() ({
      %run_scoped3A = tpu.sem_alloc : memref<!tpu.dma_semaphore, #tpu.memory_space<semaphore_mem>>
      %dma_start3A_222 = arith.constant 0 : i32
      %dma_start3A_223 = tpu.memref_slice %arg6[%mul3A_195, %dma_start3A_222] : memref<320000x16xf32, #tpu.memory_space<hbm>> -> memref<40x16xf32, #tpu.memory_space<hbm>>
      %dma_start3A_224 = arith.constant 0 : i32
      %dma_start3A_225 = tpu.memref_slice %arg6[%mul3A_195, %dma_start3A_224] : memref<320000x16xf32, #tpu.memory_space<hbm>> -> memref<40x16xf32, #tpu.memory_space<hbm>>
      tpu.enqueue_dma source(%dma_start3A_225 : memref<40x16xf32, #tpu.memory_space<hbm>>) target(%arg16 : memref<40x16xf32, #tpu.memory_space<vmem>>) target_semaphore(%run_scoped3A : memref<!tpu.dma_semaphore, #tpu.memory_space<semaphore_mem>>)
      %dma_wait3A_226 = arith.constant 0 : i32
      %dma_wait3A_227 = tpu.memref_slice %arg6[%mul3A_195, %dma_wait3A_226] : memref<320000x16xf32, #tpu.memory_space<hbm>> -> memref<40x16xf32, #tpu.memory_space<hbm>>
      %dma_wait3A_228 = arith.constant 0 : i32
      %dma_wait3A_229 = tpu.memref_slice %arg6[%mul3A_195, %dma_wait3A_228] : memref<320000x16xf32, #tpu.memory_space<hbm>> -> memref<40x16xf32, #tpu.memory_space<hbm>>
      tpu.wait_dma2 semaphore(%run_scoped3A : memref<!tpu.dma_semaphore, #tpu.memory_space<semaphore_mem>>) src(%dma_wait3A_229 : memref<40x16xf32, #tpu.memory_space<hbm>>) dst(%arg16 : memref<40x16xf32, #tpu.memory_space<vmem>>)
      tpu.yield
    }) : () -> ()
    %scan3A_201 = arith.constant 0 : i32
    %scan3A_202 = arith.constant 0 : i32
    %scan3A_203 = arith.constant 125 : i32
    %scan3A_204 = arith.addi %scan3A_202, %scan3A_203 : i32
    %scan3A_205 = arith.constant 1 : i32
    %scan3A_206 = scf.for %scan3A_222 = %scan3A_202 to %scan3A_204 step %scan3A_205 iter_args(%scan3A_223 = %scan3A_201) -> (i32)  : i32 {
      %mul3A_224 = arith.constant 2 : i32
      %mul3A_225 = arith.muli %mul3A_224, %scan3A_222 : i32
      %add3A_226 = arith.constant 1 : i32
      %add3A_227 = arith.addi %mul3A_225, %add3A_226 : i32
      %jit3A_228 = arith.constant 250 : i32
      %eq3A_229 = arith.constant 0 : i32
      %eq3A_230 = arith.cmpi eq, %jit3A_228, %eq3A_229 : i32
      %jit3A_231 = arith.constant 1 : i32
      %select_n3A_232 = arith.select %eq3A_230, %jit3A_231, %jit3A_228 : i32
      %rem3A_233 = arith.remsi %add3A_227, %select_n3A_232 : i32
      %ne3A_234 = arith.constant 0 : i32
      %ne3A_235 = arith.cmpi ne, %rem3A_233, %ne3A_234 : i32
      %lt3A_236 = arith.constant 0 : i32
      %lt3A_237 = arith.cmpi slt, %rem3A_233, %lt3A_236 : i32
      %lt3A_238 = arith.constant 0 : i32
      %lt3A_239 = arith.cmpi slt, %select_n3A_232, %lt3A_238 : i32
      %ne3A_240 = arith.xori %lt3A_237, %lt3A_239 : i1
      %and3A_241 = arith.andi %ne3A_240, %ne3A_235 : i1
      %add3A_242 = arith.addi %rem3A_233, %select_n3A_232 : i32
      %select_n3A_243 = arith.select %and3A_241, %add3A_242, %rem3A_233 : i32
      %mul3A_244 = arith.constant 32 : i32
      %mul3A_245 = arith.muli %select_n3A_243, %mul3A_244 : i32
      %add3A_246 = arith.addi %add3A, %mul3A_245 : i32
      %mul3A_247 = arith.constant 40 : i32
      %mul3A_248 = arith.muli %add3A_246, %mul3A_247 : i32
      "tpu.region"() ({
        %run_scoped3A = tpu.sem_alloc : memref<!tpu.dma_semaphore, #tpu.memory_space<semaphore_mem>>
        %dma_start3A_329 = tpu.memref_slice %arg4[%mul3A_248] : memref<320000xi32, #tpu.memory_space<hbm>> -> memref<40xi32, #tpu.memory_space<hbm>>
        %dma_start3A_330 = tpu.memref_slice %arg4[%mul3A_248] : memref<320000xi32, #tpu.memory_space<hbm>> -> memref<40xi32, #tpu.memory_space<hbm>>
        tpu.enqueue_dma source(%dma_start3A_330 : memref<40xi32, #tpu.memory_space<hbm>>) target(%arg17 : memref<40xi32, #tpu.memory_space<vmem>>) target_semaphore(%run_scoped3A : memref<!tpu.dma_semaphore, #tpu.memory_space<semaphore_mem>>)
        %dma_wait3A_331 = tpu.memref_slice %arg4[%mul3A_248] : memref<320000xi32, #tpu.memory_space<hbm>> -> memref<40xi32, #tpu.memory_space<hbm>>
        %dma_wait3A_332 = tpu.memref_slice %arg4[%mul3A_248] : memref<320000xi32, #tpu.memory_space<hbm>> -> memref<40xi32, #tpu.memory_space<hbm>>
        tpu.wait_dma2 semaphore(%run_scoped3A : memref<!tpu.dma_semaphore, #tpu.memory_space<semaphore_mem>>) src(%dma_wait3A_332 : memref<40xi32, #tpu.memory_space<hbm>>) dst(%arg17 : memref<40xi32, #tpu.memory_space<vmem>>)
        tpu.yield
      }) : () -> ()
      "tpu.region"() ({
        %run_scoped3A = tpu.sem_alloc : memref<!tpu.dma_semaphore, #tpu.memory_space<semaphore_mem>>
        %dma_start3A_329 = tpu.memref_slice %arg5[%mul3A_248] : memref<320000xi32, #tpu.memory_space<hbm>> -> memref<40xi32, #tpu.memory_space<hbm>>
        %dma_start3A_330 = tpu.memref_slice %arg5[%mul3A_248] : memref<320000xi32, #tpu.memory_space<hbm>> -> memref<40xi32, #tpu.memory_space<hbm>>
        tpu.enqueue_dma source(%dma_start3A_330 : memref<40xi32, #tpu.memory_space<hbm>>) target(%arg18 : memref<40xi32, #tpu.memory_space<vmem>>) target_semaphore(%run_scoped3A : memref<!tpu.dma_semaphore, #tpu.memory_space<semaphore_mem>>)
        %dma_wait3A_331 = tpu.memref_slice %arg5[%mul3A_248] : memref<320000xi32, #tpu.memory_space<hbm>> -> memref<40xi32, #tpu.memory_space<hbm>>
        %dma_wait3A_332 = tpu.memref_slice %arg5[%mul3A_248] : memref<320000xi32, #tpu.memory_space<hbm>> -> memref<40xi32, #tpu.memory_space<hbm>>
        tpu.wait_dma2 semaphore(%run_scoped3A : memref<!tpu.dma_semaphore, #tpu.memory_space<semaphore_mem>>) src(%dma_wait3A_332 : memref<40xi32, #tpu.memory_space<hbm>>) dst(%arg18 : memref<40xi32, #tpu.memory_space<vmem>>)
        tpu.yield
      }) : () -> ()
      %dma_start3A_249 = arith.constant 0 : i32
      %dma_start3A_250 = arith.constant 0 : i32
      %dma_start3A_251 = tpu.memref_slice %arg2[%dma_start3A_249, %dma_start3A_250] : memref<10000x128xf32, #tpu.memory_space<hbm>> -> memref<10000x128xf32, #tpu.memory_space<hbm>>
      tpu.enqueue_indirect_dma source(%dma_start3A_251 : memref<10000x128xf32, #tpu.memory_space<hbm>>) target(%arg19 : memref<40x128xf32, #tpu.memory_space<vmem>>) offsets(%arg17 : memref<40xi32, #tpu.memory_space<vmem>>) semaphore(%arg28 : memref<!tpu.dma_semaphore, #tpu.memory_space<semaphore_mem>>)
      %dma_start3A_252 = arith.constant 0 : i32
      %dma_start3A_253 = arith.constant 0 : i32
      %dma_start3A_254 = tpu.memref_slice %arg3[%dma_start3A_252, %dma_start3A_253] : memref<10000x128xf32, #tpu.memory_space<hbm>> -> memref<10000x128xf32, #tpu.memory_space<hbm>>
      tpu.enqueue_indirect_dma source(%dma_start3A_254 : memref<10000x128xf32, #tpu.memory_space<hbm>>) target(%arg20 : memref<40x128xf32, #tpu.memory_space<vmem>>) offsets(%arg18 : memref<40xi32, #tpu.memory_space<vmem>>) semaphore(%arg29 : memref<!tpu.dma_semaphore, #tpu.memory_space<semaphore_mem>>)
      "tpu.region"() ({
        %run_scoped3A = tpu.sem_alloc : memref<!tpu.dma_semaphore, #tpu.memory_space<semaphore_mem>>
        %dma_start3A_329 = arith.constant 0 : i32
        %dma_start3A_330 = tpu.memref_slice %arg6[%mul3A_248, %dma_start3A_329] : memref<320000x16xf32, #tpu.memory_space<hbm>> -> memref<40x16xf32, #tpu.memory_space<hbm>>
        %dma_start3A_331 = arith.constant 0 : i32
        %dma_start3A_332 = tpu.memref_slice %arg6[%mul3A_248, %dma_start3A_331] : memref<320000x16xf32, #tpu.memory_space<hbm>> -> memref<40x16xf32, #tpu.memory_space<hbm>>
        tpu.enqueue_dma source(%dma_start3A_332 : memref<40x16xf32, #tpu.memory_space<hbm>>) target(%arg21 : memref<40x16xf32, #tpu.memory_space<vmem>>) target_semaphore(%run_scoped3A : memref<!tpu.dma_semaphore, #tpu.memory_space<semaphore_mem>>)
        %dma_wait3A_333 = arith.constant 0 : i32
        %dma_wait3A_334 = tpu.memref_slice %arg6[%mul3A_248, %dma_wait3A_333] : memref<320000x16xf32, #tpu.memory_space<hbm>> -> memref<40x16xf32, #tpu.memory_space<hbm>>
        %dma_wait3A_335 = arith.constant 0 : i32
        %dma_wait3A_336 = tpu.memref_slice %arg6[%mul3A_248, %dma_wait3A_335] : memref<320000x16xf32, #tpu.memory_space<hbm>> -> memref<40x16xf32, #tpu.memory_space<hbm>>
        tpu.wait_dma2 semaphore(%run_scoped3A : memref<!tpu.dma_semaphore, #tpu.memory_space<semaphore_mem>>) src(%dma_wait3A_336 : memref<40x16xf32, #tpu.memory_space<hbm>>) dst(%arg21 : memref<40x16xf32, #tpu.memory_space<vmem>>)
        tpu.yield
      }) : () -> ()
      %mul3A_255 = arith.constant 2 : i32
      %mul3A_256 = arith.muli %mul3A_255, %scan3A_222 : i32
      %dma_wait3A_257 = arith.constant 0 : i32
      %dma_wait3A_258 = arith.constant 0 : i32
      %dma_wait3A_259 = tpu.memref_slice %arg2[%dma_wait3A_257, %dma_wait3A_258] : memref<10000x128xf32, #tpu.memory_space<hbm>> -> memref<10000x128xf32, #tpu.memory_space<hbm>>
      tpu.wait_indirect_dma semaphore(%arg26 : memref<!tpu.dma_semaphore, #tpu.memory_space<semaphore_mem>>) src(%dma_wait3A_259 : memref<10000x128xf32, #tpu.memory_space<hbm>>) dst(%arg14 : memref<40x128xf32, #tpu.memory_space<vmem>>)
      %dma_wait3A_260 = arith.constant 0 : i32
      %dma_wait3A_261 = arith.constant 0 : i32
      %dma_wait3A_262 = tpu.memref_slice %arg3[%dma_wait3A_260, %dma_wait3A_261] : memref<10000x128xf32, #tpu.memory_space<hbm>> -> memref<10000x128xf32, #tpu.memory_space<hbm>>
      tpu.wait_indirect_dma semaphore(%arg27 : memref<!tpu.dma_semaphore, #tpu.memory_space<semaphore_mem>>) src(%dma_wait3A_262 : memref<10000x128xf32, #tpu.memory_space<hbm>>) dst(%arg15 : memref<40x128xf32, #tpu.memory_space<vmem>>)
      %mul3A_263 = arith.constant 32 : i32
      %mul3A_264 = arith.muli %mul3A_256, %mul3A_263 : i32
      %add3A_265 = arith.addi %add3A, %mul3A_264 : i32
      %mul3A_266 = arith.constant 40 : i32
      %mul3A_267 = arith.muli %add3A_265, %mul3A_266 : i32
      %scan3A_268 = arith.constant 0 : i32
      %scan3A_269 = arith.constant 0 : i32
      %scan3A_270 = arith.constant 40 : i32
      %scan3A_271 = arith.addi %scan3A_269, %scan3A_270 : i32
      %scan3A_272 = arith.constant 1 : i32
      %scan3A_273 = scf.for %scan3A_329 = %scan3A_269 to %scan3A_271 step %scan3A_272 iter_args(%scan3A_330 = %scan3A_268) -> (i32)  : i32 {
        %get3A_331 = arith.index_cast %scan3A_329 : i32 to index
        %get3A_332 = arith.constant 0 : index
        %get3A_333 = tpu.vector_load %arg16[%get3A_331, %get3A_332] {strides = array<i32>} : memref<40x16xf32, #tpu.memory_space<vmem>>, vector<16xf32>,
        %broadcast_in_dim3A_334 = arith.constant 0 : i32
        %broadcast_in_dim3A_335 = vector.broadcast %broadcast_in_dim3A_334 : i32 to vector<16xi32>
        %broadcast_in_dim3A_336 = vector.shape_cast %broadcast_in_dim3A_335 : vector<16xi32> to vector<16x1xi32>
        %gather3A = vector.shape_cast %broadcast_in_dim3A_336 : vector<16x1xi32> to vector<16xi32>
        %gather3A_337 = tpu.dynamic_gather %get3A_333[%gather3A] in [0] : vector<16xf32>, vector<16xi32> -> vector<16xf32>
        %broadcast_in_dim3A_338 = arith.constant 1 : i32
        %broadcast_in_dim3A_339 = vector.broadcast %broadcast_in_dim3A_338 : i32 to vector<16xi32>
        %broadcast_in_dim3A_340 = vector.shape_cast %broadcast_in_dim3A_339 : vector<16xi32> to vector<16x1xi32>
        %gather3A_341 = vector.shape_cast %broadcast_in_dim3A_340 : vector<16x1xi32> to vector<16xi32>
        %gather3A_342 = tpu.dynamic_gather %get3A_333[%gather3A_341] in [0] : vector<16xf32>, vector<16xi32> -> vector<16xf32>
        %broadcast_in_dim3A_343 = arith.constant 2 : i32
        %broadcast_in_dim3A_344 = vector.broadcast %broadcast_in_dim3A_343 : i32 to vector<16xi32>
        %broadcast_in_dim3A_345 = vector.shape_cast %broadcast_in_dim3A_344 : vector<16xi32> to vector<16x1xi32>
        %gather3A_346 = vector.shape_cast %broadcast_in_dim3A_345 : vector<16x1xi32> to vector<16xi32>
        %gather3A_347 = tpu.dynamic_gather %get3A_333[%gather3A_346] in [0] : vector<16xf32>, vector<16xi32> -> vector<16xf32>
        %broadcast_in_dim3A_348 = arith.constant 3 : i32
        %broadcast_in_dim3A_349 = vector.broadcast %broadcast_in_dim3A_348 : i32 to vector<16xi32>
        %broadcast_in_dim3A_350 = vector.shape_cast %broadcast_in_dim3A_349 : vector<16xi32> to vector<16x1xi32>
        %gather3A_351 = vector.shape_cast %broadcast_in_dim3A_350 : vector<16x1xi32> to vector<16xi32>
        %gather3A_352 = tpu.dynamic_gather %get3A_333[%gather3A_351] in [0] : vector<16xf32>, vector<16xi32> -> vector<16xf32>
        %get3A_353 = arith.index_cast %scan3A_329 : i32 to index
        %get3A_354 = arith.constant 0 : index
        %get3A_355 = tpu.vector_load %arg14[%get3A_353, %get3A_354] {strides = array<i32>} : memref<40x128xf32, #tpu.memory_space<vmem>>, vector<16xf32>,
        %get3A_356 = arith.index_cast %scan3A_329 : i32 to index
        %get3A_357 = arith.constant 0 : index
        %get3A_358 = tpu.vector_load %arg15[%get3A_356, %get3A_357] {strides = array<i32>} : memref<40x128xf32, #tpu.memory_space<vmem>>, vector<16xf32>,
        %mul3A_359 = arith.mulf %gather3A_337, %get3A_21 : vector<16xf32>
        %mul3A_360 = arith.mulf %gather3A_342, %get3A_53 : vector<16xf32>
        %add3A_361 = arith.addf %mul3A_359, %mul3A_360 : vector<16xf32>
        %mul3A_362 = arith.mulf %gather3A_347, %get3A_85 : vector<16xf32>
        %add3A_363 = arith.addf %add3A_361, %mul3A_362 : vector<16xf32>
        %mul3A_364 = arith.mulf %gather3A_352, %get3A_117 : vector<16xf32>
        %add3A_365 = arith.addf %add3A_363, %mul3A_364 : vector<16xf32>
        %add3A_366 = arith.addf %get3A_355, %get3A_358 : vector<16xf32>
        %add3A_367 = arith.addf %add3A_366, %add3A_365 : vector<16xf32>
        %mul3A_368 = arith.constant 2.000000e-01 : f32
        %mul3A_369 = vector.broadcast %mul3A_368 : f32 to vector<16xf32>
        %mul3A_370 = arith.mulf %mul3A_369, %add3A_367 : vector<16xf32>
        %max3A = arith.maximumf %add3A_367, %mul3A_370 : vector<16xf32>
        %mul3A_371 = arith.mulf %max3A, %get3A_149 : vector<16xf32>
        %broadcast_in_dim3A_372 = arith.constant true
        %broadcast_in_dim3A_373 = vector.broadcast %broadcast_in_dim3A_372 : i1 to vector<16xi1>
        %masked_cumsum3A = tpu.scan <sum>, %mul3A_371 masked %broadcast_in_dim3A_373 : vector<16xf32>, vector<16xi1> -> vector<16xf32>
        %broadcast_in_dim3A_374 = arith.constant 15 : i32
        %broadcast_in_dim3A_375 = vector.broadcast %broadcast_in_dim3A_374 : i32 to vector<16xi32>
        %broadcast_in_dim3A_376 = vector.shape_cast %broadcast_in_dim3A_375 : vector<16xi32> to vector<16x1xi32>
        %gather3A_377 = vector.shape_cast %broadcast_in_dim3A_376 : vector<16x1xi32> to vector<16xi32>
        %gather3A_378 = tpu.dynamic_gather %masked_cumsum3A[%gather3A_377] in [0] : vector<16xf32>, vector<16xi32> -> vector<16xf32>
        %exp3A = math.exp %gather3A_378 : vector<16xf32>
        %mul3A_379 = arith.mulf %exp3A, %get3A_355 : vector<16xf32>
        %swap3A = arith.index_cast %scan3A_329 : i32 to index
        %swap3A_380 = arith.constant 0 : index
        %swap3A_381 = tpu.vector_load %arg22[%swap3A, %swap3A_380] {strides = array<i32>} : memref<40x128xf32, #tpu.memory_space<vmem>>, vector<16xf32>,
        tpu.vector_store %arg22[%swap3A, %swap3A_380], %mul3A_379 {strides = array<i32>} : memref<40x128xf32, #tpu.memory_space<vmem>>, vector<16xf32>,
        %eq3A_382 = arith.constant 0 : i32
        %eq3A_383 = vector.broadcast %eq3A_382 : i32 to vector<16xi32>
        %eq3A_384 = arith.cmpi eq, %iota3A, %eq3A_383 : vector<16xi32>
        %select_n3A_385 = arith.select %eq3A_384, %exp3A, %broadcast_in_dim3A_1 : vector<16xi1>, vector<16xf32>
        %get3A_386 = arith.index_cast %scan3A_329 : i32 to index
        %get3A_387 = arith.constant 16 : index
        %get3A_388 = tpu.vector_load %arg14[%get3A_386, %get3A_387] {strides = array<i32>} : memref<40x128xf32, #tpu.memory_space<vmem>>, vector<16xf32>,
        %get3A_389 = arith.index_cast %scan3A_329 : i32 to index
        %get3A_390 = arith.constant 16 : index
        %get3A_391 = tpu.vector_load %arg15[%get3A_389, %get3A_390] {strides = array<i32>} : memref<40x128xf32, #tpu.memory_space<vmem>>, vector<16xf32>,
        %mul3A_392 = arith.mulf %gather3A_337, %get3A_25 : vector<16xf32>
        %mul3A_393 = arith.mulf %gather3A_342, %get3A_57 : vector<16xf32>
        %add3A_394 = arith.addf %mul3A_392, %mul3A_393 : vector<16xf32>
        %mul3A_395 = arith.mulf %gather3A_347, %get3A_89 : vector<16xf32>
        %add3A_396 = arith.addf %add3A_394, %mul3A_395 : vector<16xf32>
        %mul3A_397 = arith.mulf %gather3A_352, %get3A_121 : vector<16xf32>
        %add3A_398 = arith.addf %add3A_396, %mul3A_397 : vector<16xf32>
        %add3A_399 = arith.addf %get3A_388, %get3A_391 : vector<16xf32>
        %add3A_400 = arith.addf %add3A_399, %add3A_398 : vector<16xf32>
        %mul3A_401 = arith.constant 2.000000e-01 : f32
        %mul3A_402 = vector.broadcast %mul3A_401 : f32 to vector<16xf32>
        %mul3A_403 = arith.mulf %mul3A_402, %add3A_400 : vector<16xf32>
        %max3A_404 = arith.maximumf %add3A_400, %mul3A_403 : vector<16xf32>
        %mul3A_405 = arith.mulf %max3A_404, %get3A_153 : vector<16xf32>
        %broadcast_in_dim3A_406 = arith.constant true
        %broadcast_in_dim3A_407 = vector.broadcast %broadcast_in_dim3A_406 : i1 to vector<16xi1>
        %masked_cumsum3A_408 = tpu.scan <sum>, %mul3A_405 masked %broadcast_in_dim3A_407 : vector<16xf32>, vector<16xi1> -> vector<16xf32>
        %broadcast_in_dim3A_409 = arith.constant 15 : i32
        %broadcast_in_dim3A_410 = vector.broadcast %broadcast_in_dim3A_409 : i32 to vector<16xi32>
        %broadcast_in_dim3A_411 = vector.shape_cast %broadcast_in_dim3A_410 : vector<16xi32> to vector<16x1xi32>
        %gather3A_412 = vector.shape_cast %broadcast_in_dim3A_411 : vector<16x1xi32> to vector<16xi32>
        %gather3A_413 = tpu.dynamic_gather %masked_cumsum3A_408[%gather3A_412] in [0] : vector<16xf32>, vector<16xi32> -> vector<16xf32>
        %exp3A_414 = math.exp %gather3A_413 : vector<16xf32>
        %mul3A_415 = arith.mulf %exp3A_414, %get3A_388 : vector<16xf32>
        %swap3A_416 = arith.index_cast %scan3A_329 : i32 to index
        %swap3A_417 = arith.constant 16 : index
        %swap3A_418 = tpu.vector_load %arg22[%swap3A_416, %swap3A_417] {strides = array<i32>} : memref<40x128xf32, #tpu.memory_space<vmem>>, vector<16xf32>,
        tpu.vector_store %arg22[%swap3A_416, %swap3A_417], %mul3A_415 {strides = array<i32>} : memref<40x128xf32, #tpu.memory_space<vmem>>, vector<16xf32>,
        %eq3A_419 = arith.constant 1 : i32
        %eq3A_420 = vector.broadcast %eq3A_419 : i32 to vector<16xi32>
        %eq3A_421 = arith.cmpi eq, %iota3A, %eq3A_420 : vector<16xi32>
        %select_n3A_422 = arith.select %eq3A_421, %exp3A_414, %select_n3A_385 : vector<16xi1>, vector<16xf32>
        %get3A_423 = arith.index_cast %scan3A_329 : i32 to index
        %get3A_424 = arith.constant 32 : index
        %get3A_425 = tpu.vector_load %arg14[%get3A_423, %get3A_424] {strides = array<i32>} : memref<40x128xf32, #tpu.memory_space<vmem>>, vector<16xf32>,
        %get3A_426 = arith.index_cast %scan3A_329 : i32 to index
        %get3A_427 = arith.constant 32 : index
        %get3A_428 = tpu.vector_load %arg15[%get3A_426, %get3A_427] {strides = array<i32>} : memref<40x128xf32, #tpu.memory_space<vmem>>, vector<16xf32>,
        %mul3A_429 = arith.mulf %gather3A_337, %get3A_29 : vector<16xf32>
        %mul3A_430 = arith.mulf %gather3A_342, %get3A_61 : vector<16xf32>
        %add3A_431 = arith.addf %mul3A_429, %mul3A_430 : vector<16xf32>
        %mul3A_432 = arith.mulf %gather3A_347, %get3A_93 : vector<16xf32>
        %add3A_433 = arith.addf %add3A_431, %mul3A_432 : vector<16xf32>
        %mul3A_434 = arith.mulf %gather3A_352, %get3A_125 : vector<16xf32>
        %add3A_435 = arith.addf %add3A_433, %mul3A_434 : vector<16xf32>
        %add3A_436 = arith.addf %get3A_425, %get3A_428 : vector<16xf32>
        %add3A_437 = arith.addf %add3A_436, %add3A_435 : vector<16xf32>
        %mul3A_438 = arith.constant 2.000000e-01 : f32
        %mul3A_439 = vector.broadcast %mul3A_438 : f32 to vector<16xf32>
        %mul3A_440 = arith.mulf %mul3A_439, %add3A_437 : vector<16xf32>
        %max3A_441 = arith.maximumf %add3A_437, %mul3A_440 : vector<16xf32>
        %mul3A_442 = arith.mulf %max3A_441, %get3A_157 : vector<16xf32>
        %broadcast_in_dim3A_443 = arith.constant true
        %broadcast_in_dim3A_444 = vector.broadcast %broadcast_in_dim3A_443 : i1 to vector<16xi1>
        %masked_cumsum3A_445 = tpu.scan <sum>, %mul3A_442 masked %broadcast_in_dim3A_444 : vector<16xf32>, vector<16xi1> -> vector<16xf32>
        %broadcast_in_dim3A_446 = arith.constant 15 : i32
        %broadcast_in_dim3A_447 = vector.broadcast %broadcast_in_dim3A_446 : i32 to vector<16xi32>
        %broadcast_in_dim3A_448 = vector.shape_cast %broadcast_in_dim3A_447 : vector<16xi32> to vector<16x1xi32>
        %gather3A_449 = vector.shape_cast %broadcast_in_dim3A_448 : vector<16x1xi32> to vector<16xi32>
        %gather3A_450 = tpu.dynamic_gather %masked_cumsum3A_445[%gather3A_449] in [0] : vector<16xf32>, vector<16xi32> -> vector<16xf32>
        %exp3A_451 = math.exp %gather3A_450 : vector<16xf32>
        %mul3A_452 = arith.mulf %exp3A_451, %get3A_425 : vector<16xf32>
        %swap3A_453 = arith.index_cast %scan3A_329 : i32 to index
        %swap3A_454 = arith.constant 32 : index
        %swap3A_455 = tpu.vector_load %arg22[%swap3A_453, %swap3A_454] {strides = array<i32>} : memref<40x128xf32, #tpu.memory_space<vmem>>, vector<16xf32>,
        tpu.vector_store %arg22[%swap3A_453, %swap3A_454], %mul3A_452 {strides = array<i32>} : memref<40x128xf32, #tpu.memory_space<vmem>>, vector<16xf32>,
        %eq3A_456 = arith.constant 2 : i32
        %eq3A_457 = vector.broadcast %eq3A_456 : i32 to vector<16xi32>
        %eq3A_458 = arith.cmpi eq, %iota3A, %eq3A_457 : vector<16xi32>
        %select_n3A_459 = arith.select %eq3A_458, %exp3A_451, %select_n3A_422 : vector<16xi1>, vector<16xf32>
        %get3A_460 = arith.index_cast %scan3A_329 : i32 to index
        %get3A_461 = arith.constant 48 : index
        %get3A_462 = tpu.vector_load %arg14[%get3A_460, %get3A_461] {strides = array<i32>} : memref<40x128xf32, #tpu.memory_space<vmem>>, vector<16xf32>,
        %get3A_463 = arith.index_cast %scan3A_329 : i32 to index
        %get3A_464 = arith.constant 48 : index
        %get3A_465 = tpu.vector_load %arg15[%get3A_463, %get3A_464] {strides = array<i32>} : memref<40x128xf32, #tpu.memory_space<vmem>>, vector<16xf32>,
        %mul3A_466 = arith.mulf %gather3A_337, %get3A_33 : vector<16xf32>
        %mul3A_467 = arith.mulf %gather3A_342, %get3A_65 : vector<16xf32>
        %add3A_468 = arith.addf %mul3A_466, %mul3A_467 : vector<16xf32>
        %mul3A_469 = arith.mulf %gather3A_347, %get3A_97 : vector<16xf32>
        %add3A_470 = arith.addf %add3A_468, %mul3A_469 : vector<16xf32>
        %mul3A_471 = arith.mulf %gather3A_352, %get3A_129 : vector<16xf32>
        %add3A_472 = arith.addf %add3A_470, %mul3A_471 : vector<16xf32>
        %add3A_473 = arith.addf %get3A_462, %get3A_465 : vector<16xf32>
        %add3A_474 = arith.addf %add3A_473, %add3A_472 : vector<16xf32>
        %mul3A_475 = arith.constant 2.000000e-01 : f32
        %mul3A_476 = vector.broadcast %mul3A_475 : f32 to vector<16xf32>
        %mul3A_477 = arith.mulf %mul3A_476, %add3A_474 : vector<16xf32>
        %max3A_478 = arith.maximumf %add3A_474, %mul3A_477 : vector<16xf32>
        %mul3A_479 = arith.mulf %max3A_478, %get3A_161 : vector<16xf32>
        %broadcast_in_dim3A_480 = arith.constant true
        %broadcast_in_dim3A_481 = vector.broadcast %broadcast_in_dim3A_480 : i1 to vector<16xi1>
        %masked_cumsum3A_482 = tpu.scan <sum>, %mul3A_479 masked %broadcast_in_dim3A_481 : vector<16xf32>, vector<16xi1> -> vector<16xf32>
        %broadcast_in_dim3A_483 = arith.constant 15 : i32
        %broadcast_in_dim3A_484 = vector.broadcast %broadcast_in_dim3A_483 : i32 to vector<16xi32>
        %broadcast_in_dim3A_485 = vector.shape_cast %broadcast_in_dim3A_484 : vector<16xi32> to vector<16x1xi32>
        %gather3A_486 = vector.shape_cast %broadcast_in_dim3A_485 : vector<16x1xi32> to vector<16xi32>
        %gather3A_487 = tpu.dynamic_gather %masked_cumsum3A_482[%gather3A_486] in [0] : vector<16xf32>, vector<16xi32> -> vector<16xf32>
        %exp3A_488 = math.exp %gather3A_487 : vector<16xf32>
        %mul3A_489 = arith.mulf %exp3A_488, %get3A_462 : vector<16xf32>
        %swap3A_490 = arith.index_cast %scan3A_329 : i32 to index
        %swap3A_491 = arith.constant 48 : index
        %swap3A_492 = tpu.vector_load %arg22[%swap3A_490, %swap3A_491] {strides = array<i32>} : memref<40x128xf32, #tpu.memory_space<vmem>>, vector<16xf32>,
        tpu.vector_store %arg22[%swap3A_490, %swap3A_491], %mul3A_489 {strides = array<i32>} : memref<40x128xf32, #tpu.memory_space<vmem>>, vector<16xf32>,
        %eq3A_493 = arith.constant 3 : i32
        %eq3A_494 = vector.broadcast %eq3A_493 : i32 to vector<16xi32>
        %eq3A_495 = arith.cmpi eq, %iota3A, %eq3A_494 : vector<16xi32>
        %select_n3A_496 = arith.select %eq3A_495, %exp3A_488, %select_n3A_459 : vector<16xi1>, vector<16xf32>
        %get3A_497 = arith.index_cast %scan3A_329 : i32 to index
        %get3A_498 = arith.constant 64 : index
        %get3A_499 = tpu.vector_load %arg14[%get3A_497, %get3A_498] {strides = array<i32>} : memref<40x128xf32, #tpu.memory_space<vmem>>, vector<16xf32>,
        %get3A_500 = arith.index_cast %scan3A_329 : i32 to index
        %get3A_501 = arith.constant 64 : index
        %get3A_502 = tpu.vector_load %arg15[%get3A_500, %get3A_501] {strides = array<i32>} : memref<40x128xf32, #tpu.memory_space<vmem>>, vector<16xf32>,
        %mul3A_503 = arith.mulf %gather3A_337, %get3A_37 : vector<16xf32>
        %mul3A_504 = arith.mulf %gather3A_342, %get3A_69 : vector<16xf32>
        %add3A_505 = arith.addf %mul3A_503, %mul3A_504 : vector<16xf32>
        %mul3A_506 = arith.mulf %gather3A_347, %get3A_101 : vector<16xf32>
        %add3A_507 = arith.addf %add3A_505, %mul3A_506 : vector<16xf32>
        %mul3A_508 = arith.mulf %gather3A_352, %get3A_133 : vector<16xf32>
        %add3A_509 = arith.addf %add3A_507, %mul3A_508 : vector<16xf32>
        %add3A_510 = arith.addf %get3A_499, %get3A_502 : vector<16xf32>
        %add3A_511 = arith.addf %add3A_510, %add3A_509 : vector<16xf32>
        %mul3A_512 = arith.constant 2.000000e-01 : f32
        %mul3A_513 = vector.broadcast %mul3A_512 : f32 to vector<16xf32>
        %mul3A_514 = arith.mulf %mul3A_513, %add3A_511 : vector<16xf32>
        %max3A_515 = arith.maximumf %add3A_511, %mul3A_514 : vector<16xf32>
        %mul3A_516 = arith.mulf %max3A_515, %get3A_165 : vector<16xf32>
        %broadcast_in_dim3A_517 = arith.constant true
        %broadcast_in_dim3A_518 = vector.broadcast %broadcast_in_dim3A_517 : i1 to vector<16xi1>
        %masked_cumsum3A_519 = tpu.scan <sum>, %mul3A_516 masked %broadcast_in_dim3A_518 : vector<16xf32>, vector<16xi1> -> vector<16xf32>
        %broadcast_in_dim3A_520 = arith.constant 15 : i32
        %broadcast_in_dim3A_521 = vector.broadcast %broadcast_in_dim3A_520 : i32 to vector<16xi32>
        %broadcast_in_dim3A_522 = vector.shape_cast %broadcast_in_dim3A_521 : vector<16xi32> to vector<16x1xi32>
        %gather3A_523 = vector.shape_cast %broadcast_in_dim3A_522 : vector<16x1xi32> to vector<16xi32>
        %gather3A_524 = tpu.dynamic_gather %masked_cumsum3A_519[%gather3A_523] in [0] : vector<16xf32>, vector<16xi32> -> vector<16xf32>
        %exp3A_525 = math.exp %gather3A_524 : vector<16xf32>
        %mul3A_526 = arith.mulf %exp3A_525, %get3A_499 : vector<16xf32>
        %swap3A_527 = arith.index_cast %scan3A_329 : i32 to index
        %swap3A_528 = arith.constant 64 : index
        %swap3A_529 = tpu.vector_load %arg22[%swap3A_527, %swap3A_528] {strides = array<i32>} : memref<40x128xf32, #tpu.memory_space<vmem>>, vector<16xf32>,
        tpu.vector_store %arg22[%swap3A_527, %swap3A_528], %mul3A_526 {strides = array<i32>} : memref<40x128xf32, #tpu.memory_space<vmem>>, vector<16xf32>,
        %eq3A_530 = arith.constant 4 : i32
        %eq3A_531 = vector.broadcast %eq3A_530 : i32 to vector<16xi32>
        %eq3A_532 = arith.cmpi eq, %iota3A, %eq3A_531 : vector<16xi32>
        %select_n3A_533 = arith.select %eq3A_532, %exp3A_525, %select_n3A_496 : vector<16xi1>, vector<16xf32>
        %get3A_534 = arith.index_cast %scan3A_329 : i32 to index
        %get3A_535 = arith.constant 80 : index
        %get3A_536 = tpu.vector_load %arg14[%get3A_534, %get3A_535] {strides = array<i32>} : memref<40x128xf32, #tpu.memory_space<vmem>>, vector<16xf32>,
        %get3A_537 = arith.index_cast %scan3A_329 : i32 to index
        %get3A_538 = arith.constant 80 : index
        %get3A_539 = tpu.vector_load %arg15[%get3A_537, %get3A_538] {strides = array<i32>} : memref<40x128xf32, #tpu.memory_space<vmem>>, vector<16xf32>,
        %mul3A_540 = arith.mulf %gather3A_337, %get3A_41 : vector<16xf32>
        %mul3A_541 = arith.mulf %gather3A_342, %get3A_73 : vector<16xf32>
        %add3A_542 = arith.addf %mul3A_540, %mul3A_541 : vector<16xf32>
        %mul3A_543 = arith.mulf %gather3A_347, %get3A_105 : vector<16xf32>
        %add3A_544 = arith.addf %add3A_542, %mul3A_543 : vector<16xf32>
        %mul3A_545 = arith.mulf %gather3A_352, %get3A_137 : vector<16xf32>
        %add3A_546 = arith.addf %add3A_544, %mul3A_545 : vector<16xf32>
        %add3A_547 = arith.addf %get3A_536, %get3A_539 : vector<16xf32>
        %add3A_548 = arith.addf %add3A_547, %add3A_546 : vector<16xf32>
        %mul3A_549 = arith.constant 2.000000e-01 : f32
        %mul3A_550 = vector.broadcast %mul3A_549 : f32 to vector<16xf32>
        %mul3A_551 = arith.mulf %mul3A_550, %add3A_548 : vector<16xf32>
        %max3A_552 = arith.maximumf %add3A_548, %mul3A_551 : vector<16xf32>
        %mul3A_553 = arith.mulf %max3A_552, %get3A_169 : vector<16xf32>
        %broadcast_in_dim3A_554 = arith.constant true
        %broadcast_in_dim3A_555 = vector.broadcast %broadcast_in_dim3A_554 : i1 to vector<16xi1>
        %masked_cumsum3A_556 = tpu.scan <sum>, %mul3A_553 masked %broadcast_in_dim3A_555 : vector<16xf32>, vector<16xi1> -> vector<16xf32>
        %broadcast_in_dim3A_557 = arith.constant 15 : i32
        %broadcast_in_dim3A_558 = vector.broadcast %broadcast_in_dim3A_557 : i32 to vector<16xi32>
        %broadcast_in_dim3A_559 = vector.shape_cast %broadcast_in_dim3A_558 : vector<16xi32> to vector<16x1xi32>
        %gather3A_560 = vector.shape_cast %broadcast_in_dim3A_559 : vector<16x1xi32> to vector<16xi32>
        %gather3A_561 = tpu.dynamic_gather %masked_cumsum3A_556[%gather3A_560] in [0] : vector<16xf32>, vector<16xi32> -> vector<16xf32>
        %exp3A_562 = math.exp %gather3A_561 : vector<16xf32>
        %mul3A_563 = arith.mulf %exp3A_562, %get3A_536 : vector<16xf32>
        %swap3A_564 = arith.index_cast %scan3A_329 : i32 to index
        %swap3A_565 = arith.constant 80 : index
        %swap3A_566 = tpu.vector_load %arg22[%swap3A_564, %swap3A_565] {strides = array<i32>} : memref<40x128xf32, #tpu.memory_space<vmem>>, vector<16xf32>,
        tpu.vector_store %arg22[%swap3A_564, %swap3A_565], %mul3A_563 {strides = array<i32>} : memref<40x128xf32, #tpu.memory_space<vmem>>, vector<16xf32>,
        %eq3A_567 = arith.constant 5 : i32
        %eq3A_568 = vector.broadcast %eq3A_567 : i32 to vector<16xi32>
        %eq3A_569 = arith.cmpi eq, %iota3A, %eq3A_568 : vector<16xi32>
        %select_n3A_570 = arith.select %eq3A_569, %exp3A_562, %select_n3A_533 : vector<16xi1>, vector<16xf32>
        %get3A_571 = arith.index_cast %scan3A_329 : i32 to index
        %get3A_572 = arith.constant 96 : index
        %get3A_573 = tpu.vector_load %arg14[%get3A_571, %get3A_572] {strides = array<i32>} : memref<40x128xf32, #tpu.memory_space<vmem>>, vector<16xf32>,
        %get3A_574 = arith.index_cast %scan3A_329 : i32 to index
        %get3A_575 = arith.constant 96 : index
        %get3A_576 = tpu.vector_load %arg15[%get3A_574, %get3A_575] {strides = array<i32>} : memref<40x128xf32, #tpu.memory_space<vmem>>, vector<16xf32>,
        %mul3A_577 = arith.mulf %gather3A_337, %get3A_45 : vector<16xf32>
        %mul3A_578 = arith.mulf %gather3A_342, %get3A_77 : vector<16xf32>
        %add3A_579 = arith.addf %mul3A_577, %mul3A_578 : vector<16xf32>
        %mul3A_580 = arith.mulf %gather3A_347, %get3A_109 : vector<16xf32>
        %add3A_581 = arith.addf %add3A_579, %mul3A_580 : vector<16xf32>
        %mul3A_582 = arith.mulf %gather3A_352, %get3A_141 : vector<16xf32>
        %add3A_583 = arith.addf %add3A_581, %mul3A_582 : vector<16xf32>
        %add3A_584 = arith.addf %get3A_573, %get3A_576 : vector<16xf32>
        %add3A_585 = arith.addf %add3A_584, %add3A_583 : vector<16xf32>
        %mul3A_586 = arith.constant 2.000000e-01 : f32
        %mul3A_587 = vector.broadcast %mul3A_586 : f32 to vector<16xf32>
        %mul3A_588 = arith.mulf %mul3A_587, %add3A_585 : vector<16xf32>
        %max3A_589 = arith.maximumf %add3A_585, %mul3A_588 : vector<16xf32>
        %mul3A_590 = arith.mulf %max3A_589, %get3A_173 : vector<16xf32>
        %broadcast_in_dim3A_591 = arith.constant true
        %broadcast_in_dim3A_592 = vector.broadcast %broadcast_in_dim3A_591 : i1 to vector<16xi1>
        %masked_cumsum3A_593 = tpu.scan <sum>, %mul3A_590 masked %broadcast_in_dim3A_592 : vector<16xf32>, vector<16xi1> -> vector<16xf32>
        %broadcast_in_dim3A_594 = arith.constant 15 : i32
        %broadcast_in_dim3A_595 = vector.broadcast %broadcast_in_dim3A_594 : i32 to vector<16xi32>
        %broadcast_in_dim3A_596 = vector.shape_cast %broadcast_in_dim3A_595 : vector<16xi32> to vector<16x1xi32>
        %gather3A_597 = vector.shape_cast %broadcast_in_dim3A_596 : vector<16x1xi32> to vector<16xi32>
        %gather3A_598 = tpu.dynamic_gather %masked_cumsum3A_593[%gather3A_597] in [0] : vector<16xf32>, vector<16xi32> -> vector<16xf32>
        %exp3A_599 = math.exp %gather3A_598 : vector<16xf32>
        %mul3A_600 = arith.mulf %exp3A_599, %get3A_573 : vector<16xf32>
        %swap3A_601 = arith.index_cast %scan3A_329 : i32 to index
        %swap3A_602 = arith.constant 96 : index
        %swap3A_603 = tpu.vector_load %arg22[%swap3A_601, %swap3A_602] {strides = array<i32>} : memref<40x128xf32, #tpu.memory_space<vmem>>, vector<16xf32>,
        tpu.vector_store %arg22[%swap3A_601, %swap3A_602], %mul3A_600 {strides = array<i32>} : memref<40x128xf32, #tpu.memory_space<vmem>>, vector<16xf32>,
        %eq3A_604 = arith.constant 6 : i32
        %eq3A_605 = vector.broadcast %eq3A_604 : i32 to vector<16xi32>
        %eq3A_606 = arith.cmpi eq, %iota3A, %eq3A_605 : vector<16xi32>
        %select_n3A_607 = arith.select %eq3A_606, %exp3A_599, %select_n3A_570 : vector<16xi1>, vector<16xf32>
        %get3A_608 = arith.index_cast %scan3A_329 : i32 to index
        %get3A_609 = arith.constant 112 : index
        %get3A_610 = tpu.vector_load %arg14[%get3A_608, %get3A_609] {strides = array<i32>} : memref<40x128xf32, #tpu.memory_space<vmem>>, vector<16xf32>,
        %get3A_611 = arith.index_cast %scan3A_329 : i32 to index
        %get3A_612 = arith.constant 112 : index
        %get3A_613 = tpu.vector_load %arg15[%get3A_611, %get3A_612] {strides = array<i32>} : memref<40x128xf32, #tpu.memory_space<vmem>>, vector<16xf32>,
        %mul3A_614 = arith.mulf %gather3A_337, %get3A_49 : vector<16xf32>
        %mul3A_615 = arith.mulf %gather3A_342, %get3A_81 : vector<16xf32>
        %add3A_616 = arith.addf %mul3A_614, %mul3A_615 : vector<16xf32>
        %mul3A_617 = arith.mulf %gather3A_347, %get3A_113 : vector<16xf32>
        %add3A_618 = arith.addf %add3A_616, %mul3A_617 : vector<16xf32>
        %mul3A_619 = arith.mulf %gather3A_352, %get3A_145 : vector<16xf32>
        %add3A_620 = arith.addf %add3A_618, %mul3A_619 : vector<16xf32>
        %add3A_621 = arith.addf %get3A_610, %get3A_613 : vector<16xf32>
        %add3A_622 = arith.addf %add3A_621, %add3A_620 : vector<16xf32>
        %mul3A_623 = arith.constant 2.000000e-01 : f32
        %mul3A_624 = vector.broadcast %mul3A_623 : f32 to vector<16xf32>
        %mul3A_625 = arith.mulf %mul3A_624, %add3A_622 : vector<16xf32>
        %max3A_626 = arith.maximumf %add3A_622, %mul3A_625 : vector<16xf32>
        %mul3A_627 = arith.mulf %max3A_626, %get3A_177 : vector<16xf32>
        %broadcast_in_dim3A_628 = arith.constant true
        %broadcast_in_dim3A_629 = vector.broadcast %broadcast_in_dim3A_628 : i1 to vector<16xi1>
        %masked_cumsum3A_630 = tpu.scan <sum>, %mul3A_627 masked %broadcast_in_dim3A_629 : vector<16xf32>, vector<16xi1> -> vector<16xf32>
        %broadcast_in_dim3A_631 = arith.constant 15 : i32
        %broadcast_in_dim3A_632 = vector.broadcast %broadcast_in_dim3A_631 : i32 to vector<16xi32>
        %broadcast_in_dim3A_633 = vector.shape_cast %broadcast_in_dim3A_632 : vector<16xi32> to vector<16x1xi32>
        %gather3A_634 = vector.shape_cast %broadcast_in_dim3A_633 : vector<16x1xi32> to vector<16xi32>
        %gather3A_635 = tpu.dynamic_gather %masked_cumsum3A_630[%gather3A_634] in [0] : vector<16xf32>, vector<16xi32> -> vector<16xf32>
        %exp3A_636 = math.exp %gather3A_635 : vector<16xf32>
        %mul3A_637 = arith.mulf %exp3A_636, %get3A_610 : vector<16xf32>
        %swap3A_638 = arith.index_cast %scan3A_329 : i32 to index
        %swap3A_639 = arith.constant 112 : index
        %swap3A_640 = tpu.vector_load %arg22[%swap3A_638, %swap3A_639] {strides = array<i32>} : memref<40x128xf32, #tpu.memory_space<vmem>>, vector<16xf32>,
        tpu.vector_store %arg22[%swap3A_638, %swap3A_639], %mul3A_637 {strides = array<i32>} : memref<40x128xf32, #tpu.memory_space<vmem>>, vector<16xf32>,
        %eq3A_641 = arith.constant 7 : i32
        %eq3A_642 = vector.broadcast %eq3A_641 : i32 to vector<16xi32>
        %eq3A_643 = arith.cmpi eq, %iota3A, %eq3A_642 : vector<16xi32>
        %select_n3A_644 = arith.select %eq3A_643, %exp3A_636, %select_n3A_607 : vector<16xi1>, vector<16xf32>
        %swap3A_645 = arith.index_cast %scan3A_329 : i32 to index
        %swap3A_646 = arith.constant 0 : index
        %swap3A_647 = tpu.vector_load %arg23[%swap3A_645, %swap3A_646] {strides = array<i32>} : memref<40x16xf32, #tpu.memory_space<vmem>>, vector<16xf32>,
        tpu.vector_store %arg23[%swap3A_645, %swap3A_646], %select_n3A_644 {strides = array<i32>} : memref<40x16xf32, #tpu.memory_space<vmem>>, vector<16xf32>,
        %scan3A_648 = arith.constant 0 : i32
        scf.yield %scan3A_648 : i32
      }
      %scan3A_274 = arith.constant 40 : i32
      "tpu.region"() ({
        %run_scoped3A = tpu.sem_alloc : memref<!tpu.dma_semaphore, #tpu.memory_space<semaphore_mem>>
        %dma_start3A_329 = arith.constant 0 : i32
        %dma_start3A_330 = arith.constant 0 : i32
        %dma_start3A_331 = tpu.memref_slice %arg11[%dma_start3A_329, %dma_start3A_330] : memref<10000x128xf32, #tpu.memory_space<vmem_shared>> -> memref<10000x128xf32, #tpu.memory_space<vmem_shared>>
        tpu.enqueue_indirect_dma source(%arg22 : memref<40x128xf32, #tpu.memory_space<vmem>>) target(%dma_start3A_331 : memref<10000x128xf32, #tpu.memory_space<vmem_shared>>) offsets(%arg13 : memref<40xi32, #tpu.memory_space<vmem>>) semaphore(%run_scoped3A : memref<!tpu.dma_semaphore, #tpu.memory_space<semaphore_mem>>) {add = true}
        %dma_wait3A_332 = arith.constant 0 : i32
        %dma_wait3A_333 = arith.constant 0 : i32
        %dma_wait3A_334 = tpu.memref_slice %arg11[%dma_wait3A_332, %dma_wait3A_333] : memref<10000x128xf32, #tpu.memory_space<vmem_shared>> -> memref<10000x128xf32, #tpu.memory_space<vmem_shared>>
        tpu.wait_indirect_dma semaphore(%run_scoped3A : memref<!tpu.dma_semaphore, #tpu.memory_space<semaphore_mem>>) src(%arg22 : memref<40x128xf32, #tpu.memory_space<vmem>>) dst(%dma_wait3A_334 : memref<10000x128xf32, #tpu.memory_space<vmem_shared>>)
        tpu.yield
      }) : () -> ()
      "tpu.region"() ({
        %run_scoped3A = tpu.sem_alloc : memref<!tpu.dma_semaphore, #tpu.memory_space<semaphore_mem>>
        %dma_start3A_329 = arith.constant 0 : i32
        %dma_start3A_330 = tpu.memref_slice %arg10[%mul3A_267, %dma_start3A_329] : memref<320000x16xf32, #tpu.memory_space<hbm>> -> memref<40x16xf32, #tpu.memory_space<hbm>>
        %dma_start3A_331 = arith.constant 0 : i32
        %dma_start3A_332 = tpu.memref_slice %arg10[%mul3A_267, %dma_start3A_331] : memref<320000x16xf32, #tpu.memory_space<hbm>> -> memref<40x16xf32, #tpu.memory_space<hbm>>
        tpu.enqueue_dma source(%arg23 : memref<40x16xf32, #tpu.memory_space<vmem>>) target(%dma_start3A_332 : memref<40x16xf32, #tpu.memory_space<hbm>>) target_semaphore(%run_scoped3A : memref<!tpu.dma_semaphore, #tpu.memory_space<semaphore_mem>>)
        %dma_wait3A_333 = arith.constant 0 : i32
        %dma_wait3A_334 = tpu.memref_slice %arg10[%mul3A_267, %dma_wait3A_333] : memref<320000x16xf32, #tpu.memory_space<hbm>> -> memref<40x16xf32, #tpu.memory_space<hbm>>
        %dma_wait3A_335 = arith.constant 0 : i32
        %dma_wait3A_336 = tpu.memref_slice %arg10[%mul3A_267, %dma_wait3A_335] : memref<320000x16xf32, #tpu.memory_space<hbm>> -> memref<40x16xf32, #tpu.memory_space<hbm>>
        tpu.wait_dma2 semaphore(%run_scoped3A : memref<!tpu.dma_semaphore, #tpu.memory_space<semaphore_mem>>) src(%arg23 : memref<40x16xf32, #tpu.memory_space<vmem>>) dst(%dma_wait3A_336 : memref<40x16xf32, #tpu.memory_space<hbm>>)
        tpu.yield
      }) : () -> ()
      %mul3A_275 = arith.constant 2 : i32
      %mul3A_276 = arith.muli %mul3A_275, %scan3A_222 : i32
      %add3A_277 = arith.constant 2 : i32
      %add3A_278 = arith.addi %mul3A_276, %add3A_277 : i32
      %jit3A_279 = arith.constant 250 : i32
      %eq3A_280 = arith.constant 0 : i32
      %eq3A_281 = arith.cmpi eq, %jit3A_279, %eq3A_280 : i32
      %jit3A_282 = arith.constant 1 : i32
      %select_n3A_283 = arith.select %eq3A_281, %jit3A_282, %jit3A_279 : i32
      %rem3A_284 = arith.remsi %add3A_278, %select_n3A_283 : i32
      %ne3A_285 = arith.constant 0 : i32
      %ne3A_286 = arith.cmpi ne, %rem3A_284, %ne3A_285 : i32
      %lt3A_287 = arith.constant 0 : i32
      %lt3A_288 = arith.cmpi slt, %rem3A_284, %lt3A_287 : i32
      %lt3A_289 = arith.constant 0 : i32
      %lt3A_290 = arith.cmpi slt, %select_n3A_283, %lt3A_289 : i32
      %ne3A_291 = arith.xori %lt3A_288, %lt3A_290 : i1
      %and3A_292 = arith.andi %ne3A_291, %ne3A_286 : i1
      %add3A_293 = arith.addi %rem3A_284, %select_n3A_283 : i32
      %select_n3A_294 = arith.select %and3A_292, %add3A_293, %rem3A_284 : i32
      %mul3A_295 = arith.constant 32 : i32
      %mul3A_296 = arith.muli %select_n3A_294, %mul3A_295 : i32
      %add3A_297 = arith.addi %add3A, %mul3A_296 : i32
      %mul3A_298 = arith.constant 40 : i32
      %mul3A_299 = arith.muli %add3A_297, %mul3A_298 : i32
      "tpu.region"() ({
        %run_scoped3A = tpu.sem_alloc : memref<!tpu.dma_semaphore, #tpu.memory_space<semaphore_mem>>
        %dma_start3A_329 = tpu.memref_slice %arg4[%mul3A_299] : memref<320000xi32, #tpu.memory_space<hbm>> -> memref<40xi32, #tpu.memory_space<hbm>>
        %dma_start3A_330 = tpu.memref_slice %arg4[%mul3A_299] : memref<320000xi32, #tpu.memory_space<hbm>> -> memref<40xi32, #tpu.memory_space<hbm>>
        tpu.enqueue_dma source(%dma_start3A_330 : memref<40xi32, #tpu.memory_space<hbm>>) target(%arg12 : memref<40xi32, #tpu.memory_space<vmem>>) target_semaphore(%run_scoped3A : memref<!tpu.dma_semaphore, #tpu.memory_space<semaphore_mem>>)
        %dma_wait3A_331 = tpu.memref_slice %arg4[%mul3A_299] : memref<320000xi32, #tpu.memory_space<hbm>> -> memref<40xi32, #tpu.memory_space<hbm>>
        %dma_wait3A_332 = tpu.memref_slice %arg4[%mul3A_299] : memref<320000xi32, #tpu.memory_space<hbm>> -> memref<40xi32, #tpu.memory_space<hbm>>
        tpu.wait_dma2 semaphore(%run_scoped3A : memref<!tpu.dma_semaphore, #tpu.memory_space<semaphore_mem>>) src(%dma_wait3A_332 : memref<40xi32, #tpu.memory_space<hbm>>) dst(%arg12 : memref<40xi32, #tpu.memory_space<vmem>>)
        tpu.yield
      }) : () -> ()
      "tpu.region"() ({
        %run_scoped3A = tpu.sem_alloc : memref<!tpu.dma_semaphore, #tpu.memory_space<semaphore_mem>>
        %dma_start3A_329 = tpu.memref_slice %arg5[%mul3A_299] : memref<320000xi32, #tpu.memory_space<hbm>> -> memref<40xi32, #tpu.memory_space<hbm>>
        %dma_start3A_330 = tpu.memref_slice %arg5[%mul3A_299] : memref<320000xi32, #tpu.memory_space<hbm>> -> memref<40xi32, #tpu.memory_space<hbm>>
        tpu.enqueue_dma source(%dma_start3A_330 : memref<40xi32, #tpu.memory_space<hbm>>) target(%arg13 : memref<40xi32, #tpu.memory_space<vmem>>) target_semaphore(%run_scoped3A : memref<!tpu.dma_semaphore, #tpu.memory_space<semaphore_mem>>)
        %dma_wait3A_331 = tpu.memref_slice %arg5[%mul3A_299] : memref<320000xi32, #tpu.memory_space<hbm>> -> memref<40xi32, #tpu.memory_space<hbm>>
        %dma_wait3A_332 = tpu.memref_slice %arg5[%mul3A_299] : memref<320000xi32, #tpu.memory_space<hbm>> -> memref<40xi32, #tpu.memory_space<hbm>>
        tpu.wait_dma2 semaphore(%run_scoped3A : memref<!tpu.dma_semaphore, #tpu.memory_space<semaphore_mem>>) src(%dma_wait3A_332 : memref<40xi32, #tpu.memory_space<hbm>>) dst(%arg13 : memref<40xi32, #tpu.memory_space<vmem>>)
        tpu.yield
      }) : () -> ()
      %dma_start3A_300 = arith.constant 0 : i32
      %dma_start3A_301 = arith.constant 0 : i32
      %dma_start3A_302 = tpu.memref_slice %arg2[%dma_start3A_300, %dma_start3A_301] : memref<10000x128xf32, #tpu.memory_space<hbm>> -> memref<10000x128xf32, #tpu.memory_space<hbm>>
      tpu.enqueue_indirect_dma source(%dma_start3A_302 : memref<10000x128xf32, #tpu.memory_space<hbm>>) target(%arg14 : memref<40x128xf32, #tpu.memory_space<vmem>>) offsets(%arg12 : memref<40xi32, #tpu.memory_space<vmem>>) semaphore(%arg26 : memref<!tpu.dma_semaphore, #tpu.memory_space<semaphore_mem>>)
      %dma_start3A_303 = arith.constant 0 : i32
      %dma_start3A_304 = arith.constant 0 : i32
      %dma_start3A_305 = tpu.memref_slice %arg3[%dma_start3A_303, %dma_start3A_304] : memref<10000x128xf32, #tpu.memory_space<hbm>> -> memref<10000x128xf32, #tpu.memory_space<hbm>>
      tpu.enqueue_indirect_dma source(%dma_start3A_305 : memref<10000x128xf32, #tpu.memory_space<hbm>>) target(%arg15 : memref<40x128xf32, #tpu.memory_space<vmem>>) offsets(%arg13 : memref<40xi32, #tpu.memory_space<vmem>>) semaphore(%arg27 : memref<!tpu.dma_semaphore, #tpu.memory_space<semaphore_mem>>)
      "tpu.region"() ({
        %run_scoped3A = tpu.sem_alloc : memref<!tpu.dma_semaphore, #tpu.memory_space<semaphore_mem>>
        %dma_start3A_329 = arith.constant 0 : i32
        %dma_start3A_330 = tpu.memref_slice %arg6[%mul3A_299, %dma_start3A_329] : memref<320000x16xf32, #tpu.memory_space<hbm>> -> memref<40x16xf32, #tpu.memory_space<hbm>>
        %dma_start3A_331 = arith.constant 0 : i32
        %dma_start3A_332 = tpu.memref_slice %arg6[%mul3A_299, %dma_start3A_331] : memref<320000x16xf32, #tpu.memory_space<hbm>> -> memref<40x16xf32, #tpu.memory_space<hbm>>
        tpu.enqueue_dma source(%dma_start3A_332 : memref<40x16xf32, #tpu.memory_space<hbm>>) target(%arg16 : memref<40x16xf32, #tpu.memory_space<vmem>>) target_semaphore(%run_scoped3A : memref<!tpu.dma_semaphore, #tpu.memory_space<semaphore_mem>>)
        %dma_wait3A_333 = arith.constant 0 : i32
        %dma_wait3A_334 = tpu.memref_slice %arg6[%mul3A_299, %dma_wait3A_333] : memref<320000x16xf32, #tpu.memory_space<hbm>> -> memref<40x16xf32, #tpu.memory_space<hbm>>
        %dma_wait3A_335 = arith.constant 0 : i32
        %dma_wait3A_336 = tpu.memref_slice %arg6[%mul3A_299, %dma_wait3A_335] : memref<320000x16xf32, #tpu.memory_space<hbm>> -> memref<40x16xf32, #tpu.memory_space<hbm>>
        tpu.wait_dma2 semaphore(%run_scoped3A : memref<!tpu.dma_semaphore, #tpu.memory_space<semaphore_mem>>) src(%dma_wait3A_336 : memref<40x16xf32, #tpu.memory_space<hbm>>) dst(%arg16 : memref<40x16xf32, #tpu.memory_space<vmem>>)
        tpu.yield
      }) : () -> ()
      %mul3A_306 = arith.constant 2 : i32
      %mul3A_307 = arith.muli %mul3A_306, %scan3A_222 : i32
      %add3A_308 = arith.constant 1 : i32
      %add3A_309 = arith.addi %mul3A_307, %add3A_308 : i32
      %dma_wait3A_310 = arith.constant 0 : i32
      %dma_wait3A_311 = arith.constant 0 : i32
      %dma_wait3A_312 = tpu.memref_slice %arg2[%dma_wait3A_310, %dma_wait3A_311] : memref<10000x128xf32, #tpu.memory_space<hbm>> -> memref<10000x128xf32, #tpu.memory_space<hbm>>
      tpu.wait_indirect_dma semaphore(%arg28 : memref<!tpu.dma_semaphore, #tpu.memory_space<semaphore_mem>>) src(%dma_wait3A_312 : memref<10000x128xf32, #tpu.memory_space<hbm>>) dst(%arg19 : memref<40x128xf32, #tpu.memory_space<vmem>>)
      %dma_wait3A_313 = arith.constant 0 : i32
      %dma_wait3A_314 = arith.constant 0 : i32
      %dma_wait3A_315 = tpu.memref_slice %arg3[%dma_wait3A_313, %dma_wait3A_314] : memref<10000x128xf32, #tpu.memory_space<hbm>> -> memref<10000x128xf32, #tpu.memory_space<hbm>>
      tpu.wait_indirect_dma semaphore(%arg29 : memref<!tpu.dma_semaphore, #tpu.memory_space<semaphore_mem>>) src(%dma_wait3A_315 : memref<10000x128xf32, #tpu.memory_space<hbm>>) dst(%arg20 : memref<40x128xf32, #tpu.memory_space<vmem>>)
      %mul3A_316 = arith.constant 32 : i32
      %mul3A_317 = arith.muli %add3A_309, %mul3A_316 : i32
      %add3A_318 = arith.addi %add3A, %mul3A_317 : i32
      %mul3A_319 = arith.constant 40 : i32
      %mul3A_320 = arith.muli %add3A_318, %mul3A_319 : i32
      %scan3A_321 = arith.constant 0 : i32
      %scan3A_322 = arith.constant 0 : i32
      %scan3A_323 = arith.constant 40 : i32
      %scan3A_324 = arith.addi %scan3A_322, %scan3A_323 : i32
      %scan3A_325 = arith.constant 1 : i32
      %scan3A_326 = scf.for %scan3A_329 = %scan3A_322 to %scan3A_324 step %scan3A_325 iter_args(%scan3A_330 = %scan3A_321) -> (i32)  : i32 {
        %get3A_331 = arith.index_cast %scan3A_329 : i32 to index
        %get3A_332 = arith.constant 0 : index
        %get3A_333 = tpu.vector_load %arg21[%get3A_331, %get3A_332] {strides = array<i32>} : memref<40x16xf32, #tpu.memory_space<vmem>>, vector<16xf32>,
        %broadcast_in_dim3A_334 = arith.constant 0 : i32
        %broadcast_in_dim3A_335 = vector.broadcast %broadcast_in_dim3A_334 : i32 to vector<16xi32>
        %broadcast_in_dim3A_336 = vector.shape_cast %broadcast_in_dim3A_335 : vector<16xi32> to vector<16x1xi32>
        %gather3A = vector.shape_cast %broadcast_in_dim3A_336 : vector<16x1xi32> to vector<16xi32>
        %gather3A_337 = tpu.dynamic_gather %get3A_333[%gather3A] in [0] : vector<16xf32>, vector<16xi32> -> vector<16xf32>
        %broadcast_in_dim3A_338 = arith.constant 1 : i32
        %broadcast_in_dim3A_339 = vector.broadcast %broadcast_in_dim3A_338 : i32 to vector<16xi32>
        %broadcast_in_dim3A_340 = vector.shape_cast %broadcast_in_dim3A_339 : vector<16xi32> to vector<16x1xi32>
        %gather3A_341 = vector.shape_cast %broadcast_in_dim3A_340 : vector<16x1xi32> to vector<16xi32>
        %gather3A_342 = tpu.dynamic_gather %get3A_333[%gather3A_341] in [0] : vector<16xf32>, vector<16xi32> -> vector<16xf32>
        %broadcast_in_dim3A_343 = arith.constant 2 : i32
        %broadcast_in_dim3A_344 = vector.broadcast %broadcast_in_dim3A_343 : i32 to vector<16xi32>
        %broadcast_in_dim3A_345 = vector.shape_cast %broadcast_in_dim3A_344 : vector<16xi32> to vector<16x1xi32>
        %gather3A_346 = vector.shape_cast %broadcast_in_dim3A_345 : vector<16x1xi32> to vector<16xi32>
        %gather3A_347 = tpu.dynamic_gather %get3A_333[%gather3A_346] in [0] : vector<16xf32>, vector<16xi32> -> vector<16xf32>
        %broadcast_in_dim3A_348 = arith.constant 3 : i32
        %broadcast_in_dim3A_349 = vector.broadcast %broadcast_in_dim3A_348 : i32 to vector<16xi32>
        %broadcast_in_dim3A_350 = vector.shape_cast %broadcast_in_dim3A_349 : vector<16xi32> to vector<16x1xi32>
        %gather3A_351 = vector.shape_cast %broadcast_in_dim3A_350 : vector<16x1xi32> to vector<16xi32>
        %gather3A_352 = tpu.dynamic_gather %get3A_333[%gather3A_351] in [0] : vector<16xf32>, vector<16xi32> -> vector<16xf32>
        %get3A_353 = arith.index_cast %scan3A_329 : i32 to index
        %get3A_354 = arith.constant 0 : index
        %get3A_355 = tpu.vector_load %arg19[%get3A_353, %get3A_354] {strides = array<i32>} : memref<40x128xf32, #tpu.memory_space<vmem>>, vector<16xf32>,
        %get3A_356 = arith.index_cast %scan3A_329 : i32 to index
        %get3A_357 = arith.constant 0 : index
        %get3A_358 = tpu.vector_load %arg20[%get3A_356, %get3A_357] {strides = array<i32>} : memref<40x128xf32, #tpu.memory_space<vmem>>, vector<16xf32>,
        %mul3A_359 = arith.mulf %gather3A_337, %get3A_21 : vector<16xf32>
        %mul3A_360 = arith.mulf %gather3A_342, %get3A_53 : vector<16xf32>
        %add3A_361 = arith.addf %mul3A_359, %mul3A_360 : vector<16xf32>
        %mul3A_362 = arith.mulf %gather3A_347, %get3A_85 : vector<16xf32>
        %add3A_363 = arith.addf %add3A_361, %mul3A_362 : vector<16xf32>
        %mul3A_364 = arith.mulf %gather3A_352, %get3A_117 : vector<16xf32>
        %add3A_365 = arith.addf %add3A_363, %mul3A_364 : vector<16xf32>
        %add3A_366 = arith.addf %get3A_355, %get3A_358 : vector<16xf32>
        %add3A_367 = arith.addf %add3A_366, %add3A_365 : vector<16xf32>
        %mul3A_368 = arith.constant 2.000000e-01 : f32
        %mul3A_369 = vector.broadcast %mul3A_368 : f32 to vector<16xf32>
        %mul3A_370 = arith.mulf %mul3A_369, %add3A_367 : vector<16xf32>
        %max3A = arith.maximumf %add3A_367, %mul3A_370 : vector<16xf32>
        %mul3A_371 = arith.mulf %max3A, %get3A_149 : vector<16xf32>
        %broadcast_in_dim3A_372 = arith.constant true
        %broadcast_in_dim3A_373 = vector.broadcast %broadcast_in_dim3A_372 : i1 to vector<16xi1>
        %masked_cumsum3A = tpu.scan <sum>, %mul3A_371 masked %broadcast_in_dim3A_373 : vector<16xf32>, vector<16xi1> -> vector<16xf32>
        %broadcast_in_dim3A_374 = arith.constant 15 : i32
        %broadcast_in_dim3A_375 = vector.broadcast %broadcast_in_dim3A_374 : i32 to vector<16xi32>
        %broadcast_in_dim3A_376 = vector.shape_cast %broadcast_in_dim3A_375 : vector<16xi32> to vector<16x1xi32>
        %gather3A_377 = vector.shape_cast %broadcast_in_dim3A_376 : vector<16x1xi32> to vector<16xi32>
        %gather3A_378 = tpu.dynamic_gather %masked_cumsum3A[%gather3A_377] in [0] : vector<16xf32>, vector<16xi32> -> vector<16xf32>
        %exp3A = math.exp %gather3A_378 : vector<16xf32>
        %mul3A_379 = arith.mulf %exp3A, %get3A_355 : vector<16xf32>
        %swap3A = arith.index_cast %scan3A_329 : i32 to index
        %swap3A_380 = arith.constant 0 : index
        %swap3A_381 = tpu.vector_load %arg22[%swap3A, %swap3A_380] {strides = array<i32>} : memref<40x128xf32, #tpu.memory_space<vmem>>, vector<16xf32>,
        tpu.vector_store %arg22[%swap3A, %swap3A_380], %mul3A_379 {strides = array<i32>} : memref<40x128xf32, #tpu.memory_space<vmem>>, vector<16xf32>,
        %eq3A_382 = arith.constant 0 : i32
        %eq3A_383 = vector.broadcast %eq3A_382 : i32 to vector<16xi32>
        %eq3A_384 = arith.cmpi eq, %iota3A, %eq3A_383 : vector<16xi32>
        %select_n3A_385 = arith.select %eq3A_384, %exp3A, %broadcast_in_dim3A_1 : vector<16xi1>, vector<16xf32>
        %get3A_386 = arith.index_cast %scan3A_329 : i32 to index
        %get3A_387 = arith.constant 16 : index
        %get3A_388 = tpu.vector_load %arg19[%get3A_386, %get3A_387] {strides = array<i32>} : memref<40x128xf32, #tpu.memory_space<vmem>>, vector<16xf32>,
        %get3A_389 = arith.index_cast %scan3A_329 : i32 to index
        %get3A_390 = arith.constant 16 : index
        %get3A_391 = tpu.vector_load %arg20[%get3A_389, %get3A_390] {strides = array<i32>} : memref<40x128xf32, #tpu.memory_space<vmem>>, vector<16xf32>,
        %mul3A_392 = arith.mulf %gather3A_337, %get3A_25 : vector<16xf32>
        %mul3A_393 = arith.mulf %gather3A_342, %get3A_57 : vector<16xf32>
        %add3A_394 = arith.addf %mul3A_392, %mul3A_393 : vector<16xf32>
        %mul3A_395 = arith.mulf %gather3A_347, %get3A_89 : vector<16xf32>
        %add3A_396 = arith.addf %add3A_394, %mul3A_395 : vector<16xf32>
        %mul3A_397 = arith.mulf %gather3A_352, %get3A_121 : vector<16xf32>
        %add3A_398 = arith.addf %add3A_396, %mul3A_397 : vector<16xf32>
        %add3A_399 = arith.addf %get3A_388, %get3A_391 : vector<16xf32>
        %add3A_400 = arith.addf %add3A_399, %add3A_398 : vector<16xf32>
        %mul3A_401 = arith.constant 2.000000e-01 : f32
        %mul3A_402 = vector.broadcast %mul3A_401 : f32 to vector<16xf32>
        %mul3A_403 = arith.mulf %mul3A_402, %add3A_400 : vector<16xf32>
        %max3A_404 = arith.maximumf %add3A_400, %mul3A_403 : vector<16xf32>
        %mul3A_405 = arith.mulf %max3A_404, %get3A_153 : vector<16xf32>
        %broadcast_in_dim3A_406 = arith.constant true
        %broadcast_in_dim3A_407 = vector.broadcast %broadcast_in_dim3A_406 : i1 to vector<16xi1>
        %masked_cumsum3A_408 = tpu.scan <sum>, %mul3A_405 masked %broadcast_in_dim3A_407 : vector<16xf32>, vector<16xi1> -> vector<16xf32>
        %broadcast_in_dim3A_409 = arith.constant 15 : i32
        %broadcast_in_dim3A_410 = vector.broadcast %broadcast_in_dim3A_409 : i32 to vector<16xi32>
        %broadcast_in_dim3A_411 = vector.shape_cast %broadcast_in_dim3A_410 : vector<16xi32> to vector<16x1xi32>
        %gather3A_412 = vector.shape_cast %broadcast_in_dim3A_411 : vector<16x1xi32> to vector<16xi32>
        %gather3A_413 = tpu.dynamic_gather %masked_cumsum3A_408[%gather3A_412] in [0] : vector<16xf32>, vector<16xi32> -> vector<16xf32>
        %exp3A_414 = math.exp %gather3A_413 : vector<16xf32>
        %mul3A_415 = arith.mulf %exp3A_414, %get3A_388 : vector<16xf32>
        %swap3A_416 = arith.index_cast %scan3A_329 : i32 to index
        %swap3A_417 = arith.constant 16 : index
        %swap3A_418 = tpu.vector_load %arg22[%swap3A_416, %swap3A_417] {strides = array<i32>} : memref<40x128xf32, #tpu.memory_space<vmem>>, vector<16xf32>,
        tpu.vector_store %arg22[%swap3A_416, %swap3A_417], %mul3A_415 {strides = array<i32>} : memref<40x128xf32, #tpu.memory_space<vmem>>, vector<16xf32>,
        %eq3A_419 = arith.constant 1 : i32
        %eq3A_420 = vector.broadcast %eq3A_419 : i32 to vector<16xi32>
        %eq3A_421 = arith.cmpi eq, %iota3A, %eq3A_420 : vector<16xi32>
        %select_n3A_422 = arith.select %eq3A_421, %exp3A_414, %select_n3A_385 : vector<16xi1>, vector<16xf32>
        %get3A_423 = arith.index_cast %scan3A_329 : i32 to index
        %get3A_424 = arith.constant 32 : index
        %get3A_425 = tpu.vector_load %arg19[%get3A_423, %get3A_424] {strides = array<i32>} : memref<40x128xf32, #tpu.memory_space<vmem>>, vector<16xf32>,
        %get3A_426 = arith.index_cast %scan3A_329 : i32 to index
        %get3A_427 = arith.constant 32 : index
        %get3A_428 = tpu.vector_load %arg20[%get3A_426, %get3A_427] {strides = array<i32>} : memref<40x128xf32, #tpu.memory_space<vmem>>, vector<16xf32>,
        %mul3A_429 = arith.mulf %gather3A_337, %get3A_29 : vector<16xf32>
        %mul3A_430 = arith.mulf %gather3A_342, %get3A_61 : vector<16xf32>
        %add3A_431 = arith.addf %mul3A_429, %mul3A_430 : vector<16xf32>
        %mul3A_432 = arith.mulf %gather3A_347, %get3A_93 : vector<16xf32>
        %add3A_433 = arith.addf %add3A_431, %mul3A_432 : vector<16xf32>
        %mul3A_434 = arith.mulf %gather3A_352, %get3A_125 : vector<16xf32>
        %add3A_435 = arith.addf %add3A_433, %mul3A_434 : vector<16xf32>
        %add3A_436 = arith.addf %get3A_425, %get3A_428 : vector<16xf32>
        %add3A_437 = arith.addf %add3A_436, %add3A_435 : vector<16xf32>
        %mul3A_438 = arith.constant 2.000000e-01 : f32
        %mul3A_439 = vector.broadcast %mul3A_438 : f32 to vector<16xf32>
        %mul3A_440 = arith.mulf %mul3A_439, %add3A_437 : vector<16xf32>
        %max3A_441 = arith.maximumf %add3A_437, %mul3A_440 : vector<16xf32>
        %mul3A_442 = arith.mulf %max3A_441, %get3A_157 : vector<16xf32>
        %broadcast_in_dim3A_443 = arith.constant true
        %broadcast_in_dim3A_444 = vector.broadcast %broadcast_in_dim3A_443 : i1 to vector<16xi1>
        %masked_cumsum3A_445 = tpu.scan <sum>, %mul3A_442 masked %broadcast_in_dim3A_444 : vector<16xf32>, vector<16xi1> -> vector<16xf32>
        %broadcast_in_dim3A_446 = arith.constant 15 : i32
        %broadcast_in_dim3A_447 = vector.broadcast %broadcast_in_dim3A_446 : i32 to vector<16xi32>
        %broadcast_in_dim3A_448 = vector.shape_cast %broadcast_in_dim3A_447 : vector<16xi32> to vector<16x1xi32>
        %gather3A_449 = vector.shape_cast %broadcast_in_dim3A_448 : vector<16x1xi32> to vector<16xi32>
        %gather3A_450 = tpu.dynamic_gather %masked_cumsum3A_445[%gather3A_449] in [0] : vector<16xf32>, vector<16xi32> -> vector<16xf32>
        %exp3A_451 = math.exp %gather3A_450 : vector<16xf32>
        %mul3A_452 = arith.mulf %exp3A_451, %get3A_425 : vector<16xf32>
        %swap3A_453 = arith.index_cast %scan3A_329 : i32 to index
        %swap3A_454 = arith.constant 32 : index
        %swap3A_455 = tpu.vector_load %arg22[%swap3A_453, %swap3A_454] {strides = array<i32>} : memref<40x128xf32, #tpu.memory_space<vmem>>, vector<16xf32>,
        tpu.vector_store %arg22[%swap3A_453, %swap3A_454], %mul3A_452 {strides = array<i32>} : memref<40x128xf32, #tpu.memory_space<vmem>>, vector<16xf32>,
        %eq3A_456 = arith.constant 2 : i32
        %eq3A_457 = vector.broadcast %eq3A_456 : i32 to vector<16xi32>
        %eq3A_458 = arith.cmpi eq, %iota3A, %eq3A_457 : vector<16xi32>
        %select_n3A_459 = arith.select %eq3A_458, %exp3A_451, %select_n3A_422 : vector<16xi1>, vector<16xf32>
        %get3A_460 = arith.index_cast %scan3A_329 : i32 to index
        %get3A_461 = arith.constant 48 : index
        %get3A_462 = tpu.vector_load %arg19[%get3A_460, %get3A_461] {strides = array<i32>} : memref<40x128xf32, #tpu.memory_space<vmem>>, vector<16xf32>,
        %get3A_463 = arith.index_cast %scan3A_329 : i32 to index
        %get3A_464 = arith.constant 48 : index
        %get3A_465 = tpu.vector_load %arg20[%get3A_463, %get3A_464] {strides = array<i32>} : memref<40x128xf32, #tpu.memory_space<vmem>>, vector<16xf32>,
        %mul3A_466 = arith.mulf %gather3A_337, %get3A_33 : vector<16xf32>
        %mul3A_467 = arith.mulf %gather3A_342, %get3A_65 : vector<16xf32>
        %add3A_468 = arith.addf %mul3A_466, %mul3A_467 : vector<16xf32>
        %mul3A_469 = arith.mulf %gather3A_347, %get3A_97 : vector<16xf32>
        %add3A_470 = arith.addf %add3A_468, %mul3A_469 : vector<16xf32>
        %mul3A_471 = arith.mulf %gather3A_352, %get3A_129 : vector<16xf32>
        %add3A_472 = arith.addf %add3A_470, %mul3A_471 : vector<16xf32>
        %add3A_473 = arith.addf %get3A_462, %get3A_465 : vector<16xf32>
        %add3A_474 = arith.addf %add3A_473, %add3A_472 : vector<16xf32>
        %mul3A_475 = arith.constant 2.000000e-01 : f32
        %mul3A_476 = vector.broadcast %mul3A_475 : f32 to vector<16xf32>
        %mul3A_477 = arith.mulf %mul3A_476, %add3A_474 : vector<16xf32>
        %max3A_478 = arith.maximumf %add3A_474, %mul3A_477 : vector<16xf32>
        %mul3A_479 = arith.mulf %max3A_478, %get3A_161 : vector<16xf32>
        %broadcast_in_dim3A_480 = arith.constant true
        %broadcast_in_dim3A_481 = vector.broadcast %broadcast_in_dim3A_480 : i1 to vector<16xi1>
        %masked_cumsum3A_482 = tpu.scan <sum>, %mul3A_479 masked %broadcast_in_dim3A_481 : vector<16xf32>, vector<16xi1> -> vector<16xf32>
        %broadcast_in_dim3A_483 = arith.constant 15 : i32
        %broadcast_in_dim3A_484 = vector.broadcast %broadcast_in_dim3A_483 : i32 to vector<16xi32>
        %broadcast_in_dim3A_485 = vector.shape_cast %broadcast_in_dim3A_484 : vector<16xi32> to vector<16x1xi32>
        %gather3A_486 = vector.shape_cast %broadcast_in_dim3A_485 : vector<16x1xi32> to vector<16xi32>
        %gather3A_487 = tpu.dynamic_gather %masked_cumsum3A_482[%gather3A_486] in [0] : vector<16xf32>, vector<16xi32> -> vector<16xf32>
        %exp3A_488 = math.exp %gather3A_487 : vector<16xf32>
        %mul3A_489 = arith.mulf %exp3A_488, %get3A_462 : vector<16xf32>
        %swap3A_490 = arith.index_cast %scan3A_329 : i32 to index
        %swap3A_491 = arith.constant 48 : index
        %swap3A_492 = tpu.vector_load %arg22[%swap3A_490, %swap3A_491] {strides = array<i32>} : memref<40x128xf32, #tpu.memory_space<vmem>>, vector<16xf32>,
        tpu.vector_store %arg22[%swap3A_490, %swap3A_491], %mul3A_489 {strides = array<i32>} : memref<40x128xf32, #tpu.memory_space<vmem>>, vector<16xf32>,
        %eq3A_493 = arith.constant 3 : i32
        %eq3A_494 = vector.broadcast %eq3A_493 : i32 to vector<16xi32>
        %eq3A_495 = arith.cmpi eq, %iota3A, %eq3A_494 : vector<16xi32>
        %select_n3A_496 = arith.select %eq3A_495, %exp3A_488, %select_n3A_459 : vector<16xi1>, vector<16xf32>
        %get3A_497 = arith.index_cast %scan3A_329 : i32 to index
        %get3A_498 = arith.constant 64 : index
        %get3A_499 = tpu.vector_load %arg19[%get3A_497, %get3A_498] {strides = array<i32>} : memref<40x128xf32, #tpu.memory_space<vmem>>, vector<16xf32>,
        %get3A_500 = arith.index_cast %scan3A_329 : i32 to index
        %get3A_501 = arith.constant 64 : index
        %get3A_502 = tpu.vector_load %arg20[%get3A_500, %get3A_501] {strides = array<i32>} : memref<40x128xf32, #tpu.memory_space<vmem>>, vector<16xf32>,
        %mul3A_503 = arith.mulf %gather3A_337, %get3A_37 : vector<16xf32>
        %mul3A_504 = arith.mulf %gather3A_342, %get3A_69 : vector<16xf32>
        %add3A_505 = arith.addf %mul3A_503, %mul3A_504 : vector<16xf32>
        %mul3A_506 = arith.mulf %gather3A_347, %get3A_101 : vector<16xf32>
        %add3A_507 = arith.addf %add3A_505, %mul3A_506 : vector<16xf32>
        %mul3A_508 = arith.mulf %gather3A_352, %get3A_133 : vector<16xf32>
        %add3A_509 = arith.addf %add3A_507, %mul3A_508 : vector<16xf32>
        %add3A_510 = arith.addf %get3A_499, %get3A_502 : vector<16xf32>
        %add3A_511 = arith.addf %add3A_510, %add3A_509 : vector<16xf32>
        %mul3A_512 = arith.constant 2.000000e-01 : f32
        %mul3A_513 = vector.broadcast %mul3A_512 : f32 to vector<16xf32>
        %mul3A_514 = arith.mulf %mul3A_513, %add3A_511 : vector<16xf32>
        %max3A_515 = arith.maximumf %add3A_511, %mul3A_514 : vector<16xf32>
        %mul3A_516 = arith.mulf %max3A_515, %get3A_165 : vector<16xf32>
        %broadcast_in_dim3A_517 = arith.constant true
        %broadcast_in_dim3A_518 = vector.broadcast %broadcast_in_dim3A_517 : i1 to vector<16xi1>
        %masked_cumsum3A_519 = tpu.scan <sum>, %mul3A_516 masked %broadcast_in_dim3A_518 : vector<16xf32>, vector<16xi1> -> vector<16xf32>
        %broadcast_in_dim3A_520 = arith.constant 15 : i32
        %broadcast_in_dim3A_521 = vector.broadcast %broadcast_in_dim3A_520 : i32 to vector<16xi32>
        %broadcast_in_dim3A_522 = vector.shape_cast %broadcast_in_dim3A_521 : vector<16xi32> to vector<16x1xi32>
        %gather3A_523 = vector.shape_cast %broadcast_in_dim3A_522 : vector<16x1xi32> to vector<16xi32>
        %gather3A_524 = tpu.dynamic_gather %masked_cumsum3A_519[%gather3A_523] in [0] : vector<16xf32>, vector<16xi32> -> vector<16xf32>
        %exp3A_525 = math.exp %gather3A_524 : vector<16xf32>
        %mul3A_526 = arith.mulf %exp3A_525, %get3A_499 : vector<16xf32>
        %swap3A_527 = arith.index_cast %scan3A_329 : i32 to index
        %swap3A_528 = arith.constant 64 : index
        %swap3A_529 = tpu.vector_load %arg22[%swap3A_527, %swap3A_528] {strides = array<i32>} : memref<40x128xf32, #tpu.memory_space<vmem>>, vector<16xf32>,
        tpu.vector_store %arg22[%swap3A_527, %swap3A_528], %mul3A_526 {strides = array<i32>} : memref<40x128xf32, #tpu.memory_space<vmem>>, vector<16xf32>,
        %eq3A_530 = arith.constant 4 : i32
        %eq3A_531 = vector.broadcast %eq3A_530 : i32 to vector<16xi32>
        %eq3A_532 = arith.cmpi eq, %iota3A, %eq3A_531 : vector<16xi32>
        %select_n3A_533 = arith.select %eq3A_532, %exp3A_525, %select_n3A_496 : vector<16xi1>, vector<16xf32>
        %get3A_534 = arith.index_cast %scan3A_329 : i32 to index
        %get3A_535 = arith.constant 80 : index
        %get3A_536 = tpu.vector_load %arg19[%get3A_534, %get3A_535] {strides = array<i32>} : memref<40x128xf32, #tpu.memory_space<vmem>>, vector<16xf32>,
        %get3A_537 = arith.index_cast %scan3A_329 : i32 to index
        %get3A_538 = arith.constant 80 : index
        %get3A_539 = tpu.vector_load %arg20[%get3A_537, %get3A_538] {strides = array<i32>} : memref<40x128xf32, #tpu.memory_space<vmem>>, vector<16xf32>,
        %mul3A_540 = arith.mulf %gather3A_337, %get3A_41 : vector<16xf32>
        %mul3A_541 = arith.mulf %gather3A_342, %get3A_73 : vector<16xf32>
        %add3A_542 = arith.addf %mul3A_540, %mul3A_541 : vector<16xf32>
        %mul3A_543 = arith.mulf %gather3A_347, %get3A_105 : vector<16xf32>
        %add3A_544 = arith.addf %add3A_542, %mul3A_543 : vector<16xf32>
        %mul3A_545 = arith.mulf %gather3A_352, %get3A_137 : vector<16xf32>
        %add3A_546 = arith.addf %add3A_544, %mul3A_545 : vector<16xf32>
        %add3A_547 = arith.addf %get3A_536, %get3A_539 : vector<16xf32>
        %add3A_548 = arith.addf %add3A_547, %add3A_546 : vector<16xf32>
        %mul3A_549 = arith.constant 2.000000e-01 : f32
        %mul3A_550 = vector.broadcast %mul3A_549 : f32 to vector<16xf32>
        %mul3A_551 = arith.mulf %mul3A_550, %add3A_548 : vector<16xf32>
        %max3A_552 = arith.maximumf %add3A_548, %mul3A_551 : vector<16xf32>
        %mul3A_553 = arith.mulf %max3A_552, %get3A_169 : vector<16xf32>
        %broadcast_in_dim3A_554 = arith.constant true
        %broadcast_in_dim3A_555 = vector.broadcast %broadcast_in_dim3A_554 : i1 to vector<16xi1>
        %masked_cumsum3A_556 = tpu.scan <sum>, %mul3A_553 masked %broadcast_in_dim3A_555 : vector<16xf32>, vector<16xi1> -> vector<16xf32>
        %broadcast_in_dim3A_557 = arith.constant 15 : i32
        %broadcast_in_dim3A_558 = vector.broadcast %broadcast_in_dim3A_557 : i32 to vector<16xi32>
        %broadcast_in_dim3A_559 = vector.shape_cast %broadcast_in_dim3A_558 : vector<16xi32> to vector<16x1xi32>
        %gather3A_560 = vector.shape_cast %broadcast_in_dim3A_559 : vector<16x1xi32> to vector<16xi32>
        %gather3A_561 = tpu.dynamic_gather %masked_cumsum3A_556[%gather3A_560] in [0] : vector<16xf32>, vector<16xi32> -> vector<16xf32>
        %exp3A_562 = math.exp %gather3A_561 : vector<16xf32>
        %mul3A_563 = arith.mulf %exp3A_562, %get3A_536 : vector<16xf32>
        %swap3A_564 = arith.index_cast %scan3A_329 : i32 to index
        %swap3A_565 = arith.constant 80 : index
        %swap3A_566 = tpu.vector_load %arg22[%swap3A_564, %swap3A_565] {strides = array<i32>} : memref<40x128xf32, #tpu.memory_space<vmem>>, vector<16xf32>,
        tpu.vector_store %arg22[%swap3A_564, %swap3A_565], %mul3A_563 {strides = array<i32>} : memref<40x128xf32, #tpu.memory_space<vmem>>, vector<16xf32>,
        %eq3A_567 = arith.constant 5 : i32
        %eq3A_568 = vector.broadcast %eq3A_567 : i32 to vector<16xi32>
        %eq3A_569 = arith.cmpi eq, %iota3A, %eq3A_568 : vector<16xi32>
        %select_n3A_570 = arith.select %eq3A_569, %exp3A_562, %select_n3A_533 : vector<16xi1>, vector<16xf32>
        %get3A_571 = arith.index_cast %scan3A_329 : i32 to index
        %get3A_572 = arith.constant 96 : index
        %get3A_573 = tpu.vector_load %arg19[%get3A_571, %get3A_572] {strides = array<i32>} : memref<40x128xf32, #tpu.memory_space<vmem>>, vector<16xf32>,
        %get3A_574 = arith.index_cast %scan3A_329 : i32 to index
        %get3A_575 = arith.constant 96 : index
        %get3A_576 = tpu.vector_load %arg20[%get3A_574, %get3A_575] {strides = array<i32>} : memref<40x128xf32, #tpu.memory_space<vmem>>, vector<16xf32>,
        %mul3A_577 = arith.mulf %gather3A_337, %get3A_45 : vector<16xf32>
        %mul3A_578 = arith.mulf %gather3A_342, %get3A_77 : vector<16xf32>
        %add3A_579 = arith.addf %mul3A_577, %mul3A_578 : vector<16xf32>
        %mul3A_580 = arith.mulf %gather3A_347, %get3A_109 : vector<16xf32>
        %add3A_581 = arith.addf %add3A_579, %mul3A_580 : vector<16xf32>
        %mul3A_582 = arith.mulf %gather3A_352, %get3A_141 : vector<16xf32>
        %add3A_583 = arith.addf %add3A_581, %mul3A_582 : vector<16xf32>
        %add3A_584 = arith.addf %get3A_573, %get3A_576 : vector<16xf32>
        %add3A_585 = arith.addf %add3A_584, %add3A_583 : vector<16xf32>
        %mul3A_586 = arith.constant 2.000000e-01 : f32
        %mul3A_587 = vector.broadcast %mul3A_586 : f32 to vector<16xf32>
        %mul3A_588 = arith.mulf %mul3A_587, %add3A_585 : vector<16xf32>
        %max3A_589 = arith.maximumf %add3A_585, %mul3A_588 : vector<16xf32>
        %mul3A_590 = arith.mulf %max3A_589, %get3A_173 : vector<16xf32>
        %broadcast_in_dim3A_591 = arith.constant true
        %broadcast_in_dim3A_592 = vector.broadcast %broadcast_in_dim3A_591 : i1 to vector<16xi1>
        %masked_cumsum3A_593 = tpu.scan <sum>, %mul3A_590 masked %broadcast_in_dim3A_592 : vector<16xf32>, vector<16xi1> -> vector<16xf32>
        %broadcast_in_dim3A_594 = arith.constant 15 : i32
        %broadcast_in_dim3A_595 = vector.broadcast %broadcast_in_dim3A_594 : i32 to vector<16xi32>
        %broadcast_in_dim3A_596 = vector.shape_cast %broadcast_in_dim3A_595 : vector<16xi32> to vector<16x1xi32>
        %gather3A_597 = vector.shape_cast %broadcast_in_dim3A_596 : vector<16x1xi32> to vector<16xi32>
        %gather3A_598 = tpu.dynamic_gather %masked_cumsum3A_593[%gather3A_597] in [0] : vector<16xf32>, vector<16xi32> -> vector<16xf32>
        %exp3A_599 = math.exp %gather3A_598 : vector<16xf32>
        %mul3A_600 = arith.mulf %exp3A_599, %get3A_573 : vector<16xf32>
        %swap3A_601 = arith.index_cast %scan3A_329 : i32 to index
        %swap3A_602 = arith.constant 96 : index
        %swap3A_603 = tpu.vector_load %arg22[%swap3A_601, %swap3A_602] {strides = array<i32>} : memref<40x128xf32, #tpu.memory_space<vmem>>, vector<16xf32>,
        tpu.vector_store %arg22[%swap3A_601, %swap3A_602], %mul3A_600 {strides = array<i32>} : memref<40x128xf32, #tpu.memory_space<vmem>>, vector<16xf32>,
        %eq3A_604 = arith.constant 6 : i32
        %eq3A_605 = vector.broadcast %eq3A_604 : i32 to vector<16xi32>
        %eq3A_606 = arith.cmpi eq, %iota3A, %eq3A_605 : vector<16xi32>
        %select_n3A_607 = arith.select %eq3A_606, %exp3A_599, %select_n3A_570 : vector<16xi1>, vector<16xf32>
        %get3A_608 = arith.index_cast %scan3A_329 : i32 to index
        %get3A_609 = arith.constant 112 : index
        %get3A_610 = tpu.vector_load %arg19[%get3A_608, %get3A_609] {strides = array<i32>} : memref<40x128xf32, #tpu.memory_space<vmem>>, vector<16xf32>,
        %get3A_611 = arith.index_cast %scan3A_329 : i32 to index
        %get3A_612 = arith.constant 112 : index
        %get3A_613 = tpu.vector_load %arg20[%get3A_611, %get3A_612] {strides = array<i32>} : memref<40x128xf32, #tpu.memory_space<vmem>>, vector<16xf32>,
        %mul3A_614 = arith.mulf %gather3A_337, %get3A_49 : vector<16xf32>
        %mul3A_615 = arith.mulf %gather3A_342, %get3A_81 : vector<16xf32>
        %add3A_616 = arith.addf %mul3A_614, %mul3A_615 : vector<16xf32>
        %mul3A_617 = arith.mulf %gather3A_347, %get3A_113 : vector<16xf32>
        %add3A_618 = arith.addf %add3A_616, %mul3A_617 : vector<16xf32>
        %mul3A_619 = arith.mulf %gather3A_352, %get3A_145 : vector<16xf32>
        %add3A_620 = arith.addf %add3A_618, %mul3A_619 : vector<16xf32>
        %add3A_621 = arith.addf %get3A_610, %get3A_613 : vector<16xf32>
        %add3A_622 = arith.addf %add3A_621, %add3A_620 : vector<16xf32>
        %mul3A_623 = arith.constant 2.000000e-01 : f32
        %mul3A_624 = vector.broadcast %mul3A_623 : f32 to vector<16xf32>
        %mul3A_625 = arith.mulf %mul3A_624, %add3A_622 : vector<16xf32>
        %max3A_626 = arith.maximumf %add3A_622, %mul3A_625 : vector<16xf32>
        %mul3A_627 = arith.mulf %max3A_626, %get3A_177 : vector<16xf32>
        %broadcast_in_dim3A_628 = arith.constant true
        %broadcast_in_dim3A_629 = vector.broadcast %broadcast_in_dim3A_628 : i1 to vector<16xi1>
        %masked_cumsum3A_630 = tpu.scan <sum>, %mul3A_627 masked %broadcast_in_dim3A_629 : vector<16xf32>, vector<16xi1> -> vector<16xf32>
        %broadcast_in_dim3A_631 = arith.constant 15 : i32
        %broadcast_in_dim3A_632 = vector.broadcast %broadcast_in_dim3A_631 : i32 to vector<16xi32>
        %broadcast_in_dim3A_633 = vector.shape_cast %broadcast_in_dim3A_632 : vector<16xi32> to vector<16x1xi32>
        %gather3A_634 = vector.shape_cast %broadcast_in_dim3A_633 : vector<16x1xi32> to vector<16xi32>
        %gather3A_635 = tpu.dynamic_gather %masked_cumsum3A_630[%gather3A_634] in [0] : vector<16xf32>, vector<16xi32> -> vector<16xf32>
        %exp3A_636 = math.exp %gather3A_635 : vector<16xf32>
        %mul3A_637 = arith.mulf %exp3A_636, %get3A_610 : vector<16xf32>
        %swap3A_638 = arith.index_cast %scan3A_329 : i32 to index
        %swap3A_639 = arith.constant 112 : index
        %swap3A_640 = tpu.vector_load %arg22[%swap3A_638, %swap3A_639] {strides = array<i32>} : memref<40x128xf32, #tpu.memory_space<vmem>>, vector<16xf32>,
        tpu.vector_store %arg22[%swap3A_638, %swap3A_639], %mul3A_637 {strides = array<i32>} : memref<40x128xf32, #tpu.memory_space<vmem>>, vector<16xf32>,
        %eq3A_641 = arith.constant 7 : i32
        %eq3A_642 = vector.broadcast %eq3A_641 : i32 to vector<16xi32>
        %eq3A_643 = arith.cmpi eq, %iota3A, %eq3A_642 : vector<16xi32>
        %select_n3A_644 = arith.select %eq3A_643, %exp3A_636, %select_n3A_607 : vector<16xi1>, vector<16xf32>
        %swap3A_645 = arith.index_cast %scan3A_329 : i32 to index
        %swap3A_646 = arith.constant 0 : index
        %swap3A_647 = tpu.vector_load %arg23[%swap3A_645, %swap3A_646] {strides = array<i32>} : memref<40x16xf32, #tpu.memory_space<vmem>>, vector<16xf32>,
        tpu.vector_store %arg23[%swap3A_645, %swap3A_646], %select_n3A_644 {strides = array<i32>} : memref<40x16xf32, #tpu.memory_space<vmem>>, vector<16xf32>,
        %scan3A_648 = arith.constant 0 : i32
        scf.yield %scan3A_648 : i32
      }
      %scan3A_327 = arith.constant 40 : i32
      "tpu.region"() ({
        %run_scoped3A = tpu.sem_alloc : memref<!tpu.dma_semaphore, #tpu.memory_space<semaphore_mem>>
        %dma_start3A_329 = arith.constant 0 : i32
        %dma_start3A_330 = arith.constant 0 : i32
        %dma_start3A_331 = tpu.memref_slice %arg11[%dma_start3A_329, %dma_start3A_330] : memref<10000x128xf32, #tpu.memory_space<vmem_shared>> -> memref<10000x128xf32, #tpu.memory_space<vmem_shared>>
        tpu.enqueue_indirect_dma source(%arg22 : memref<40x128xf32, #tpu.memory_space<vmem>>) target(%dma_start3A_331 : memref<10000x128xf32, #tpu.memory_space<vmem_shared>>) offsets(%arg18 : memref<40xi32, #tpu.memory_space<vmem>>) semaphore(%run_scoped3A : memref<!tpu.dma_semaphore, #tpu.memory_space<semaphore_mem>>) {add = true}
        %dma_wait3A_332 = arith.constant 0 : i32
        %dma_wait3A_333 = arith.constant 0 : i32
        %dma_wait3A_334 = tpu.memref_slice %arg11[%dma_wait3A_332, %dma_wait3A_333] : memref<10000x128xf32, #tpu.memory_space<vmem_shared>> -> memref<10000x128xf32, #tpu.memory_space<vmem_shared>>
        tpu.wait_indirect_dma semaphore(%run_scoped3A : memref<!tpu.dma_semaphore, #tpu.memory_space<semaphore_mem>>) src(%arg22 : memref<40x128xf32, #tpu.memory_space<vmem>>) dst(%dma_wait3A_334 : memref<10000x128xf32, #tpu.memory_space<vmem_shared>>)
        tpu.yield
      }) : () -> ()
      "tpu.region"() ({
        %run_scoped3A = tpu.sem_alloc : memref<!tpu.dma_semaphore, #tpu.memory_space<semaphore_mem>>
        %dma_start3A_329 = arith.constant 0 : i32
        %dma_start3A_330 = tpu.memref_slice %arg10[%mul3A_320, %dma_start3A_329] : memref<320000x16xf32, #tpu.memory_space<hbm>> -> memref<40x16xf32, #tpu.memory_space<hbm>>
        %dma_start3A_331 = arith.constant 0 : i32
        %dma_start3A_332 = tpu.memref_slice %arg10[%mul3A_320, %dma_start3A_331] : memref<320000x16xf32, #tpu.memory_space<hbm>> -> memref<40x16xf32, #tpu.memory_space<hbm>>
        tpu.enqueue_dma source(%arg23 : memref<40x16xf32, #tpu.memory_space<vmem>>) target(%dma_start3A_332 : memref<40x16xf32, #tpu.memory_space<hbm>>) target_semaphore(%run_scoped3A : memref<!tpu.dma_semaphore, #tpu.memory_space<semaphore_mem>>)
        %dma_wait3A_333 = arith.constant 0 : i32
        %dma_wait3A_334 = tpu.memref_slice %arg10[%mul3A_320, %dma_wait3A_333] : memref<320000x16xf32, #tpu.memory_space<hbm>> -> memref<40x16xf32, #tpu.memory_space<hbm>>
        %dma_wait3A_335 = arith.constant 0 : i32
        %dma_wait3A_336 = tpu.memref_slice %arg10[%mul3A_320, %dma_wait3A_335] : memref<320000x16xf32, #tpu.memory_space<hbm>> -> memref<40x16xf32, #tpu.memory_space<hbm>>
        tpu.wait_dma2 semaphore(%run_scoped3A : memref<!tpu.dma_semaphore, #tpu.memory_space<semaphore_mem>>) src(%arg23 : memref<40x16xf32, #tpu.memory_space<vmem>>) dst(%dma_wait3A_336 : memref<40x16xf32, #tpu.memory_space<hbm>>)
        tpu.yield
      }) : () -> ()
      %scan3A_328 = arith.constant 0 : i32
      scf.yield %scan3A_328 : i32
    }
    %scan3A_207 = arith.constant 125 : i32
    %dma_wait3A = arith.constant 0 : i32
    %dma_wait3A_208 = arith.constant 0 : i32
    %dma_wait3A_209 = tpu.memref_slice %arg2[%dma_wait3A, %dma_wait3A_208] : memref<10000x128xf32, #tpu.memory_space<hbm>> -> memref<10000x128xf32, #tpu.memory_space<hbm>>
    tpu.wait_indirect_dma semaphore(%arg26 : memref<!tpu.dma_semaphore, #tpu.memory_space<semaphore_mem>>) src(%dma_wait3A_209 : memref<10000x128xf32, #tpu.memory_space<hbm>>) dst(%arg14 : memref<40x128xf32, #tpu.memory_space<vmem>>)
    %dma_wait3A_210 = arith.constant 0 : i32
    %dma_wait3A_211 = arith.constant 0 : i32
    %dma_wait3A_212 = tpu.memref_slice %arg3[%dma_wait3A_210, %dma_wait3A_211] : memref<10000x128xf32, #tpu.memory_space<hbm>> -> memref<10000x128xf32, #tpu.memory_space<hbm>>
    tpu.wait_indirect_dma semaphore(%arg27 : memref<!tpu.dma_semaphore, #tpu.memory_space<semaphore_mem>>) src(%dma_wait3A_212 : memref<10000x128xf32, #tpu.memory_space<hbm>>) dst(%arg15 : memref<40x128xf32, #tpu.memory_space<vmem>>)
    %barrier3A_213 = arith.constant 0 : index
    tpu.barrier barrier_id(%barrier3A_213)
    %lt3A_214 = arith.constant 15 : i32
    %lt3A_215 = arith.cmpi slt, %arg1, %lt3A_214 : i32
    %convert_element_type3A = arith.extui %lt3A_215 : i1 to i32
    %cond3A = arith.constant 0 : i32
    %cond3A_216 = arith.cmpi ne, %convert_element_type3A, %cond3A : i32
    scf.if %cond3A_216 {
      "tpu.region"() ({
        %run_scoped3A = tpu.sem_alloc : memref<!tpu.dma_semaphore, #tpu.memory_space<semaphore_mem>>
        %dma_start3A_222 = arith.constant 0 : i32
        %dma_start3A_223 = tpu.memref_slice %arg9[%arg0, %mul3A_11, %dma_start3A_222] : memref<2x10000x128xf32, #tpu.memory_space<hbm>> -> memref<1x632x128xf32, #tpu.memory_space<hbm>>
        %dma_start3A_224 = tpu.memref_squeeze %dma_start3A_223 : memref<1x632x128xf32, #tpu.memory_space<hbm>> -> memref<632x128xf32, #tpu.memory_space<hbm>>
        %dma_start3A_225 = arith.constant 0 : i32
        %dma_start3A_226 = tpu.memref_slice %arg11[%mul3A_11, %dma_start3A_225] : memref<10000x128xf32, #tpu.memory_space<vmem_shared>> -> memref<632x128xf32, #tpu.memory_space<vmem_shared>>
        tpu.enqueue_dma source(%dma_start3A_226 : memref<632x128xf32, #tpu.memory_space<vmem_shared>>) target(%dma_start3A_224 : memref<632x128xf32, #tpu.memory_space<hbm>>) target_semaphore(%run_scoped3A : memref<!tpu.dma_semaphore, #tpu.memory_space<semaphore_mem>>)
        %dma_wait3A_227 = arith.constant 0 : i32
        %dma_wait3A_228 = tpu.memref_slice %arg9[%arg0, %mul3A_11, %dma_wait3A_227] : memref<2x10000x128xf32, #tpu.memory_space<hbm>> -> memref<1x632x128xf32, #tpu.memory_space<hbm>>
        %dma_wait3A_229 = tpu.memref_squeeze %dma_wait3A_228 : memref<1x632x128xf32, #tpu.memory_space<hbm>> -> memref<632x128xf32, #tpu.memory_space<hbm>>
        %dma_wait3A_230 = arith.constant 0 : i32
        %dma_wait3A_231 = tpu.memref_slice %arg11[%mul3A_11, %dma_wait3A_230] : memref<10000x128xf32, #tpu.memory_space<vmem_shared>> -> memref<632x128xf32, #tpu.memory_space<vmem_shared>>
        tpu.wait_dma2 semaphore(%run_scoped3A : memref<!tpu.dma_semaphore, #tpu.memory_space<semaphore_mem>>) src(%dma_wait3A_231 : memref<632x128xf32, #tpu.memory_space<vmem_shared>>) dst(%dma_wait3A_229 : memref<632x128xf32, #tpu.memory_space<hbm>>)
        tpu.yield
      }) : () -> ()
    } else {
    }
    %eq3A_217 = arith.constant 15 : i32
    %eq3A_218 = arith.cmpi eq, %arg1, %eq3A_217 : i32
    %convert_element_type3A_219 = arith.extui %eq3A_218 : i1 to i32
    %cond3A_220 = arith.constant 0 : i32
    %cond3A_221 = arith.cmpi ne, %convert_element_type3A_219, %cond3A_220 : i32
    scf.if %cond3A_221 {
      "tpu.region"() ({
        %run_scoped3A = tpu.sem_alloc : memref<!tpu.dma_semaphore, #tpu.memory_space<semaphore_mem>>
        %dma_start3A_222 = arith.constant 9480 : i32
        %dma_start3A_223 = arith.constant 0 : i32
        %dma_start3A_224 = tpu.memref_slice %arg9[%arg0, %dma_start3A_222, %dma_start3A_223] : memref<2x10000x128xf32, #tpu.memory_space<hbm>> -> memref<1x520x128xf32, #tpu.memory_space<hbm>>
        %dma_start3A_225 = tpu.memref_squeeze %dma_start3A_224 : memref<1x520x128xf32, #tpu.memory_space<hbm>> -> memref<520x128xf32, #tpu.memory_space<hbm>>
        %dma_start3A_226 = arith.constant 9480 : i32
        %dma_start3A_227 = arith.constant 0 : i32
        %dma_start3A_228 = tpu.memref_slice %arg11[%dma_start3A_226, %dma_start3A_227] : memref<10000x128xf32, #tpu.memory_space<vmem_shared>> -> memref<520x128xf32, #tpu.memory_space<vmem_shared>>
        tpu.enqueue_dma source(%dma_start3A_228 : memref<520x128xf32, #tpu.memory_space<vmem_shared>>) target(%dma_start3A_225 : memref<520x128xf32, #tpu.memory_space<hbm>>) target_semaphore(%run_scoped3A : memref<!tpu.dma_semaphore, #tpu.memory_space<semaphore_mem>>)
        %dma_wait3A_229 = arith.constant 9480 : i32
        %dma_wait3A_230 = arith.constant 0 : i32
        %dma_wait3A_231 = tpu.memref_slice %arg9[%arg0, %dma_wait3A_229, %dma_wait3A_230] : memref<2x10000x128xf32, #tpu.memory_space<hbm>> -> memref<1x520x128xf32, #tpu.memory_space<hbm>>
        %dma_wait3A_232 = tpu.memref_squeeze %dma_wait3A_231 : memref<1x520x128xf32, #tpu.memory_space<hbm>> -> memref<520x128xf32, #tpu.memory_space<hbm>>
        %dma_wait3A_233 = arith.constant 9480 : i32
        %dma_wait3A_234 = arith.constant 0 : i32
        %dma_wait3A_235 = tpu.memref_slice %arg11[%dma_wait3A_233, %dma_wait3A_234] : memref<10000x128xf32, #tpu.memory_space<vmem_shared>> -> memref<520x128xf32, #tpu.memory_space<vmem_shared>>
        tpu.wait_dma2 semaphore(%run_scoped3A : memref<!tpu.dma_semaphore, #tpu.memory_space<semaphore_mem>>) src(%dma_wait3A_235 : memref<520x128xf32, #tpu.memory_space<vmem_shared>>) dst(%dma_wait3A_232 : memref<520x128xf32, #tpu.memory_space<hbm>>)
        tpu.yield
      }) : () -> ()
    } else {
    }
    return
  }
}

#map = affine_map<(d0, d1) -> (0, 0)>
#map1 = affine_map<(d0, d1) -> (0)>
#map2 = affine_map<(d0, d1) -> (0, 0, 0)>
module attributes {stable_mosaic.version = 14 : i64} {
  func.func @_sc_den_body(%arg0: i32, %arg1: i32, %arg2: memref<320000x16xf32, #tpu.memory_space<hbm>>, %arg3: memref<320000xi32, #tpu.memory_space<hbm>>, %arg4: memref<2x10000x16xf32, #tpu.memory_space<hbm>>, %arg5: memref<10000x16xf32, #tpu.memory_space<vmem_shared>>, %arg6: memref<80xi32, #tpu.memory_space<vmem>>, %arg7: memref<80x16xf32, #tpu.memory_space<vmem>>, %arg8: memref<!tpu.dma_semaphore, #tpu.memory_space<semaphore_mem>>) attributes {dimension_semantics = [#tpu.dimension_semantics<core_parallel>, #tpu.dimension_semantics<subcore_parallel>], iteration_bounds = array<i64: 2, 16>, scalar_prefetch = 0 : i64, scratch_operands = 4 : i64, tpu.core_type = #tpu.core_type<sc_vector_subcore>, window_params = [{transform_indices = #map}, {transform_indices = #map1}, {transform_indices = #map2}]} {
    %mul3A = arith.constant 2 : i32
    %mul3A_0 = arith.muli %arg1, %mul3A : i32
    %add3A = arith.addi %mul3A_0, %arg0 : i32
    %broadcast_in_dim3A = arith.constant 0.000000e+00 : f32
    %broadcast_in_dim3A_1 = vector.broadcast %broadcast_in_dim3A : f32 to vector<16xf32>
    %scan3A = arith.constant 0 : i32
    %scan3A_2 = arith.constant 0 : i32
    %scan3A_3 = arith.constant 8 : i32
    %scan3A_4 = arith.addi %scan3A_2, %scan3A_3 : i32
    %scan3A_5 = arith.constant 1 : i32
    %scan3A_6 = scf.for %scan3A_34 = %scan3A_2 to %scan3A_4 step %scan3A_5 iter_args(%scan3A_35 = %scan3A) -> (i32)  : i32 {
      %swap3A = arith.index_cast %scan3A_34 : i32 to index
      %swap3A_36 = arith.constant 0 : index
      %swap3A_37 = tpu.vector_load %arg7[%swap3A, %swap3A_36] {strides = array<i32>} : memref<80x16xf32, #tpu.memory_space<vmem>>, vector<16xf32>,
      tpu.vector_store %arg7[%swap3A, %swap3A_36], %broadcast_in_dim3A_1 {strides = array<i32>} : memref<80x16xf32, #tpu.memory_space<vmem>>, vector<16xf32>,
      %scan3A_38 = arith.constant 0 : i32
      scf.yield %scan3A_38 : i32
    }
    %scan3A_7 = arith.constant 8 : i32
    %lt3A = arith.constant 15 : i32
    %lt3A_8 = arith.cmpi slt, %arg1, %lt3A : i32
    %jit3A = arith.constant 632 : i32
    %jit3A_9 = arith.constant 520 : i32
    %select_n3A = arith.select %lt3A_8, %jit3A, %jit3A_9 : i32
    %mul3A_10 = arith.constant 632 : i32
    %mul3A_11 = arith.muli %arg1, %mul3A_10 : i32
    %scan3A_12 = arith.constant 0 : i32
    %scan3A_13 = arith.constant 0 : i32
    %scan3A_14 = arith.constant 79 : i32
    %scan3A_15 = arith.addi %scan3A_13, %scan3A_14 : i32
    %scan3A_16 = arith.constant 1 : i32
    %scan3A_17 = scf.for %scan3A_34 = %scan3A_13 to %scan3A_15 step %scan3A_16 iter_args(%scan3A_35 = %scan3A_12) -> (i32)  : i32 {
      %mul3A_36 = arith.constant 8 : i32
      %mul3A_37 = arith.muli %scan3A_34, %mul3A_36 : i32
      %lt3A_38 = arith.cmpi slt, %mul3A_37, %select_n3A : i32
      %convert_element_type3A_39 = arith.extui %lt3A_38 : i1 to i32
      %cond3A_40 = arith.constant 0 : i32
      %cond3A_41 = arith.cmpi ne, %convert_element_type3A_39, %cond3A_40 : i32
      scf.if %cond3A_41 {
        %mul3A_43 = arith.constant 8 : i32
        %mul3A_44 = arith.muli %scan3A_34, %mul3A_43 : i32
        %add3A_45 = arith.addi %mul3A_11, %mul3A_44 : i32
        "tpu.region"() ({
          %run_scoped3A = tpu.sem_alloc : memref<!tpu.dma_semaphore, #tpu.memory_space<semaphore_mem>>
          %dma_start3A = arith.constant 0 : i32
          %dma_start3A_46 = arith.constant 0 : i32
          %dma_start3A_47 = tpu.memref_slice %arg7[%dma_start3A, %dma_start3A_46] : memref<80x16xf32, #tpu.memory_space<vmem>> -> memref<8x16xf32, #tpu.memory_space<vmem>>
          %dma_start3A_48 = arith.constant 0 : i32
          %dma_start3A_49 = tpu.memref_slice %arg5[%add3A_45, %dma_start3A_48] : memref<10000x16xf32, #tpu.memory_space<vmem_shared>> -> memref<8x16xf32, #tpu.memory_space<vmem_shared>>
          %dma_start3A_50 = arith.constant 0 : i32
          %dma_start3A_51 = tpu.memref_slice %arg5[%add3A_45, %dma_start3A_50] : memref<10000x16xf32, #tpu.memory_space<vmem_shared>> -> memref<8x16xf32, #tpu.memory_space<vmem_shared>>
          %dma_start3A_52 = arith.constant 0 : i32
          %dma_start3A_53 = arith.constant 0 : i32
          %dma_start3A_54 = tpu.memref_slice %arg7[%dma_start3A_52, %dma_start3A_53] : memref<80x16xf32, #tpu.memory_space<vmem>> -> memref<8x16xf32, #tpu.memory_space<vmem>>
          tpu.enqueue_dma source(%dma_start3A_54 : memref<8x16xf32, #tpu.memory_space<vmem>>) target(%dma_start3A_51 : memref<8x16xf32, #tpu.memory_space<vmem_shared>>) target_semaphore(%run_scoped3A : memref<!tpu.dma_semaphore, #tpu.memory_space<semaphore_mem>>)
          %dma_wait3A = arith.constant 0 : i32
          %dma_wait3A_55 = arith.constant 0 : i32
          %dma_wait3A_56 = tpu.memref_slice %arg7[%dma_wait3A, %dma_wait3A_55] : memref<80x16xf32, #tpu.memory_space<vmem>> -> memref<8x16xf32, #tpu.memory_space<vmem>>
          %dma_wait3A_57 = arith.constant 0 : i32
          %dma_wait3A_58 = tpu.memref_slice %arg5[%add3A_45, %dma_wait3A_57] : memref<10000x16xf32, #tpu.memory_space<vmem_shared>> -> memref<8x16xf32, #tpu.memory_space<vmem_shared>>
          %dma_wait3A_59 = arith.constant 0 : i32
          %dma_wait3A_60 = tpu.memref_slice %arg5[%add3A_45, %dma_wait3A_59] : memref<10000x16xf32, #tpu.memory_space<vmem_shared>> -> memref<8x16xf32, #tpu.memory_space<vmem_shared>>
          %dma_wait3A_61 = arith.constant 0 : i32
          %dma_wait3A_62 = arith.constant 0 : i32
          %dma_wait3A_63 = tpu.memref_slice %arg7[%dma_wait3A_61, %dma_wait3A_62] : memref<80x16xf32, #tpu.memory_space<vmem>> -> memref<8x16xf32, #tpu.memory_space<vmem>>
          tpu.wait_dma2 semaphore(%run_scoped3A : memref<!tpu.dma_semaphore, #tpu.memory_space<semaphore_mem>>) src(%dma_wait3A_63 : memref<8x16xf32, #tpu.memory_space<vmem>>) dst(%dma_wait3A_60 : memref<8x16xf32, #tpu.memory_space<vmem_shared>>)
          tpu.yield
        }) : () -> ()
      } else {
      }
      %scan3A_42 = arith.constant 0 : i32
      scf.yield %scan3A_42 : i32
    }
    %scan3A_18 = arith.constant 79 : i32
    %barrier3A = arith.constant 0 : index
    tpu.barrier barrier_id(%barrier3A)
    %scan3A_19 = arith.constant 0 : i32
    %scan3A_20 = arith.constant 0 : i32
    %scan3A_21 = arith.constant 125 : i32
    %scan3A_22 = arith.addi %scan3A_20, %scan3A_21 : i32
    %scan3A_23 = arith.constant 1 : i32
    %scan3A_24 = scf.for %scan3A_34 = %scan3A_20 to %scan3A_22 step %scan3A_23 iter_args(%scan3A_35 = %scan3A_19) -> (i32)  : i32 {
      %mul3A_36 = arith.constant 32 : i32
      %mul3A_37 = arith.muli %scan3A_34, %mul3A_36 : i32
      %add3A_38 = arith.addi %add3A, %mul3A_37 : i32
      %mul3A_39 = arith.constant 80 : i32
      %mul3A_40 = arith.muli %add3A_38, %mul3A_39 : i32
      "tpu.region"() ({
        %run_scoped3A = tpu.sem_alloc : memref<!tpu.dma_semaphore, #tpu.memory_space<semaphore_mem>>
        %dma_start3A = tpu.memref_slice %arg3[%mul3A_40] : memref<320000xi32, #tpu.memory_space<hbm>> -> memref<80xi32, #tpu.memory_space<hbm>>
        %dma_start3A_42 = tpu.memref_slice %arg3[%mul3A_40] : memref<320000xi32, #tpu.memory_space<hbm>> -> memref<80xi32, #tpu.memory_space<hbm>>
        tpu.enqueue_dma source(%dma_start3A_42 : memref<80xi32, #tpu.memory_space<hbm>>) target(%arg6 : memref<80xi32, #tpu.memory_space<vmem>>) target_semaphore(%run_scoped3A : memref<!tpu.dma_semaphore, #tpu.memory_space<semaphore_mem>>)
        %dma_wait3A = tpu.memref_slice %arg3[%mul3A_40] : memref<320000xi32, #tpu.memory_space<hbm>> -> memref<80xi32, #tpu.memory_space<hbm>>
        %dma_wait3A_43 = tpu.memref_slice %arg3[%mul3A_40] : memref<320000xi32, #tpu.memory_space<hbm>> -> memref<80xi32, #tpu.memory_space<hbm>>
        tpu.wait_dma2 semaphore(%run_scoped3A : memref<!tpu.dma_semaphore, #tpu.memory_space<semaphore_mem>>) src(%dma_wait3A_43 : memref<80xi32, #tpu.memory_space<hbm>>) dst(%arg6 : memref<80xi32, #tpu.memory_space<vmem>>)
        tpu.yield
      }) : () -> ()
      "tpu.region"() ({
        %run_scoped3A = tpu.sem_alloc : memref<!tpu.dma_semaphore, #tpu.memory_space<semaphore_mem>>
        %dma_start3A = arith.constant 0 : i32
        %dma_start3A_42 = tpu.memref_slice %arg2[%mul3A_40, %dma_start3A] : memref<320000x16xf32, #tpu.memory_space<hbm>> -> memref<80x16xf32, #tpu.memory_space<hbm>>
        %dma_start3A_43 = arith.constant 0 : i32
        %dma_start3A_44 = tpu.memref_slice %arg2[%mul3A_40, %dma_start3A_43] : memref<320000x16xf32, #tpu.memory_space<hbm>> -> memref<80x16xf32, #tpu.memory_space<hbm>>
        tpu.enqueue_dma source(%dma_start3A_44 : memref<80x16xf32, #tpu.memory_space<hbm>>) target(%arg7 : memref<80x16xf32, #tpu.memory_space<vmem>>) target_semaphore(%run_scoped3A : memref<!tpu.dma_semaphore, #tpu.memory_space<semaphore_mem>>)
        %dma_wait3A = arith.constant 0 : i32
        %dma_wait3A_45 = tpu.memref_slice %arg2[%mul3A_40, %dma_wait3A] : memref<320000x16xf32, #tpu.memory_space<hbm>> -> memref<80x16xf32, #tpu.memory_space<hbm>>
        %dma_wait3A_46 = arith.constant 0 : i32
        %dma_wait3A_47 = tpu.memref_slice %arg2[%mul3A_40, %dma_wait3A_46] : memref<320000x16xf32, #tpu.memory_space<hbm>> -> memref<80x16xf32, #tpu.memory_space<hbm>>
        tpu.wait_dma2 semaphore(%run_scoped3A : memref<!tpu.dma_semaphore, #tpu.memory_space<semaphore_mem>>) src(%dma_wait3A_47 : memref<80x16xf32, #tpu.memory_space<hbm>>) dst(%arg7 : memref<80x16xf32, #tpu.memory_space<vmem>>)
        tpu.yield
      }) : () -> ()
      "tpu.region"() ({
        %run_scoped3A = tpu.sem_alloc : memref<!tpu.dma_semaphore, #tpu.memory_space<semaphore_mem>>
        %dma_start3A = arith.constant 0 : i32
        %dma_start3A_42 = arith.constant 0 : i32
        %dma_start3A_43 = tpu.memref_slice %arg5[%dma_start3A, %dma_start3A_42] : memref<10000x16xf32, #tpu.memory_space<vmem_shared>> -> memref<10000x16xf32, #tpu.memory_space<vmem_shared>>
        tpu.enqueue_indirect_dma source(%arg7 : memref<80x16xf32, #tpu.memory_space<vmem>>) target(%dma_start3A_43 : memref<10000x16xf32, #tpu.memory_space<vmem_shared>>) offsets(%arg6 : memref<80xi32, #tpu.memory_space<vmem>>) semaphore(%run_scoped3A : memref<!tpu.dma_semaphore, #tpu.memory_space<semaphore_mem>>) {add = true}
        %dma_wait3A = arith.constant 0 : i32
        %dma_wait3A_44 = arith.constant 0 : i32
        %dma_wait3A_45 = tpu.memref_slice %arg5[%dma_wait3A, %dma_wait3A_44] : memref<10000x16xf32, #tpu.memory_space<vmem_shared>> -> memref<10000x16xf32, #tpu.memory_space<vmem_shared>>
        tpu.wait_indirect_dma semaphore(%run_scoped3A : memref<!tpu.dma_semaphore, #tpu.memory_space<semaphore_mem>>) src(%arg7 : memref<80x16xf32, #tpu.memory_space<vmem>>) dst(%dma_wait3A_45 : memref<10000x16xf32, #tpu.memory_space<vmem_shared>>)
        tpu.yield
      }) : () -> ()
      %scan3A_41 = arith.constant 0 : i32
      scf.yield %scan3A_41 : i32
    }
    %scan3A_25 = arith.constant 125 : i32
    %barrier3A_26 = arith.constant 0 : index
    tpu.barrier barrier_id(%barrier3A_26)
    %lt3A_27 = arith.constant 15 : i32
    %lt3A_28 = arith.cmpi slt, %arg1, %lt3A_27 : i32
    %convert_element_type3A = arith.extui %lt3A_28 : i1 to i32
    %cond3A = arith.constant 0 : i32
    %cond3A_29 = arith.cmpi ne, %convert_element_type3A, %cond3A : i32
    scf.if %cond3A_29 {
      "tpu.region"() ({
        %run_scoped3A = tpu.sem_alloc : memref<!tpu.dma_semaphore, #tpu.memory_space<semaphore_mem>>
        %dma_start3A = arith.constant 0 : i32
        %dma_start3A_34 = tpu.memref_slice %arg4[%arg0, %mul3A_11, %dma_start3A] : memref<2x10000x16xf32, #tpu.memory_space<hbm>> -> memref<1x632x16xf32, #tpu.memory_space<hbm>>
        %dma_start3A_35 = tpu.memref_squeeze %dma_start3A_34 : memref<1x632x16xf32, #tpu.memory_space<hbm>> -> memref<632x16xf32, #tpu.memory_space<hbm>>
        %dma_start3A_36 = arith.constant 0 : i32
        %dma_start3A_37 = tpu.memref_slice %arg5[%mul3A_11, %dma_start3A_36] : memref<10000x16xf32, #tpu.memory_space<vmem_shared>> -> memref<632x16xf32, #tpu.memory_space<vmem_shared>>
        tpu.enqueue_dma source(%dma_start3A_37 : memref<632x16xf32, #tpu.memory_space<vmem_shared>>) target(%dma_start3A_35 : memref<632x16xf32, #tpu.memory_space<hbm>>) target_semaphore(%run_scoped3A : memref<!tpu.dma_semaphore, #tpu.memory_space<semaphore_mem>>)
        %dma_wait3A = arith.constant 0 : i32
        %dma_wait3A_38 = tpu.memref_slice %arg4[%arg0, %mul3A_11, %dma_wait3A] : memref<2x10000x16xf32, #tpu.memory_space<hbm>> -> memref<1x632x16xf32, #tpu.memory_space<hbm>>
        %dma_wait3A_39 = tpu.memref_squeeze %dma_wait3A_38 : memref<1x632x16xf32, #tpu.memory_space<hbm>> -> memref<632x16xf32, #tpu.memory_space<hbm>>
        %dma_wait3A_40 = arith.constant 0 : i32
        %dma_wait3A_41 = tpu.memref_slice %arg5[%mul3A_11, %dma_wait3A_40] : memref<10000x16xf32, #tpu.memory_space<vmem_shared>> -> memref<632x16xf32, #tpu.memory_space<vmem_shared>>
        tpu.wait_dma2 semaphore(%run_scoped3A : memref<!tpu.dma_semaphore, #tpu.memory_space<semaphore_mem>>) src(%dma_wait3A_41 : memref<632x16xf32, #tpu.memory_space<vmem_shared>>) dst(%dma_wait3A_39 : memref<632x16xf32, #tpu.memory_space<hbm>>)
        tpu.yield
      }) : () -> ()
    } else {
    }
    %eq3A = arith.constant 15 : i32
    %eq3A_30 = arith.cmpi eq, %arg1, %eq3A : i32
    %convert_element_type3A_31 = arith.extui %eq3A_30 : i1 to i32
    %cond3A_32 = arith.constant 0 : i32
    %cond3A_33 = arith.cmpi ne, %convert_element_type3A_31, %cond3A_32 : i32
    scf.if %cond3A_33 {
      "tpu.region"() ({
        %run_scoped3A = tpu.sem_alloc : memref<!tpu.dma_semaphore, #tpu.memory_space<semaphore_mem>>
        %dma_start3A = arith.constant 9480 : i32
        %dma_start3A_34 = arith.constant 0 : i32
        %dma_start3A_35 = tpu.memref_slice %arg4[%arg0, %dma_start3A, %dma_start3A_34] : memref<2x10000x16xf32, #tpu.memory_space<hbm>> -> memref<1x520x16xf32, #tpu.memory_space<hbm>>
        %dma_start3A_36 = tpu.memref_squeeze %dma_start3A_35 : memref<1x520x16xf32, #tpu.memory_space<hbm>> -> memref<520x16xf32, #tpu.memory_space<hbm>>
        %dma_start3A_37 = arith.constant 9480 : i32
        %dma_start3A_38 = arith.constant 0 : i32
        %dma_start3A_39 = tpu.memref_slice %arg5[%dma_start3A_37, %dma_start3A_38] : memref<10000x16xf32, #tpu.memory_space<vmem_shared>> -> memref<520x16xf32, #tpu.memory_space<vmem_shared>>
        tpu.enqueue_dma source(%dma_start3A_39 : memref<520x16xf32, #tpu.memory_space<vmem_shared>>) target(%dma_start3A_36 : memref<520x16xf32, #tpu.memory_space<hbm>>) target_semaphore(%run_scoped3A : memref<!tpu.dma_semaphore, #tpu.memory_space<semaphore_mem>>)
        %dma_wait3A = arith.constant 9480 : i32
        %dma_wait3A_40 = arith.constant 0 : i32
        %dma_wait3A_41 = tpu.memref_slice %arg4[%arg0, %dma_wait3A, %dma_wait3A_40] : memref<2x10000x16xf32, #tpu.memory_space<hbm>> -> memref<1x520x16xf32, #tpu.memory_space<hbm>>
        %dma_wait3A_42 = tpu.memref_squeeze %dma_wait3A_41 : memref<1x520x16xf32, #tpu.memory_space<hbm>> -> memref<520x16xf32, #tpu.memory_space<hbm>>
        %dma_wait3A_43 = arith.constant 9480 : i32
        %dma_wait3A_44 = arith.constant 0 : i32
        %dma_wait3A_45 = tpu.memref_slice %arg5[%dma_wait3A_43, %dma_wait3A_44] : memref<10000x16xf32, #tpu.memory_space<vmem_shared>> -> memref<520x16xf32, #tpu.memory_space<vmem_shared>>
        tpu.wait_dma2 semaphore(%run_scoped3A : memref<!tpu.dma_semaphore, #tpu.memory_space<semaphore_mem>>) src(%dma_wait3A_45 : memref<520x16xf32, #tpu.memory_space<vmem_shared>>) dst(%dma_wait3A_42 : memref<520x16xf32, #tpu.memory_space<hbm>>)
        tpu.yield
      }) : () -> ()
    } else {
    }
    return
  }
}

module attributes {stable_mosaic.version = 14 : i64} {
  func.func @_proj_body(%arg0: i32, %arg1: memref<1000x128xf32, #tpu.memory_space<vmem>>, %arg2: memref<128x128xf32, #tpu.memory_space<vmem>>, %arg3: memref<1x128xf32, #tpu.memory_space<vmem>>, %arg4: memref<128x128xf32, #tpu.memory_space<vmem>>, %arg5: memref<1x128xf32, #tpu.memory_space<vmem>>, %arg6: memref<128x128xf32, #tpu.memory_space<vmem>>, %arg7: memref<1x128xf32, #tpu.memory_space<vmem>>, %arg8: memref<1000x128xf32, #tpu.memory_space<vmem>>, %arg9: memref<1000x128xf32, #tpu.memory_space<vmem>>) attributes {dimension_semantics = [#tpu.dimension_semantics<arbitrary>], iteration_bounds = array<i64: 10>, scalar_prefetch = 0 : i64, scratch_operands = 0 : i64, tpu.core_type = #tpu.core_type<tc>, window_params = [{transform_indices = @transform_0, window_bounds = array<i64: 1000, 128>}, {pipeline_mode = #tpu.pipeline_mode<synchronous>, transform_indices = @transform_1, window_bounds = array<i64: 128, 128>}, {pipeline_mode = #tpu.pipeline_mode<synchronous>, transform_indices = @transform_2, window_bounds = array<i64: 1, 128>}, {pipeline_mode = #tpu.pipeline_mode<synchronous>, transform_indices = @transform_3, window_bounds = array<i64: 128, 128>}, {pipeline_mode = #tpu.pipeline_mode<synchronous>, transform_indices = @transform_4, window_bounds = array<i64: 1, 128>}, {pipeline_mode = #tpu.pipeline_mode<synchronous>, transform_indices = @transform_5, window_bounds = array<i64: 128, 128>}, {pipeline_mode = #tpu.pipeline_mode<synchronous>, transform_indices = @transform_6, window_bounds = array<i64: 1, 128>}, {transform_indices = @transform_7, window_bounds = array<i64: 1000, 128>}, {transform_indices = @transform_8, window_bounds = array<i64: 1000, 128>}]} {
    %get3A = arith.constant 0 : index
    %get3A_0 = arith.constant 0 : index
    %get3A_1 = vector.load %arg1[%get3A, %get3A_0] : memref<1000x128xf32, #tpu.memory_space<vmem>>, vector<1000x128xf32>
    %get3A_2 = arith.constant 0 : index
    %get3A_3 = arith.constant 0 : index
    %get3A_4 = vector.load %arg2[%get3A_2, %get3A_3] : memref<128x128xf32, #tpu.memory_space<vmem>>, vector<128x128xf32>
    %dot_general3A = arith.constant dense<0.000000e+00> : vector<1000x128xf32>
    %dot_general3A_5 = tpu.matmul %get3A_1, %get3A_4, %dot_general3A {dimension_numbers = #tpu.dot_dimension_numbers<[1], [0], [0], [1], [0, 0, 1, 1], [], []>, transpose_lhs_hint = false} : vector<1000x128xf32>, vector<128x128xf32>, vector<1000x128xf32> -> vector<1000x128xf32>
    %get3A_6 = arith.constant 0 : index
    %get3A_7 = arith.constant 0 : index
    %get3A_8 = vector.load %arg3[%get3A_6, %get3A_7] : memref<1x128xf32, #tpu.memory_space<vmem>>, vector<1x128xf32>
    %add3A = vector.broadcast %get3A_8 : vector<1x128xf32> to vector<1000x128xf32>
    %add3A_9 = arith.addf %dot_general3A_5, %add3A : vector<1000x128xf32>
    %gt3A = arith.constant 0.000000e+00 : f32
    %gt3A_10 = vector.broadcast %gt3A : f32 to vector<1000x128xf32>
    %gt3A_11 = arith.cmpf ogt, %add3A_9, %gt3A_10 : vector<1000x128xf32>
    %exp3A = math.exp %add3A_9 : vector<1000x128xf32>
    %sub3A = arith.constant 1.000000e+00 : f32
    %sub3A_12 = vector.broadcast %sub3A : f32 to vector<1000x128xf32>
    %sub3A_13 = arith.subf %exp3A, %sub3A_12 : vector<1000x128xf32>
    %select_n3A = arith.select %gt3A_11, %add3A_9, %sub3A_13 : vector<1000x128xi1>, vector<1000x128xf32>
    %get3A_14 = arith.constant 0 : index
    %get3A_15 = arith.constant 0 : index
    %get3A_16 = vector.load %arg4[%get3A_14, %get3A_15] : memref<128x128xf32, #tpu.memory_space<vmem>>, vector<128x128xf32>
    %dot_general3A_17 = arith.constant dense<0.000000e+00> : vector<1000x128xf32>
    %dot_general3A_18 = tpu.matmul %select_n3A, %get3A_16, %dot_general3A_17 {dimension_numbers = #tpu.dot_dimension_numbers<[1], [0], [0], [1], [0, 0, 1, 1], [], []>, transpose_lhs_hint = false} : vector<1000x128xf32>, vector<128x128xf32>, vector<1000x128xf32> -> vector<1000x128xf32>
    %get3A_19 = arith.constant 0 : index
    %get3A_20 = arith.constant 0 : index
    %get3A_21 = vector.load %arg5[%get3A_19, %get3A_20] : memref<1x128xf32, #tpu.memory_space<vmem>>, vector<1x128xf32>
    %add3A_22 = vector.broadcast %get3A_21 : vector<1x128xf32> to vector<1000x128xf32>
    %add3A_23 = arith.addf %dot_general3A_18, %add3A_22 : vector<1000x128xf32>
    %swap3A = arith.constant 0 : index
    %swap3A_24 = arith.constant 0 : index
    %swap3A_25 = vector.load %arg8[%swap3A, %swap3A_24] : memref<1000x128xf32, #tpu.memory_space<vmem>>, vector<1000x128xf32>
    tpu.vector_store %arg8[%swap3A, %swap3A_24], %add3A_23 {strides = array<i32>} : memref<1000x128xf32, #tpu.memory_space<vmem>>, vector<1000x128xf32>,
    %get3A_26 = arith.constant 0 : index
    %get3A_27 = arith.constant 0 : index
    %get3A_28 = vector.load %arg6[%get3A_26, %get3A_27] : memref<128x128xf32, #tpu.memory_space<vmem>>, vector<128x128xf32>
    %dot_general3A_29 = arith.constant dense<0.000000e+00> : vector<1000x128xf32>
    %dot_general3A_30 = tpu.matmul %select_n3A, %get3A_28, %dot_general3A_29 {dimension_numbers = #tpu.dot_dimension_numbers<[1], [0], [0], [1], [0, 0, 1, 1], [], []>, transpose_lhs_hint = false} : vector<1000x128xf32>, vector<128x128xf32>, vector<1000x128xf32> -> vector<1000x128xf32>
    %get3A_31 = arith.constant 0 : index
    %get3A_32 = arith.constant 0 : index
    %get3A_33 = vector.load %arg7[%get3A_31, %get3A_32] : memref<1x128xf32, #tpu.memory_space<vmem>>, vector<1x128xf32>
    %add3A_34 = vector.broadcast %get3A_33 : vector<1x128xf32> to vector<1000x128xf32>
    %add3A_35 = arith.addf %dot_general3A_30, %add3A_34 : vector<1000x128xf32>
    %swap3A_36 = arith.constant 0 : index
    %swap3A_37 = arith.constant 0 : index
    %swap3A_38 = vector.load %arg9[%swap3A_36, %swap3A_37] : memref<1000x128xf32, #tpu.memory_space<vmem>>, vector<1000x128xf32>
    tpu.vector_store %arg9[%swap3A_36, %swap3A_37], %add3A_35 {strides = array<i32>} : memref<1000x128xf32, #tpu.memory_space<vmem>>, vector<1000x128xf32>,
    return
  }
  func.func @transform_0(%arg0: i32) -> (i32, i32) {
    %c0_i32 = arith.constant 0 : i32
    %c0_i32_0 = arith.constant 0 : i32
    return %arg0, %c0_i32 : i32, i32
  }
  func.func @transform_1(%arg0: i32) -> (i32, i32) {
    %c0_i32 = arith.constant 0 : i32
    %c0_i32_0 = arith.constant 0 : i32
    %c0_i32_1 = arith.constant 0 : i32
    return %c0_i32, %c0_i32_0 : i32, i32
  }
  func.func @transform_2(%arg0: i32) -> (i32, i32) {
    %c0_i32 = arith.constant 0 : i32
    %c0_i32_0 = arith.constant 0 : i32
    %c0_i32_1 = arith.constant 0 : i32
    return %c0_i32, %c0_i32_0 : i32, i32
  }
  func.func @transform_3(%arg0: i32) -> (i32, i32) {
    %c0_i32 = arith.constant 0 : i32
    %c0_i32_0 = arith.constant 0 : i32
    %c0_i32_1 = arith.constant 0 : i32
    return %c0_i32, %c0_i32_0 : i32, i32
  }
  func.func @transform_4(%arg0: i32) -> (i32, i32) {
    %c0_i32 = arith.constant 0 : i32
    %c0_i32_0 = arith.constant 0 : i32
    %c0_i32_1 = arith.constant 0 : i32
    return %c0_i32, %c0_i32_0 : i32, i32
  }
  func.func @transform_5(%arg0: i32) -> (i32, i32) {
    %c0_i32 = arith.constant 0 : i32
    %c0_i32_0 = arith.constant 0 : i32
    %c0_i32_1 = arith.constant 0 : i32
    return %c0_i32, %c0_i32_0 : i32, i32
  }
  func.func @transform_6(%arg0: i32) -> (i32, i32) {
    %c0_i32 = arith.constant 0 : i32
    %c0_i32_0 = arith.constant 0 : i32
    %c0_i32_1 = arith.constant 0 : i32
    return %c0_i32, %c0_i32_0 : i32, i32
  }
  func.func @transform_7(%arg0: i32) -> (i32, i32) {
    %c0_i32 = arith.constant 0 : i32
    %c0_i32_0 = arith.constant 0 : i32
    return %arg0, %c0_i32 : i32, i32
  }
  func.func @transform_8(%arg0: i32) -> (i32, i32) {
    %c0_i32 = arith.constant 0 : i32
    %c0_i32_0 = arith.constant 0 : i32
    return %arg0, %c0_i32 : i32, i32
  }
}

module attributes {stable_mosaic.version = 14 : i64} {
  func.func @_comb_body(%arg0: i32, %arg1: memref<2x1000x128xf32, #tpu.memory_space<vmem>>, %arg2: memref<2x1000x16xf32, #tpu.memory_space<vmem>>, %arg3: memref<16x128xf32, #tpu.memory_space<vmem>>, %arg4: memref<1x128xf32, #tpu.memory_space<vmem>>, %arg5: memref<128x128xf32, #tpu.memory_space<vmem>>, %arg6: memref<1x128xf32, #tpu.memory_space<vmem>>, %arg7: memref<128x128xf32, #tpu.memory_space<vmem>>, %arg8: memref<1x128xf32, #tpu.memory_space<vmem>>, %arg9: memref<1000x128xf32, #tpu.memory_space<vmem>>, %arg10: memref<1000x128xf32, #tpu.memory_space<vmem>>) attributes {dimension_semantics = [#tpu.dimension_semantics<arbitrary>], iteration_bounds = array<i64: 10>, scalar_prefetch = 0 : i64, scratch_operands = 0 : i64, tpu.core_type = #tpu.core_type<tc>, window_params = [{transform_indices = @transform_0, window_bounds = array<i64: 2, 1000, 128>}, {transform_indices = @transform_1, window_bounds = array<i64: 2, 1000, 16>}, {pipeline_mode = #tpu.pipeline_mode<synchronous>, transform_indices = @transform_2, window_bounds = array<i64: 16, 128>}, {pipeline_mode = #tpu.pipeline_mode<synchronous>, transform_indices = @transform_3, window_bounds = array<i64: 1, 128>}, {pipeline_mode = #tpu.pipeline_mode<synchronous>, transform_indices = @transform_4, window_bounds = array<i64: 128, 128>}, {pipeline_mode = #tpu.pipeline_mode<synchronous>, transform_indices = @transform_5, window_bounds = array<i64: 1, 128>}, {pipeline_mode = #tpu.pipeline_mode<synchronous>, transform_indices = @transform_6, window_bounds = array<i64: 128, 128>}, {pipeline_mode = #tpu.pipeline_mode<synchronous>, transform_indices = @transform_7, window_bounds = array<i64: 1, 128>}, {transform_indices = @transform_8, window_bounds = array<i64: 1000, 128>}, {transform_indices = @transform_9, window_bounds = array<i64: 1000, 128>}]} {
    %get3A = arith.constant 0 : index
    %get3A_0 = arith.constant 0 : index
    %get3A_1 = arith.constant 0 : index
    %get3A_2 = vector.load %arg1[%get3A, %get3A_0, %get3A_1] : memref<2x1000x128xf32, #tpu.memory_space<vmem>>, vector<1x1000x128xf32>
    %get3A_3 = vector.shape_cast %get3A_2 : vector<1x1000x128xf32> to vector<1000x128xf32>
    %get3A_4 = arith.constant 1 : index
    %get3A_5 = arith.constant 0 : index
    %get3A_6 = arith.constant 0 : index
    %get3A_7 = vector.load %arg1[%get3A_4, %get3A_5, %get3A_6] : memref<2x1000x128xf32, #tpu.memory_space<vmem>>, vector<1x1000x128xf32>
    %get3A_8 = vector.shape_cast %get3A_7 : vector<1x1000x128xf32> to vector<1000x128xf32>
    %add3A = arith.addf %get3A_3, %get3A_8 : vector<1000x128xf32>
    %get3A_9 = arith.constant 0 : index
    %get3A_10 = arith.constant 0 : index
    %get3A_11 = arith.constant 0 : index
    %get3A_12 = vector.load %arg2[%get3A_9, %get3A_10, %get3A_11] : memref<2x1000x16xf32, #tpu.memory_space<vmem>>, vector<1x1000x16xf32>
    %get3A_13 = vector.shape_cast %get3A_12 : vector<1x1000x16xf32> to vector<1000x16xf32>
    %get3A_14 = arith.constant 1 : index
    %get3A_15 = arith.constant 0 : index
    %get3A_16 = arith.constant 0 : index
    %get3A_17 = vector.load %arg2[%get3A_14, %get3A_15, %get3A_16] : memref<2x1000x16xf32, #tpu.memory_space<vmem>>, vector<1x1000x16xf32>
    %get3A_18 = vector.shape_cast %get3A_17 : vector<1x1000x16xf32> to vector<1000x16xf32>
    %add3A_19 = arith.addf %get3A_13, %get3A_18 : vector<1000x16xf32>
    %get3A_20 = arith.constant 0 : index
    %get3A_21 = arith.constant 0 : index
    %get3A_22 = vector.load %arg3[%get3A_20, %get3A_21] : memref<16x128xf32, #tpu.memory_space<vmem>>, vector<16x128xf32>
    %dot_general3A = arith.constant dense<0.000000e+00> : vector<1000x128xf32>
    %dot_general3A_23 = tpu.matmul %add3A_19, %get3A_22, %dot_general3A {dimension_numbers = #tpu.dot_dimension_numbers<[1], [0], [0], [1], [0, 0, 1, 1], [], []>, transpose_lhs_hint = false} : vector<1000x16xf32>, vector<16x128xf32>, vector<1000x128xf32> -> vector<1000x128xf32>
    %add3A_24 = arith.constant 1.000000e-16 : f32
    %add3A_25 = vector.broadcast %add3A_24 : f32 to vector<1000x128xf32>
    %add3A_26 = arith.addf %dot_general3A_23, %add3A_25 : vector<1000x128xf32>
    %div3A = arith.divf %add3A, %add3A_26 : vector<1000x128xf32>
    %get3A_27 = arith.constant 0 : index
    %get3A_28 = arith.constant 0 : index
    %get3A_29 = vector.load %arg4[%get3A_27, %get3A_28] : memref<1x128xf32, #tpu.memory_space<vmem>>, vector<1x128xf32>
    %add3A_30 = vector.broadcast %get3A_29 : vector<1x128xf32> to vector<1000x128xf32>
    %add3A_31 = arith.addf %div3A, %add3A_30 : vector<1000x128xf32>
    %gt3A = arith.constant 0.000000e+00 : f32
    %gt3A_32 = vector.broadcast %gt3A : f32 to vector<1000x128xf32>
    %gt3A_33 = arith.cmpf ogt, %add3A_31, %gt3A_32 : vector<1000x128xf32>
    %exp3A = math.exp %add3A_31 : vector<1000x128xf32>
    %sub3A = arith.constant 1.000000e+00 : f32
    %sub3A_34 = vector.broadcast %sub3A : f32 to vector<1000x128xf32>
    %sub3A_35 = arith.subf %exp3A, %sub3A_34 : vector<1000x128xf32>
    %select_n3A = arith.select %gt3A_33, %add3A_31, %sub3A_35 : vector<1000x128xi1>, vector<1000x128xf32>
    %get3A_36 = arith.constant 0 : index
    %get3A_37 = arith.constant 0 : index
    %get3A_38 = vector.load %arg5[%get3A_36, %get3A_37] : memref<128x128xf32, #tpu.memory_space<vmem>>, vector<128x128xf32>
    %dot_general3A_39 = arith.constant dense<0.000000e+00> : vector<1000x128xf32>
    %dot_general3A_40 = tpu.matmul %select_n3A, %get3A_38, %dot_general3A_39 {dimension_numbers = #tpu.dot_dimension_numbers<[1], [0], [0], [1], [0, 0, 1, 1], [], []>, transpose_lhs_hint = false} : vector<1000x128xf32>, vector<128x128xf32>, vector<1000x128xf32> -> vector<1000x128xf32>
    %get3A_41 = arith.constant 0 : index
    %get3A_42 = arith.constant 0 : index
    %get3A_43 = vector.load %arg6[%get3A_41, %get3A_42] : memref<1x128xf32, #tpu.memory_space<vmem>>, vector<1x128xf32>
    %add3A_44 = vector.broadcast %get3A_43 : vector<1x128xf32> to vector<1000x128xf32>
    %add3A_45 = arith.addf %dot_general3A_40, %add3A_44 : vector<1000x128xf32>
    %swap3A = arith.constant 0 : index
    %swap3A_46 = arith.constant 0 : index
    %swap3A_47 = vector.load %arg9[%swap3A, %swap3A_46] : memref<1000x128xf32, #tpu.memory_space<vmem>>, vector<1000x128xf32>
    tpu.vector_store %arg9[%swap3A, %swap3A_46], %add3A_45 {strides = array<i32>} : memref<1000x128xf32, #tpu.memory_space<vmem>>, vector<1000x128xf32>,
    %get3A_48 = arith.constant 0 : index
    %get3A_49 = arith.constant 0 : index
    %get3A_50 = vector.load %arg7[%get3A_48, %get3A_49] : memref<128x128xf32, #tpu.memory_space<vmem>>, vector<128x128xf32>
    %dot_general3A_51 = arith.constant dense<0.000000e+00> : vector<1000x128xf32>
    %dot_general3A_52 = tpu.matmul %select_n3A, %get3A_50, %dot_general3A_51 {dimension_numbers = #tpu.dot_dimension_numbers<[1], [0], [0], [1], [0, 0, 1, 1], [], []>, transpose_lhs_hint = false} : vector<1000x128xf32>, vector<128x128xf32>, vector<1000x128xf32> -> vector<1000x128xf32>
    %get3A_53 = arith.constant 0 : index
    %get3A_54 = arith.constant 0 : index
    %get3A_55 = vector.load %arg8[%get3A_53, %get3A_54] : memref<1x128xf32, #tpu.memory_space<vmem>>, vector<1x128xf32>
    %add3A_56 = vector.broadcast %get3A_55 : vector<1x128xf32> to vector<1000x128xf32>
    %add3A_57 = arith.addf %dot_general3A_52, %add3A_56 : vector<1000x128xf32>
    %swap3A_58 = arith.constant 0 : index
    %swap3A_59 = arith.constant 0 : index
    %swap3A_60 = vector.load %arg10[%swap3A_58, %swap3A_59] : memref<1000x128xf32, #tpu.memory_space<vmem>>, vector<1000x128xf32>
    tpu.vector_store %arg10[%swap3A_58, %swap3A_59], %add3A_57 {strides = array<i32>} : memref<1000x128xf32, #tpu.memory_space<vmem>>, vector<1000x128xf32>,
    return
  }
  func.func @transform_0(%arg0: i32) -> (i32, i32, i32) {
    %c0_i32 = arith.constant 0 : i32
    %c0_i32_0 = arith.constant 0 : i32
    %c0_i32_1 = arith.constant 0 : i32
    return %c0_i32, %arg0, %c0_i32_0 : i32, i32, i32
  }
  func.func @transform_1(%arg0: i32) -> (i32, i32, i32) {
    %c0_i32 = arith.constant 0 : i32
    %c0_i32_0 = arith.constant 0 : i32
    %c0_i32_1 = arith.constant 0 : i32
    return %c0_i32, %arg0, %c0_i32_0 : i32, i32, i32
  }
  func.func @transform_2(%arg0: i32) -> (i32, i32) {
    %c0_i32 = arith.constant 0 : i32
    %c0_i32_0 = arith.constant 0 : i32
    %c0_i32_1 = arith.constant 0 : i32
    return %c0_i32, %c0_i32_0 : i32, i32
  }
  func.func @transform_3(%arg0: i32) -> (i32, i32) {
    %c0_i32 = arith.constant 0 : i32
    %c0_i32_0 = arith.constant 0 : i32
    %c0_i32_1 = arith.constant 0 : i32
    return %c0_i32, %c0_i32_0 : i32, i32
  }
  func.func @transform_4(%arg0: i32) -> (i32, i32) {
    %c0_i32 = arith.constant 0 : i32
    %c0_i32_0 = arith.constant 0 : i32
    %c0_i32_1 = arith.constant 0 : i32
    return %c0_i32, %c0_i32_0 : i32, i32
  }
  func.func @transform_5(%arg0: i32) -> (i32, i32) {
    %c0_i32 = arith.constant 0 : i32
    %c0_i32_0 = arith.constant 0 : i32
    %c0_i32_1 = arith.constant 0 : i32
    return %c0_i32, %c0_i32_0 : i32, i32
  }
  func.func @transform_6(%arg0: i32) -> (i32, i32) {
    %c0_i32 = arith.constant 0 : i32
    %c0_i32_0 = arith.constant 0 : i32
    %c0_i32_1 = arith.constant 0 : i32
    return %c0_i32, %c0_i32_0 : i32, i32
  }
  func.func @transform_7(%arg0: i32) -> (i32, i32) {
    %c0_i32 = arith.constant 0 : i32
    %c0_i32_0 = arith.constant 0 : i32
    %c0_i32_1 = arith.constant 0 : i32
    return %c0_i32, %c0_i32_0 : i32, i32
  }
  func.func @transform_8(%arg0: i32) -> (i32, i32) {
    %c0_i32 = arith.constant 0 : i32
    %c0_i32_0 = arith.constant 0 : i32
    return %arg0, %c0_i32 : i32, i32
  }
  func.func @transform_9(%arg0: i32) -> (i32, i32) {
    %c0_i32 = arith.constant 0 : i32
    %c0_i32_0 = arith.constant 0 : i32
    return %arg0, %c0_i32 : i32, i32
  }
}

module attributes {stable_mosaic.version = 14 : i64} {
  func.func @_final_body(%arg0: i32, %arg1: memref<2x1000x128xf32, #tpu.memory_space<vmem>>, %arg2: memref<2x1000x16xf32, #tpu.memory_space<vmem>>, %arg3: memref<16x128xf32, #tpu.memory_space<vmem>>, %arg4: memref<1x128xf32, #tpu.memory_space<vmem>>, %arg5: memref<128x512xf32, #tpu.memory_space<vmem>>, %arg6: memref<1x512xf32, #tpu.memory_space<vmem>>, %arg7: memref<512x128xf32, #tpu.memory_space<vmem>>, %arg8: memref<1x128xf32, #tpu.memory_space<vmem>>, %arg9: memref<128x1xf32, #tpu.memory_space<vmem>>, %arg10: memref<1x1xf32, #tpu.memory_space<vmem>>, %arg11: memref<1000x1xf32, #tpu.memory_space<vmem>>) attributes {dimension_semantics = [#tpu.dimension_semantics<arbitrary>], iteration_bounds = array<i64: 10>, scalar_prefetch = 0 : i64, scratch_operands = 0 : i64, tpu.core_type = #tpu.core_type<tc>, window_params = [{transform_indices = @transform_0, window_bounds = array<i64: 2, 1000, 128>}, {transform_indices = @transform_1, window_bounds = array<i64: 2, 1000, 16>}, {pipeline_mode = #tpu.pipeline_mode<synchronous>, transform_indices = @transform_2, window_bounds = array<i64: 16, 128>}, {pipeline_mode = #tpu.pipeline_mode<synchronous>, transform_indices = @transform_3, window_bounds = array<i64: 1, 128>}, {pipeline_mode = #tpu.pipeline_mode<synchronous>, transform_indices = @transform_4, window_bounds = array<i64: 128, 512>}, {pipeline_mode = #tpu.pipeline_mode<synchronous>, transform_indices = @transform_5, window_bounds = array<i64: 1, 512>}, {pipeline_mode = #tpu.pipeline_mode<synchronous>, transform_indices = @transform_6, window_bounds = array<i64: 512, 128>}, {pipeline_mode = #tpu.pipeline_mode<synchronous>, transform_indices = @transform_7, window_bounds = array<i64: 1, 128>}, {pipeline_mode = #tpu.pipeline_mode<synchronous>, transform_indices = @transform_8, window_bounds = array<i64: 128, 1>}, {pipeline_mode = #tpu.pipeline_mode<synchronous>, transform_indices = @transform_9, window_bounds = array<i64: 1, 1>}, {transform_indices = @transform_10, window_bounds = array<i64: 1000, 1>}]} {
    %get3A = arith.constant 0 : index
    %get3A_0 = arith.constant 0 : index
    %get3A_1 = arith.constant 0 : index
    %get3A_2 = vector.load %arg1[%get3A, %get3A_0, %get3A_1] : memref<2x1000x128xf32, #tpu.memory_space<vmem>>, vector<1x1000x128xf32>
    %get3A_3 = vector.shape_cast %get3A_2 : vector<1x1000x128xf32> to vector<1000x128xf32>
    %get3A_4 = arith.constant 1 : index
    %get3A_5 = arith.constant 0 : index
    %get3A_6 = arith.constant 0 : index
    %get3A_7 = vector.load %arg1[%get3A_4, %get3A_5, %get3A_6] : memref<2x1000x128xf32, #tpu.memory_space<vmem>>, vector<1x1000x128xf32>
    %get3A_8 = vector.shape_cast %get3A_7 : vector<1x1000x128xf32> to vector<1000x128xf32>
    %add3A = arith.addf %get3A_3, %get3A_8 : vector<1000x128xf32>
    %get3A_9 = arith.constant 0 : index
    %get3A_10 = arith.constant 0 : index
    %get3A_11 = arith.constant 0 : index
    %get3A_12 = vector.load %arg2[%get3A_9, %get3A_10, %get3A_11] : memref<2x1000x16xf32, #tpu.memory_space<vmem>>, vector<1x1000x16xf32>
    %get3A_13 = vector.shape_cast %get3A_12 : vector<1x1000x16xf32> to vector<1000x16xf32>
    %get3A_14 = arith.constant 1 : index
    %get3A_15 = arith.constant 0 : index
    %get3A_16 = arith.constant 0 : index
    %get3A_17 = vector.load %arg2[%get3A_14, %get3A_15, %get3A_16] : memref<2x1000x16xf32, #tpu.memory_space<vmem>>, vector<1x1000x16xf32>
    %get3A_18 = vector.shape_cast %get3A_17 : vector<1x1000x16xf32> to vector<1000x16xf32>
    %add3A_19 = arith.addf %get3A_13, %get3A_18 : vector<1000x16xf32>
    %get3A_20 = arith.constant 0 : index
    %get3A_21 = arith.constant 0 : index
    %get3A_22 = vector.load %arg3[%get3A_20, %get3A_21] : memref<16x128xf32, #tpu.memory_space<vmem>>, vector<16x128xf32>
    %dot_general3A = arith.constant dense<0.000000e+00> : vector<1000x128xf32>
    %dot_general3A_23 = tpu.matmul %add3A_19, %get3A_22, %dot_general3A {dimension_numbers = #tpu.dot_dimension_numbers<[1], [0], [0], [1], [0, 0, 1, 1], [], []>, transpose_lhs_hint = false} : vector<1000x16xf32>, vector<16x128xf32>, vector<1000x128xf32> -> vector<1000x128xf32>
    %add3A_24 = arith.constant 1.000000e-16 : f32
    %add3A_25 = vector.broadcast %add3A_24 : f32 to vector<1000x128xf32>
    %add3A_26 = arith.addf %dot_general3A_23, %add3A_25 : vector<1000x128xf32>
    %div3A = arith.divf %add3A, %add3A_26 : vector<1000x128xf32>
    %get3A_27 = arith.constant 0 : index
    %get3A_28 = arith.constant 0 : index
    %get3A_29 = vector.load %arg4[%get3A_27, %get3A_28] : memref<1x128xf32, #tpu.memory_space<vmem>>, vector<1x128xf32>
    %add3A_30 = vector.broadcast %get3A_29 : vector<1x128xf32> to vector<1000x128xf32>
    %add3A_31 = arith.addf %div3A, %add3A_30 : vector<1000x128xf32>
    %gt3A = arith.constant 0.000000e+00 : f32
    %gt3A_32 = vector.broadcast %gt3A : f32 to vector<1000x128xf32>
    %gt3A_33 = arith.cmpf ogt, %add3A_31, %gt3A_32 : vector<1000x128xf32>
    %exp3A = math.exp %add3A_31 : vector<1000x128xf32>
    %sub3A = arith.constant 1.000000e+00 : f32
    %sub3A_34 = vector.broadcast %sub3A : f32 to vector<1000x128xf32>
    %sub3A_35 = arith.subf %exp3A, %sub3A_34 : vector<1000x128xf32>
    %select_n3A = arith.select %gt3A_33, %add3A_31, %sub3A_35 : vector<1000x128xi1>, vector<1000x128xf32>
    %get3A_36 = arith.constant 0 : index
    %get3A_37 = arith.constant 0 : index
    %get3A_38 = vector.load %arg5[%get3A_36, %get3A_37] : memref<128x512xf32, #tpu.memory_space<vmem>>, vector<128x512xf32>
    %dot_general3A_39 = arith.constant dense<0.000000e+00> : vector<1000x512xf32>
    %dot_general3A_40 = tpu.matmul %select_n3A, %get3A_38, %dot_general3A_39 {dimension_numbers = #tpu.dot_dimension_numbers<[1], [0], [0], [1], [0, 0, 1, 1], [], []>, transpose_lhs_hint = false} : vector<1000x128xf32>, vector<128x512xf32>, vector<1000x512xf32> -> vector<1000x512xf32>
    %get3A_41 = arith.constant 0 : index
    %get3A_42 = arith.constant 0 : index
    %get3A_43 = vector.load %arg6[%get3A_41, %get3A_42] : memref<1x512xf32, #tpu.memory_space<vmem>>, vector<1x512xf32>
    %add3A_44 = vector.broadcast %get3A_43 : vector<1x512xf32> to vector<1000x512xf32>
    %add3A_45 = arith.addf %dot_general3A_40, %add3A_44 : vector<1000x512xf32>
    %max3A = arith.constant 0.000000e+00 : f32
    %max3A_46 = vector.broadcast %max3A : f32 to vector<1000x512xf32>
    %max3A_47 = arith.maximumf %add3A_45, %max3A_46 : vector<1000x512xf32>
    %get3A_48 = arith.constant 0 : index
    %get3A_49 = arith.constant 0 : index
    %get3A_50 = vector.load %arg7[%get3A_48, %get3A_49] : memref<512x128xf32, #tpu.memory_space<vmem>>, vector<512x128xf32>
    %dot_general3A_51 = arith.constant dense<0.000000e+00> : vector<1000x128xf32>
    %dot_general3A_52 = tpu.matmul %max3A_47, %get3A_50, %dot_general3A_51 {dimension_numbers = #tpu.dot_dimension_numbers<[1], [0], [0], [1], [0, 0, 1, 1], [], []>, transpose_lhs_hint = false} : vector<1000x512xf32>, vector<512x128xf32>, vector<1000x128xf32> -> vector<1000x128xf32>
    %get3A_53 = arith.constant 0 : index
    %get3A_54 = arith.constant 0 : index
    %get3A_55 = vector.load %arg8[%get3A_53, %get3A_54] : memref<1x128xf32, #tpu.memory_space<vmem>>, vector<1x128xf32>
    %add3A_56 = vector.broadcast %get3A_55 : vector<1x128xf32> to vector<1000x128xf32>
    %add3A_57 = arith.addf %dot_general3A_52, %add3A_56 : vector<1000x128xf32>
    %max3A_58 = arith.constant 0.000000e+00 : f32
    %max3A_59 = vector.broadcast %max3A_58 : f32 to vector<1000x128xf32>
    %max3A_60 = arith.maximumf %add3A_57, %max3A_59 : vector<1000x128xf32>
    %get3A_61 = arith.constant 0 : index
    %get3A_62 = arith.constant 0 : index
    %get3A_63 = vector.load %arg9[%get3A_61, %get3A_62] : memref<128x1xf32, #tpu.memory_space<vmem>>, vector<128x1xf32>
    %dot_general3A_64 = arith.constant dense<0.000000e+00> : vector<1000x1xf32>
    %dot_general3A_65 = tpu.matmul %max3A_60, %get3A_63, %dot_general3A_64 {dimension_numbers = #tpu.dot_dimension_numbers<[1], [0], [0], [1], [0, 0, 1, 1], [], []>, transpose_lhs_hint = false} : vector<1000x128xf32>, vector<128x1xf32>, vector<1000x1xf32> -> vector<1000x1xf32>
    %get3A_66 = arith.constant 0 : index
    %get3A_67 = arith.constant 0 : index
    %get3A_68 = vector.load %arg10[%get3A_66, %get3A_67] : memref<1x1xf32, #tpu.memory_space<vmem>>, vector<1x1xf32>
    %add3A_69 = vector.broadcast %get3A_68 : vector<1x1xf32> to vector<1000x1xf32>
    %add3A_70 = arith.addf %dot_general3A_65, %add3A_69 : vector<1000x1xf32>
    %logistic3A = arith.negf %add3A_70 : vector<1000x1xf32>
    %logistic3A_71 = math.exp %logistic3A : vector<1000x1xf32>
    %logistic3A_72 = arith.constant 1.000000e+00 : f32
    %logistic3A_73 = vector.broadcast %logistic3A_72 : f32 to vector<1000x1xf32>
    %logistic3A_74 = arith.addf %logistic3A_73, %logistic3A_71 : vector<1000x1xf32>
    %logistic3A_75 = arith.divf %logistic3A_73, %logistic3A_74 : vector<1000x1xf32>
    %swap3A = arith.constant 0 : index
    %swap3A_76 = arith.constant 0 : index
    %swap3A_77 = vector.load %arg11[%swap3A, %swap3A_76] : memref<1000x1xf32, #tpu.memory_space<vmem>>, vector<1000x1xf32>
    tpu.vector_store %arg11[%swap3A, %swap3A_76], %logistic3A_75 {strides = array<i32>} : memref<1000x1xf32, #tpu.memory_space<vmem>>, vector<1000x1xf32>,
    return
  }
  func.func @transform_0(%arg0: i32) -> (i32, i32, i32) {
    %c0_i32 = arith.constant 0 : i32
    %c0_i32_0 = arith.constant 0 : i32
    %c0_i32_1 = arith.constant 0 : i32
    return %c0_i32, %arg0, %c0_i32_0 : i32, i32, i32
  }
  func.func @transform_1(%arg0: i32) -> (i32, i32, i32) {
    %c0_i32 = arith.constant 0 : i32
    %c0_i32_0 = arith.constant 0 : i32
    %c0_i32_1 = arith.constant 0 : i32
    return %c0_i32, %arg0, %c0_i32_0 : i32, i32, i32
  }
  func.func @transform_2(%arg0: i32) -> (i32, i32) {
    %c0_i32 = arith.constant 0 : i32
    %c0_i32_0 = arith.constant 0 : i32
    %c0_i32_1 = arith.constant 0 : i32
    return %c0_i32, %c0_i32_0 : i32, i32
  }
  func.func @transform_3(%arg0: i32) -> (i32, i32) {
    %c0_i32 = arith.constant 0 : i32
    %c0_i32_0 = arith.constant 0 : i32
    %c0_i32_1 = arith.constant 0 : i32
    return %c0_i32, %c0_i32_0 : i32, i32
  }
  func.func @transform_4(%arg0: i32) -> (i32, i32) {
    %c0_i32 = arith.constant 0 : i32
    %c0_i32_0 = arith.constant 0 : i32
    %c0_i32_1 = arith.constant 0 : i32
    return %c0_i32, %c0_i32_0 : i32, i32
  }
  func.func @transform_5(%arg0: i32) -> (i32, i32) {
    %c0_i32 = arith.constant 0 : i32
    %c0_i32_0 = arith.constant 0 : i32
    %c0_i32_1 = arith.constant 0 : i32
    return %c0_i32, %c0_i32_0 : i32, i32
  }
  func.func @transform_6(%arg0: i32) -> (i32, i32) {
    %c0_i32 = arith.constant 0 : i32
    %c0_i32_0 = arith.constant 0 : i32
    %c0_i32_1 = arith.constant 0 : i32
    return %c0_i32, %c0_i32_0 : i32, i32
  }
  func.func @transform_7(%arg0: i32) -> (i32, i32) {
    %c0_i32 = arith.constant 0 : i32
    %c0_i32_0 = arith.constant 0 : i32
    %c0_i32_1 = arith.constant 0 : i32
    return %c0_i32, %c0_i32_0 : i32, i32
  }
  func.func @transform_8(%arg0: i32) -> (i32, i32) {
    %c0_i32 = arith.constant 0 : i32
    %c0_i32_0 = arith.constant 0 : i32
    %c0_i32_1 = arith.constant 0 : i32
    return %c0_i32, %c0_i32_0 : i32, i32
  }
  func.func @transform_9(%arg0: i32) -> (i32, i32) {
    %c0_i32 = arith.constant 0 : i32
    %c0_i32_0 = arith.constant 0 : i32
    %c0_i32_1 = arith.constant 0 : i32
    return %c0_i32, %c0_i32_0 : i32, i32
  }
  func.func @transform_10(%arg0: i32) -> (i32, i32) {
    %c0_i32 = arith.constant 0 : i32
    %c0_i32_0 = arith.constant 0 : i32
    return %arg0, %c0_i32 : i32, i32
  }
}

</mosaic_0001>

<sc_bundles>
// kernel: kernel.12.cloned.1.call-start
scs
__scs_entry_jumppad:
0x0: {  	(pc) =	sbr.rel $0x88, $3  }
0x1: {  	(tag) =	ssettag $0x0;
	lr =	simm.s32 $0x1  }
0x2: {  	[smem:$0x3F88] =	sst lr;
	_ =	strace $0xD0000000  }
0x3: {  	_ = 	snop  }
0x4: {  	_ = 	snop  }
0x5: {  	_ = 	snop  }
0x6: {  	_ = 	snop  }
0x7: {  	_ = 	snop  }
__scs_overlays_trampoline_lowered:
0x8: {  	[smem:$0x3F97] =	sst s0  }
0x9: {  	[smem:$0x3F98] =	sst s1  }
0xa: {  	[smem:$0x3F99] =	sst s2  }
0xb: {  	[smem:$0x3F9A] =	sst s3  }
0xc: {  	[smem:$0x3F9B] =	sst s4  }
0xd: {  	[smem:$0x3F9C] =	sst s5  }
0xe: {  	[smem:$0x3F9D] =	sst s6  }
0xf: {  	[smem:$0x3F9E] =	sst s7  }
0x10: {  	[smem:$0x3F9F] =	sst s8  }
0x11: {  	[smem:$0x3FA0] =	sst s9;
	s0 =	simm.s32 @!p0 $0x0  }
0x12: {  	s1 =	sld [smem:$0x3F86];
	s0 =	simm.s32 @p0 $0x1  }
0x13: {  	[smem:$0x3FA1] =	sst s0;
	s0 =	simm.s32 @!p1 $0x0  }
0x14: {  	s2 =	sld [smem:$0x3F85];
	s0 =	simm.s32 @p1 $0x1  }
0x15: {  	[smem:$0x3FA2] =	sst s0;
	s0 =	simm.s32 @!p2 $0x0  }
0x16: {  	s3 =	sld [smem:$0x3FDB];
	s0 =	simm.s32 @p2 $0x1  }
0x17: {  	s4 =	simm.s32 $0x1BF5;
	[smem:$0x3FA4] =	sst s0  }
0x18: {  	s0 =	sld [smem:$0x3F87];
	_ =	swait.ge [sflag:s4], $0x0  }
0x19: {  	s7 =	sld [smem:$0x3F88]  }
0x1a: {  	s8 =	sadd.s32 $0xFFFFE003, lr  }
0x1b: {  	s9 =	sadd.s32 $0xFFFFFEF7, lr;
	s5 =	simm.s32 $0xFFFFFFFF;
	p2 =	slt.u32 s8, $0xFFFFF086  }
0x1c: {  	p1 =	slt.u32 s9, $0xF7A;
	s5 =	simm.s32 @!p2 $0x0  }
0x1d: {  	s5 =	simm.s32 @p1 $0x1;
	p0 =	seq.s32 s7, s2  }
0x1e: {  	s7 =	smul.u32 @!p0 $0xF7A, s2;
	p2 =	seq.s32 @!p0 s5, $0x0  }
0x1f: {  	s9 =	smul.u32 $0xF7A, s1;
	s8 =	simm.s32 @!p0 $0x1BF5;
	p2 =	por !p2, p0  }
0x20: {  	[sflag:s8] =	ssyncset.s32 @!p0 $0xFFFFF086;
	s6 =	sadd.s32 @!p0 s3, s7;
	s7 =	simm.s32 @!p0 $0x108  }
0x21: {  	s3 =	sadd.s32 s3, s9;
	s6 =	sadd.s32 @!p0 $0x88, s6;
	s7 =	simm.s32 @p2 $0x1082  }
0x22: {  	[simem:s7], [sflag:s8] =	dma.local @!p0 [hbm:s6], $0xF7A  }
0x23: {  	s9 =	sor.u32 $0xD0000000, s2;
	s6 =	simm.s32 $0x108;
	_ =	swait.ge @!p0 [sflag:s8], $0x0  }
0x24: {  	s3 =	sadd.s32 $0x88, s3;
	s6 =	simm.s32 @!p1 $0x1082;
	[sflag:s4] =	ssyncset.s32 $0xFFFFF086  }
0x25: {  	[simem:s6], [sflag:s4] =	dma.local [hbm:s3], $0xF7A  }
0x26: {  	[smem:$0x3F88] =	sst s1;
	(tag) =	ssettag s2;
	_ =	strace s9  }
0x27: {  	s1 =	sld [smem:$0x3F98]  }
0x28: {  	s2 =	sld [smem:$0x3F99]  }
0x29: {  	s4 =	sld [smem:$0x3F9B]  }
0x2a: {  	p0 =	seq.s32 s5, $0x0;
	s5 =	sld [smem:$0x3F9C]  }
0x2b: {  	s6 =	sld [smem:$0x3F9D]  }
0x2c: {  	s7 =	sld [smem:$0x3F9E]  }
0x2d: {  	s3 =	simm.s32 $0x108;
	s8 =	sld [smem:$0x3F9F]  }
0x2e: {  	s3 =	simm.s32 @!p0 $0x1082;
	s9 =	sld [smem:$0x3FA0]  }
0x2f: {  	lr =	sadd.s32 s0, s3;
	s0 =	sld [smem:$0x3F97]  }
0x30: {  	s3 =	sld [smem:$0x3F9A]  }
0x31: {  	[smem:$0x3FA3] =	sst s10  }
0x32: {  	s10 =	sld [smem:$0x3FA1];
	_ =	sdelay $0x3  }
0x33: {  	p0 =	seq.s32 s10, $0x1;
	s10 =	sld [smem:$0x3FA3];
	_ =	sdelay $0x3  }
0x34: {  	[smem:$0x3FA3] =	sst s10  }
0x35: {  	s10 =	sld [smem:$0x3FA2];
	_ =	sdelay $0x3  }
0x36: {  	p1 =	seq.s32 s10, $0x1;
	s10 =	sld [smem:$0x3FA3];
	_ =	sdelay $0x3  }
0x37: {  	[smem:$0x3FA3] =	sst s10  }
0x38: {  	s10 =	sld [smem:$0x3FA4]  }
0x39: {  	_ = 	snop;
	(pc) =	sbr.ind lr, $3  }
0x3a: {  	_ = 	snop  }
0x3b: {  	_ = 	snop  }
0x3c: {  	p2 =	seq.s32 s10, $0x1;
	s10 =	sld [smem:$0x3FA3]  }
0x3d: {  	_ =	shalt  }
0x3e: {  	_ =	shalt  }
0x3f: {  	_ =	shalt  }
0x40: {  	_ =	shalt  }
0x41: {  	_ =	shalt  }
0x42: {  	_ =	shalt  }
0x43: {  	_ =	shalt  }
0x44: {  	_ =	shalt  }
0x45: {  	_ =	shalt  }
0x46: {  	_ =	shalt  }
0x47: {  	_ =	shalt  }
0x48: {  	_ =	shalt  }
0x49: {  	_ =	shalt  }
0x4a: {  	_ =	shalt  }
0x4b: {  	_ =	shalt  }
0x4c: {  	_ =	shalt  }
0x4d: {  	_ =	shalt  }
0x4e: {  	_ =	shalt  }
0x4f: {  	_ =	shalt  }
0x50: {  	_ =	shalt  }
0x51: {  	_ =	shalt  }
0x52: {  	_ =	shalt  }
0x53: {  	_ =	shalt  }
0x54: {  	_ =	shalt  }
0x55: {  	_ =	shalt  }
0x56: {  	_ =	shalt  }
0x57: {  	_ =	shalt  }
0x58: {  	_ =	shalt  }
0x59: {  	_ =	shalt  }
0x5a: {  	_ =	shalt  }
0x5b: {  	_ =	shalt  }
0x5c: {  	_ =	shalt  }
0x5d: {  	_ =	shalt  }
0x5e: {  	_ =	shalt  }
0x5f: {  	_ =	shalt  }
0x60: {  	_ =	shalt  }
0x61: {  	_ =	shalt  }
0x62: {  	_ =	shalt  }
0x63: {  	_ =	shalt  }
0x64: {  	_ =	shalt  }
0x65: {  	_ =	shalt  }
0x66: {  	_ =	shalt  }
0x67: {  	_ =	shalt  }
0x68: {  	_ =	shalt  }
0x69: {  	_ =	shalt  }
0x6a: {  	_ =	shalt  }
0x6b: {  	_ =	shalt  }
0x6c: {  	_ =	shalt  }
0x6d: {  	_ =	shalt  }
0x6e: {  	_ =	shalt  }
0x6f: {  	_ =	shalt  }
0x70: {  	_ =	shalt  }
0x71: {  	_ =	shalt  }
0x72: {  	_ =	shalt  }
0x73: {  	_ =	shalt  }
0x74: {  	_ =	shalt  }
0x75: {  	_ =	shalt  }
0x76: {  	_ =	shalt  }
0x77: {  	_ =	shalt  }
0x78: {  	_ =	shalt  }
0x79: {  	_ =	shalt  }
0x7a: {  	_ =	shalt  }
0x7b: {  	_ =	shalt  }
0x7c: {  	_ =	shalt  }
0x7d: {  	_ =	shalt  }
0x7e: {  	_ =	shalt  }
0x7f: {  	_ =	shalt  }
0x80: {  	_ =	shalt  }
0x81: {  	_ =	shalt  }
0x82: {  	_ =	shalt  }
0x83: {  	_ =	shalt  }
0x84: {  	_ =	shalt  }
0x85: {  	_ =	shalt  }
0x86: {  	_ =	shalt  }
0x87: {  	_ =	shalt  }
.Lfunc_end0:
.L_simem_size_0:
called_computation.1_lowered:
.L_overlay_start_0:
0x88: {  	s2 =	sld [smem:$0x3FD9]  }
0x89: {  	s3 =	sld [smem:$0x3FFE];
	_ =	sdelay $0x1  }
0x8a: {  	s1 =	srdreg.scid  }
0x8b: {  	s0 =	sand.u32 $0x1, s1  }
0x8c: {  	s16 =	sshll.u32 s0, $0xA;
	s2 =	sadd.s32 s3, s2  }
0x8d: {  	s2 =	sadd.s32 s2, s16  }
0x8e: {  	[smem:$0x3FAF] =	sst s2  }
0x8f: {  	_ = 	snop  }
0x90: {  	(tm) =	ssettm $0x1  }
0x91: {  	s17 =	sld [smem:$0x3FFB];
	_ =	sdelay $0x3  }
0x92: {  	_ =	strace s17  }
0x93: {  	s2 =	sld [smem:$0x3FFC];
	_ =	sdelay $0x3  }
0x94: {  	_ =	strace s2  }
0x95: {  	s2 =	sld [smem:$0x3FFD];
	_ =	sdelay $0x3  }
0x96: {  	_ =	strace s2  }
0x97: {  	_ =	strace $0x8FFFFFFF  }
0x98: {  	s18 =	sld [smem:$0x3FDB];
	_ =	sdelay $0x1  }
0x99: {  	s19 =	simm.s32 $_scs_section_size  }
0x9a: {  	s4 =	simm.s32 $_size__tile_overlayer_lowered;
	s5 =	simm.s32 $_tile_overlayer_lowered  }
0x9b: {  	s22 =	simm.s32 $0x1BFF;
	s21 =	sshll.u32 s5, $0x1;
	s2 =	sadd.s32 s19, s18  }
0x9c: {  	s6 =	simm.s32 $0x0;
	s20 =	sshll.u32 s4, $0x1;
	s4 =	sadd.s32 s21, s2  }
0x9d: {  	[timem:s6], [sflag:s22] =	dma.local [hbm:s4], s20  }
0x9e: {  	_ =	swait.ge [sflag:s22], s20  }
0x9f: {  	s3 =	ssub.s32 $0x0, s20;
	[sflag:s22] =	ssyncset.done $0x0  }
0xa0: {  	[sflag:s22] =	ssyncadd.s32 s3;
	_ =	sdelay $0x1  }
0xa1: {  	s23 =	simm.s32 $0x1B8B  }
0xa2: {  	_ =	swait.ge [sflag:s23], $0x1  }
0xa3: {  	[sflag:s23] =	ssyncset.done $0x0  }
0xa4: {  	s25 =	simm.s32 $0x1B8E;
	s24 =	sld [smem:$0x3FFE];
	[sflag:s23] =	ssyncadd.s32 $0xFFFFFFFF  }
0xa5: {  	s26 =	simm.s32 $execute0_lowered;
	[smem:$0x3FD2] =	sst s25  }
0xa6: {  	s4 =	sshll.u32 s26, $0x1;
	_ =	strace $0x80000049;
	[dreg:$0x1] =	wrdreg $0xFFFFFFFF  }
0xa7: {  	s28 =	simm.s32 $_size_execute0_lowered;
	s2 =	sadd.s32 s2, s4;
	[dreg:$0x0] =	wrdreg $0x0  }
0xa8: {  	s4 =	sshll.u32 s28, $0x1;
	[dreg:$0x2] =	wrdreg s2  }
0xa9: {  	[dreg:$0x3] =	wrdreg s4  }
0xaa: {  	[dreg:$0x4] =	wrdreg $0xC0  }
0xab: {  	_ =	task [dreg:s6], $0x5FFFF  }
0xac: {  	[dreg:$0x1] =	wrdreg $0xFFFFFFFF  }
0xad: {  	[dreg:$0x0] =	wrdreg $0x60  }
0xae: {  	[dreg:$0x2] =	wrdreg s24  }
0xaf: {  	[dreg:$0x3] =	wrdreg $0x0  }
0xb0: {  	[dreg:$0x4] =	wrdreg $0x9  }
0xb1: {  	_ =	task.clear_ibuf [dreg:s6], $0x5FFFF;
	_ =	strace $0x90000049  }
0xb2: {  	s29 =	simm.s32 $0x9;
	_ =	strace $0x8000004B  }
0xb3: {  	_ =	swait.ge [sflag:s29], $0x1  }
0xb4: {  	[sflag:s29] =	ssyncadd.s32 $0xFFFFFFFF  }
0xb5: {  	_ =	strace $0x9000004B  }
0xb6: {  	_ =	sfence  }
0xb7: {  	s30 =	sld [smem:$0x0];
	_ =	sdelay $0x2  }
0xb8: {  	s31 =	sshll.u32 s1, $0xD;
	s1 =	sshrl.u32 s1, $0x2  }
0xb9: {  	s3 =	sand.u32 $0x4000, s31;
	s1 =	sadd.s32 s1, s30  }
0xba: {  	s0 =	sor.u32 s3, s0;
	s1 =	sshll.u32 s1, $0x11  }
0xbb: {  	s0 =	sor.u32 s1, s0  }
0xbc: {  	s0 =	sadd.s32 $0x8F2B, s0  }
0xbd: {  	[sflag:s0] =	ssyncadd.remote.s32 $0x1  }
0xbe: {  	_ =	sfence.sel $0xFFFF  }
0xbf: {  	[dreg:$0x0] =	wrdreg $0xFFFFFFFF;
	(pc) =	sbr.abs _section_cstart, $3  }
0xc0: {  	[dreg:$0x1] =	wrdreg $0xFFFFFFFF  }
0xc1: {  	_ =	task.clear_ibuf [dreg:s6], $0x2FFFF;
	_ =	strace $0x9FFFFFFF  }
0xc2: {  	(tm) =	ssettm $0x7FFFFFFF  }
0xc3: {  	_ =	shalt  }
tec
execute0_lowered:
.L_overlay_start_1:
0x0: {  	(tag) =	ssettag $0x1  }
0x1: {  	s4 =	rddreg [dreg:$0x0]  }
0x2: {  	s2 =	rddreg [dreg:$0x1];
	s1 =	stileid.u32  }
0x3: {  	s0 =	rddreg [dreg:$0x2];
	s5 =	smul.u32 $0xA00, s1  }
0x4: {  	s3 =	simm.s32 $0x0;
	s6 =	srdreg.scid;
	s7 =	smul.u32 $0x14, s1  }
0x5: {  	s14 =	simm.s32 $0x50;
	[smem:$0x7FF] =	sst s3;
	s23 =	smul.u32 $0x4F000, s1  }
0x6: {  	s8 =	sand.u32 $0x1, s6;
	s12 =	sadd.s32 $0x19600, s4;
	s25 =	smul.u32 $0x13C00, s1  }
0x7: {  	s17 =	simm.s32 $0x0;
	s15 =	sadd.s32 $0x128400, s2;
	s11 =	smul.u32 $0x138800, s8  }
0x8: {  	p0 =	seq.s32 s1, $0xF;
	_ =	strace $0x8000004A;
	s30 =	smul.u32 $0x500, s8  }
0x9: {  	s22 =	ssub.s32 $0x2, s8;
	s31 =	smul.u32 $0xA, s8;
	s16 =	sshll.u32 @!p0 s1, $0x6  }
0xa: {  	s15 =	sshrl.u32 @p0 s15, $0x3;
	s9 =	sadd.s32 s5, s4;
	s10 =	sadd.s32 s7, s4  }
0xb: {  	s24 =	sshrl.u32 s22, $0x1;
	s4 =	simm.s32 $0x41;
	s26 =	sshrl.u32 s23, $0x2  }
0xc: {  	s16 =	sor.u32 @!p0 $0x1C01, s16;
	s13 =	ssub.s32 s22, s24;
	s4 =	simm.s32 @!p0 $0x4F  }
0xd: {  	s5 =	sadd.s32 s26, s2;
	s28 =	sadd.s32 s25, s11;
	s29 =	sshrl.u32 s11, $0x3  }
0xe: {  	s9 =	sadd.s32 s30, s9;
	s10 =	sadd.s32 s31, s10;
	s11 =	simm.s32 $0x2710  }
0xf: {  	s6 =	sshrl.u32 s28, $0x3;
	s7 =	sadd.s32 s12, s29;
	s8 =	smax.u32 s13, $0x1  }
0x10: {  	s9 =	sadd.s32 $0x9DD600, s9;
	s10 =	sadd.s32 $0xF800, s10;
	s13 =	simm.s32 $0x2790  }
0x11: {  	v0 =	vimm.f32 $0.0e+00;
	s6 =	sadd.s32 s12, s6;
	s7 =	sadd.s32 $0x25080, s7;
	s12 =	simm.s32 $0x1  }
.LBB2_1:
0x12: {  	[tilespmem:$0x2790] =	vst v0  }
0x13: {  	[tilespmem:$0x2810] =	vst v0  }
0x14: {  	[tilespmem:$0x2890] =	vst v0  }
0x15: {  	[tilespmem:$0x2910] =	vst v0  }
0x16: {  	[tilespmem:$0x2990] =	vst v0  }
0x17: {  	[tilespmem:$0x2A10] =	vst v0  }
0x18: {  	[tilespmem:$0x2A90] =	vst v0;
	p1 =	sle.u32 s4, $0x0  }
0x19: {  	[tilespmem:$0x2B10] =	vst v0;
	s18 =	simm.s32 @!p1 $0x2790;
	s20 =	simm.s32 @!p1 $0x1  }
0x1a: {  	[spmem:s5] =	stream.linear.scatter @!p1 [tilespmem:s18], [sflag:$0x1], $0x400, $0x38;
	[tilespmem:$0x4F90] =	vst v63  }
0x1b: {  	_ =	swait.ge @!p1 [sflag:s20], $0x400  }
0x1c: {  	s19 =	smov.u32 s5;
	s18 =	simm.s32 $0x1;
	[sflag:s20] =	ssyncset.done @!p1 $0x0  }
.LBB2_2:
0x1d: {  	[sflag:s20] =	ssyncadd.s32 @!p1 $0xFFFFFC00;
	s20 =	smov.u32 s18;
	s18 =	sadd.s32 $0x1, s18  }
0x1e: {  	s19 =	sadd.s32 $0x400, s19;
	p2 =	sne.s32 s18, $0x4F  }
.Ltmp0:
0x1f: {  	p1 =	sge.u32 s20, s4;
	(pc) =	sbr.rel @p2 .LBB2_2-.Ltmp0, $4  }
0x20: {  	s21 =	simm.s32 @!p1 $0x2790;
	s20 =	simm.s32 @!p1 $0x1  }
0x21: {  	[spmem:s19] =	stream.linear.scatter @!p1 [tilespmem:s21], [sflag:$0x1], $0x400, $0x38;
	[tilespmem:$0x4F90] =	vst v63  }
0x22: {  	_ =	swait.ge @!p1 [sflag:s20], $0x400  }
0x23: {  	[sflag:s20] =	ssyncset.done @!p1 $0x0  }
0x24: {  	[sflag:s20] =	ssyncadd.s32 @!p1 $0xFFFFFC00  }
0x25: {  	s18 =	sadd.s32 $0x0, s10;
	[bflag:$0x0] =	sbarrier.arrive $0xFFFF  }
0x26: {  	[tilespmem:s11], [sflag:$0x1] =	stream.linear.gather [hbm4b:s18+s3], $0x50, $0x38;
	[tilespmem:$0x4F90] =	vst v63  }
0x27: {  	_ =	swait.ge [sflag:s12], $0x50  }
0x28: {  	[sflag:s12] =	ssyncset.done $0x0  }
0x29: {  	[sflag:s12] =	ssyncadd.s32 $0xFFFFFFB0  }
0x2a: {  	[tilespmem:s13], [sflag:$0x1] =	stream.linear.gather [hbm4b:s9+s3], $0x2800, $0x38;
	[tilespmem:$0x4F90] =	vst v63  }
0x2b: {  	_ =	swait.ge [sflag:s12], $0x2800  }
0x2c: {  	[sflag:s12] =	ssyncset.done $0x0  }
0x2d: {  	[sflag:s12] =	ssyncadd.s32 $0xFFFFD800  }
0x2e: {  	[spmem:s2] =	stream.indirect.scatter.add.f32 [tilespmem:s13], [sflag:$0x1], $0x10, s11, s14, $0xb8;
	[tilespmem:$0x4F90] =	vst v63  }
0x2f: {  	s19 =	simm.s32 $0x140;
	_ =	swait.ge [sflag:s12], $0x500  }
0x30: {  	s20 =	simm.s32 $0x280;
	s18 =	sadd.s32 $0xA000, s9;
	[sflag:s12] =	ssyncset.done $0x0  }
.LBB2_4:
0x31: {  	s21 =	sadd.s32 s19, s10  }
0x32: {  	[sflag:s12] =	ssyncadd.s32 $0xFFFFFB00;
	s19 =	smov.u32 s20;
	s22 =	sadd.s32 $0x140, s20  }
0x33: {  	[tilespmem:s11], [sflag:$0x1] =	stream.linear.gather [hbm4b:s21+s3], $0x50, $0x38;
	[tilespmem:$0x4F90] =	vst v63  }
0x34: {  	p1 =	sne.s32 s20, $0x9B00;
	_ =	swait.ge [sflag:s12], $0x50  }
0x35: {  	[sflag:s12] =	ssyncset.done $0x0  }
0x36: {  	[sflag:s12] =	ssyncadd.s32 $0xFFFFFFB0  }
0x37: {  	[tilespmem:s13], [sflag:$0x1] =	stream.linear.gather [hbm4b:s18+s3], $0x2800, $0x38;
	[tilespmem:$0x4F90] =	vst v63  }
0x38: {  	_ =	swait.ge [sflag:s12], $0x2800  }
.Ltmp1:
0x39: {  	[sflag:s12] =	ssyncset.done $0x0;
	(pc) =	sbr.rel @p1 .LBB2_4-.Ltmp1, $4  }
0x3a: {  	[sflag:s12] =	ssyncadd.s32 $0xFFFFD800  }
0x3b: {  	[spmem:s2] =	stream.indirect.scatter.add.f32 [tilespmem:s13], [sflag:$0x1], $0x10, s11, s14, $0xb8;
	[tilespmem:$0x4F90] =	vst v63  }
0x3c: {  	_ =	swait.ge [sflag:s12], $0x500  }
0x3d: {  	s20 =	smov.u32 s22;
	s18 =	sadd.s32 $0xA000, s18;
	[sflag:s12] =	ssyncset.done $0x0  }
0x3e: {  	s19 =	sadd.s32 s19, s10;
	[sflag:s12] =	ssyncadd.s32 $0xFFFFFB00  }
0x3f: {  	[tilespmem:s11], [sflag:$0x1] =	stream.linear.gather [hbm4b:s19+s3], $0x50, $0x38;
	[tilespmem:$0x4F90] =	vst v63  }
0x40: {  	_ =	swait.ge [sflag:s12], $0x50  }
0x41: {  	[sflag:s12] =	ssyncset.done $0x0  }
0x42: {  	[sflag:s12] =	ssyncadd.s32 $0xFFFFFFB0  }
0x43: {  	[tilespmem:s13], [sflag:$0x1] =	stream.linear.gather [hbm4b:s18+s3], $0x2800, $0x38;
	[tilespmem:$0x4F90] =	vst v63  }
0x44: {  	_ =	swait.ge [sflag:s12], $0x2800  }
0x45: {  	[sflag:s12] =	ssyncset.done $0x0  }
0x46: {  	[sflag:s12] =	ssyncadd.s32 $0xFFFFD800  }
0x47: {  	[spmem:s2] =	stream.indirect.scatter.add.f32 [tilespmem:s13], [sflag:$0x1], $0x10, s11, s14, $0xb8;
	[tilespmem:$0x4F90] =	vst v63  }
0x48: {  	_ =	swait.ge [sflag:s12], $0x500  }
0x49: {  	[sflag:s12] =	ssyncset.done $0x0  }
0x4a: {  	[sflag:s12] =	ssyncadd.s32 $0xFFFFFB00  }
0x4b: {  	s18 =	simm.s32 @p0 $0x1FC1;
	[bflag:$0x0] =	sbarrier.arrive $0xFFFF  }
0x4c: {  	[hbm:s7], [sflag:s18] =	dma.local @p0 [spmem:s15], $0x2080  }
0x4d: {  	s18 =	simm.s32 @p0 $0x1  }
0x4e: {  	_ =	swait.ge @p0 [sflag:s18], $0x2080  }
0x4f: {  	s17 =	sadd.s32 $0x1, s17;
	[sflag:s18] =	ssyncset.done @p0 $0x0  }
0x50: {  	p1 =	sne.s32 s17, s8;
	[sflag:s18] =	ssyncadd.s32 @p0 $0xFFFFDF80;
	s18 =	sshrl.u32 @!p0 s5, $0x3  }
0x51: {  	[hbm:s6], [sflag:s16] =	dma.local @!p0 [spmem:s18], $0x2780  }
.Ltmp2:
0x52: {  	_ = 	snop;
	(pc) =	sbr.rel @p1 .LBB2_1-.Ltmp2, $4  }
0x53: {  	s18 =	simm.s32 @!p0 $0x1  }
0x54: {  	_ =	swait.ge @!p0 [sflag:s18], $0x2780  }
0x55: {  	[sflag:s18] =	ssyncset.done @!p0 $0x0  }
0x56: {  	[sflag:s18] =	ssyncadd.s32 @!p0 $0xFFFFD880  }
0x57: {  	_ =	sfence.sel $0x180000  }
0x58: {  	[bflag:$0x0] =	sbarrier.arrive $0xFFFF  }
0x59: {  	p0 =	sne.s32 s1, $0x0;
	_ =	strace $0x9000004A  }
0x5a: {  	s0 =	sadd.s32 @!p0 $0x100000, s0;
	[bflag:$0x2] =	sbarrier.arrive $0xFFFF  }
0x5b: {  	[sflag:s0] =	ssyncadd.tile.s32 @!p0 $0x1;
	_ =	shalt  }
.Lfunc_end2:
_tile_overlayer_lowered:
.L_overlay_start_2:
0x5c: {  	(tag) =	ssettag $0x2  }
0x5d: {  	s0 =	rddreg [dreg:$0x0];
	s2 =	stileid.u32  }
0x5e: {  	s1 =	rddreg [dreg:$0x1];
	p0 =	sne.s32 s2, $0x0  }
0x5f: {  	s3 =	rddreg [dreg:$0x2];
	[bflag:$0x3] =	sbarrier.arrive $0xFFFF;
	s2 =	simm.s32 @!p0 $0x1C01  }
0x60: {  	[timem:s3], [sflag:s2] =	dma.local @!p0 [hbm:s0], s1  }
0x61: {  	s0 =	simm.s32 @!p0 $0x1  }
0x62: {  	_ =	swait.ge @!p0 [sflag:s0], s1  }
0x63: {  	s1 =	ssub.s32 @!p0 $0x0, s1;
	[sflag:s0] =	ssyncset.done @!p0 $0x0  }
0x64: {  	[sflag:s0] =	ssyncadd.s32 @!p0 s1  }
0x65: {  	[bflag:$0x3] =	sbarrier.arrive $0xFFFF  }
0x66: {  	_ =	shalt  }

// kernel: kernel.15.cloned.1.call-start
scs
__scs_entry_jumppad:
0x0: {  	(pc) =	sbr.rel $0x88, $3  }
0x1: {  	(tag) =	ssettag $0x0;
	lr =	simm.s32 $0x1  }
0x2: {  	[smem:$0x3F88] =	sst lr;
	_ =	strace $0xD0000000  }
0x3: {  	_ = 	snop  }
0x4: {  	_ = 	snop  }
0x5: {  	_ = 	snop  }
0x6: {  	_ = 	snop  }
0x7: {  	_ = 	snop  }
__scs_overlays_trampoline_lowered:
0x8: {  	[smem:$0x3F97] =	sst s0  }
0x9: {  	[smem:$0x3F98] =	sst s1  }
0xa: {  	[smem:$0x3F99] =	sst s2  }
0xb: {  	[smem:$0x3F9A] =	sst s3  }
0xc: {  	[smem:$0x3F9B] =	sst s4  }
0xd: {  	[smem:$0x3F9C] =	sst s5  }
0xe: {  	[smem:$0x3F9D] =	sst s6  }
0xf: {  	[smem:$0x3F9E] =	sst s7  }
0x10: {  	[smem:$0x3F9F] =	sst s8  }
0x11: {  	[smem:$0x3FA0] =	sst s9;
	s0 =	simm.s32 @!p0 $0x0  }
0x12: {  	s1 =	sld [smem:$0x3F86];
	s0 =	simm.s32 @p0 $0x1  }
0x13: {  	[smem:$0x3FA1] =	sst s0;
	s0 =	simm.s32 @!p1 $0x0  }
0x14: {  	s2 =	sld [smem:$0x3F85];
	s0 =	simm.s32 @p1 $0x1  }
0x15: {  	[smem:$0x3FA2] =	sst s0;
	s0 =	simm.s32 @!p2 $0x0  }
0x16: {  	s3 =	sld [smem:$0x3FDB];
	s0 =	simm.s32 @p2 $0x1  }
0x17: {  	s4 =	simm.s32 $0x1BF5;
	[smem:$0x3FA4] =	sst s0  }
0x18: {  	s0 =	sld [smem:$0x3F87];
	_ =	swait.ge [sflag:s4], $0x0  }
0x19: {  	s7 =	sld [smem:$0x3F88]  }
0x1a: {  	s8 =	sadd.s32 $0xFFFFE003, lr  }
0x1b: {  	s9 =	sadd.s32 $0xFFFFFEF7, lr;
	s5 =	simm.s32 $0xFFFFFFFF;
	p2 =	slt.u32 s8, $0xFFFFF086  }
0x1c: {  	p1 =	slt.u32 s9, $0xF7A;
	s5 =	simm.s32 @!p2 $0x0  }
0x1d: {  	s5 =	simm.s32 @p1 $0x1;
	p0 =	seq.s32 s7, s2  }
0x1e: {  	s7 =	smul.u32 @!p0 $0xF7A, s2;
	p2 =	seq.s32 @!p0 s5, $0x0  }
0x1f: {  	s9 =	smul.u32 $0xF7A, s1;
	s8 =	simm.s32 @!p0 $0x1BF5;
	p2 =	por !p2, p0  }
0x20: {  	[sflag:s8] =	ssyncset.s32 @!p0 $0xFFFFF086;
	s6 =	sadd.s32 @!p0 s3, s7;
	s7 =	simm.s32 @!p0 $0x108  }
0x21: {  	s3 =	sadd.s32 s3, s9;
	s6 =	sadd.s32 @!p0 $0x88, s6;
	s7 =	simm.s32 @p2 $0x1082  }
0x22: {  	[simem:s7], [sflag:s8] =	dma.local @!p0 [hbm:s6], $0xF7A  }
0x23: {  	s9 =	sor.u32 $0xD0000000, s2;
	s6 =	simm.s32 $0x108;
	_ =	swait.ge @!p0 [sflag:s8], $0x0  }
0x24: {  	s3 =	sadd.s32 $0x88, s3;
	s6 =	simm.s32 @!p1 $0x1082;
	[sflag:s4] =	ssyncset.s32 $0xFFFFF086  }
0x25: {  	[simem:s6], [sflag:s4] =	dma.local [hbm:s3], $0xF7A  }
0x26: {  	[smem:$0x3F88] =	sst s1;
	(tag) =	ssettag s2;
	_ =	strace s9  }
0x27: {  	s1 =	sld [smem:$0x3F98]  }
0x28: {  	s2 =	sld [smem:$0x3F99]  }
0x29: {  	s4 =	sld [smem:$0x3F9B]  }
0x2a: {  	p0 =	seq.s32 s5, $0x0;
	s5 =	sld [smem:$0x3F9C]  }
0x2b: {  	s6 =	sld [smem:$0x3F9D]  }
0x2c: {  	s7 =	sld [smem:$0x3F9E]  }
0x2d: {  	s3 =	simm.s32 $0x108;
	s8 =	sld [smem:$0x3F9F]  }
0x2e: {  	s3 =	simm.s32 @!p0 $0x1082;
	s9 =	sld [smem:$0x3FA0]  }
0x2f: {  	lr =	sadd.s32 s0, s3;
	s0 =	sld [smem:$0x3F97]  }
0x30: {  	s3 =	sld [smem:$0x3F9A]  }
0x31: {  	[smem:$0x3FA3] =	sst s10  }
0x32: {  	s10 =	sld [smem:$0x3FA1];
	_ =	sdelay $0x3  }
0x33: {  	p0 =	seq.s32 s10, $0x1;
	s10 =	sld [smem:$0x3FA3];
	_ =	sdelay $0x3  }
0x34: {  	[smem:$0x3FA3] =	sst s10  }
0x35: {  	s10 =	sld [smem:$0x3FA2];
	_ =	sdelay $0x3  }
0x36: {  	p1 =	seq.s32 s10, $0x1;
	s10 =	sld [smem:$0x3FA3];
	_ =	sdelay $0x3  }
0x37: {  	[smem:$0x3FA3] =	sst s10  }
0x38: {  	s10 =	sld [smem:$0x3FA4]  }
0x39: {  	_ = 	snop;
	(pc) =	sbr.ind lr, $3  }
0x3a: {  	_ = 	snop  }
0x3b: {  	_ = 	snop  }
0x3c: {  	p2 =	seq.s32 s10, $0x1;
	s10 =	sld [smem:$0x3FA3]  }
0x3d: {  	_ =	shalt  }
0x3e: {  	_ =	shalt  }
0x3f: {  	_ =	shalt  }
0x40: {  	_ =	shalt  }
0x41: {  	_ =	shalt  }
0x42: {  	_ =	shalt  }
0x43: {  	_ =	shalt  }
0x44: {  	_ =	shalt  }
0x45: {  	_ =	shalt  }
0x46: {  	_ =	shalt  }
0x47: {  	_ =	shalt  }
0x48: {  	_ =	shalt  }
0x49: {  	_ =	shalt  }
0x4a: {  	_ =	shalt  }
0x4b: {  	_ =	shalt  }
0x4c: {  	_ =	shalt  }
0x4d: {  	_ =	shalt  }
0x4e: {  	_ =	shalt  }
0x4f: {  	_ =	shalt  }
0x50: {  	_ =	shalt  }
0x51: {  	_ =	shalt  }
0x52: {  	_ =	shalt  }
0x53: {  	_ =	shalt  }
0x54: {  	_ =	shalt  }
0x55: {  	_ =	shalt  }
0x56: {  	_ =	shalt  }
0x57: {  	_ =	shalt  }
0x58: {  	_ =	shalt  }
0x59: {  	_ =	shalt  }
0x5a: {  	_ =	shalt  }
0x5b: {  	_ =	shalt  }
0x5c: {  	_ =	shalt  }
0x5d: {  	_ =	shalt  }
0x5e: {  	_ =	shalt  }
0x5f: {  	_ =	shalt  }
0x60: {  	_ =	shalt  }
0x61: {  	_ =	shalt  }
0x62: {  	_ =	shalt  }
0x63: {  	_ =	shalt  }
0x64: {  	_ =	shalt  }
0x65: {  	_ =	shalt  }
0x66: {  	_ =	shalt  }
0x67: {  	_ =	shalt  }
0x68: {  	_ =	shalt  }
0x69: {  	_ =	shalt  }
0x6a: {  	_ =	shalt  }
0x6b: {  	_ =	shalt  }
0x6c: {  	_ =	shalt  }
0x6d: {  	_ =	shalt  }
0x6e: {  	_ =	shalt  }
0x6f: {  	_ =	shalt  }
0x70: {  	_ =	shalt  }
0x71: {  	_ =	shalt  }
0x72: {  	_ =	shalt  }
0x73: {  	_ =	shalt  }
0x74: {  	_ =	shalt  }
0x75: {  	_ =	shalt  }
0x76: {  	_ =	shalt  }
0x77: {  	_ =	shalt  }
0x78: {  	_ =	shalt  }
0x79: {  	_ =	shalt  }
0x7a: {  	_ =	shalt  }
0x7b: {  	_ =	shalt  }
0x7c: {  	_ =	shalt  }
0x7d: {  	_ =	shalt  }
0x7e: {  	_ =	shalt  }
0x7f: {  	_ =	shalt  }
0x80: {  	_ =	shalt  }
0x81: {  	_ =	shalt  }
0x82: {  	_ =	shalt  }
0x83: {  	_ =	shalt  }
0x84: {  	_ =	shalt  }
0x85: {  	_ =	shalt  }
0x86: {  	_ =	shalt  }
0x87: {  	_ =	shalt  }
.Lfunc_end0:
.L_simem_size_0:
called_computation.2_lowered:
.L_overlay_start_0:
0x88: {  	s2 =	sld [smem:$0x3FD9]  }
0x89: {  	s3 =	sld [smem:$0x3FFE];
	_ =	sdelay $0x1  }
0x8a: {  	s1 =	srdreg.scid  }
0x8b: {  	s0 =	sand.u32 $0x1, s1  }
0x8c: {  	s17 =	sshll.u32 s0, $0xA;
	s2 =	sadd.s32 s3, s2  }
0x8d: {  	s2 =	sadd.s32 s2, s17  }
0x8e: {  	[smem:$0x3FAF] =	sst s2  }
0x8f: {  	_ = 	snop  }
0x90: {  	s2 =	sld [smem:$0x3FB9]  }
0x91: {  	s18 =	sld [smem:$0x3FB8];
	(tm) =	ssettm $0x1  }
0x92: {  	s4 =	sld [smem:$0x3FFB];
	_ =	sdelay $0x3  }
0x93: {  	_ =	strace s4  }
0x94: {  	s4 =	sld [smem:$0x3FFC];
	_ =	sdelay $0x3  }
0x95: {  	_ =	strace s4  }
0x96: {  	s4 =	sld [smem:$0x3FFD];
	_ =	sdelay $0x3  }
0x97: {  	_ =	strace s4  }
0x98: {  	_ =	strace $0x8FFFFFFF  }
0x99: {  	s19 =	sld [smem:$0x3FDB];
	_ =	sdelay $0x1  }
0x9a: {  	s5 =	simm.s32 $_scs_section_size  }
0x9b: {  	s6 =	simm.s32 $_size__tile_overlayer_lowered;
	s7 =	simm.s32 $_tile_overlayer_lowered  }
0x9c: {  	s22 =	simm.s32 $0x1BFF;
	s21 =	sshll.u32 s7, $0x1;
	s4 =	sadd.s32 s5, s19  }
0x9d: {  	s8 =	simm.s32 $0x0;
	s20 =	sshll.u32 s6, $0x1;
	s6 =	sadd.s32 s21, s4  }
0x9e: {  	[timem:s8], [sflag:s22] =	dma.local [hbm:s6], s20  }
0x9f: {  	_ =	swait.ge [sflag:s22], s20  }
0xa0: {  	s5 =	ssub.s32 $0x0, s20;
	[sflag:s22] =	ssyncset.done $0x0  }
0xa1: {  	[sflag:s22] =	ssyncadd.s32 s5;
	_ =	sdelay $0x1  }
0xa2: {  	s23 =	simm.s32 $0x1B8B  }
0xa3: {  	_ =	swait.ge [sflag:s23], $0x1  }
0xa4: {  	[sflag:s23] =	ssyncset.done $0x0  }
0xa5: {  	s25 =	simm.s32 $0x1B8E;
	s24 =	sld [smem:$0x3FFE];
	[sflag:s23] =	ssyncadd.s32 $0xFFFFFFFF  }
0xa6: {  	s26 =	simm.s32 $execute0_lowered;
	[smem:$0x3FD2] =	sst s25  }
0xa7: {  	s6 =	sshll.u32 s26, $0x1;
	_ =	strace $0x8000004C;
	[dreg:$0x1] =	wrdreg $0xFFFFFFFF  }
0xa8: {  	s28 =	simm.s32 $_size_execute0_lowered;
	s4 =	sadd.s32 s4, s6;
	[dreg:$0x0] =	wrdreg $0x0  }
0xa9: {  	s6 =	sshll.u32 s28, $0x1;
	[dreg:$0x2] =	wrdreg s4  }
0xaa: {  	[dreg:$0x3] =	wrdreg s6  }
0xab: {  	[dreg:$0x4] =	wrdreg $0xC0  }
0xac: {  	_ =	task [dreg:s8], $0x5FFFF  }
0xad: {  	[dreg:$0x1] =	wrdreg $0xFFFFFFFF  }
0xae: {  	[dreg:$0x0] =	wrdreg $0x60  }
0xaf: {  	[dreg:$0x2] =	wrdreg s24  }
0xb0: {  	[dreg:$0x3] =	wrdreg s2  }
0xb1: {  	[dreg:$0x4] =	wrdreg s18  }
0xb2: {  	[dreg:$0x5] =	wrdreg $0x0  }
0xb3: {  	[dreg:$0x6] =	wrdreg $0x9  }
0xb4: {  	_ =	task.clear_ibuf [dreg:s8], $0x7FFFF;
	_ =	strace $0x9000004C  }
0xb5: {  	s29 =	simm.s32 $0x9;
	_ =	strace $0x8000004E  }
0xb6: {  	_ =	swait.ge [sflag:s29], $0x1  }
0xb7: {  	[sflag:s29] =	ssyncadd.s32 $0xFFFFFFFF  }
0xb8: {  	_ =	strace $0x9000004E  }
0xb9: {  	_ =	sfence  }
0xba: {  	s30 =	sld [smem:$0x0];
	_ =	sdelay $0x2  }
0xbb: {  	s31 =	sshll.u32 s1, $0xD;
	s1 =	sshrl.u32 s1, $0x2  }
0xbc: {  	s3 =	sand.u32 $0x4000, s31;
	s1 =	sadd.s32 s1, s30  }
0xbd: {  	s0 =	sor.u32 s3, s0;
	s1 =	sshll.u32 s1, $0x11  }
0xbe: {  	s0 =	sor.u32 s1, s0  }
0xbf: {  	s0 =	sadd.s32 $0x8F2B, s0  }
0xc0: {  	[sflag:s0] =	ssyncadd.remote.s32 $0x1  }
0xc1: {  	_ =	sfence.sel $0xFFFF  }
0xc2: {  	[dreg:$0x0] =	wrdreg $0xFFFFFFFF;
	(pc) =	sbr.abs _section_cstart, $3  }
0xc3: {  	[dreg:$0x1] =	wrdreg $0xFFFFFFFF  }
0xc4: {  	_ =	task.clear_ibuf [dreg:s8], $0x2FFFF;
	_ =	strace $0x9FFFFFFF  }
0xc5: {  	(tm) =	ssettm $0x7FFFFFFF  }
tec
execute0_lowered:
.L_overlay_start_1:
0x0: {  	(tag) =	ssettag $0x1  }
0x1: {  	s0 =	rddreg [dreg:$0x0]  }
0x2: {  	s3 =	rddreg [dreg:$0x3];
	s1 =	simm.s32 $0x0;
	s22 =	srdreg.scid  }
0x3: {  	s14 =	stileid.u32;
	s28 =	simm.s32 $0x13900;
	s29 =	simm.s32 $0x28  }
0x4: {  	s15 =	simm.s32 $0x1;
	s16 =	simm.s32 $0x2;
	s17 =	simm.s32 $0x1B280  }
0x5: {  	s18 =	simm.s32 $0x1C680;
	s19 =	simm.s32 $0x3;
	s20 =	simm.s32 $0x4  }
0x6: {  	[smem:$0x7FF] =	sst s1;
	s5 =	sadd.s32 $0x19600, s0;
	s6 =	sadd.s32 $0x40800, s0  }
0x7: {  	s8 =	sadd.s32 $0x5A00, s0;
	s9 =	sadd.s32 $0xF800, s0;
	s10 =	sadd.s32 $0x4FB600, s0  }
0x8: {  	s1 =	sand.u32 $0x1, s22;
	s2 =	sadd.s32 $0x67A00, s0;
	s23 =	smul.u32 $0x4F000, s14  }
0x9: {  	s7 =	sshll.u32 s14, $0x1;
	p0 =	seq.s32 s14, $0xF;
	s14 =	smul.u32 $0x13C00, s14  }
0xa: {  	s4 =	ssub.s32 $0x2, s1;
	s11 =	sor.u32 s1, s7;
	s1 =	smul.u32 $0x138800, s1  }
0xb: {  	s12 =	sadd.s32 $0x9DD600, s0;
	_ =	strace $0x8000004D;
	s25 =	smul.u32 $0x5, s11  }
0xc: {  	s13 =	sshrl.u32 s4, $0x1;
	s7 =	sshrl.u32 s23, $0x2;
	s30 =	smul.u32 $0x280, s11  }
0xd: {  	s21 =	sor.u32 $0x20, s11;
	s23 =	simm.s32 $0x5;
	s24 =	ssub.s32 s4, s13  }
0xe: {  	s13 =	simm.s32 $0x41;
	s22 =	sadd.s32 s7, s3;
	s31 =	sadd.s32 s14, s1  }
0xf: {  	s1 =	sshrl.u32 s1, $0x3;
	s26 =	sadd.s32 s8, s25;
	[dreg:$0x5] =	wrdreg s22  }
0x10: {  	s13 =	simm.s32 @!p0 $0x4F;
	s4 =	sadd.s32 s9, s25;
	[dreg:$0x6] =	wrdreg s26  }
0x11: {  	s7 =	sadd.s32 s10, s30;
	s1 =	sadd.s32 s2, s1;
	[dreg:$0x7] =	wrdreg s4  }
0x12: {  	v0 =	vimm.f32 $0.0e+00;
	v30 =	vimm.s32 $0x0;
	s0 =	smax.u32 s24, $0x1;
	[dreg:$0x8] =	wrdreg s7;
	s4 =	sshrl.u32 s31, $0x3  }
0x13: {  	v25 =	vimm.s32 $0x1;
	v26 =	vimm.s32 $0x2;
	v27 =	vimm.s32 $0x3;
	s1 =	sadd.s32 $0x25080, s1;
	[dreg:$0xb] =	wrdreg s0;
	s26 =	simm.s32 $0x13880  }
0x14: {  	v5 =	vimm.s32 $0xF;
	vm0 =	vmmov $0x1;
	vm1 =	vcmask $0x320;
	s2 =	sadd.s32 s2, s4;
	[dreg:$0xa] =	wrdreg s1;
	s1 =	sadd.s32 $0x128400, s3  }
0x15: {  	vm2 =	vcmask $0x720;
	vm3 =	vcmask $0xB20;
	vm4 =	vcmask $0xF20;
	s7 =	simm.s32 $0x0;
	[dreg:$0x9] =	wrdreg s2;
	s0 =	sshrl.u32 @p0 s1, $0x3  }
0x16: {  	vm5 =	vcmask $0x1320;
	vm6 =	vcmask $0x1720;
	vm7 =	vcmask $0x1B20;
	s1 =	simm.s32 $0x17580;
	s2 =	simm.s32 $0x17600;
	[dreg:$0xc] =	wrdreg s0  }
.LBB2_1:
0x17: {  	[dreg:$0xd] =	wrdreg s7  }
0x18: {  	s0 =	rddreg [dreg:$0x1];
	s4 =	simm.s32 $0x0;
	s25 =	simm.s32 $0x1DA80  }
0x19: {  	[tilespmem:s25], [sflag:$0x5] =	stream.linear.gather [hbm4b:s0+s4], $0x200, $0x38;
	[tilespmem:$0x1E080] =	vst v63  }
0x1a: {  	_ =	swait.ge [sflag:s23], $0x200  }
0x1b: {  	[sflag:s23] =	ssyncset.done $0x0  }
0x1c: {  	[sflag:s23] =	ssyncadd.s32 $0xFFFFFE00  }
0x1d: {  	s31 =	simm.s32 $0x1DC80;
	s30 =	rddreg [dreg:$0x2]  }
0x1e: {  	[tilespmem:s31], [sflag:$0x5] =	stream.linear.gather [hbm4b:s30+s4], $0x400, $0x38;
	[tilespmem:$0x1E080] =	vst v63  }
0x1f: {  	_ =	swait.ge [sflag:s23], $0x400  }
0x20: {  	[sflag:s23] =	ssyncset.done $0x0  }
0x21: {  	s0 =	simm.s32 $0x0;
	s4 =	simm.s32 $0x200;
	[sflag:s23] =	ssyncadd.s32 $0xFFFFFC00  }
.LBB2_2:
0x22: {  	p1 =	sne.s32 s4, $0x4E00;
	[tilespmem:s0+$0x1B2F0] =	vst v0  }
0x23: {  	[tilespmem:s0+$0x1B280] =	vst v0  }
0x24: {  	[tilespmem:s0+$0x1B290] =	vst v0  }
.Ltmp0:
0x25: {  	[tilespmem:s0+$0x1B2A0] =	vst v0;
	(pc) =	sbr.rel @p1 .LBB2_2-.Ltmp0, $4  }
0x26: {  	[tilespmem:s0+$0x1B2B0] =	vst v0  }
0x27: {  	[tilespmem:s0+$0x1B2C0] =	vst v0  }
0x28: {  	[tilespmem:s0+$0x1B2D0] =	vst v0  }
0x29: {  	[tilespmem:s0+$0x1B2E0] =	vst v0;
	s0 =	sshra.s32 s4, $0x2;
	s4 =	sadd.s32 $0x200, s4  }
0x2a: {  	[tilespmem:s0+$0x1B2F0] =	vst v0  }
0x2b: {  	[tilespmem:s0+$0x1B280] =	vst v0  }
0x2c: {  	[tilespmem:s0+$0x1B290] =	vst v0  }
0x2d: {  	[tilespmem:s0+$0x1B2A0] =	vst v0  }
0x2e: {  	[tilespmem:s0+$0x1B2B0] =	vst v0  }
0x2f: {  	[tilespmem:s0+$0x1B2C0] =	vst v0  }
0x30: {  	[tilespmem:s0+$0x1B2D0] =	vst v0;
	p1 =	sle.u32 s13, $0x0  }
0x31: {  	[tilespmem:s0+$0x1B2E0] =	vst v0;
	s0 =	simm.s32 @!p1 $0x1B280;
	s7 =	simm.s32 @!p1 $0x5  }
0x32: {  	[spmem:s22] =	stream.linear.scatter @!p1 [tilespmem:s0], [sflag:$0x5], $0x400, $0x38;
	[tilespmem:$0x1E080] =	vst v63  }
0x33: {  	_ =	swait.ge @!p1 [sflag:s7], $0x400  }
0x34: {  	s4 =	smov.u32 s22;
	s0 =	simm.s32 $0x1;
	[sflag:s7] =	ssyncset.done @!p1 $0x0  }
.LBB2_4:
0x35: {  	[sflag:s7] =	ssyncadd.s32 @!p1 $0xFFFFFC00;
	s7 =	smov.u32 s0;
	s0 =	sadd.s32 $0x1, s0  }
0x36: {  	s4 =	sadd.s32 $0x400, s4;
	p2 =	sne.s32 s0, $0x4F  }
.Ltmp1:
0x37: {  	p1 =	sge.u32 s7, s13;
	(pc) =	sbr.rel @p2 .LBB2_4-.Ltmp1, $4  }
0x38: {  	s14 =	simm.s32 @!p1 $0x1B280;
	s7 =	simm.s32 @!p1 $0x5  }
0x39: {  	[spmem:s4] =	stream.linear.scatter @!p1 [tilespmem:s14], [sflag:$0x5], $0x400, $0x38;
	[tilespmem:$0x1E080] =	vst v63  }
0x3a: {  	_ =	swait.ge @!p1 [sflag:s7], $0x400  }
0x3b: {  	[sflag:s7] =	ssyncset.done @!p1 $0x0  }
0x3c: {  	[sflag:s7] =	ssyncadd.s32 @!p1 $0xFFFFFC00  }
0x3d: {  	[bflag:$0x0] =	sbarrier.arrive $0xFFFF  }
0x3e: {  	v28 =	vld [tilespmem:$0x1DA80]  }
0x3f: {  	v29 =	vld [tilespmem:$0x1DA90]  }
0x40: {  	v15 =	vld [tilespmem:$0x1DAA0]  }
0x41: {  	v1 =	vld [tilespmem:$0x1DAB0]  }
0x42: {  	v63 =	vld [tilespmem:$0x1DAC0]  }
0x43: {  	v61 =	vld [tilespmem:$0x1DAD0]  }
0x44: {  	v24 =	vld [tilespmem:$0x1DAE0]  }
0x45: {  	v23 =	vld [tilespmem:$0x1DAF0]  }
0x46: {  	v17 =	vld [tilespmem:$0x1DB00]  }
0x47: {  	v59 =	vld [tilespmem:$0x1DB10]  }
0x48: {  	v0 =	vld [tilespmem:$0x1DBF0]  }
0x49: {  	v18 =	vld [tilespmem:$0x1DB20]  }
0x4a: {  	v37 =	vld [tilespmem:$0x1DB30]  }
0x4b: {  	v8 =	vld [tilespmem:$0x1DB40]  }
0x4c: {  	v62 =	vld [tilespmem:$0x1DB50]  }
0x4d: {  	[tilespmem:$0x1FE40] =	vst v0;
	v0 =	vld [tilespmem:$0x1DC80]  }
0x4e: {  	v6 =	vld [tilespmem:$0x1DB60]  }
0x4f: {  	v19 =	vld [tilespmem:$0x1DB70]  }
0x50: {  	v38 =	vld [tilespmem:$0x1DB80]  }
0x51: {  	v40 =	vld [tilespmem:$0x1DB90]  }
0x52: {  	[tilespmem:$0x1FE50] =	vst v0;
	v0 =	vld [tilespmem:$0x1DD00]  }
0x53: {  	v42 =	vld [tilespmem:$0x1DBA0]  }
0x54: {  	v20 =	vld [tilespmem:$0x1DBB0]  }
0x55: {  	v21 =	vld [tilespmem:$0x1DBC0]  }
0x56: {  	v16 =	vld [tilespmem:$0x1DBD0]  }
0x57: {  	[tilespmem:$0x1FE60] =	vst v0;
	v0 =	vld [tilespmem:$0x1DE00]  }
0x58: {  	v22 =	vld [tilespmem:$0x1DBE0]  }
0x59: {  	v45 =	vld [tilespmem:$0x1DC00]  }
0x5a: {  	v43 =	vld [tilespmem:$0x1DC10]  }
0x5b: {  	v41 =	vld [tilespmem:$0x1DC20]  }
0x5c: {  	[tilespmem:$0x1FE70] =	vst v0;
	v0 =	vld [tilespmem:$0x1DF80]  }
0x5d: {  	v33 =	vld [tilespmem:$0x1DC30]  }
0x5e: {  	v34 =	vld [tilespmem:$0x1DC40]  }
0x5f: {  	v35 =	vld [tilespmem:$0x1DC50]  }
0x60: {  	v36 =	vld [tilespmem:$0x1DC60]  }
0x61: {  	[tilespmem:$0x1FE80] =	vst v0;
	v0 =	vld [tilespmem:$0x1E000]  }
0x62: {  	v11 =	vld [tilespmem:$0x1DC70]  }
0x63: {  	v60 =	vld [tilespmem:$0x1DD80]  }
0x64: {  	s14 =	simm.s32 $0x0;
	v10 =	vld [tilespmem:$0x1DE80];
	s0 =	rddreg [dreg:$0x6]  }
0x65: {  	v9 =	vld [tilespmem:$0x1DF00];
	[tilespmem:s26], [sflag:$0x5] =	stream.linear.gather [hbm4b:s0+s14], $0x28, $0x38  }
0x66: {  	[tilespmem:$0x1FE90] =	vst v0  }
0x67: {  	_ =	swait.ge [sflag:s23], $0x28  }
0x68: {  	[sflag:s23] =	ssyncset.done $0x0  }
0x69: {  	s24 =	rddreg [dreg:$0x7];
	[sflag:s23] =	ssyncadd.s32 $0xFFFFFFD8  }
0x6a: {  	[tilespmem:s28], [sflag:$0x5] =	stream.linear.gather [hbm4b:s24+s14], $0x28, $0x38;
	[tilespmem:$0x1E080] =	vst v63  }
0x6b: {  	_ =	swait.ge [sflag:s23], $0x28  }
0x6c: {  	[sflag:s23] =	ssyncset.done $0x0  }
0x6d: {  	s25 =	simm.s32 $0x13980;
	[sflag:s23] =	ssyncadd.s32 $0xFFFFFFD8  }
0x6e: {  	[tilespmem:s25], [sflag:$0x1] =	stream.indirect.gather [hbm4b:s5+s29], $0x80, s26, s29, $0xb8;
	[tilespmem:$0x1E080] =	vst v63  }
0x6f: {  	s30 =	simm.s32 $0x14D80  }
0x70: {  	[tilespmem:s30], [sflag:$0x2] =	stream.indirect.gather [hbm4b:s6+s29], $0x80, s28, s29, $0xb8;
	[tilespmem:$0x1E080] =	vst v63  }
0x71: {  	s4 =	simm.s32 $0x16180;
	s31 =	rddreg [dreg:$0x8]  }
0x72: {  	[tilespmem:s4], [sflag:$0x5] =	stream.linear.gather [hbm4b:s31+s14], $0x1400, $0x38;
	[tilespmem:$0x1E080] =	vst v63  }
0x73: {  	_ =	swait.ge [sflag:s23], $0x1400  }
0x74: {  	[tilespmem:$0x1FEA0] =	vst v60  }
0x75: {  	[tilespmem:$0x1FEB0] =	vst v11  }
0x76: {  	[tilespmem:$0x1FEC0] =	vst v10  }
0x77: {  	[tilespmem:$0x1FED0] =	vst v9  }
0x78: {  	[tilespmem:$0x1FEE0] =	vst v20  }
0x79: {  	[tilespmem:$0x1FEF0] =	vst v21  }
0x7a: {  	[tilespmem:$0x1FF00] =	vst v16  }
0x7b: {  	[tilespmem:$0x1FF10] =	vst v59  }
0x7c: {  	[tilespmem:$0x1FF20] =	vst v37  }
0x7d: {  	[tilespmem:$0x1FF30] =	vst v62  }
0x7e: {  	[tilespmem:$0x1FF40] =	vst v19  }
0x7f: {  	[tilespmem:$0x1FF50] =	vst v17  }
0x80: {  	[tilespmem:$0x1FF60] =	vst v18  }
0x81: {  	[tilespmem:$0x1FF70] =	vst v8  }
0x82: {  	[tilespmem:$0x1FF80] =	vst v6  }
0x83: {  	[tilespmem:$0x1FF90] =	vst v15  }
0x84: {  	[tilespmem:$0x1FFA0] =	vst v1  }
0x85: {  	[tilespmem:$0x1FFB0] =	vst v63  }
0x86: {  	[tilespmem:$0x1FFC0] =	vst v61  }
0x87: {  	[tilespmem:$0x1FFD0] =	vst v41  }
0x88: {  	[sflag:s23] =	ssyncset.done $0x0;
	[tilespmem:$0x1FFE0] =	vst v43  }
0x89: {  	s25 =	simm.s32 $0x0;
	[tilespmem:$0x1FFF0] =	vst v22;
	[sflag:s23] =	ssyncadd.s32 $0xFFFFEC00  }
.LBB2_6:
0x8a: {  	s24 =	sshll.u32 s25, $0x6  }
0x8b: {  	s0 =	sor.u32 s21, s24  }
0x8c: {  	s4 =	smul.u32 $0x5, s0;
	_ =	sdelay $0x1  }
0x8d: {  	s7 =	sadd.s32 s8, s4  }
0x8e: {  	[tilespmem:s1], [sflag:$0x5] =	stream.linear.gather [hbm4b:s7+s14], $0x28, $0x38;
	[tilespmem:$0x1E080] =	vst v63  }
0x8f: {  	_ =	swait.ge [sflag:s23], $0x28  }
0x90: {  	[sflag:s23] =	ssyncset.done $0x0  }
0x91: {  	s4 =	sadd.s32 s9, s4;
	[sflag:s23] =	ssyncadd.s32 $0xFFFFFFD8  }
0x92: {  	[tilespmem:s2], [sflag:$0x5] =	stream.linear.gather [hbm4b:s4+s14], $0x28, $0x38;
	[tilespmem:$0x1E080] =	vst v63  }
0x93: {  	_ =	swait.ge [sflag:s23], $0x28  }
0x94: {  	[sflag:s23] =	ssyncset.done $0x0  }
0x95: {  	s22 =	simm.s32 $0x17680;
	[sflag:s23] =	ssyncadd.s32 $0xFFFFFFD8  }
0x96: {  	[tilespmem:s22], [sflag:$0x3] =	stream.indirect.gather [hbm4b:s5+s29], $0x80, s1, s29, $0xb8;
	[tilespmem:$0x1E080] =	vst v63  }
0x97: {  	s7 =	simm.s32 $0x18A80;
	s22 =	smul.u32 $0x280, s0  }
0x98: {  	[tilespmem:s7], [sflag:$0x4] =	stream.indirect.gather [hbm4b:s6+s29], $0x80, s2, s29, $0xb8;
	[tilespmem:$0x1E080] =	vst v63  }
0x99: {  	s4 =	sadd.s32 s10, s22;
	s7 =	simm.s32 $0x19E80  }
0x9a: {  	[tilespmem:s7], [sflag:$0x5] =	stream.linear.gather [hbm4b:s4+s14], $0x1400, $0x38;
	[tilespmem:$0x1E080] =	vst v63  }
0x9b: {  	_ =	swait.ge [sflag:s23], $0x1400  }
0x9c: {  	[sflag:s23] =	ssyncset.done $0x0  }
0x9d: {  	[sflag:s23] =	ssyncadd.s32 $0xFFFFEC00  }
0x9e: {  	_ =	swait.ge [sflag:s15], $0x1400  }
0x9f: {  	[sflag:s15] =	ssyncset.done $0x0  }
0xa0: {  	[sflag:s15] =	ssyncadd.s32 $0xFFFFEC00  }
0xa1: {  	_ =	swait.ge [sflag:s16], $0x1400  }
0xa2: {  	[sflag:s16] =	ssyncset.done $0x0  }
0xa3: {  	s7 =	simm.s32 $0x0;
	[sflag:s16] =	ssyncadd.s32 $0xFFFFEC00  }
0xa4: {  	v0 =	vld [tilespmem:s7+$0x16180]  }
0xa5: {  	v2 =	vld [tilespmem:s7+$0x14D80]  }
0xa6: {  	v47 =	vld [tilespmem:s7+$0x13980]  }
0xa7: {  	v4 =	vld [tilespmem:s7+$0x14DA0]  }
0xa8: {  	v48 =	vld [tilespmem:s7+$0x139A0]  }
0xa9: {  	v39 =	vmov v6;
	v50 =	vld [tilespmem:s7+$0x14DC0];
	v3 =	vperm.xlane v0, v30;
	v6 =	vperm.xlane v0, v25  }
0xaa: {  	v31 =	vld [tilespmem:s7+$0x139C0];
	v7 =	vperm.xlane v0, v26;
	v0 =	vperm.xlane v0, v27  }
0xab: {  	v44 =	vmovc v18;
	v18 =	vmov v10;
	v9 =	vmul.f32 v3, v28;
	v10 =	vmul.f32 v3, v29  }
0xac: {  	v32 =	vmovc v17;
	v56 =	vmovc v15;
	v17 =	vmov v11;
	v11 =	vmul.f32 v3, v23;
	v12 =	vmul.f32 v7, v38  }
0xad: {  	v15 =	vmovc v8;
	v2 =	vadd.f32 v2, v47;
	v13 =	vmul.f32 v7, v40;
	v14 =	vmul.f32 v7, v42  }
0xae: {  	v4 =	vadd.f32 v4, v48;
	v51 =	vmul.f32 v6, v15;
	v52 =	vmul.f32 v3, v63  }
0xaf: {  	v58 =	vmovc v1;
	v50 =	vadd.f32 v50, v31;
	v54 =	vmul.f32 v6, v19;
	v55 =	vmul.f32 v7, v21  }
0xb0: {  	v57 =	vmul.f32 v6, v32;
	v32 =	vmul.f32 v3, v58;
	v51 =	vadd.f32 v51, v52  }
0xb1: {  	v58 =	vmul.f32 v6, v59;
	v52 =	vmul.f32 v6, v44;
	v11 =	vadd.f32 v54, v11  }
0xb2: {  	v54 =	vmul.f32 v3, v56;
	v44 =	vmul.f32 v0, v34;
	v51 =	vadd.f32 v55, v51  }
0xb3: {  	v61 =	vmul.f32 v3, v61;
	v9 =	vadd.f32 v57, v9;
	v10 =	vadd.f32 v58, v10  }
0xb4: {  	v56 =	vmul.f32 v6, v37;
	v52 =	vadd.f32 v52, v54;
	v51 =	vadd.f32 v44, v51  }
0xb5: {  	v3 =	vmul.f32 v3, v24;
	v55 =	vmul.f32 v0, v41;
	v9 =	vadd.f32 v12, v9  }
0xb6: {  	v54 =	vmul.f32 v0, v45;
	v14 =	vadd.f32 v14, v52;
	v50 =	vadd.f32 v50, v51  }
0xb7: {  	v12 =	vmul.f32 v0, v33;
	v59 =	vadd.f32 v56, v32;
	v44 =	vmul.f32 v7, v20  }
0xb8: {  	v32 =	vld [tilespmem:s7+$0x14DD0];
	v9 =	vadd.f32 v54, v9;
	v14 =	vadd.f32 v55, v14;
	v55 =	vmul.f32 $2.000000030e-01, v50  }
0xb9: {  	v52 =	vadd.f32 v44, v59;
	v44 =	vmul.f32 v6, v62;
	v6 =	vmul.f32 v6, v39;
	v39 =	vld [tilespmem:$0x1FE40]  }
0xba: {  	v10 =	vadd.f32 v13, v10;
	v51 =	vld [tilespmem:s7+$0x139D0];
	v4 =	vadd.f32 v4, v14;
	v14 =	vmax.f32 v50, v55  }
0xbb: {  	v2 =	vadd.f32 v2, v9;
	v59 =	vmul.f32 v7, v16;
	v14 =	vmul.f32 v14, v18  }
0xbc: {  	v9 =	vadd.f32 v44, v61;
	v61 =	vld [tilespmem:s7+$0x14DE0];
	v3 =	vadd.f32 v6, v3;
	v6 =	vmul.f32 v7, v22  }
0xbd: {  	v16 =	vmul.f32 v0, v35;
	v12 =	vadd.f32 v12, v52;
	v52 =	vld [tilespmem:s7+$0x139E0];
	(xrf2) =	vadd.scan.msk.f32 $0xffff, v14;
	v14 =	vmul.f32 $2.000000030e-01, v4  }
0xbe: {  	v9 =	vadd.f32 v59, v9;
	v3 =	vadd.f32 v6, v3;
	v7 =	vmul.f32 v7, v39  }
0xbf: {  	v1 =	vld [tilespmem:s7+$0x14DB0];
	v13 =	vadd.f32 v32, v51;
	v32 =	vmul.f32 v0, v36;
	v4 =	vmax.f32 v4, v14  }
0xc0: {  	v46 =	vld [tilespmem:s7+$0x139B0];
	v9 =	vadd.f32 v16, v9;
	v4 =	vmul.f32 v4, v60  }
0xc1: {  	v8 =	vld [tilespmem:s7+$0x14D90];
	v6 =	vadd.f32 v7, v11;
	v3 =	vadd.f32 v32, v3  }
0xc2: {  	v7 =	vadd.f32 v13, v9;
	v9 =	vadd.f32 v61, v52;
	[tilespmem:$0x1FE10] =	vst v4;
	v4 =	vld [tilespmem:$0x1FE50]  }
0xc3: {  	s4 =	simm.s32 $0x80;
	v49 =	vld [tilespmem:s7+$0x13990];
	v53 =	vmul.f32 v0, v43  }
0xc4: {  	v0 =	vmul.f32 v0, v17;
	v13 =	vmul.f32 $2.000000030e-01, v2;
	v3 =	vadd.f32 v9, v3;
	v9 =	vld [tilespmem:s4+$0x16180]  }
0xc5: {  	v62 =	vld [tilespmem:s7+$0x14DF0]  }
0xc6: {  	v50 =	vld [tilespmem:s7+$0x139F0];
	v0 =	vadd.f32 v0, v6;
	v6 =	vmul.f32 $2.000000030e-01, v7;
	v2 =	vmax.f32 v2, v13  }
0xc7: {  	v1 =	vadd.f32 v1, v46;
	v2 =	vmul.f32 v2, v4;
	v4 =	vld [tilespmem:$0x1FE80]  }
0xc8: {  	v8 =	vadd.f32 v8, v49;
	v32 =	vld [tilespmem:$0x1FED0];
	v6 =	vmax.f32 v7, v6;
	v7 =	vadd.f32 v53, v10  }
0xc9: {  	v1 =	vadd.f32 v1, v12;
	v10 =	vmul.f32 $2.000000030e-01, v3;
	v14 =	vperm.xlane v9, v25;
	v12, _, _ =	vpop (xrf2)  }
0xca: {  	v7 =	vadd.f32 v8, v7;
	v8 =	vperm.xlane v12, v5  }
0xcb: {  	v11 =	vadd.f32 v62, v50;
	v3 =	vmax.f32 v3, v10;
	v58 =	vmul.f32 v14, v15  }
0xcc: {  	v15 =	vld [tilespmem:$0x1FF50];
	v3 =	vmul.f32 v3, v4;
	v4 =	vmul.f32 $1.442695020e+00, v8  }
0xcd: {  	v0 =	vadd.f32 v11, v0;
	v6 =	vmul.f32 v6, v32  }
0xce: {  	[tilespmem:$0x1FE20] =	vst v4;
	v4 =	vld [tilespmem:$0x1FE60]  }
0xcf: {  	v11 =	vmul.f32 $2.000000030e-01, v0;
	v13 =	vperm.xlane v9, v30  }
0xd0: {  	[tilespmem:$0x1FE30] =	vst v31;
	v31 =	vmovc v60;
	v60 =	vperm.xlane v9, v26;
	v10 =	vmul.f32 $2.000000030e-01, v7;
	(xrf2) =	vadd.scan.msk.f32 $0xffff, v6  }
0xd1: {  	v6 =	vmovc v17;
	(xrf2) =	vadd.scan.msk.f32 $0xffff, v2;
	v8 =	vmul.f32 v13, v28;
	v17 =	vmul.f32 v14, v15  }
0xd2: {  	v7 =	vmax.f32 v7, v10;
	v10 =	vmul.f32 v60, v38;
	(xrf2) =	vadd.scan.msk.f32 $0xffff, v3;
	v3 =	vld [tilespmem:$0x1FE70]  }
0xd3: {  	v8 =	vadd.f32 v17, v8;
	v7 =	vmul.f32 v7, v4;
	v4 =	vmax.f32 v0, v11;
	v0 =	vld [tilespmem:$0x1FF60]  }
0xd4: {  	v12 =	vmul.f32 $2.000000030e-01, v1  }
0xd5: {  	v8 =	vadd.f32 v10, v8;
	v10 =	vld [tilespmem:$0x1FFA0]  }
0xd6: {  	v44 =	vmul.f32 v13, v63;
	v1 =	vmax.f32 v1, v12  }
0xd7: {  	v1 =	vmul.f32 v1, v3  }
0xd8: {  	v9 =	vperm.xlane v9, v27;
	(xrf2) =	vadd.scan.msk.f32 $0xffff, v7;
	v59 =	vmul.f32 v14, v0;
	v0 =	vld [tilespmem:$0x1FF90]  }
0xd9: {  	v54 =	vld [tilespmem:s4+$0x139C0];
	v58 =	vadd.f32 v58, v44;
	(xrf2) =	vadd.scan.msk.f32 $0xffff, v1;
	v1 =	vmul.f32 v60, v21  }
0xda: {  	v44, _, _ =	vpop (xrf2);
	v10 =	vmul.f32 v13, v10;
	v21 =	vmul.f32 v9, v6;
	v6 =	vld [tilespmem:$0x1FFC0]  }
0xdb: {  	v3 =	vld [tilespmem:s4+$0x14DC0];
	v1 =	vadd.f32 v1, v58;
	v58 =	vperm.xlane v44, v5;
	v44 =	vmul.f32 v14, v37;
	_ =	sdelay $0x1  }
0xdc: {  	v53 =	vld [tilespmem:s4+$0x13980];
	v10 =	vadd.f32 v44, v10;
	v62 =	vmul.f32 v13, v0;
	v0 =	vmul.f32 v60, v20  }
0xdd: {  	v16 =	vmov v18;
	v18 =	vmul.f32 v14, v19;
	v19 =	vmul.f32 v9, v34;
	v15 =	vld [tilespmem:$0x1FE10]  }
0xde: {  	v0 =	vadd.f32 v0, v10;
	v10 =	vmul.f32 v13, v6;
	v6 =	vld [tilespmem:$0x1FE90]  }
0xdf: {  	v2 =	vld [tilespmem:s4+$0x14D80];
	v3 =	vadd.f32 v3, v54;
	v1 =	vadd.f32 v19, v1  }
0xe0: {  	v55 =	vmul.f32 v13, v23;
	v63 =	vld [tilespmem:s4+$0x14DA0]  }
0xe1: {  	v12 =	vmul.f32 v60, v42;
	v19, _, _ =	vpop (xrf2);
	v1 =	vadd.f32 v3, v1;
	v3 =	vld [tilespmem:$0x1FF10];
	v59 =	vadd.f32 v59, v62  }
0xe2: {  	v56 =	vmul.f32 v13, v29;
	v18 =	vadd.f32 v18, v55;
	v55 =	vld [tilespmem:s4+$0x139A0];
	v11 =	vmul.f32 v9, v45;
	v17, _, _ =	vpop (xrf2)  }
0xe3: {  	(xrf2) =	vadd.scan.msk.f32 $0xffff, v15;
	v44, _, _ =	vpop (xrf2);
	v12 =	vadd.f32 v12, v59;
	v59 =	vmul.f32 v9, v33;
	v4 =	vmul.f32 v4, v6;
	v6 =	vld [tilespmem:$0x1FF30]  }
0xe4: {  	v2 =	vadd.f32 v2, v53;
	v7 =	vmul.f32 v9, v41;
	v61 =	vperm.xlane v19, v5;
	v19, _, _ =	vpop (xrf2)  }
0xe5: {  	v20 =	vmul.f32 $1.442695020e+00, v58;
	v58 =	vperm.xlane v19, v5;
	v19 =	vadd.f32 v59, v0;
	v0 =	vld [tilespmem:$0x1FF00]  }
0xe6: {  	v8 =	vadd.f32 v11, v8;
	v11 =	vmul.f32 $2.000000030e-01, v1;
	v3 =	vmul.f32 v14, v3  }
0xe7: {  	v57 =	vmul.f32 v60, v40;
	v63 =	vadd.f32 v63, v55;
	v7 =	vadd.f32 v7, v12  }
0xe8: {  	v1 =	vmax.f32 v1, v11;
	v3 =	vadd.f32 v3, v56;
	v11 =	vmul.f32 v14, v6  }
0xe9: {  	v2 =	vadd.f32 v2, v8;
	v63 =	vadd.f32 v63, v7  }
0xea: {  	v7 =	vadd.f32 v57, v3;
	v3 =	vadd.f32 v11, v10;
	v10 =	vmul.f32 v60, v0;
	v0 =	vld [tilespmem:$0x1FE20]  }
0xeb: {  	v8 =	vld [tilespmem:s4+$0x14DD0];
	v37 =	vmul.f32 $1.442695020e+00, v61;
	v11 =	vmul.f32 $2.000000030e-01, v2  }
0xec: {  	v15 =	vld [tilespmem:$0x1FF80]  }
0xed: {  	v61 =	vld [tilespmem:s4+$0x139D0];
	(erf) = vpow2.f32 v37;
	v58 =	vmul.f32 $1.442695020e+00, v58;
	v11 =	vmax.f32 v2, v11;
	v2, _, _ =	vpop (xrf2)  }
0xee: {  	v57 =	vld [tilespmem:s4+$0x13990];
	(xrf2) =	vadd.scan.msk.f32 $0xffff, v4;
	v4 =	vmul.f32 v9, v35;
	v3 =	vadd.f32 v10, v3;
	v2 =	vperm.xlane v2, v5  }
0xef: {  	v13 =	vmul.f32 v13, v24;
	(erf) = vpow2.f32 v0;
	v0 =	vld [tilespmem:s4+$0x14D90]  }
0xf0: {  	v3 =	vadd.f32 v4, v3;
	v4 =	vld [tilespmem:s4+$0x14DF0];
	v2 =	vmul.f32 $1.442695020e+00, v2;
	(erf) = vpow2.f32 v58  }
0xf1: {  	v14 =	vmul.f32 v14, v15;
	v58 =	vld [tilespmem:s4+$0x139F0];
	(erf) = vpow2.f32 v20  }
0xf2: {  	v1 =	vmul.f32 v1, v16;
	v8 =	vadd.f32 v8, v61;
	(erf) = vpow2.f32 v2;
	v2 =	vld [tilespmem:$0x1FFE0]  }
0xf3: {  	v59 =	vld [tilespmem:s4+$0x139E0];
	v37 =	vmul.f32 $2.000000030e-01, v63;
	v13 =	vadd.f32 v14, v13;
	v10 =	vmul.f32 v60, v39  }
0xf4: {  	v3 =	vadd.f32 v8, v3;
	v8 =	vld [tilespmem:s4+$0x14DE0];
	v62 =	vadd.f32 v0, v57;
	v0 =	vmul.f32 v60, v22  }
0xf5: {  	(xrf2) =	vadd.scan.msk.f32 $0xffff, v1;
	v1 =	vperm.xlane v44, v5  }
0xf6: {  	v56 =	vld [tilespmem:s4+$0x139B0];
	v12 =	vmax.f32 v63, v37;
	v10 =	vadd.f32 v10, v18;
	v0 =	vadd.f32 v0, v13  }
0xf7: {  	v6 =	vld [tilespmem:s4+$0x14DB0];
	v63 =	vmul.f32 v9, v2;
	v2 =	vadd.f32 v4, v58;
	v4 =	vmul.f32 v9, v36  }
0xf8: {  	v10 =	vadd.f32 v21, v10  }
0xf9: {  	v1 =	vmul.f32 $1.442695020e+00, v1;
	v13 =	vadd.f32 v8, v59;
	v0 =	vadd.f32 v4, v0  }
0xfa: {  	v60 =	vmul.f32 v12, v31;
	v12 =	vadd.f32 v2, v10  }
0xfb: {  	(erf) = vpow2.f32 v1;
	v1 =	vmul.f32 $2.000000030e-01, v3;
	v13 =	vadd.f32 v13, v0;
	v0 =	vld [tilespmem:$0x1FE30]  }
0xfc: {  	v15 =	vadd.f32 v6, v56;
	v6, _, _ =	vpop (xrf2);
	v4 =	vmul.f32 $2.000000030e-01, v12  }
0xfd: {  	v14 =	vperm.xlane v6, v5;
	v1 =	vmax.f32 v3, v1;
	v8 =	vpop (erf)  }
0xfe: {  	v44 =	vperm.xlane v17, v5;
	v39 =	vmov v22;
	v9 =	vmul.f32 v1, v32;
	v6 =	vpop (erf)  }
0xff: {  	v14 =	vmul.f32 $1.442695020e+00, v14;
	v3 =	vnsel vm0, $0x0, v8;
	v10 =	vadd.f32 v15, v19;
	v2 =	vpop (erf)  }
0x100: {  	s30 =	sshll.u32 s25, $0x1;
	s31 =	simm.s32 $0x400;
	(xrf2) =	vadd.scan.msk.f32 $0xffff, v9;
	v1 =	vmul.f32 v6, v0;
	v0 =	vmax.f32 v12, v4;
	v4, _, _ =	vpop (xrf2);
	v12 =	vmul.f32 $1.442695020e+00, v44  }
.LBB2_7:
0x101: {  	v9 =	vld [tilespmem:$0x1FE50];
	_ =	sdelay $0x3  }
0x102: {  	v7 =	vadd.f32 v63, v7;
	v16 =	vperm.xlane v4, v5;
	v4 =	vld [tilespmem:$0x1FE80];
	[tilespmem:s7+$0x1B2C0] =	vst v1;
	v1 =	vpop (erf);
	(erf) = vpow2.f32 v14  }
0x103: {  	s0 =	sshra.s32 s31, $0x2;
	v22 =	vld [tilespmem:$0x1FE60];
	v14 =	vmul.f32 $2.000000030e-01, v13;
	v15 =	vmul.f32 v11, v9  }
0x104: {  	v19 =	vmul.f32 v1, v51;
	v7 =	vadd.f32 v62, v7;
	v11 =	vld [tilespmem:s0+$0x16180];
	v9 =	vpop (erf);
	(erf) = vpow2.f32 v12  }
0x105: {  	v8 =	vmul.f32 v8, v47;
	(xrf2) =	vadd.scan.msk.f32 $0xffff, v15  }
0x106: {  	v37 =	vmul.f32 $2.000000030e-01, v7;
	v12 =	vmax.f32 v13, v14;
	[tilespmem:s7+$0x1B2D0] =	vst v19;
	v13 =	vmul.f32 v9, v48  }
0x107: {  	v14 =	vmul.f32 v2, v46;
	v62 =	vld [tilespmem:s0+$0x14DB0];
	v12 =	vmul.f32 v12, v4;
	[tilespmem:s7+$0x1B280] =	vst v8;
	v32 =	vpop (erf)  }
0x108: {  	v47 =	vmovc v53;
	v7 =	vmax.f32 v7, v37;
	v15 =	vmul.f32 $2.000000030e-01, v10;
	[tilespmem:s7+$0x1B2A0] =	vst v13;
	v3 =	vsel vm1, v3, v32  }
0x109: {  	v46 =	vmovc v56;
	v7 =	vmul.f32 v7, v22;
	v53 =	vld [tilespmem:s0+$0x13980];
	v8 =	vsel vm2, v3, v9;
	v3 =	vperm.xlane v11, v30  }
0x10a: {  	(xrf2) =	vadd.scan.msk.f32 $0xffff, v12;
	v49 =	vmul.f32 v32, v49;
	v9 =	vld [tilespmem:s0+$0x14D80];
	v12 =	vsel vm3, v8, v2;
	v2 =	vperm.xlane v11, v26  }
0x10b: {  	v56 =	vld [tilespmem:s0+$0x139B0];
	v4 =	vperm.xlane v11, v25;
	[tilespmem:s7+$0x1B2B0] =	vst v14;
	v14, _, _ =	vpop (xrf2);
	v6 =	vsel vm4, v12, v6;
	v18 =	vmul.f32 v3, v23  }
0x10c: {  	v19 =	vpop (erf);
	v32 =	vsel vm5, v6, v1;
	v6 =	vperm.xlane v11, v27;
	v11 =	vmul.f32 v2, v38  }
0x10d: {  	v10 =	vmax.f32 v10, v15;
	v21 =	vmul.f32 v2, v40;
	v22 =	vmul.f32 v2, v42;
	v15 =	vpop (erf)  }
0x10e: {  	v44 =	vmovc v42;
	v31 =	vld [tilespmem:$0x1FF10];
	v42 =	vmovc v40;
	v40 =	vmov v38;
	v37 =	vmul.f32 v15, v52;
	v15 =	vsel vm6, v32, v15  }
0x10f: {  	v38 =	vmov v23;
	v23, _, _ =	vpop (xrf2);
	(xrf2) =	vadd.scan.msk.f32 $0xffff, v7;
	v7 =	vsel vm7, v15, v19;
	v15 =	vadd.f32 v9, v53;
	v9 =	vld [tilespmem:$0x1FE70]  }
0x110: {  	v25 =	vld [tilespmem:$0x1FF70]  }
0x111: {  	v13 =	vld [tilespmem:s0+$0x14DA0]  }
0x112: {  	v8 =	vmul.f32 $1.442695020e+00, v16;
	v16 =	vld [tilespmem:s0+$0x14D90]  }
0x113: {  	v27 =	vld [tilespmem:$0x1FFB0]  }
0x114: {  	v20 =	vld [tilespmem:s0+$0x13990];
	[tilespmem:s7+$0x1B290] =	vst v49;
	v9 =	vmul.f32 v10, v9  }
0x115: {  	v48 =	vmov v55;
	v55 =	vld [tilespmem:s0+$0x139A0]  }
0x116: {  	v32 =	vmul.f32 v4, v25;
	[tilespmem:s7+$0x1B2E0] =	vst v37;
	(xrf2) =	vadd.scan.msk.f32 $0xffff, v9;
	v9 =	vld [tilespmem:$0x1FF60]  }
0x117: {  	v19 =	vmul.f32 v19, v50;
	v50 =	vmov v58;
	v58 =	vld [tilespmem:$0x1FF20];
	[tilespmem:s7+$0x1C680] =	vst v7  }
0x118: {  	v27 =	vmul.f32 v3, v27;
	v25 =	vld [tilespmem:s0+$0x14DC0]  }
0x119: {  	v10 =	vld [tilespmem:$0x1FF40]  }
0x11a: {  	v17 =	vmul.f32 v3, v29;
	v27 =	vadd.f32 v32, v27;
	v32 =	vmov v29;
	v29 =	vld [tilespmem:$0x1FF90]  }
0x11b: {  	v12 =	vmul.f32 v3, v28;
	v26 =	vmul.f32 v4, v9;
	v9 =	vld [tilespmem:s0+$0x139C0]  }
0x11c: {  	[tilespmem:s7+$0x1B2F0] =	vst v19;
	v19 =	vmul.f32 v4, v58;
	v58 =	vmul.f32 v4, v31;
	v31 =	vmov v28;
	v28 =	vld [tilespmem:$0x1FF50];
	_ =	sdelay $0x1  }
0x11d: {  	v49 =	vmul.f32 v4, v10  }
0x11e: {  	v29 =	vmul.f32 v3, v29;
	_ =	sdelay $0x1  }
0x11f: {  	v1 =	vadd.f32 v62, v56;
	v26 =	vadd.f32 v26, v29;
	v28 =	vmul.f32 v4, v28  }
0x120: {  	v62 =	vadd.f32 v16, v20;
	v16 =	vadd.f32 v49, v18;
	v49 =	vmov v57;
	v57 =	vld [tilespmem:$0x1FEF0]  }
0x121: {  	v51 =	vmovc v61;
	v61 =	vmul.f32 v6, v41;
	v22 =	vadd.f32 v22, v26;
	v12 =	vadd.f32 v28, v12;
	v28 =	vld [tilespmem:$0x1FFA0];
	_ =	sdelay $0x1  }
0x122: {  	v7 =	vadd.f32 v13, v55;
	v10 =	vld [tilespmem:$0x1FEE0];
	v22 =	vadd.f32 v61, v22;
	_ =	sdelay $0x1  }
0x123: {  	v18 =	vmul.f32 v2, v57;
	v22 =	vadd.f32 v7, v22;
	v7 =	vld [tilespmem:$0x1FE90]  }
0x124: {  	v52 =	vmov v59;
	v59 =	vmul.f32 v6, v34;
	v28 =	vmul.f32 v3, v28  }
0x125: {  	v23 =	vperm.xlane v23, v5;
	v25 =	vadd.f32 v25, v9;
	v18 =	vadd.f32 v18, v27  }
0x126: {  	v13 =	vmul.f32 v2, v10;
	v11 =	vadd.f32 v11, v12;
	v12 =	vadd.f32 v19, v28  }
0x127: {  	v37 =	vmovc v24;
	v24 =	vmul.f32 v6, v45;
	v61 =	vld [tilespmem:$0x1FF30];
	v57 =	vmov v20;
	v20 =	vmul.f32 v6, v33  }
0x128: {  	v10, _, _ =	vpop (xrf2);
	v18 =	vadd.f32 v59, v18;
	v59 =	vld [tilespmem:$0x1FFC0];
	v0 =	vmul.f32 v0, v7;
	v12 =	vadd.f32 v13, v12  }
0x129: {  	v23 =	vmul.f32 $1.442695020e+00, v23;
	v29, _, _ =	vpop (xrf2);
	(xrf2) =	vadd.scan.msk.f32 $0xffff, v60;
	v11 =	vadd.f32 v24, v11  }
0x12a: {  	v18 =	vadd.f32 v25, v18;
	v25, _, _ =	vpop (xrf2);
	(xrf2) =	vadd.scan.msk.f32 $0xffff, v0;
	v0 =	vmul.f32 $2.000000030e-01, v22;
	v12 =	vadd.f32 v20, v12;
	v20 =	vld [tilespmem:$0x1FF00];
	_ =	sdelay $0x1  }
0x12b: {  	(erf) = vpow2.f32 v23;
	v11 =	vadd.f32 v15, v11;
	v0 =	vmax.f32 v22, v0;
	v22 =	vld [tilespmem:$0x1FEA0]  }
0x12c: {  	s7 =	smov.u32 s4;
	s4 =	smov.u32 s0;
	v27 =	vld [tilespmem:$0x1FEB0];
	v7 =	vadd.f32 v58, v17;
	v17 =	vmul.f32 v4, v61;
	v59 =	vmul.f32 v3, v59  }
0x12d: {  	(erf) = vpow2.f32 v8;
	v15 =	vld [tilespmem:s4+$0x14DD0];
	v8 =	vmul.f32 $2.000000030e-01, v11  }
0x12e: {  	v61 =	vld [tilespmem:s4+$0x139D0];
	v17 =	vadd.f32 v17, v59;
	v20 =	vmul.f32 v2, v20  }
0x12f: {  	v14 =	vperm.xlane v14, v5;
	v7 =	vadd.f32 v21, v7;
	v21 =	vld [tilespmem:$0x1FEC0];
	v11 =	vmax.f32 v11, v8  }
0x130: {  	v8 =	vld [tilespmem:$0x1FE40];
	v60 =	vmul.f32 v0, v22;
	v0 =	vadd.f32 v20, v17;
	v17 =	vmul.f32 v6, v35  }
0x131: {  	v26 =	vmul.f32 $2.000000030e-01, v18;
	v13 =	vperm.xlane v25, v5  }
0x132: {  	v14 =	vmul.f32 $1.442695020e+00, v14;
	v0 =	vadd.f32 v17, v0;
	v17 =	vld [tilespmem:$0x1FF80]  }
0x133: {  	v63 =	vmul.f32 v6, v43;
	v18 =	vmax.f32 v18, v26;
	v13 =	vmul.f32 $1.442695020e+00, v13  }
0x134: {  	v58 =	vld [tilespmem:s4+$0x139F0];
	v27 =	vmul.f32 v6, v27;
	v18 =	vmul.f32 v18, v21  }
0x135: {  	v23 =	vmul.f32 v2, v8;
	v8 =	vpop (erf);
	(erf) = vpow2.f32 v13;
	v13 =	vadd.f32 v15, v61;
	v20 =	vld [tilespmem:s4+$0x14DF0]  }
0x136: {  	v19 =	vperm.xlane v29, v5;
	v3 =	vmul.f32 v3, v37;
	v22, _, _ =	vpop (xrf2)  }
0x137: {  	(xrf2) =	vadd.scan.msk.f32 $0xffff, v18;
	v15 =	vperm.xlane v22, v5;
	v0 =	vadd.f32 v13, v0;
	v4 =	vmul.f32 v4, v17  }
0x138: {  	v59 =	vld [tilespmem:s4+$0x139E0];
	(erf) = vpow2.f32 v14;
	v2 =	vmul.f32 v2, v39  }
0x139: {  	v21 =	vld [tilespmem:s4+$0x14DE0];
	v16 =	vadd.f32 v23, v16;
	v23 =	vmovc v38;
	v14 =	vmul.f32 $2.000000030e-01, v0;
	v3 =	vadd.f32 v4, v3  }
0x13a: {  	v38 =	vmovc v40;
	v40 =	vmovc v42;
	v42 =	vmov v44;
	v44 =	vmul.f32 $1.442695020e+00, v15;
	v15 =	vadd.f32 v20, v58  }
0x13b: {  	v0 =	vmax.f32 v0, v14;
	v4 =	vadd.f32 v27, v16;
	v14 =	vadd.f32 v2, v3;
	v3 =	vld [tilespmem:$0x1FED0]  }
0x13c: {  	v24 =	vmovc v37;
	v25 =	vimm.s32 $0x1;
	v19 =	vmul.f32 $1.442695020e+00, v19;
	v26 =	vimm.s32 $0x2  }
0x13d: {  	p1 =	sne.s32 s31, $0x4E00;
	(erf) = vpow2.f32 v44;
	v44 =	vmul.f32 v6, v36;
	v13, _, _ =	vpop (xrf2);
	v15 =	vadd.f32 v15, v4  }
.Ltmp2:
0x13e: {  	v29 =	vmovc v32;
	v28 =	vmovc v31;
	(erf) = vpow2.f32 v19;
	v13 =	vperm.xlane v13, v5;
	v17 =	vadd.f32 v21, v59;
	(pc) =	sbr.rel @p1 .LBB2_7-.Ltmp2, $4  }
0x13f: {  	v6 =	vpop (erf);
	v27 =	vimm.s32 $0x3;
	v16 =	vadd.f32 v44, v14;
	v18 =	vmul.f32 $2.000000030e-01, v15  }
0x140: {  	v2 =	vpop (erf);
	v44 =	vperm.xlane v10, v5;
	v10 =	vadd.f32 v1, v12;
	v0 =	vmul.f32 v0, v3  }
0x141: {  	v4, _, _ =	vpop (xrf2);
	v1 =	vmul.f32 v6, v54;
	v14 =	vmul.f32 $1.442695020e+00, v13;
	v13 =	vadd.f32 v17, v16  }
0x142: {  	s31 =	sadd.s32 $0x200, s31;
	v54 =	vmovc v9;
	v12 =	vmul.f32 $1.442695020e+00, v44;
	v3 =	vnsel vm0, $0x0, v8;
	(xrf2) =	vadd.scan.msk.f32 $0xffff, v0;
	v0 =	vmax.f32 v15, v18  }
0x143: {  	v15 =	vld [tilespmem:$0x1FE50];
	_ =	sdelay $0x4  }
0x144: {  	v11 =	vmul.f32 v11, v15;
	_ =	sdelay $0x1  }
0x145: {  	(xrf2) =	vadd.scan.msk.f32 $0xffff, v11;
	v11 =	vld [tilespmem:$0x1FE80];
	_ =	sdelay $0x1  }
0x146: {  	v9 =	vmul.f32 $2.000000030e-01, v13;
	_ =	sdelay $0x1  }
0x147: {  	v7 =	vadd.f32 v63, v7;
	v9 =	vmax.f32 v13, v9  }
0x148: {  	v9 =	vmul.f32 v9, v11  }
0x149: {  	v7 =	vadd.f32 v62, v7;
	v11 =	vld [tilespmem:$0x1FE60]  }
0x14a: {  	(xrf2) =	vadd.scan.msk.f32 $0xffff, v9;
	v9 =	vld [tilespmem:$0x1FE70]  }
0x14b: {  	v15 =	vmul.f32 $2.000000030e-01, v7  }
0x14c: {  	v13 =	vmul.f32 $2.000000030e-01, v10  }
0x14d: {  	v7 =	vmax.f32 v7, v15  }
0x14e: {  	v10 =	vmax.f32 v10, v13;
	v7 =	vmul.f32 v7, v11  }
0x14f: {  	v9 =	vmul.f32 v10, v9  }
0x150: {  	(xrf2) =	vadd.scan.msk.f32 $0xffff, v7;
	v7 =	vld [tilespmem:$0x1FE90]  }
0x151: {  	(xrf2) =	vadd.scan.msk.f32 $0xffff, v9;
	_ =	sdelay $0x1  }
0x152: {  	(xrf2) =	vadd.scan.msk.f32 $0xffff, v60;
	_ =	sdelay $0x1  }
0x153: {  	v0 =	vmul.f32 v0, v7;
	v7, _, _ =	vpop (xrf2)  }
0x154: {  	v9, _, _ =	vpop (xrf2)  }
0x155: {  	(xrf2) =	vadd.scan.msk.f32 $0xffff, v0;
	v9 =	vperm.xlane v9, v5  }
0x156: {  	v4 =	vperm.xlane v4, v5;
	v11, _, _ =	vpop (xrf2)  }
0x157: {  	v0 =	vpop (erf);
	(erf) = vpow2.f32 v14;
	v9 =	vmul.f32 $1.442695020e+00, v9  }
0x158: {  	v7 =	vperm.xlane v7, v5;
	(erf) = vpow2.f32 v12;
	v12, _, _ =	vpop (xrf2)  }
0x159: {  	v4 =	vmul.f32 $1.442695020e+00, v4;
	v13, _, _ =	vpop (xrf2)  }
0x15a: {  	v7 =	vmul.f32 $1.442695020e+00, v7;
	v13 =	vperm.xlane v13, v5  }
0x15b: {  	(erf) = vpow2.f32 v9;
	v12 =	vperm.xlane v12, v5;
	v9, _, _ =	vpop (xrf2)  }
0x15c: {  	v9 =	vperm.xlane v9, v5;
	v13 =	vmul.f32 $1.442695020e+00, v13  }
0x15d: {  	(erf) = vpow2.f32 v4  }
0x15e: {  	v4 =	vmul.f32 $1.442695020e+00, v9;
	(erf) = vpow2.f32 v13  }
0x15f: {  	v9 =	vmul.f32 $1.442695020e+00, v12;
	(erf) = vpow2.f32 v7;
	v7, _, _ =	vpop (xrf2)  }
0x160: {  	v12 =	vpop (erf);
	(erf) = vpow2.f32 v4;
	v4 =	vperm.xlane v7, v5  }
0x161: {  	[tilespmem:s7+$0x1B2C0] =	vst v1;
	v1 =	vmul.f32 v8, v47  }
0x162: {  	v7 =	vpop (erf);
	(erf) = vpow2.f32 v9;
	v4 =	vmul.f32 $1.442695020e+00, v4  }
0x163: {  	v10 =	vmul.f32 v0, v51;
	v3 =	vsel vm1, v3, v7  }
0x164: {  	[tilespmem:s7+$0x1B280] =	vst v1;
	v9 =	vperm.xlane v11, v5;
	v8 =	vpop (erf);
	v3 =	vsel vm2, v3, v12  }
0x165: {  	[tilespmem:s7+$0x1B2D0] =	vst v10;
	v10 =	vmul.f32 v2, v46;
	v1 =	vsel vm3, v3, v2;
	v2 =	vpop (erf);
	v3 =	vmul.f32 v7, v49  }
0x166: {  	v9 =	vmul.f32 $1.442695020e+00, v9;
	(erf) = vpow2.f32 v4;
	v1 =	vsel vm4, v1, v6;
	v4 =	vpop (erf)  }
0x167: {  	[tilespmem:s7+$0x1B2B0] =	vst v10;
	v0 =	vsel vm5, v1, v0;
	v1 =	vmul.f32 v2, v52;
	v6 =	vpop (erf)  }
0x168: {  	[tilespmem:s7+$0x1B290] =	vst v3;
	(erf) = vpow2.f32 v9;
	v0 =	vsel vm6, v0, v2;
	v2 =	vpop (erf)  }
0x169: {  	v0 =	vsel vm7, v0, v8;
	[tilespmem:s7+$0x1B2E0] =	vst v1;
	v1 =	vmul.f32 v8, v50;
	v3 =	vpop (erf)  }
0x16a: {  	v11 =	vmul.f32 v12, v48;
	[tilespmem:s7+$0x1C680] =	vst v0;
	v7 =	vpop (erf)  }
0x16b: {  	v0 =	vmul.f32 v6, v54;
	[tilespmem:s7+$0x1B2F0] =	vst v1;
	v1 =	vnsel vm0, $0x0, v4;
	v9 =	vpop (erf)  }
0x16c: {  	[tilespmem:s7+$0x1B2A0] =	vst v11;
	v8 =	vmul.f32 v3, v61;
	v1 =	vsel vm1, v1, v9  }
0x16d: {  	[tilespmem:s4+$0x1B2C0] =	vst v0;
	v0 =	vmul.f32 v4, v53;
	v4 =	vmul.f32 v7, v55;
	v1 =	vsel vm2, v1, v7;
	_ =	sdelay $0x1  }
0x16e: {  	[tilespmem:s4+$0x1B2D0] =	vst v8  }
0x16f: {  	[tilespmem:s4+$0x1B280] =	vst v0;
	v7 =	vmul.f32 v2, v56;
	v0 =	vsel vm3, v1, v2;
	v1 =	vpop (erf)  }
0x170: {  	[tilespmem:s4+$0x1B2A0] =	vst v4;
	v2 =	vmul.f32 v9, v57;
	v0 =	vsel vm4, v0, v6;
	v4 =	vpop (erf)  }
0x171: {  	[tilespmem:s4+$0x1B2B0] =	vst v7;
	v0 =	vsel vm5, v0, v3;
	v3 =	vmul.f32 v4, v59  }
0x172: {  	[tilespmem:s4+$0x1B290] =	vst v2;
	v0 =	vsel vm6, v0, v4  }
0x173: {  	v0 =	vsel vm7, v0, v1;
	v1 =	vmul.f32 v1, v58;
	[tilespmem:s4+$0x1B2E0] =	vst v3  }
0x174: {  	[tilespmem:s4+$0x1C680] =	vst v0  }
0x175: {  	s0 =	sor.u32 s11, s24;
	[tilespmem:s4+$0x1B2F0] =	vst v1  }
0x176: {  	[spmem:s3] =	stream.indirect.scatter.add.f32 [tilespmem:s17], [sflag:$0x5], $0x80, s28, s29, $0xb8;
	[tilespmem:$0x1E080] =	vst v63  }
0x177: {  	s0 =	smul.u32 $0x280, s0;
	_ =	swait.ge [sflag:s23], $0x1400  }
0x178: {  	s24 =	sadd.s32 $0x2, s30;
	[sflag:s23] =	ssyncset.done $0x0  }
0x179: {  	s0 =	sadd.s32 s12, s0;
	s4 =	simm.s32 $0x0;
	[sflag:s23] =	ssyncadd.s32 $0xFFFFEC00  }
0x17a: {  	[hbm4b:s0+s4] =	stream.linear.scatter [tilespmem:s18], [sflag:$0x5], $0x1400, $0x38;
	[tilespmem:$0x1E080] =	vst v63  }
0x17b: {  	p1 =	seq.s32 s24, $0xFA;
	s0 =	sshll.u32 s24, $0x5  }
0x17c: {  	s0 =	simm.s32 @p1 $0x0  }
0x17d: {  	s0 =	sor.u32 s11, s0  }
0x17e: {  	_ =	swait.ge [sflag:s23], $0x1400;
	s30 =	smul.u32 $0x5, s0  }
0x17f: {  	[sflag:s23] =	ssyncset.done $0x0  }
0x180: {  	[sflag:s23] =	ssyncadd.s32 $0xFFFFEC00;
	s31 =	sadd.s32 s8, s30  }
0x181: {  	[tilespmem:s26], [sflag:$0x5] =	stream.linear.gather [hbm4b:s31+s4], $0x28, $0x38;
	[tilespmem:$0x1E080] =	vst v63  }
0x182: {  	_ =	swait.ge [sflag:s23], $0x28  }
0x183: {  	[sflag:s23] =	ssyncset.done $0x0  }
0x184: {  	s7 =	sadd.s32 s9, s30;
	[sflag:s23] =	ssyncadd.s32 $0xFFFFFFD8  }
0x185: {  	[tilespmem:s28], [sflag:$0x5] =	stream.linear.gather [hbm4b:s7+s4], $0x28, $0x38;
	[tilespmem:$0x1E080] =	vst v63  }
0x186: {  	_ =	swait.ge [sflag:s23], $0x28  }
0x187: {  	[sflag:s23] =	ssyncset.done $0x0  }
0x188: {  	s24 =	simm.s32 $0x13980;
	[sflag:s23] =	ssyncadd.s32 $0xFFFFFFD8  }
0x189: {  	[tilespmem:s24], [sflag:$0x1] =	stream.indirect.gather [hbm4b:s5+s29], $0x80, s26, s29, $0xb8;
	[tilespmem:$0x1E080] =	vst v63  }
0x18a: {  	s0 =	smul.u32 $0x280, s0;
	s30 =	simm.s32 $0x14D80  }
0x18b: {  	[tilespmem:s30], [sflag:$0x2] =	stream.indirect.gather [hbm4b:s6+s29], $0x80, s28, s29, $0xb8;
	[tilespmem:$0x1E080] =	vst v63  }
0x18c: {  	s0 =	sadd.s32 s10, s0;
	s31 =	simm.s32 $0x16180  }
0x18d: {  	[tilespmem:s31], [sflag:$0x5] =	stream.linear.gather [hbm4b:s0+s4], $0x1400, $0x38;
	[tilespmem:$0x1E080] =	vst v63  }
0x18e: {  	_ =	swait.ge [sflag:s23], $0x1400  }
0x18f: {  	[sflag:s23] =	ssyncset.done $0x0  }
0x190: {  	[sflag:s23] =	ssyncadd.s32 $0xFFFFEC00  }
0x191: {  	_ =	swait.ge [sflag:s19], $0x1400  }
0x192: {  	[sflag:s19] =	ssyncset.done $0x0  }
0x193: {  	[sflag:s19] =	ssyncadd.s32 $0xFFFFEC00  }
0x194: {  	_ =	swait.ge [sflag:s20], $0x1400  }
0x195: {  	v54 =	vld [tilespmem:$0x1FF70]  }
0x196: {  	[sflag:s20] =	ssyncset.done $0x0;
	v55 =	vld [tilespmem:$0x1FFB0]  }
0x197: {  	s7 =	simm.s32 $0x0;
	v60 =	vld [tilespmem:$0x1FEF0];
	[sflag:s20] =	ssyncadd.s32 $0xFFFFEC00  }
0x198: {  	v0 =	vld [tilespmem:s7+$0x19E80]  }
0x199: {  	v61 =	vld [tilespmem:$0x1FF60]  }
0x19a: {  	v22 =	vld [tilespmem:$0x1FF50]  }
0x19b: {  	v57 =	vld [tilespmem:$0x1FF90]  }
0x19c: {  	v63 =	vld [tilespmem:$0x1FF20]  }
0x19d: {  	v2 =	vld [tilespmem:s7+$0x18A80];
	v3 =	vperm.xlane v0, v30;
	v6 =	vperm.xlane v0, v25  }
0x19e: {  	v47 =	vld [tilespmem:s7+$0x17680];
	v7 =	vperm.xlane v0, v26  }
0x19f: {  	v16 =	vld [tilespmem:s7+$0x18AC0];
	v9 =	vmul.f32 v3, v28;
	v22 =	vmul.f32 v6, v22  }
0x1a0: {  	v50 =	vld [tilespmem:s7+$0x176C0];
	v17 =	vmul.f32 v6, v54;
	v18 =	vmul.f32 v3, v55  }
0x1a1: {  	v9 =	vadd.f32 v22, v9;
	v22 =	vld [tilespmem:$0x1FFA0]  }
0x1a2: {  	v59 =	vld [tilespmem:$0x1FF40];
	v0 =	vperm.xlane v0, v27;
	v20 =	vmul.f32 v7, v60;
	v17 =	vadd.f32 v17, v18  }
0x1a3: {  	v4 =	vld [tilespmem:s7+$0x18AA0]  }
0x1a4: {  	v48 =	vld [tilespmem:s7+$0x176A0];
	v2 =	vadd.f32 v2, v47;
	v21 =	vmul.f32 v0, v34;
	v17 =	vadd.f32 v20, v17  }
0x1a5: {  	v58 =	vld [tilespmem:$0x1FEE0];
	v16 =	vadd.f32 v16, v50;
	v51 =	vmul.f32 v6, v61;
	v52 =	vmul.f32 v3, v57  }
0x1a6: {  	v62 =	vld [tilespmem:$0x1FF10];
	v17 =	vadd.f32 v21, v17;
	v21 =	vmul.f32 v6, v63;
	v22 =	vmul.f32 v3, v22  }
0x1a7: {  	v10 =	vmul.f32 v3, v29;
	v11 =	vmul.f32 v3, v23;
	v18 =	vadd.f32 v51, v52;
	v51 =	vld [tilespmem:$0x1FFC0]  }
0x1a8: {  	v12 =	vmul.f32 v7, v38;
	v14 =	vmul.f32 v7, v42;
	v21 =	vadd.f32 v21, v22;
	v22 =	vld [tilespmem:$0x1FF30]  }
0x1a9: {  	v4 =	vadd.f32 v4, v48;
	v19 =	vmul.f32 v6, v59;
	v53 =	vmul.f32 v0, v45  }
0x1aa: {  	v52 =	vld [tilespmem:$0x1FF00];
	v20 =	vmul.f32 v0, v41;
	v14 =	vadd.f32 v14, v18;
	v16 =	vadd.f32 v16, v17  }
0x1ab: {  	v56 =	vmul.f32 v7, v58;
	v11 =	vadd.f32 v19, v11;
	v9 =	vadd.f32 v12, v9  }
0x1ac: {  	v44 =	vmovc v41;
	v41 =	vmul.f32 v6, v62;
	v14 =	vadd.f32 v20, v14;
	v20 =	vmul.f32 $2.000000030e-01, v16  }
0x1ad: {  	v9 =	vadd.f32 v53, v9;
	v19 =	vmul.f32 v3, v51;
	v22 =	vmul.f32 v6, v22  }
0x1ae: {  	v10 =	vadd.f32 v41, v10;
	v4 =	vadd.f32 v4, v14;
	v14 =	vmax.f32 v16, v20;
	v20 =	vld [tilespmem:$0x1FF80]  }
0x1af: {  	v41 =	vld [tilespmem:$0x1FE40];
	v2 =	vadd.f32 v2, v9;
	v16 =	vmul.f32 v7, v52;
	v9 =	vadd.f32 v22, v19  }
0x1b0: {  	v51 =	vld [tilespmem:s7+$0x176D0]  }
0x1b1: {  	v18 =	vadd.f32 v56, v21;
	v21 =	vld [tilespmem:s7+$0x18AD0];
	v56 =	vmul.f32 v0, v35;
	v9 =	vadd.f32 v16, v9  }
0x1b2: {  	v53 =	vld [tilespmem:$0x1FEC0]  }
0x1b3: {  	v3 =	vmul.f32 v3, v24;
	v6 =	vmul.f32 v6, v20;
	v9 =	vadd.f32 v56, v9;
	v56 =	vld [tilespmem:$0x1FEB0]  }
0x1b4: {  	v13 =	vmul.f32 v7, v40;
	v15 =	vmul.f32 v0, v43  }
0x1b5: {  	v12 =	vmul.f32 v0, v33;
	v3 =	vadd.f32 v6, v3;
	v6 =	vmul.f32 v7, v39  }
0x1b6: {  	v10 =	vadd.f32 v13, v10;
	v13 =	vadd.f32 v21, v51;
	v7 =	vmul.f32 v7, v41  }
0x1b7: {  	v52 =	vld [tilespmem:s7+$0x176E0];
	v14 =	vmul.f32 v14, v53;
	v53 =	vmul.f32 v0, v36;
	v3 =	vadd.f32 v6, v3  }
0x1b8: {  	v19 =	vld [tilespmem:s7+$0x18AE0];
	v6 =	vadd.f32 v7, v11;
	v7 =	vadd.f32 v13, v9;
	v0 =	vmul.f32 v0, v56;
	_ =	sdelay $0x1  }
0x1b9: {  	v0 =	vadd.f32 v0, v6;
	v6 =	vmul.f32 $2.000000030e-01, v7;
	_ =	sdelay $0x1  }
0x1ba: {  	v6 =	vmax.f32 v7, v6;
	v7 =	vadd.f32 v15, v10;
	v10 =	vld [tilespmem:$0x1FED0]  }
0x1bb: {  	v9 =	vadd.f32 v19, v52;
	v3 =	vadd.f32 v53, v3  }
0x1bc: {  	v8 =	vld [tilespmem:s7+$0x18A90]  }
0x1bd: {  	v49 =	vld [tilespmem:s7+$0x17690];
	v3 =	vadd.f32 v9, v3;
	_ =	sdelay $0x1  }
0x1be: {  	s4 =	simm.s32 $0x80;
	v6 =	vmul.f32 v6, v10;
	v10 =	vmul.f32 $2.000000030e-01, v3  }
0x1bf: {  	(xrf2) =	vadd.scan.msk.f32 $0xffff, v14;
	v14 =	vmul.f32 $2.000000030e-01, v4;
	v9 =	vld [tilespmem:s4+$0x19E80]  }
0x1c0: {  	v3 =	vmax.f32 v3, v10;
	v10 =	vld [tilespmem:$0x1FE80]  }
0x1c1: {  	v8 =	vadd.f32 v8, v49;
	v4 =	vmax.f32 v4, v14;
	v14 =	vld [tilespmem:$0x1FEA0]  }
0x1c2: {  	v1 =	vld [tilespmem:s7+$0x18AB0];
	v13 =	vmul.f32 $2.000000030e-01, v2  }
0x1c3: {  	v39 =	vld [tilespmem:$0x1FE60];
	v7 =	vadd.f32 v8, v7  }
0x1c4: {  	v46 =	vld [tilespmem:s7+$0x176B0];
	v2 =	vmax.f32 v2, v13;
	v13 =	vperm.xlane v9, v30  }
0x1c5: {  	[tilespmem:$0x1FE00] =	vst v50;
	v50 =	vld [tilespmem:s7+$0x176F0];
	v3 =	vmul.f32 v3, v10;
	v10 =	vmul.f32 $2.000000030e-01, v7  }
0x1c6: {  	v17 =	vld [tilespmem:s7+$0x18AF0];
	v4 =	vmul.f32 v4, v14;
	v14 =	vperm.xlane v9, v25  }
0x1c7: {  	v20 =	vmul.f32 v13, v55;
	v7 =	vmax.f32 v7, v10  }
0x1c8: {  	v12 =	vadd.f32 v12, v18;
	v8 =	vld [tilespmem:$0x1FE50];
	v7 =	vmul.f32 v7, v39;
	v39 =	vmul.f32 v14, v54  }
0x1c9: {  	v1 =	vadd.f32 v1, v46  }
0x1ca: {  	v22 =	vmul.f32 v13, v57;
	v19 =	vadd.f32 v39, v20;
	v20 =	vmul.f32 v14, v61  }
0x1cb: {  	v1 =	vadd.f32 v1, v12;
	v11 =	vadd.f32 v17, v50  }
0x1cc: {  	v12, _, _ =	vpop (xrf2);
	v15 =	vperm.xlane v9, v26;
	v17 =	vmul.f32 v13, v23;
	v20 =	vadd.f32 v20, v22;
	v22 =	vld [tilespmem:$0x1FF50]  }
0x1cd: {  	v2 =	vmul.f32 v2, v8;
	v8 =	vperm.xlane v12, v5  }
0x1ce: {  	v18 =	vmul.f32 v15, v40;
	v12 =	vmul.f32 $2.000000030e-01, v1  }
0x1cf: {  	(xrf2) =	vadd.scan.msk.f32 $0xffff, v6;
	v6 =	vmul.f32 $1.442695020e+00, v8;
	v8 =	vmul.f32 v13, v28  }
0x1d0: {  	v55 =	vld [tilespmem:s4+$0x176A0];
	(xrf2) =	vadd.scan.msk.f32 $0xffff, v2;
	v1 =	vmax.f32 v1, v12;
	v12 =	vmul.f32 v15, v42;
	v10 =	vmul.f32 v15, v38  }
0x1d1: {  	v39 =	vmovc v42;
	v42 =	vmovc v40;
	v40 =	vmov v38;
	v38 =	vmov v23;
	v23 =	vld [tilespmem:s4+$0x18AA0];
	v22 =	vmul.f32 v14, v22  }
0x1d2: {  	v9 =	vperm.xlane v9, v27;
	(xrf2) =	vadd.scan.msk.f32 $0xffff, v3;
	v3 =	vld [tilespmem:$0x1FE70]  }
0x1d3: {  	v8 =	vadd.f32 v22, v8  }
0x1d4: {  	(xrf2) =	vadd.scan.msk.f32 $0xffff, v7;
	v7 =	vmul.f32 v9, v44;
	v12 =	vadd.f32 v12, v20  }
0x1d5: {  	v0 =	vadd.f32 v11, v0;
	v8 =	vadd.f32 v10, v8;
	v10 =	vld [tilespmem:$0x1FFA0]  }
0x1d6: {  	v54 =	vld [tilespmem:s4+$0x176C0];
	v7 =	vadd.f32 v7, v12;
	v23 =	vadd.f32 v23, v55  }
0x1d7: {  	v1 =	vmul.f32 v1, v3;
	v3 =	vld [tilespmem:s4+$0x18AC0]  }
0x1d8: {  	v11 =	vmul.f32 $2.000000030e-01, v0;
	v23 =	vadd.f32 v23, v7;
	v7 =	vld [tilespmem:$0x1FE90]  }
0x1d9: {  	v21 =	vmul.f32 v14, v59;
	(xrf2) =	vadd.scan.msk.f32 $0xffff, v1;
	v1 =	vmul.f32 v15, v60  }
0x1da: {  	v22 =	vmul.f32 v14, v63;
	v10 =	vmul.f32 v13, v10  }
0x1db: {  	v17 =	vadd.f32 v21, v17;
	v21 =	vmul.f32 v9, v34;
	v1 =	vadd.f32 v1, v19  }
0x1dc: {  	v53 =	vld [tilespmem:s4+$0x17680];
	v24 =	vmul.f32 v15, v58;
	v0 =	vmax.f32 v0, v11;
	v10 =	vadd.f32 v22, v10  }
0x1dd: {  	v3 =	vadd.f32 v3, v54;
	v1 =	vadd.f32 v21, v1;
	v0 =	vmul.f32 v0, v7;
	v7 =	vld [tilespmem:$0x1FF30]  }
0x1de: {  	v61, _, _ =	vpop (xrf2);
	v10 =	vadd.f32 v24, v10;
	v24 =	vld [tilespmem:$0x1FFC0]  }
0x1df: {  	v16 =	vmul.f32 v13, v29;
	v11 =	vmul.f32 v9, v45;
	v2 =	vld [tilespmem:s4+$0x18A80];
	v21, _, _ =	vpop (xrf2);
	v1 =	vadd.f32 v3, v1  }
0x1e0: {  	v21 =	vperm.xlane v21, v5;
	v3 =	vmul.f32 v14, v62  }
0x1e1: {  	v8 =	vadd.f32 v11, v8;
	v11 =	vmul.f32 $2.000000030e-01, v1  }
0x1e2: {  	v21 =	vmul.f32 $1.442695020e+00, v21;
	v3 =	vadd.f32 v3, v16  }
0x1e3: {  	(xrf2) =	vadd.scan.msk.f32 $0xffff, v4;
	v1 =	vmax.f32 v1, v11;
	v11 =	vmul.f32 v14, v7;
	v24 =	vmul.f32 v13, v24  }
0x1e4: {  	v2 =	vadd.f32 v2, v53  }
0x1e5: {  	v4, _, _ =	vpop (xrf2);
	v7 =	vadd.f32 v18, v3;
	v3 =	vadd.f32 v11, v24;
	v11 =	vld [tilespmem:$0x1FF00]  }
0x1e6: {  	v19 =	vperm.xlane v61, v5;
	v63 =	vld [tilespmem:$0x1FF80];
	v12, _, _ =	vpop (xrf2)  }
0x1e7: {  	(erf) = vpow2.f32 v21;
	v21, _, _ =	vpop (xrf2);
	v2 =	vadd.f32 v2, v8;
	(xrf2) =	vadd.scan.msk.f32 $0xffff, v0;
	v0 =	vld [tilespmem:$0x1FEC0]  }
0x1e8: {  	v61 =	vld [tilespmem:s4+$0x176D0];
	v19 =	vmul.f32 $1.442695020e+00, v19;
	v21 =	vperm.xlane v21, v5  }
0x1e9: {  	(erf) = vpow2.f32 v6;
	v8 =	vld [tilespmem:s4+$0x18AD0];
	v6 =	vmul.f32 $2.000000030e-01, v2  }
0x1ea: {  	v16 =	vmul.f32 $1.442695020e+00, v21;
	v11 =	vmul.f32 v15, v11  }
0x1eb: {  	v22 =	vmul.f32 v9, v56;
	v14 =	vmul.f32 v14, v63  }
0x1ec: {  	(erf) = vpow2.f32 v16;
	v0 =	vmul.f32 v1, v0;
	v1 =	vadd.f32 v11, v3  }
0x1ed: {  	v58 =	vld [tilespmem:s4+$0x176F0];
	v3 =	vmul.f32 v9, v35;
	v11 =	vmax.f32 v2, v6;
	v2, _, _ =	vpop (xrf2);
	v6 =	vmul.f32 v15, v41  }
0x1ee: {  	v59 =	vld [tilespmem:s4+$0x176E0];
	v8 =	vadd.f32 v8, v61;
	(erf) = vpow2.f32 v19;
	v2 =	vperm.xlane v2, v5  }
0x1ef: {  	v21 =	vld [tilespmem:s4+$0x18AB0];
	(xrf2) =	vadd.scan.msk.f32 $0xffff, v0;
	v0 =	vperm.xlane v12, v5;
	v1 =	vadd.f32 v3, v1;
	v6 =	vadd.f32 v6, v17  }
0x1f0: {  	v56 =	vld [tilespmem:s4+$0x176B0];
	v13 =	vmul.f32 v13, v37;
	v2 =	vmul.f32 $1.442695020e+00, v2  }
0x1f1: {  	v0 =	vmul.f32 $1.442695020e+00, v0;
	v1 =	vadd.f32 v8, v1;
	v6 =	vadd.f32 v22, v6;
	v22 =	vld [tilespmem:$0x1FFF0]  }
0x1f2: {  	v20 =	vmul.f32 v9, v33;
	v12 =	vadd.f32 v14, v13;
	v14 =	vld [tilespmem:$0x1FEA0];
	(erf) = vpow2.f32 v2  }
0x1f3: {  	v3 =	vld [tilespmem:s4+$0x18AF0];
	(erf) = vpow2.f32 v0;
	v0 =	vmul.f32 $2.000000030e-01, v1  }
0x1f4: {  	v8 =	vld [tilespmem:s4+$0x18AE0]  }
0x1f5: {  	v10 =	vadd.f32 v20, v10;
	v20 =	vmul.f32 $2.000000030e-01, v23;
	v0 =	vmax.f32 v1, v0;
	v1 =	vld [tilespmem:$0x1FED0]  }
0x1f6: {  	v2 =	vmul.f32 v15, v22  }
0x1f7: {  	v44 =	vmax.f32 v23, v20  }
0x1f8: {  	v60 =	vmul.f32 v44, v14;
	v14 =	vmul.f32 v9, v36;
	v2 =	vadd.f32 v2, v12  }
0x1f9: {  	v13 =	vadd.f32 v21, v56;
	v3 =	vadd.f32 v3, v58  }
0x1fa: {  	v57 =	vld [tilespmem:s4+$0x17690];
	v8 =	vadd.f32 v8, v59;
	v0 =	vmul.f32 v0, v1;
	v1 =	vadd.f32 v14, v2  }
0x1fb: {  	v20 =	vld [tilespmem:s4+$0x18A90];
	v10 =	vadd.f32 v13, v10  }
0x1fc: {  	v15 =	vadd.f32 v3, v6;
	v13 =	vadd.f32 v8, v1;
	v1 =	vld [tilespmem:$0x1FE00]  }
0x1fd: {  	v63 =	vmul.f32 v9, v43;
	v12, _, _ =	vpop (xrf2)  }
0x1fe: {  	v9 =	vpop (erf);
	v12 =	vperm.xlane v12, v5;
	v14 =	vmul.f32 $2.000000030e-01, v15  }
0x1ff: {  	v44 =	vperm.xlane v4, v5;
	v6 =	vpop (erf)  }
0x200: {  	v62 =	vadd.f32 v20, v57;
	v4, _, _ =	vpop (xrf2);
	(xrf2) =	vadd.scan.msk.f32 $0xffff, v0;
	v0 =	vmax.f32 v15, v14;
	v14 =	vmul.f32 $1.442695020e+00, v12  }
0x201: {  	s24 =	simm.s32 $0x400;
	v3 =	vnsel vm0, $0x0, v9;
	v2 =	vpop (erf);
	v12 =	vmul.f32 $1.442695020e+00, v44;
	v1 =	vmul.f32 v6, v1  }
.LBB2_9:
0x202: {  	v8 =	vld [tilespmem:$0x1FE50];
	_ =	sdelay $0x4  }
0x203: {  	[tilespmem:s7+$0x1B2C0] =	vst v1;
	v1 =	vpop (erf);
	(erf) = vpow2.f32 v14;
	v8 =	vmul.f32 v11, v8  }
0x204: {  	v14 =	vmul.f32 $2.000000030e-01, v13;
	v16 =	vmul.f32 v1, v51  }
0x205: {  	s0 =	sshra.s32 s24, $0x2;
	v7 =	vadd.f32 v63, v7;
	v17 =	vperm.xlane v4, v5;
	v4 =	vld [tilespmem:$0x1FE80];
	(xrf2) =	vadd.scan.msk.f32 $0xffff, v8;
	v8 =	vmul.f32 v9, v47;
	v9 =	vpop (erf)  }
0x206: {  	v11 =	vld [tilespmem:s0+$0x19E80];
	[tilespmem:s7+$0x1B2D0] =	vst v16;
	(erf) = vpow2.f32 v12;
	v12 =	vmax.f32 v13, v14;
	v13 =	vmul.f32 v9, v48  }
0x207: {  	v16 =	vld [tilespmem:s0+$0x18AB0];
	[tilespmem:s7+$0x1B280] =	vst v8  }
0x208: {  	v7 =	vadd.f32 v62, v7;
	v62 =	vld [tilespmem:$0x1FE60];
	[tilespmem:s7+$0x1B2A0] =	vst v13  }
0x209: {  	v14 =	vmul.f32 v2, v46;
	v46 =	vmov v56;
	v56 =	vld [tilespmem:s0+$0x176B0]  }
0x20a: {  	v13 =	vld [tilespmem:s0+$0x18A80]  }
0x20b: {  	v47 =	vmov v53;
	v53 =	vld [tilespmem:s0+$0x17680];
	[tilespmem:s7+$0x1B2B0] =	vst v14  }
0x20c: {  	v20 =	vld [tilespmem:s0+$0x18A90]  }
0x20d: {  	v15 =	vpop (erf);
	v23 =	vld [tilespmem:s0+$0x17690]  }
0x20e: {  	v18 =	vmul.f32 $2.000000030e-01, v10;
	v12 =	vmul.f32 v12, v4;
	v3 =	vsel vm1, v3, v15  }
0x20f: {  	v8 =	vmul.f32 $2.000000030e-01, v7;
	v9 =	vsel vm2, v3, v9  }
0x210: {  	v10 =	vmax.f32 v10, v18;
	(xrf2) =	vadd.scan.msk.f32 $0xffff, v12;
	v12 =	vsel vm3, v9, v2;
	v2 =	vperm.xlane v11, v26;
	v26 =	vld [tilespmem:$0x1FE70]  }
0x211: {  	v15 =	vmul.f32 v15, v49;
	v49 =	vld [tilespmem:$0x1FF70];
	v3 =	vperm.xlane v11, v30;
	v7 =	vmax.f32 v7, v8  }
0x212: {  	v44 =	vmovc v22;
	v4 =	vperm.xlane v11, v25;
	v7 =	vmul.f32 v7, v62;
	v62 =	vadd.f32 v20, v23;
	v20 =	vld [tilespmem:$0x1FF40]  }
0x213: {  	v30 =	vld [tilespmem:$0x1FF50];
	v9 =	vmul.f32 $1.442695020e+00, v17;
	v6 =	vsel vm4, v12, v6;
	v21 =	vmul.f32 v3, v29;
	v8 =	vpop (erf)  }
0x214: {  	v14 =	vld [tilespmem:s0+$0x18AA0];
	v22 =	vmul.f32 v3, v38;
	v19 =	vsel vm5, v6, v1;
	v6 =	vperm.xlane v11, v27;
	v63 =	vpop (erf)  }
0x215: {  	v17, _, _ =	vpop (xrf2);
	v27 =	vmul.f32 v10, v26;
	v25 =	vmul.f32 v63, v52;
	v52 =	vld [tilespmem:$0x1FFD0]  }
0x216: {  	[tilespmem:s7+$0x1B290] =	vst v15;
	v29 =	vld [tilespmem:$0x1FFB0];
	v1 =	vadd.f32 v16, v56;
	v24, _, _ =	vpop (xrf2);
	v16 =	vsel vm6, v19, v63;
	(xrf2) =	vadd.scan.msk.f32 $0xffff, v7  }
0x217: {  	v7 =	vsel vm7, v16, v8;
	(xrf2) =	vadd.scan.msk.f32 $0xffff, v27;
	v27 =	vmul.f32 v8, v50;
	v8 =	vld [tilespmem:$0x1FF60];
	v20 =	vmul.f32 v4, v20  }
0x218: {  	v48 =	vmov v55;
	v55 =	vld [tilespmem:s0+$0x176A0]  }
0x219: {  	[tilespmem:s7+$0x1B2E0] =	vst v25;
	v20 =	vadd.f32 v20, v22;
	v22 =	vld [tilespmem:$0x1FEF0]  }
0x21a: {  	[tilespmem:s7+$0x1C680] =	vst v7;
	v16 =	vmul.f32 v6, v52;
	v52 =	vmov v59;
	v59 =	vmul.f32 v4, v30;
	v30 =	vld [tilespmem:$0x1FF90]  }
0x21b: {  	v12 =	vmul.f32 v3, v28;
	v19 =	vmul.f32 v4, v49;
	v26 =	vld [tilespmem:s0+$0x18AC0]  }
0x21c: {  	v29 =	vmul.f32 v3, v29;
	v28 =	vmul.f32 v4, v8;
	v8 =	vld [tilespmem:s0+$0x176C0];
	_ =	sdelay $0x1  }
0x21d: {  	v19 =	vadd.f32 v19, v29;
	v22 =	vmul.f32 v2, v22  }
0x21e: {  	v51 =	vmov v61;
	v61 =	vmul.f32 v3, v30  }
0x21f: {  	v19 =	vadd.f32 v22, v19  }
0x220: {  	v18 =	vmul.f32 v2, v39;
	v22 =	vadd.f32 v26, v8;
	v26 =	vadd.f32 v28, v61;
	_ =	sdelay $0x1  }
0x221: {  	v49 =	vmov v57;
	v57 =	vmov v23;
	v23 =	vld [tilespmem:$0x1FF20];
	v18 =	vadd.f32 v18, v26  }
0x222: {  	v50 =	vmov v58;
	v58 =	vmul.f32 v6, v34;
	v30 =	vld [tilespmem:$0x1FFA0]  }
0x223: {  	v17 =	vperm.xlane v17, v5;
	v7 =	vadd.f32 v14, v55;
	v29 =	vld [tilespmem:$0x1FF10];
	v16 =	vadd.f32 v16, v18  }
0x224: {  	v11 =	vmul.f32 v2, v40;
	v15 =	vmul.f32 v2, v42;
	v13 =	vadd.f32 v13, v53;
	v14 =	vld [tilespmem:$0x1FEE0]  }
0x225: {  	v17 =	vmul.f32 $1.442695020e+00, v17;
	v10, _, _ =	vpop (xrf2);
	v12 =	vadd.f32 v59, v12;
	v16 =	vadd.f32 v7, v16;
	v7 =	vld [tilespmem:$0x1FE90]  }
0x226: {  	v24 =	vperm.xlane v24, v5;
	v25 =	vmul.f32 v6, v45;
	v19 =	vadd.f32 v58, v19;
	v58, _, _ =	vpop (xrf2);
	(xrf2) =	vadd.scan.msk.f32 $0xffff, v60  }
0x227: {  	v23 =	vmul.f32 v4, v23;
	v59 =	vld [tilespmem:$0x1FF30];
	v11 =	vadd.f32 v11, v12;
	v61 =	vmul.f32 v3, v30  }
0x228: {  	v29 =	vmul.f32 v4, v29;
	v30 =	vld [tilespmem:$0x1FFC0];
	v19 =	vadd.f32 v22, v19;
	v22 =	vmul.f32 $1.442695020e+00, v24  }
0x229: {  	v14 =	vmul.f32 v2, v14;
	v11 =	vadd.f32 v25, v11;
	v60 =	vld [tilespmem:$0x1FEC0];
	v12 =	vadd.f32 v23, v61  }
0x22a: {  	(erf) = vpow2.f32 v22;
	v0 =	vmul.f32 v0, v7;
	v7 =	vadd.f32 v29, v21;
	v21 =	vld [tilespmem:$0x1FF00]  }
0x22b: {  	[tilespmem:s7+$0x1B2F0] =	vst v27;
	v11 =	vadd.f32 v13, v11;
	v23 =	vperm.xlane v58, v5;
	v24, _, _ =	vpop (xrf2);
	v58 =	vmul.f32 $2.000000030e-01, v19;
	v22 =	vld [tilespmem:$0x1FEA0]  }
0x22c: {  	s7 =	smov.u32 s4;
	s4 =	smov.u32 s0;
	v12 =	vadd.f32 v14, v12;
	v14 =	vperm.xlane v24, v5;
	(xrf2) =	vadd.scan.msk.f32 $0xffff, v0;
	v0 =	vmul.f32 $2.000000030e-01, v16  }
0x22d: {  	v61 =	vld [tilespmem:s4+$0x176D0];
	v30 =	vmul.f32 v3, v30;
	v18 =	vmax.f32 v19, v58;
	v19 =	vmul.f32 v4, v59  }
0x22e: {  	v13 =	vmul.f32 $1.442695020e+00, v14;
	v14 =	vld [tilespmem:s4+$0x18AD0];
	v0 =	vmax.f32 v16, v0;
	v16 =	vmul.f32 v18, v60  }
0x22f: {  	v63 =	vmul.f32 v6, v43;
	v19 =	vadd.f32 v19, v30;
	v21 =	vmul.f32 v2, v21  }
0x230: {  	v27 =	vmul.f32 v6, v33;
	v60 =	vmul.f32 v0, v22;
	v22, _, _ =	vpop (xrf2);
	(xrf2) =	vadd.scan.msk.f32 $0xffff, v16;
	v16 =	vld [tilespmem:$0x1FF80]  }
0x231: {  	v25 =	vimm.s32 $0x1;
	v28 =	vld [tilespmem:$0x1FEB0];
	v0 =	vadd.f32 v21, v19;
	v19 =	vmul.f32 v6, v35  }
0x232: {  	v26 =	vimm.s32 $0x2;
	v3 =	vmul.f32 v3, v37;
	(erf) = vpow2.f32 v9  }
0x233: {  	v58 =	vld [tilespmem:s4+$0x176F0];
	v9 =	vpop (erf);
	(erf) = vpow2.f32 v13;
	v13 =	vadd.f32 v14, v61;
	v0 =	vadd.f32 v19, v0  }
0x234: {  	v7 =	vadd.f32 v15, v7;
	v15 =	vmul.f32 $1.442695020e+00, v23;
	v23 =	vmul.f32 v2, v41;
	v21 =	vld [tilespmem:s4+$0x18AF0]  }
0x235: {  	v14 =	vperm.xlane v22, v5;
	v4 =	vmul.f32 v4, v16;
	v0 =	vadd.f32 v13, v0  }
0x236: {  	v28 =	vmul.f32 v6, v28;
	v59 =	vld [tilespmem:s4+$0x176E0];
	v2 =	vmul.f32 v2, v44;
	v16 =	vadd.f32 v23, v20  }
0x237: {  	v18 =	vld [tilespmem:s4+$0x18AE0];
	v19 =	vmul.f32 $1.442695020e+00, v14;
	v3 =	vadd.f32 v4, v3;
	v14 =	vmul.f32 $2.000000030e-01, v0  }
0x238: {  	v24 =	vmul.f32 $2.000000030e-01, v11;
	(erf) = vpow2.f32 v17;
	v4 =	vadd.f32 v28, v16  }
0x239: {  	v16 =	vadd.f32 v21, v58;
	v0 =	vmax.f32 v0, v14;
	v14 =	vadd.f32 v2, v3;
	v3 =	vld [tilespmem:$0x1FED0]  }
0x23a: {  	v12 =	vadd.f32 v27, v12;
	v27 =	vimm.s32 $0x3;
	v22 =	vmovc v44;
	(erf) = vpow2.f32 v19  }
0x23b: {  	p1 =	sne.s32 s24, $0x4E00;
	v44 =	vmul.f32 v6, v36;
	v6 =	vpop (erf);
	(erf) = vpow2.f32 v15;
	v15 =	vadd.f32 v16, v4  }
.Ltmp3:
0x23c: {  	v11 =	vmax.f32 v11, v24;
	v30 =	vimm.s32 $0x0;
	v18 =	vadd.f32 v18, v59;
	v13, _, _ =	vpop (xrf2);
	(pc) =	sbr.rel @p1 .LBB2_9-.Ltmp3, $4  }
0x23d: {  	v29 =	vmovc v32;
	v28 =	vmovc v31;
	v13 =	vperm.xlane v13, v5;
	v16 =	vadd.f32 v44, v14;
	v17 =	vmul.f32 $2.000000030e-01, v15  }
0x23e: {  	v2 =	vpop (erf);
	v44 =	vperm.xlane v10, v5;
	v10 =	vadd.f32 v1, v12;
	v0 =	vmul.f32 v0, v3  }
0x23f: {  	v4, _, _ =	vpop (xrf2);
	v1 =	vmul.f32 v6, v54;
	v14 =	vmul.f32 $1.442695020e+00, v13;
	v13 =	vadd.f32 v18, v16  }
0x240: {  	s24 =	sadd.s32 $0x200, s24;
	v54 =	vmovc v8;
	v12 =	vmul.f32 $1.442695020e+00, v44;
	v3 =	vnsel vm0, $0x0, v9;
	(xrf2) =	vadd.scan.msk.f32 $0xffff, v0;
	v0 =	vmax.f32 v15, v17  }
0x241: {  	v15 =	vld [tilespmem:$0x1FE50];
	_ =	sdelay $0x4  }
0x242: {  	v11 =	vmul.f32 v11, v15;
	_ =	sdelay $0x1  }
0x243: {  	(xrf2) =	vadd.scan.msk.f32 $0xffff, v11;
	v11 =	vld [tilespmem:$0x1FE80];
	_ =	sdelay $0x1  }
0x244: {  	v8 =	vmul.f32 $2.000000030e-01, v13;
	_ =	sdelay $0x1  }
0x245: {  	v7 =	vadd.f32 v63, v7;
	v8 =	vmax.f32 v13, v8  }
0x246: {  	v8 =	vmul.f32 v8, v11  }
0x247: {  	v7 =	vadd.f32 v62, v7;
	v11 =	vld [tilespmem:$0x1FE60]  }
0x248: {  	(xrf2) =	vadd.scan.msk.f32 $0xffff, v8;
	v8 =	vld [tilespmem:$0x1FE70]  }
0x249: {  	v15 =	vmul.f32 $2.000000030e-01, v7  }
0x24a: {  	v13 =	vmul.f32 $2.000000030e-01, v10  }
0x24b: {  	v7 =	vmax.f32 v7, v15  }
0x24c: {  	v10 =	vmax.f32 v10, v13;
	v7 =	vmul.f32 v7, v11  }
0x24d: {  	v8 =	vmul.f32 v10, v8  }
0x24e: {  	(xrf2) =	vadd.scan.msk.f32 $0xffff, v7;
	v7 =	vld [tilespmem:$0x1FE90]  }
0x24f: {  	(xrf2) =	vadd.scan.msk.f32 $0xffff, v8;
	_ =	sdelay $0x1  }
0x250: {  	(xrf2) =	vadd.scan.msk.f32 $0xffff, v60;
	_ =	sdelay $0x1  }
0x251: {  	v0 =	vmul.f32 v0, v7;
	v7, _, _ =	vpop (xrf2)  }
0x252: {  	v8, _, _ =	vpop (xrf2)  }
0x253: {  	(xrf2) =	vadd.scan.msk.f32 $0xffff, v0;
	v8 =	vperm.xlane v8, v5  }
0x254: {  	v10, _, _ =	vpop (xrf2)  }
0x255: {  	v0 =	vpop (erf);
	v8 =	vmul.f32 $1.442695020e+00, v8  }
0x256: {  	v4 =	vperm.xlane v4, v5;
	(erf) = vpow2.f32 v14;
	v13, _, _ =	vpop (xrf2)  }
0x257: {  	v7 =	vperm.xlane v7, v5;
	(erf) = vpow2.f32 v12;
	v12, _, _ =	vpop (xrf2)  }
0x258: {  	v4 =	vmul.f32 $1.442695020e+00, v4;
	v12 =	vperm.xlane v12, v5  }
0x259: {  	v7 =	vmul.f32 $1.442695020e+00, v7;
	(erf) = vpow2.f32 v8;
	v8, _, _ =	vpop (xrf2)  }
0x25a: {  	v8 =	vperm.xlane v8, v5;
	v12 =	vmul.f32 $1.442695020e+00, v12  }
0x25b: {  	v13 =	vperm.xlane v13, v5;
	(erf) = vpow2.f32 v4  }
0x25c: {  	v4 =	vmul.f32 $1.442695020e+00, v8;
	(erf) = vpow2.f32 v12  }
0x25d: {  	v8 =	vmul.f32 $1.442695020e+00, v13;
	(erf) = vpow2.f32 v7;
	v7, _, _ =	vpop (xrf2)  }
0x25e: {  	v12 =	vpop (erf);
	(erf) = vpow2.f32 v4;
	v4 =	vperm.xlane v7, v5  }
0x25f: {  	[tilespmem:s7+$0x1B2C0] =	vst v1;
	v1 =	vmul.f32 v9, v47  }
0x260: {  	v7 =	vpop (erf);
	(erf) = vpow2.f32 v8;
	v4 =	vmul.f32 $1.442695020e+00, v4  }
0x261: {  	v11 =	vmul.f32 v0, v51;
	v8 =	vperm.xlane v10, v5;
	v3 =	vsel vm1, v3, v7  }
0x262: {  	[tilespmem:s7+$0x1B280] =	vst v1;
	v9 =	vpop (erf);
	v3 =	vsel vm2, v3, v12  }
0x263: {  	[tilespmem:s7+$0x1B2D0] =	vst v11;
	v11 =	vmul.f32 v2, v46;
	v8 =	vmul.f32 $1.442695020e+00, v8;
	v1 =	vsel vm3, v3, v2;
	v2 =	vpop (erf)  }
0x264: {  	(erf) = vpow2.f32 v4;
	v3 =	vmul.f32 v7, v49;
	v1 =	vsel vm4, v1, v6;
	v4 =	vpop (erf)  }
0x265: {  	v0 =	vsel vm5, v1, v0;
	v1 =	vmul.f32 v2, v52;
	v6 =	vpop (erf)  }
0x266: {  	[tilespmem:s7+$0x1B2B0] =	vst v11;
	(erf) = vpow2.f32 v8;
	v7 =	vpop (erf)  }
0x267: {  	v0 =	vsel vm6, v0, v2;
	[tilespmem:s7+$0x1B2E0] =	vst v1;
	v1 =	vmul.f32 v9, v50;
	v2 =	vpop (erf)  }
0x268: {  	[tilespmem:s7+$0x1B290] =	vst v3;
	v3 =	vpop (erf)  }
0x269: {  	v10 =	vmul.f32 v12, v48;
	v0 =	vsel vm7, v0, v9;
	[tilespmem:s7+$0x1B2F0] =	vst v1;
	v1 =	vnsel vm0, $0x0, v4;
	v9 =	vpop (erf)  }
0x26a: {  	[tilespmem:s7+$0x1C680] =	vst v0;
	v0 =	vmul.f32 v6, v54;
	v1 =	vsel vm1, v1, v9  }
0x26b: {  	[tilespmem:s7+$0x1B2A0] =	vst v10;
	v8 =	vmul.f32 v2, v61;
	v1 =	vsel vm2, v1, v3  }
0x26c: {  	[tilespmem:s4+$0x1B2C0] =	vst v0;
	v0 =	vmul.f32 v4, v53  }
0x26d: {  	v4 =	vmul.f32 v3, v55;
	[tilespmem:s4+$0x1B2D0] =	vst v8  }
0x26e: {  	v3 =	vmul.f32 v7, v56;
	[tilespmem:s4+$0x1B280] =	vst v0;
	v0 =	vsel vm3, v1, v7;
	v1 =	vpop (erf)  }
0x26f: {  	[tilespmem:s4+$0x1B2A0] =	vst v4;
	v4 =	vmul.f32 v9, v57;
	v0 =	vsel vm4, v0, v6;
	v6 =	vpop (erf)  }
0x270: {  	[tilespmem:s4+$0x1B2B0] =	vst v3;
	v0 =	vsel vm5, v0, v2;
	v2 =	vmul.f32 v6, v59  }
0x271: {  	[tilespmem:s4+$0x1B290] =	vst v4;
	v0 =	vsel vm6, v0, v6  }
0x272: {  	v0 =	vsel vm7, v0, v1;
	v1 =	vmul.f32 v1, v58;
	[tilespmem:s4+$0x1B2E0] =	vst v2  }
0x273: {  	[tilespmem:s4+$0x1C680] =	vst v0  }
0x274: {  	[tilespmem:s4+$0x1B2F0] =	vst v1  }
0x275: {  	[spmem:s3] =	stream.indirect.scatter.add.f32 [tilespmem:s17], [sflag:$0x5], $0x80, s2, s29, $0xb8;
	[tilespmem:$0x1E080] =	vst v63  }
0x276: {  	_ =	swait.ge [sflag:s23], $0x1400  }
0x277: {  	[sflag:s23] =	ssyncset.done $0x0  }
0x278: {  	s0 =	sadd.s32 s12, s22;
	s31 =	simm.s32 $0x0;
	[sflag:s23] =	ssyncadd.s32 $0xFFFFEC00  }
0x279: {  	[hbm4b:s0+s31] =	stream.linear.scatter [tilespmem:s18], [sflag:$0x5], $0x1400, $0x38;
	[tilespmem:$0x1E080] =	vst v63  }
0x27a: {  	_ =	swait.ge [sflag:s23], $0x1400  }
0x27b: {  	v15 =	vld [tilespmem:$0x1FF90]  }
0x27c: {  	v1 =	vld [tilespmem:$0x1FFA0]  }
0x27d: {  	v63 =	vld [tilespmem:$0x1FFB0]  }
0x27e: {  	v61 =	vld [tilespmem:$0x1FFC0]  }
0x27f: {  	v17 =	vld [tilespmem:$0x1FF50]  }
0x280: {  	v59 =	vld [tilespmem:$0x1FF10]  }
0x281: {  	v18 =	vld [tilespmem:$0x1FF60]  }
0x282: {  	v24 =	vmov v37;
	v37 =	vld [tilespmem:$0x1FF20]  }
0x283: {  	v8 =	vld [tilespmem:$0x1FF70]  }
0x284: {  	v62 =	vld [tilespmem:$0x1FF30]  }
0x285: {  	v6 =	vld [tilespmem:$0x1FF80]  }
0x286: {  	v19 =	vld [tilespmem:$0x1FF40]  }
0x287: {  	s25 =	sadd.s32 $0x1, s25;
	v20 =	vld [tilespmem:$0x1FEE0]  }
0x288: {  	p1 =	sne.s32 s25, $0x7D;
	v21 =	vld [tilespmem:$0x1FEF0]  }
.Ltmp4:
0x289: {  	v16 =	vld [tilespmem:$0x1FF00];
	(pc) =	sbr.rel @p1 .LBB2_6-.Ltmp4, $4  }
0x28a: {  	v41 =	vld [tilespmem:$0x1FFD0]  }
0x28b: {  	v11 =	vld [tilespmem:$0x1FEB0]  }
0x28c: {  	[sflag:s23] =	ssyncset.done $0x0;
	v60 =	vld [tilespmem:$0x1FEA0]  }
0x28d: {  	v23 =	vmovc v38;
	v38 =	vmov v40;
	v40 =	vmov v42;
	v42 =	vmov v39;
	v10 =	vld [tilespmem:$0x1FEC0];
	[sflag:s23] =	ssyncadd.s32 $0xFFFFEC00  }
0x28e: {  	_ =	swait.ge [sflag:s15], $0x1400  }
0x28f: {  	[sflag:s15] =	ssyncset.done $0x0  }
0x290: {  	[sflag:s15] =	ssyncadd.s32 $0xFFFFEC00  }
0x291: {  	_ =	swait.ge [sflag:s16], $0x1400  }
0x292: {  	[sflag:s16] =	ssyncset.done $0x0  }
0x293: {  	[sflag:s16] =	ssyncadd.s32 $0xFFFFEC00  }
0x294: {  	[bflag:$0x0] =	sbarrier.arrive $0xFFFF  }
0x295: {  	s4 =	rddreg [dreg:$0xa]  }
0x296: {  	s0 =	simm.s32 @p0 $0x1FC5;
	s7 =	rddreg [dreg:$0xc]  }
0x297: {  	[hbm:s4], [sflag:s0] =	dma.local @p0 [spmem:s7], $0x2080  }
0x298: {  	s0 =	simm.s32 @p0 $0x5  }
0x299: {  	_ =	swait.ge @p0 [sflag:s0], $0x2080  }
0x29a: {  	s4 =	stileid.u32;
	s22 =	rddreg [dreg:$0x5]  }
0x29b: {  	s4 =	sshll.u32 @!p0 s4, $0x6;
	[sflag:s0] =	ssyncset.done @p0 $0x0;
	s7 =	rddreg [dreg:$0x9]  }
0x29c: {  	[sflag:s0] =	ssyncadd.s32 @p0 $0xFFFFDF80;
	s0 =	sor.u32 @!p0 $0x1C05, s4;
	s4 =	sshrl.u32 @!p0 s22, $0x3  }
0x29d: {  	[hbm:s7], [sflag:s0] =	dma.local @!p0 [spmem:s4], $0x2780  }
0x29e: {  	s0 =	simm.s32 @!p0 $0x5  }
0x29f: {  	_ =	swait.ge @!p0 [sflag:s0], $0x2780  }
0x2a0: {  	s30 =	rddreg [dreg:$0xd]  }
0x2a1: {  	s31 =	rddreg [dreg:$0xb];
	s7 =	sadd.s32 $0x1, s30  }
0x2a2: {  	p1 =	sne.s32 s7, s31  }
.Ltmp5:
0x2a3: {  	_ = 	snop;
	(pc) =	sbr.rel @p1 .LBB2_1-.Ltmp5, $3  }
0x2a4: {  	_ =	sdelay $0x1  }
0x2a5: {  	[sflag:s0] =	ssyncset.done @!p0 $0x0  }
0x2a6: {  	v0 =	vimm.f32 $0.0e+00;
	[sflag:s0] =	ssyncadd.s32 @!p0 $0xFFFFD880  }
0x2a7: {  	_ =	sfence.sel $0x180000  }
0x2a8: {  	[bflag:$0x0] =	sbarrier.arrive $0xFFFF  }
0x2a9: {  	_ =	strace $0x9000004D  }
0x2aa: {  	s0 =	stileid.u32;
	[bflag:$0x2] =	sbarrier.arrive $0xFFFF  }
0x2ab: {  	p0 =	sne.s32 s0, $0x0;
	s0 =	rddreg [dreg:$0x4]  }
0x2ac: {  	s0 =	sadd.s32 @!p0 $0x100000, s0  }
0x2ad: {  	[sflag:s0] =	ssyncadd.tile.s32 @!p0 $0x1;
	_ =	shalt  }
.Lfunc_end2:
_tile_overlayer_lowered:
.L_overlay_start_2:
0x2ae: {  	(tag) =	ssettag $0x2  }
0x2af: {  	s0 =	rddreg [dreg:$0x0];
	s2 =	stileid.u32  }
0x2b0: {  	s1 =	rddreg [dreg:$0x1];
	p0 =	sne.s32 s2, $0x0  }
0x2b1: {  	s3 =	rddreg [dreg:$0x2];
	[bflag:$0x3] =	sbarrier.arrive $0xFFFF;
	s2 =	simm.s32 @!p0 $0x1C05  }
0x2b2: {  	[timem:s3], [sflag:s2] =	dma.local @!p0 [hbm:s0], s1  }
0x2b3: {  	s0 =	simm.s32 @!p0 $0x5  }
0x2b4: {  	_ =	swait.ge @!p0 [sflag:s0], s1  }
0x2b5: {  	s1 =	ssub.s32 @!p0 $0x0, s1;
	[sflag:s0] =	ssyncset.done @!p0 $0x0  }
0x2b6: {  	[sflag:s0] =	ssyncadd.s32 @!p0 s1  }
0x2b7: {  	[bflag:$0x3] =	sbarrier.arrive $0xFFFF  }
0x2b8: {  	_ =	shalt  }

// kernel: kernel.18.cloned.1.call-start
scs
__scs_entry_jumppad:
0x0: {  	(pc) =	sbr.rel $0x88, $3  }
0x1: {  	(tag) =	ssettag $0x0;
	lr =	simm.s32 $0x1  }
0x2: {  	[smem:$0x3F88] =	sst lr;
	_ =	strace $0xD0000000  }
0x3: {  	_ = 	snop  }
0x4: {  	_ = 	snop  }
0x5: {  	_ = 	snop  }
0x6: {  	_ = 	snop  }
0x7: {  	_ = 	snop  }
__scs_overlays_trampoline_lowered:
0x8: {  	[smem:$0x3F97] =	sst s0  }
0x9: {  	[smem:$0x3F98] =	sst s1  }
0xa: {  	[smem:$0x3F99] =	sst s2  }
0xb: {  	[smem:$0x3F9A] =	sst s3  }
0xc: {  	[smem:$0x3F9B] =	sst s4  }
0xd: {  	[smem:$0x3F9C] =	sst s5  }
0xe: {  	[smem:$0x3F9D] =	sst s6  }
0xf: {  	[smem:$0x3F9E] =	sst s7  }
0x10: {  	[smem:$0x3F9F] =	sst s8  }
0x11: {  	[smem:$0x3FA0] =	sst s9;
	s0 =	simm.s32 @!p0 $0x0  }
0x12: {  	s1 =	sld [smem:$0x3F86];
	s0 =	simm.s32 @p0 $0x1  }
0x13: {  	[smem:$0x3FA1] =	sst s0;
	s0 =	simm.s32 @!p1 $0x0  }
0x14: {  	s2 =	sld [smem:$0x3F85];
	s0 =	simm.s32 @p1 $0x1  }
0x15: {  	[smem:$0x3FA2] =	sst s0;
	s0 =	simm.s32 @!p2 $0x0  }
0x16: {  	s3 =	sld [smem:$0x3FDB];
	s0 =	simm.s32 @p2 $0x1  }
0x17: {  	s4 =	simm.s32 $0x1BF5;
	[smem:$0x3FA4] =	sst s0  }
0x18: {  	s0 =	sld [smem:$0x3F87];
	_ =	swait.ge [sflag:s4], $0x0  }
0x19: {  	s7 =	sld [smem:$0x3F88]  }
0x1a: {  	s8 =	sadd.s32 $0xFFFFE003, lr  }
0x1b: {  	s9 =	sadd.s32 $0xFFFFFEF7, lr;
	s5 =	simm.s32 $0xFFFFFFFF;
	p2 =	slt.u32 s8, $0xFFFFF086  }
0x1c: {  	p1 =	slt.u32 s9, $0xF7A;
	s5 =	simm.s32 @!p2 $0x0  }
0x1d: {  	s5 =	simm.s32 @p1 $0x1;
	p0 =	seq.s32 s7, s2  }
0x1e: {  	s7 =	smul.u32 @!p0 $0xF7A, s2;
	p2 =	seq.s32 @!p0 s5, $0x0  }
0x1f: {  	s9 =	smul.u32 $0xF7A, s1;
	s8 =	simm.s32 @!p0 $0x1BF5;
	p2 =	por !p2, p0  }
0x20: {  	[sflag:s8] =	ssyncset.s32 @!p0 $0xFFFFF086;
	s6 =	sadd.s32 @!p0 s3, s7;
	s7 =	simm.s32 @!p0 $0x108  }
0x21: {  	s3 =	sadd.s32 s3, s9;
	s6 =	sadd.s32 @!p0 $0x88, s6;
	s7 =	simm.s32 @p2 $0x1082  }
0x22: {  	[simem:s7], [sflag:s8] =	dma.local @!p0 [hbm:s6], $0xF7A  }
0x23: {  	s9 =	sor.u32 $0xD0000000, s2;
	s6 =	simm.s32 $0x108;
	_ =	swait.ge @!p0 [sflag:s8], $0x0  }
0x24: {  	s3 =	sadd.s32 $0x88, s3;
	s6 =	simm.s32 @!p1 $0x1082;
	[sflag:s4] =	ssyncset.s32 $0xFFFFF086  }
0x25: {  	[simem:s6], [sflag:s4] =	dma.local [hbm:s3], $0xF7A  }
0x26: {  	[smem:$0x3F88] =	sst s1;
	(tag) =	ssettag s2;
	_ =	strace s9  }
0x27: {  	s1 =	sld [smem:$0x3F98]  }
0x28: {  	s2 =	sld [smem:$0x3F99]  }
0x29: {  	s4 =	sld [smem:$0x3F9B]  }
0x2a: {  	p0 =	seq.s32 s5, $0x0;
	s5 =	sld [smem:$0x3F9C]  }
0x2b: {  	s6 =	sld [smem:$0x3F9D]  }
0x2c: {  	s7 =	sld [smem:$0x3F9E]  }
0x2d: {  	s3 =	simm.s32 $0x108;
	s8 =	sld [smem:$0x3F9F]  }
0x2e: {  	s3 =	simm.s32 @!p0 $0x1082;
	s9 =	sld [smem:$0x3FA0]  }
0x2f: {  	lr =	sadd.s32 s0, s3;
	s0 =	sld [smem:$0x3F97]  }
0x30: {  	s3 =	sld [smem:$0x3F9A]  }
0x31: {  	[smem:$0x3FA3] =	sst s10  }
0x32: {  	s10 =	sld [smem:$0x3FA1];
	_ =	sdelay $0x3  }
0x33: {  	p0 =	seq.s32 s10, $0x1;
	s10 =	sld [smem:$0x3FA3];
	_ =	sdelay $0x3  }
0x34: {  	[smem:$0x3FA3] =	sst s10  }
0x35: {  	s10 =	sld [smem:$0x3FA2];
	_ =	sdelay $0x3  }
0x36: {  	p1 =	seq.s32 s10, $0x1;
	s10 =	sld [smem:$0x3FA3];
	_ =	sdelay $0x3  }
0x37: {  	[smem:$0x3FA3] =	sst s10  }
0x38: {  	s10 =	sld [smem:$0x3FA4]  }
0x39: {  	_ = 	snop;
	(pc) =	sbr.ind lr, $3  }
0x3a: {  	_ = 	snop  }
0x3b: {  	_ = 	snop  }
0x3c: {  	p2 =	seq.s32 s10, $0x1;
	s10 =	sld [smem:$0x3FA3]  }
0x3d: {  	_ =	shalt  }
0x3e: {  	_ =	shalt  }
0x3f: {  	_ =	shalt  }
0x40: {  	_ =	shalt  }
0x41: {  	_ =	shalt  }
0x42: {  	_ =	shalt  }
0x43: {  	_ =	shalt  }
0x44: {  	_ =	shalt  }
0x45: {  	_ =	shalt  }
0x46: {  	_ =	shalt  }
0x47: {  	_ =	shalt  }
0x48: {  	_ =	shalt  }
0x49: {  	_ =	shalt  }
0x4a: {  	_ =	shalt  }
0x4b: {  	_ =	shalt  }
0x4c: {  	_ =	shalt  }
0x4d: {  	_ =	shalt  }
0x4e: {  	_ =	shalt  }
0x4f: {  	_ =	shalt  }
0x50: {  	_ =	shalt  }
0x51: {  	_ =	shalt  }
0x52: {  	_ =	shalt  }
0x53: {  	_ =	shalt  }
0x54: {  	_ =	shalt  }
0x55: {  	_ =	shalt  }
0x56: {  	_ =	shalt  }
0x57: {  	_ =	shalt  }
0x58: {  	_ =	shalt  }
0x59: {  	_ =	shalt  }
0x5a: {  	_ =	shalt  }
0x5b: {  	_ =	shalt  }
0x5c: {  	_ =	shalt  }
0x5d: {  	_ =	shalt  }
0x5e: {  	_ =	shalt  }
0x5f: {  	_ =	shalt  }
0x60: {  	_ =	shalt  }
0x61: {  	_ =	shalt  }
0x62: {  	_ =	shalt  }
0x63: {  	_ =	shalt  }
0x64: {  	_ =	shalt  }
0x65: {  	_ =	shalt  }
0x66: {  	_ =	shalt  }
0x67: {  	_ =	shalt  }
0x68: {  	_ =	shalt  }
0x69: {  	_ =	shalt  }
0x6a: {  	_ =	shalt  }
0x6b: {  	_ =	shalt  }
0x6c: {  	_ =	shalt  }
0x6d: {  	_ =	shalt  }
0x6e: {  	_ =	shalt  }
0x6f: {  	_ =	shalt  }
0x70: {  	_ =	shalt  }
0x71: {  	_ =	shalt  }
0x72: {  	_ =	shalt  }
0x73: {  	_ =	shalt  }
0x74: {  	_ =	shalt  }
0x75: {  	_ =	shalt  }
0x76: {  	_ =	shalt  }
0x77: {  	_ =	shalt  }
0x78: {  	_ =	shalt  }
0x79: {  	_ =	shalt  }
0x7a: {  	_ =	shalt  }
0x7b: {  	_ =	shalt  }
0x7c: {  	_ =	shalt  }
0x7d: {  	_ =	shalt  }
0x7e: {  	_ =	shalt  }
0x7f: {  	_ =	shalt  }
0x80: {  	_ =	shalt  }
0x81: {  	_ =	shalt  }
0x82: {  	_ =	shalt  }
0x83: {  	_ =	shalt  }
0x84: {  	_ =	shalt  }
0x85: {  	_ =	shalt  }
0x86: {  	_ =	shalt  }
0x87: {  	_ =	shalt  }
.Lfunc_end0:
.L_simem_size_0:
called_computation.3_lowered:
.L_overlay_start_0:
0x88: {  	s2 =	sld [smem:$0x3FD9]  }
0x89: {  	s3 =	sld [smem:$0x3FFE];
	_ =	sdelay $0x1  }
0x8a: {  	s1 =	srdreg.scid  }
0x8b: {  	s0 =	sand.u32 $0x1, s1  }
0x8c: {  	s16 =	sshll.u32 s0, $0xA;
	s2 =	sadd.s32 s3, s2  }
0x8d: {  	s2 =	sadd.s32 s2, s16  }
0x8e: {  	[smem:$0x3FAF] =	sst s2  }
0x8f: {  	_ = 	snop  }
0x90: {  	(tm) =	ssettm $0x1  }
0x91: {  	s17 =	sld [smem:$0x3FFB];
	_ =	sdelay $0x3  }
0x92: {  	_ =	strace s17  }
0x93: {  	s2 =	sld [smem:$0x3FFC];
	_ =	sdelay $0x3  }
0x94: {  	_ =	strace s2  }
0x95: {  	s2 =	sld [smem:$0x3FFD];
	_ =	sdelay $0x3  }
0x96: {  	_ =	strace s2  }
0x97: {  	_ =	strace $0x8FFFFFFF  }
0x98: {  	s18 =	sld [smem:$0x3FDB];
	_ =	sdelay $0x1  }
0x99: {  	s19 =	simm.s32 $_scs_section_size  }
0x9a: {  	s4 =	simm.s32 $_size__tile_overlayer_lowered;
	s5 =	simm.s32 $_tile_overlayer_lowered  }
0x9b: {  	s22 =	simm.s32 $0x1BFF;
	s21 =	sshll.u32 s5, $0x1;
	s2 =	sadd.s32 s19, s18  }
0x9c: {  	s6 =	simm.s32 $0x0;
	s20 =	sshll.u32 s4, $0x1;
	s4 =	sadd.s32 s21, s2  }
0x9d: {  	[timem:s6], [sflag:s22] =	dma.local [hbm:s4], s20  }
0x9e: {  	_ =	swait.ge [sflag:s22], s20  }
0x9f: {  	s3 =	ssub.s32 $0x0, s20;
	[sflag:s22] =	ssyncset.done $0x0  }
0xa0: {  	[sflag:s22] =	ssyncadd.s32 s3;
	_ =	sdelay $0x1  }
0xa1: {  	s23 =	simm.s32 $0x1B8B  }
0xa2: {  	_ =	swait.ge [sflag:s23], $0x1  }
0xa3: {  	[sflag:s23] =	ssyncset.done $0x0  }
0xa4: {  	s25 =	simm.s32 $0x1B8E;
	s24 =	sld [smem:$0x3FFE];
	[sflag:s23] =	ssyncadd.s32 $0xFFFFFFFF  }
0xa5: {  	s26 =	simm.s32 $execute0_lowered;
	[smem:$0x3FD2] =	sst s25  }
0xa6: {  	s4 =	sshll.u32 s26, $0x1;
	_ =	strace $0x8000004F;
	[dreg:$0x1] =	wrdreg $0xFFFFFFFF  }
0xa7: {  	s28 =	simm.s32 $_size_execute0_lowered;
	s2 =	sadd.s32 s2, s4;
	[dreg:$0x0] =	wrdreg $0x0  }
0xa8: {  	s4 =	sshll.u32 s28, $0x1;
	[dreg:$0x2] =	wrdreg s2  }
0xa9: {  	[dreg:$0x3] =	wrdreg s4  }
0xaa: {  	[dreg:$0x4] =	wrdreg $0xC0  }
0xab: {  	_ =	task [dreg:s6], $0x5FFFF  }
0xac: {  	[dreg:$0x1] =	wrdreg $0xFFFFFFFF  }
0xad: {  	[dreg:$0x0] =	wrdreg $0x60  }
0xae: {  	[dreg:$0x2] =	wrdreg s24  }
0xaf: {  	[dreg:$0x3] =	wrdreg $0x0  }
0xb0: {  	[dreg:$0x4] =	wrdreg $0x9  }
0xb1: {  	_ =	task.clear_ibuf [dreg:s6], $0x5FFFF;
	_ =	strace $0x9000004F  }
0xb2: {  	s29 =	simm.s32 $0x9;
	_ =	strace $0x80000051  }
0xb3: {  	_ =	swait.ge [sflag:s29], $0x1  }
0xb4: {  	[sflag:s29] =	ssyncadd.s32 $0xFFFFFFFF  }
0xb5: {  	_ =	strace $0x90000051  }
0xb6: {  	_ =	sfence  }
0xb7: {  	s30 =	sld [smem:$0x0];
	_ =	sdelay $0x2  }
0xb8: {  	s31 =	sshll.u32 s1, $0xD;
	s1 =	sshrl.u32 s1, $0x2  }
0xb9: {  	s3 =	sand.u32 $0x4000, s31;
	s1 =	sadd.s32 s1, s30  }
0xba: {  	s0 =	sor.u32 s3, s0;
	s1 =	sshll.u32 s1, $0x11  }
0xbb: {  	s0 =	sor.u32 s1, s0  }
0xbc: {  	s0 =	sadd.s32 $0x8F2B, s0  }
0xbd: {  	[sflag:s0] =	ssyncadd.remote.s32 $0x1  }
0xbe: {  	_ =	sfence.sel $0xFFFF  }
0xbf: {  	[dreg:$0x0] =	wrdreg $0xFFFFFFFF;
	(pc) =	sbr.abs _section_cstart, $3  }
0xc0: {  	[dreg:$0x1] =	wrdreg $0xFFFFFFFF  }
0xc1: {  	_ =	task.clear_ibuf [dreg:s6], $0x2FFFF;
	_ =	strace $0x9FFFFFFF  }
0xc2: {  	(tm) =	ssettm $0x7FFFFFFF  }
0xc3: {  	_ =	shalt  }
tec
execute0_lowered:
.L_overlay_start_1:
0x0: {  	(tag) =	ssettag $0x1  }
0x1: {  	s4 =	rddreg [dreg:$0x0]  }
0x2: {  	s2 =	rddreg [dreg:$0x1];
	s1 =	stileid.u32  }
0x3: {  	s0 =	rddreg [dreg:$0x2];
	s5 =	smul.u32 $0xA00, s1  }
0x4: {  	s3 =	simm.s32 $0x0;
	s6 =	srdreg.scid;
	s7 =	smul.u32 $0x14, s1  }
0x5: {  	s14 =	simm.s32 $0x50;
	[smem:$0x7FF] =	sst s3;
	s23 =	smul.u32 $0x4F000, s1  }
0x6: {  	s8 =	sand.u32 $0x1, s6;
	s12 =	sadd.s32 $0x19600, s4;
	s25 =	smul.u32 $0x13C00, s1  }
0x7: {  	s17 =	simm.s32 $0x0;
	s15 =	sadd.s32 $0x128400, s2;
	s11 =	smul.u32 $0x138800, s8  }
0x8: {  	p0 =	seq.s32 s1, $0xF;
	_ =	strace $0x80000050;
	s30 =	smul.u32 $0x500, s8  }
0x9: {  	s22 =	ssub.s32 $0x2, s8;
	s31 =	smul.u32 $0xA, s8;
	s16 =	sshll.u32 @!p0 s1, $0x6  }
0xa: {  	s15 =	sshrl.u32 @p0 s15, $0x3;
	s9 =	sadd.s32 s5, s4;
	s10 =	sadd.s32 s7, s4  }
0xb: {  	s24 =	sshrl.u32 s22, $0x1;
	s4 =	simm.s32 $0x41;
	s26 =	sshrl.u32 s23, $0x2  }
0xc: {  	s16 =	sor.u32 @!p0 $0x1C01, s16;
	s13 =	ssub.s32 s22, s24;
	s4 =	simm.s32 @!p0 $0x4F  }
0xd: {  	s5 =	sadd.s32 s26, s2;
	s28 =	sadd.s32 s25, s11;
	s29 =	sshrl.u32 s11, $0x3  }
0xe: {  	s9 =	sadd.s32 s30, s9;
	s10 =	sadd.s32 s31, s10;
	s11 =	simm.s32 $0x2710  }
0xf: {  	s6 =	sshrl.u32 s28, $0x3;
	s7 =	sadd.s32 s12, s29;
	s8 =	smax.u32 s13, $0x1  }
0x10: {  	s9 =	sadd.s32 $0x9DD600, s9;
	s10 =	sadd.s32 $0xF800, s10;
	s13 =	simm.s32 $0x2790  }
0x11: {  	v0 =	vimm.f32 $0.0e+00;
	s6 =	sadd.s32 s12, s6;
	s7 =	sadd.s32 $0x25080, s7;
	s12 =	simm.s32 $0x1  }
.LBB2_1:
0x12: {  	[tilespmem:$0x2790] =	vst v0  }
0x13: {  	[tilespmem:$0x2810] =	vst v0  }
0x14: {  	[tilespmem:$0x2890] =	vst v0  }
0x15: {  	[tilespmem:$0x2910] =	vst v0  }
0x16: {  	[tilespmem:$0x2990] =	vst v0  }
0x17: {  	[tilespmem:$0x2A10] =	vst v0  }
0x18: {  	[tilespmem:$0x2A90] =	vst v0;
	p1 =	sle.u32 s4, $0x0  }
0x19: {  	[tilespmem:$0x2B10] =	vst v0;
	s18 =	simm.s32 @!p1 $0x2790;
	s20 =	simm.s32 @!p1 $0x1  }
0x1a: {  	[spmem:s5] =	stream.linear.scatter @!p1 [tilespmem:s18], [sflag:$0x1], $0x400, $0x38;
	[tilespmem:$0x4F90] =	vst v63  }
0x1b: {  	_ =	swait.ge @!p1 [sflag:s20], $0x400  }
0x1c: {  	s19 =	smov.u32 s5;
	s18 =	simm.s32 $0x1;
	[sflag:s20] =	ssyncset.done @!p1 $0x0  }
.LBB2_2:
0x1d: {  	[sflag:s20] =	ssyncadd.s32 @!p1 $0xFFFFFC00;
	s20 =	smov.u32 s18;
	s18 =	sadd.s32 $0x1, s18  }
0x1e: {  	s19 =	sadd.s32 $0x400, s19;
	p2 =	sne.s32 s18, $0x4F  }
.Ltmp0:
0x1f: {  	p1 =	sge.u32 s20, s4;
	(pc) =	sbr.rel @p2 .LBB2_2-.Ltmp0, $4  }
0x20: {  	s21 =	simm.s32 @!p1 $0x2790;
	s20 =	simm.s32 @!p1 $0x1  }
0x21: {  	[spmem:s19] =	stream.linear.scatter @!p1 [tilespmem:s21], [sflag:$0x1], $0x400, $0x38;
	[tilespmem:$0x4F90] =	vst v63  }
0x22: {  	_ =	swait.ge @!p1 [sflag:s20], $0x400  }
0x23: {  	[sflag:s20] =	ssyncset.done @!p1 $0x0  }
0x24: {  	[sflag:s20] =	ssyncadd.s32 @!p1 $0xFFFFFC00  }
0x25: {  	s18 =	sadd.s32 $0x0, s10;
	[bflag:$0x0] =	sbarrier.arrive $0xFFFF  }
0x26: {  	[tilespmem:s11], [sflag:$0x1] =	stream.linear.gather [hbm4b:s18+s3], $0x50, $0x38;
	[tilespmem:$0x4F90] =	vst v63  }
0x27: {  	_ =	swait.ge [sflag:s12], $0x50  }
0x28: {  	[sflag:s12] =	ssyncset.done $0x0  }
0x29: {  	[sflag:s12] =	ssyncadd.s32 $0xFFFFFFB0  }
0x2a: {  	[tilespmem:s13], [sflag:$0x1] =	stream.linear.gather [hbm4b:s9+s3], $0x2800, $0x38;
	[tilespmem:$0x4F90] =	vst v63  }
0x2b: {  	_ =	swait.ge [sflag:s12], $0x2800  }
0x2c: {  	[sflag:s12] =	ssyncset.done $0x0  }
0x2d: {  	[sflag:s12] =	ssyncadd.s32 $0xFFFFD800  }
0x2e: {  	[spmem:s2] =	stream.indirect.scatter.add.f32 [tilespmem:s13], [sflag:$0x1], $0x10, s11, s14, $0xb8;
	[tilespmem:$0x4F90] =	vst v63  }
0x2f: {  	s19 =	simm.s32 $0x140;
	_ =	swait.ge [sflag:s12], $0x500  }
0x30: {  	s20 =	simm.s32 $0x280;
	s18 =	sadd.s32 $0xA000, s9;
	[sflag:s12] =	ssyncset.done $0x0  }
.LBB2_4:
0x31: {  	s21 =	sadd.s32 s19, s10  }
0x32: {  	[sflag:s12] =	ssyncadd.s32 $0xFFFFFB00;
	s19 =	smov.u32 s20;
	s22 =	sadd.s32 $0x140, s20  }
0x33: {  	[tilespmem:s11], [sflag:$0x1] =	stream.linear.gather [hbm4b:s21+s3], $0x50, $0x38;
	[tilespmem:$0x4F90] =	vst v63  }
0x34: {  	p1 =	sne.s32 s20, $0x9B00;
	_ =	swait.ge [sflag:s12], $0x50  }
0x35: {  	[sflag:s12] =	ssyncset.done $0x0  }
0x36: {  	[sflag:s12] =	ssyncadd.s32 $0xFFFFFFB0  }
0x37: {  	[tilespmem:s13], [sflag:$0x1] =	stream.linear.gather [hbm4b:s18+s3], $0x2800, $0x38;
	[tilespmem:$0x4F90] =	vst v63  }
0x38: {  	_ =	swait.ge [sflag:s12], $0x2800  }
.Ltmp1:
0x39: {  	[sflag:s12] =	ssyncset.done $0x0;
	(pc) =	sbr.rel @p1 .LBB2_4-.Ltmp1, $4  }
0x3a: {  	[sflag:s12] =	ssyncadd.s32 $0xFFFFD800  }
0x3b: {  	[spmem:s2] =	stream.indirect.scatter.add.f32 [tilespmem:s13], [sflag:$0x1], $0x10, s11, s14, $0xb8;
	[tilespmem:$0x4F90] =	vst v63  }
0x3c: {  	_ =	swait.ge [sflag:s12], $0x500  }
0x3d: {  	s20 =	smov.u32 s22;
	s18 =	sadd.s32 $0xA000, s18;
	[sflag:s12] =	ssyncset.done $0x0  }
0x3e: {  	s19 =	sadd.s32 s19, s10;
	[sflag:s12] =	ssyncadd.s32 $0xFFFFFB00  }
0x3f: {  	[tilespmem:s11], [sflag:$0x1] =	stream.linear.gather [hbm4b:s19+s3], $0x50, $0x38;
	[tilespmem:$0x4F90] =	vst v63  }
0x40: {  	_ =	swait.ge [sflag:s12], $0x50  }
0x41: {  	[sflag:s12] =	ssyncset.done $0x0  }
0x42: {  	[sflag:s12] =	ssyncadd.s32 $0xFFFFFFB0  }
0x43: {  	[tilespmem:s13], [sflag:$0x1] =	stream.linear.gather [hbm4b:s18+s3], $0x2800, $0x38;
	[tilespmem:$0x4F90] =	vst v63  }
0x44: {  	_ =	swait.ge [sflag:s12], $0x2800  }
0x45: {  	[sflag:s12] =	ssyncset.done $0x0  }
0x46: {  	[sflag:s12] =	ssyncadd.s32 $0xFFFFD800  }
0x47: {  	[spmem:s2] =	stream.indirect.scatter.add.f32 [tilespmem:s13], [sflag:$0x1], $0x10, s11, s14, $0xb8;
	[tilespmem:$0x4F90] =	vst v63  }
0x48: {  	_ =	swait.ge [sflag:s12], $0x500  }
0x49: {  	[sflag:s12] =	ssyncset.done $0x0  }
0x4a: {  	[sflag:s12] =	ssyncadd.s32 $0xFFFFFB00  }
0x4b: {  	s18 =	simm.s32 @p0 $0x1FC1;
	[bflag:$0x0] =	sbarrier.arrive $0xFFFF  }
0x4c: {  	[hbm:s7], [sflag:s18] =	dma.local @p0 [spmem:s15], $0x2080  }
0x4d: {  	s18 =	simm.s32 @p0 $0x1  }
0x4e: {  	_ =	swait.ge @p0 [sflag:s18], $0x2080  }
0x4f: {  	s17 =	sadd.s32 $0x1, s17;
	[sflag:s18] =	ssyncset.done @p0 $0x0  }
0x50: {  	p1 =	sne.s32 s17, s8;
	[sflag:s18] =	ssyncadd.s32 @p0 $0xFFFFDF80;
	s18 =	sshrl.u32 @!p0 s5, $0x3  }
0x51: {  	[hbm:s6], [sflag:s16] =	dma.local @!p0 [spmem:s18], $0x2780  }
.Ltmp2:
0x52: {  	_ = 	snop;
	(pc) =	sbr.rel @p1 .LBB2_1-.Ltmp2, $4  }
0x53: {  	s18 =	simm.s32 @!p0 $0x1  }
0x54: {  	_ =	swait.ge @!p0 [sflag:s18], $0x2780  }
0x55: {  	[sflag:s18] =	ssyncset.done @!p0 $0x0  }
0x56: {  	[sflag:s18] =	ssyncadd.s32 @!p0 $0xFFFFD880  }
0x57: {  	_ =	sfence.sel $0x180000  }
0x58: {  	[bflag:$0x0] =	sbarrier.arrive $0xFFFF  }
0x59: {  	p0 =	sne.s32 s1, $0x0;
	_ =	strace $0x90000050  }
0x5a: {  	s0 =	sadd.s32 @!p0 $0x100000, s0;
	[bflag:$0x2] =	sbarrier.arrive $0xFFFF  }
0x5b: {  	[sflag:s0] =	ssyncadd.tile.s32 @!p0 $0x1;
	_ =	shalt  }
.Lfunc_end2:
_tile_overlayer_lowered:
.L_overlay_start_2:
0x5c: {  	(tag) =	ssettag $0x2  }
0x5d: {  	s0 =	rddreg [dreg:$0x0];
	s2 =	stileid.u32  }
0x5e: {  	s1 =	rddreg [dreg:$0x1];
	p0 =	sne.s32 s2, $0x0  }
0x5f: {  	s3 =	rddreg [dreg:$0x2];
	[bflag:$0x3] =	sbarrier.arrive $0xFFFF;
	s2 =	simm.s32 @!p0 $0x1C01  }
0x60: {  	[timem:s3], [sflag:s2] =	dma.local @!p0 [hbm:s0], s1  }
0x61: {  	s0 =	simm.s32 @!p0 $0x1  }
0x62: {  	_ =	swait.ge @!p0 [sflag:s0], s1  }
0x63: {  	s1 =	ssub.s32 @!p0 $0x0, s1;
	[sflag:s0] =	ssyncset.done @!p0 $0x0  }
0x64: {  	[sflag:s0] =	ssyncadd.s32 @!p0 s1  }
0x65: {  	[bflag:$0x3] =	sbarrier.arrive $0xFFFF  }
0x66: {  	_ =	shalt  }

// kernel: kernel.9.cloned.1.call-start
scs
__scs_entry_jumppad:
0x0: {  	(pc) =	sbr.rel $0x88, $3  }
0x1: {  	(tag) =	ssettag $0x0;
	lr =	simm.s32 $0x1  }
0x2: {  	[smem:$0x3F88] =	sst lr;
	_ =	strace $0xD0000000  }
0x3: {  	_ = 	snop  }
0x4: {  	_ = 	snop  }
0x5: {  	_ = 	snop  }
0x6: {  	_ = 	snop  }
0x7: {  	_ = 	snop  }
__scs_overlays_trampoline_lowered:
0x8: {  	[smem:$0x3F97] =	sst s0  }
0x9: {  	[smem:$0x3F98] =	sst s1  }
0xa: {  	[smem:$0x3F99] =	sst s2  }
0xb: {  	[smem:$0x3F9A] =	sst s3  }
0xc: {  	[smem:$0x3F9B] =	sst s4  }
0xd: {  	[smem:$0x3F9C] =	sst s5  }
0xe: {  	[smem:$0x3F9D] =	sst s6  }
0xf: {  	[smem:$0x3F9E] =	sst s7  }
0x10: {  	[smem:$0x3F9F] =	sst s8  }
0x11: {  	[smem:$0x3FA0] =	sst s9;
	s0 =	simm.s32 @!p0 $0x0  }
0x12: {  	s1 =	sld [smem:$0x3F86];
	s0 =	simm.s32 @p0 $0x1  }
0x13: {  	[smem:$0x3FA1] =	sst s0;
	s0 =	simm.s32 @!p1 $0x0  }
0x14: {  	s2 =	sld [smem:$0x3F85];
	s0 =	simm.s32 @p1 $0x1  }
0x15: {  	[smem:$0x3FA2] =	sst s0;
	s0 =	simm.s32 @!p2 $0x0  }
0x16: {  	s3 =	sld [smem:$0x3FDB];
	s0 =	simm.s32 @p2 $0x1  }
0x17: {  	s4 =	simm.s32 $0x1BF5;
	[smem:$0x3FA4] =	sst s0  }
0x18: {  	s0 =	sld [smem:$0x3F87];
	_ =	swait.ge [sflag:s4], $0x0  }
0x19: {  	s7 =	sld [smem:$0x3F88]  }
0x1a: {  	s8 =	sadd.s32 $0xFFFFE003, lr  }
0x1b: {  	s9 =	sadd.s32 $0xFFFFFEF7, lr;
	s5 =	simm.s32 $0xFFFFFFFF;
	p2 =	slt.u32 s8, $0xFFFFF086  }
0x1c: {  	p1 =	slt.u32 s9, $0xF7A;
	s5 =	simm.s32 @!p2 $0x0  }
0x1d: {  	s5 =	simm.s32 @p1 $0x1;
	p0 =	seq.s32 s7, s2  }
0x1e: {  	s7 =	smul.u32 @!p0 $0xF7A, s2;
	p2 =	seq.s32 @!p0 s5, $0x0  }
0x1f: {  	s9 =	smul.u32 $0xF7A, s1;
	s8 =	simm.s32 @!p0 $0x1BF5;
	p2 =	por !p2, p0  }
0x20: {  	[sflag:s8] =	ssyncset.s32 @!p0 $0xFFFFF086;
	s6 =	sadd.s32 @!p0 s3, s7;
	s7 =	simm.s32 @!p0 $0x108  }
0x21: {  	s3 =	sadd.s32 s3, s9;
	s6 =	sadd.s32 @!p0 $0x88, s6;
	s7 =	simm.s32 @p2 $0x1082  }
0x22: {  	[simem:s7], [sflag:s8] =	dma.local @!p0 [hbm:s6], $0xF7A  }
0x23: {  	s9 =	sor.u32 $0xD0000000, s2;
	s6 =	simm.s32 $0x108;
	_ =	swait.ge @!p0 [sflag:s8], $0x0  }
0x24: {  	s3 =	sadd.s32 $0x88, s3;
	s6 =	simm.s32 @!p1 $0x1082;
	[sflag:s4] =	ssyncset.s32 $0xFFFFF086  }
0x25: {  	[simem:s6], [sflag:s4] =	dma.local [hbm:s3], $0xF7A  }
0x26: {  	[smem:$0x3F88] =	sst s1;
	(tag) =	ssettag s2;
	_ =	strace s9  }
0x27: {  	s1 =	sld [smem:$0x3F98]  }
0x28: {  	s2 =	sld [smem:$0x3F99]  }
0x29: {  	s4 =	sld [smem:$0x3F9B]  }
0x2a: {  	p0 =	seq.s32 s5, $0x0;
	s5 =	sld [smem:$0x3F9C]  }
0x2b: {  	s6 =	sld [smem:$0x3F9D]  }
0x2c: {  	s7 =	sld [smem:$0x3F9E]  }
0x2d: {  	s3 =	simm.s32 $0x108;
	s8 =	sld [smem:$0x3F9F]  }
0x2e: {  	s3 =	simm.s32 @!p0 $0x1082;
	s9 =	sld [smem:$0x3FA0]  }
0x2f: {  	lr =	sadd.s32 s0, s3;
	s0 =	sld [smem:$0x3F97]  }
0x30: {  	s3 =	sld [smem:$0x3F9A]  }
0x31: {  	[smem:$0x3FA3] =	sst s10  }
0x32: {  	s10 =	sld [smem:$0x3FA1];
	_ =	sdelay $0x3  }
0x33: {  	p0 =	seq.s32 s10, $0x1;
	s10 =	sld [smem:$0x3FA3];
	_ =	sdelay $0x3  }
0x34: {  	[smem:$0x3FA3] =	sst s10  }
0x35: {  	s10 =	sld [smem:$0x3FA2];
	_ =	sdelay $0x3  }
0x36: {  	p1 =	seq.s32 s10, $0x1;
	s10 =	sld [smem:$0x3FA3];
	_ =	sdelay $0x3  }
0x37: {  	[smem:$0x3FA3] =	sst s10  }
0x38: {  	s10 =	sld [smem:$0x3FA4]  }
0x39: {  	_ = 	snop;
	(pc) =	sbr.ind lr, $3  }
0x3a: {  	_ = 	snop  }
0x3b: {  	_ = 	snop  }
0x3c: {  	p2 =	seq.s32 s10, $0x1;
	s10 =	sld [smem:$0x3FA3]  }
0x3d: {  	_ =	shalt  }
0x3e: {  	_ =	shalt  }
0x3f: {  	_ =	shalt  }
0x40: {  	_ =	shalt  }
0x41: {  	_ =	shalt  }
0x42: {  	_ =	shalt  }
0x43: {  	_ =	shalt  }
0x44: {  	_ =	shalt  }
0x45: {  	_ =	shalt  }
0x46: {  	_ =	shalt  }
0x47: {  	_ =	shalt  }
0x48: {  	_ =	shalt  }
0x49: {  	_ =	shalt  }
0x4a: {  	_ =	shalt  }
0x4b: {  	_ =	shalt  }
0x4c: {  	_ =	shalt  }
0x4d: {  	_ =	shalt  }
0x4e: {  	_ =	shalt  }
0x4f: {  	_ =	shalt  }
0x50: {  	_ =	shalt  }
0x51: {  	_ =	shalt  }
0x52: {  	_ =	shalt  }
0x53: {  	_ =	shalt  }
0x54: {  	_ =	shalt  }
0x55: {  	_ =	shalt  }
0x56: {  	_ =	shalt  }
0x57: {  	_ =	shalt  }
0x58: {  	_ =	shalt  }
0x59: {  	_ =	shalt  }
0x5a: {  	_ =	shalt  }
0x5b: {  	_ =	shalt  }
0x5c: {  	_ =	shalt  }
0x5d: {  	_ =	shalt  }
0x5e: {  	_ =	shalt  }
0x5f: {  	_ =	shalt  }
0x60: {  	_ =	shalt  }
0x61: {  	_ =	shalt  }
0x62: {  	_ =	shalt  }
0x63: {  	_ =	shalt  }
0x64: {  	_ =	shalt  }
0x65: {  	_ =	shalt  }
0x66: {  	_ =	shalt  }
0x67: {  	_ =	shalt  }
0x68: {  	_ =	shalt  }
0x69: {  	_ =	shalt  }
0x6a: {  	_ =	shalt  }
0x6b: {  	_ =	shalt  }
0x6c: {  	_ =	shalt  }
0x6d: {  	_ =	shalt  }
0x6e: {  	_ =	shalt  }
0x6f: {  	_ =	shalt  }
0x70: {  	_ =	shalt  }
0x71: {  	_ =	shalt  }
0x72: {  	_ =	shalt  }
0x73: {  	_ =	shalt  }
0x74: {  	_ =	shalt  }
0x75: {  	_ =	shalt  }
0x76: {  	_ =	shalt  }
0x77: {  	_ =	shalt  }
0x78: {  	_ =	shalt  }
0x79: {  	_ =	shalt  }
0x7a: {  	_ =	shalt  }
0x7b: {  	_ =	shalt  }
0x7c: {  	_ =	shalt  }
0x7d: {  	_ =	shalt  }
0x7e: {  	_ =	shalt  }
0x7f: {  	_ =	shalt  }
0x80: {  	_ =	shalt  }
0x81: {  	_ =	shalt  }
0x82: {  	_ =	shalt  }
0x83: {  	_ =	shalt  }
0x84: {  	_ =	shalt  }
0x85: {  	_ =	shalt  }
0x86: {  	_ =	shalt  }
0x87: {  	_ =	shalt  }
.Lfunc_end0:
.L_simem_size_0:
called_computation_lowered:
.L_overlay_start_0:
0x88: {  	s2 =	sld [smem:$0x3FD9]  }
0x89: {  	s3 =	sld [smem:$0x3FFE];
	_ =	sdelay $0x1  }
0x8a: {  	s1 =	srdreg.scid  }
0x8b: {  	s0 =	sand.u32 $0x1, s1  }
0x8c: {  	s17 =	sshll.u32 s0, $0xA;
	s2 =	sadd.s32 s3, s2  }
0x8d: {  	s2 =	sadd.s32 s2, s17  }
0x8e: {  	[smem:$0x3FAF] =	sst s2  }
0x8f: {  	_ = 	snop  }
0x90: {  	s2 =	sld [smem:$0x3FC0]  }
0x91: {  	s18 =	sld [smem:$0x3FBF];
	(tm) =	ssettm $0x1  }
0x92: {  	s4 =	sld [smem:$0x3FFB];
	_ =	sdelay $0x3  }
0x93: {  	_ =	strace s4  }
0x94: {  	s4 =	sld [smem:$0x3FFC];
	_ =	sdelay $0x3  }
0x95: {  	_ =	strace s4  }
0x96: {  	s4 =	sld [smem:$0x3FFD];
	_ =	sdelay $0x3  }
0x97: {  	_ =	strace s4  }
0x98: {  	_ =	strace $0x8FFFFFFF  }
0x99: {  	s19 =	sld [smem:$0x3FDB];
	_ =	sdelay $0x1  }
0x9a: {  	s5 =	simm.s32 $_scs_section_size  }
0x9b: {  	s6 =	simm.s32 $_size__tile_overlayer_lowered;
	s7 =	simm.s32 $_tile_overlayer_lowered  }
0x9c: {  	s22 =	simm.s32 $0x1BFF;
	s21 =	sshll.u32 s7, $0x1;
	s4 =	sadd.s32 s5, s19  }
0x9d: {  	s8 =	simm.s32 $0x0;
	s20 =	sshll.u32 s6, $0x1;
	s6 =	sadd.s32 s21, s4  }
0x9e: {  	[timem:s8], [sflag:s22] =	dma.local [hbm:s6], s20  }
0x9f: {  	_ =	swait.ge [sflag:s22], s20  }
0xa0: {  	s5 =	ssub.s32 $0x0, s20;
	[sflag:s22] =	ssyncset.done $0x0  }
0xa1: {  	[sflag:s22] =	ssyncadd.s32 s5;
	_ =	sdelay $0x1  }
0xa2: {  	s23 =	simm.s32 $0x1B8B  }
0xa3: {  	_ =	swait.ge [sflag:s23], $0x1  }
0xa4: {  	[sflag:s23] =	ssyncset.done $0x0  }
0xa5: {  	s25 =	simm.s32 $0x1B8E;
	s24 =	sld [smem:$0x3FFE];
	[sflag:s23] =	ssyncadd.s32 $0xFFFFFFFF  }
0xa6: {  	s26 =	simm.s32 $execute0_lowered;
	[smem:$0x3FD2] =	sst s25  }
0xa7: {  	s6 =	sshll.u32 s26, $0x1;
	_ =	strace $0x80000046;
	[dreg:$0x1] =	wrdreg $0xFFFFFFFF  }
0xa8: {  	s28 =	simm.s32 $_size_execute0_lowered;
	s4 =	sadd.s32 s4, s6;
	[dreg:$0x0] =	wrdreg $0x0  }
0xa9: {  	s6 =	sshll.u32 s28, $0x1;
	[dreg:$0x2] =	wrdreg s4  }
0xaa: {  	[dreg:$0x3] =	wrdreg s6  }
0xab: {  	[dreg:$0x4] =	wrdreg $0xC0  }
0xac: {  	_ =	task [dreg:s8], $0x5FFFF  }
0xad: {  	[dreg:$0x1] =	wrdreg $0xFFFFFFFF  }
0xae: {  	[dreg:$0x0] =	wrdreg $0x60  }
0xaf: {  	[dreg:$0x2] =	wrdreg s24  }
0xb0: {  	[dreg:$0x3] =	wrdreg s2  }
0xb1: {  	[dreg:$0x4] =	wrdreg s18  }
0xb2: {  	[dreg:$0x5] =	wrdreg $0x0  }
0xb3: {  	[dreg:$0x6] =	wrdreg $0x9  }
0xb4: {  	_ =	task.clear_ibuf [dreg:s8], $0x7FFFF;
	_ =	strace $0x90000046  }
0xb5: {  	s29 =	simm.s32 $0x9;
	_ =	strace $0x80000048  }
0xb6: {  	_ =	swait.ge [sflag:s29], $0x1  }
0xb7: {  	[sflag:s29] =	ssyncadd.s32 $0xFFFFFFFF  }
0xb8: {  	_ =	strace $0x90000048  }
0xb9: {  	_ =	sfence  }
0xba: {  	s30 =	sld [smem:$0x0];
	_ =	sdelay $0x2  }
0xbb: {  	s31 =	sshll.u32 s1, $0xD;
	s1 =	sshrl.u32 s1, $0x2  }
0xbc: {  	s3 =	sand.u32 $0x4000, s31;
	s1 =	sadd.s32 s1, s30  }
0xbd: {  	s0 =	sor.u32 s3, s0;
	s1 =	sshll.u32 s1, $0x11  }
0xbe: {  	s0 =	sor.u32 s1, s0  }
0xbf: {  	s0 =	sadd.s32 $0x8F2B, s0  }
0xc0: {  	[sflag:s0] =	ssyncadd.remote.s32 $0x1  }
0xc1: {  	_ =	sfence.sel $0xFFFF  }
0xc2: {  	[dreg:$0x0] =	wrdreg $0xFFFFFFFF;
	(pc) =	sbr.abs _section_cstart, $3  }
0xc3: {  	[dreg:$0x1] =	wrdreg $0xFFFFFFFF  }
0xc4: {  	_ =	task.clear_ibuf [dreg:s8], $0x2FFFF;
	_ =	strace $0x9FFFFFFF  }
0xc5: {  	(tm) =	ssettm $0x7FFFFFFF  }
tec
execute0_lowered:
.L_overlay_start_1:
0x0: {  	(tag) =	ssettag $0x1  }
0x1: {  	s0 =	rddreg [dreg:$0x0]  }
0x2: {  	s3 =	rddreg [dreg:$0x3];
	s1 =	simm.s32 $0x0;
	s22 =	srdreg.scid  }
0x3: {  	s14 =	stileid.u32;
	s28 =	simm.s32 $0x13900;
	s29 =	simm.s32 $0x28  }
0x4: {  	s15 =	simm.s32 $0x1;
	s16 =	simm.s32 $0x2;
	s17 =	simm.s32 $0x1B280  }
0x5: {  	s18 =	simm.s32 $0x1C680;
	s19 =	simm.s32 $0x3;
	s20 =	simm.s32 $0x4  }
0x6: {  	[smem:$0x7FF] =	sst s1;
	s5 =	sadd.s32 $0x19600, s0;
	s6 =	sadd.s32 $0x40800, s0  }
0x7: {  	s8 =	sadd.s32 $0x5A00, s0;
	s9 =	sadd.s32 $0xF800, s0;
	s10 =	sadd.s32 $0x4FB600, s0  }
0x8: {  	s1 =	sand.u32 $0x1, s22;
	s2 =	sadd.s32 $0x67A00, s0;
	s23 =	smul.u32 $0x4F000, s14  }
0x9: {  	s7 =	sshll.u32 s14, $0x1;
	p0 =	seq.s32 s14, $0xF;
	s14 =	smul.u32 $0x13C00, s14  }
0xa: {  	s4 =	ssub.s32 $0x2, s1;
	s11 =	sor.u32 s1, s7;
	s1 =	smul.u32 $0x138800, s1  }
0xb: {  	s12 =	sadd.s32 $0x9DD600, s0;
	_ =	strace $0x80000047;
	s25 =	smul.u32 $0x5, s11  }
0xc: {  	s13 =	sshrl.u32 s4, $0x1;
	s7 =	sshrl.u32 s23, $0x2;
	s30 =	smul.u32 $0x280, s11  }
0xd: {  	s21 =	sor.u32 $0x20, s11;
	s23 =	simm.s32 $0x5;
	s24 =	ssub.s32 s4, s13  }
0xe: {  	s13 =	simm.s32 $0x41;
	s22 =	sadd.s32 s7, s3;
	s31 =	sadd.s32 s14, s1  }
0xf: {  	s1 =	sshrl.u32 s1, $0x3;
	s26 =	sadd.s32 s8, s25;
	[dreg:$0x5] =	wrdreg s22  }
0x10: {  	s13 =	simm.s32 @!p0 $0x4F;
	s4 =	sadd.s32 s9, s25;
	[dreg:$0x6] =	wrdreg s26  }
0x11: {  	s7 =	sadd.s32 s10, s30;
	s1 =	sadd.s32 s2, s1;
	[dreg:$0x7] =	wrdreg s4  }
0x12: {  	v0 =	vimm.f32 $0.0e+00;
	v30 =	vimm.s32 $0x0;
	s0 =	smax.u32 s24, $0x1;
	[dreg:$0x8] =	wrdreg s7;
	s4 =	sshrl.u32 s31, $0x3  }
0x13: {  	v25 =	vimm.s32 $0x1;
	v26 =	vimm.s32 $0x2;
	v27 =	vimm.s32 $0x3;
	s1 =	sadd.s32 $0x25080, s1;
	[dreg:$0xb] =	wrdreg s0;
	s26 =	simm.s32 $0x13880  }
0x14: {  	v5 =	vimm.s32 $0xF;
	vm0 =	vmmov $0x1;
	vm1 =	vcmask $0x320;
	s2 =	sadd.s32 s2, s4;
	[dreg:$0xa] =	wrdreg s1;
	s1 =	sadd.s32 $0x128400, s3  }
0x15: {  	vm2 =	vcmask $0x720;
	vm3 =	vcmask $0xB20;
	vm4 =	vcmask $0xF20;
	s7 =	simm.s32 $0x0;
	[dreg:$0x9] =	wrdreg s2;
	s0 =	sshrl.u32 @p0 s1, $0x3  }
0x16: {  	vm5 =	vcmask $0x1320;
	vm6 =	vcmask $0x1720;
	vm7 =	vcmask $0x1B20;
	s1 =	simm.s32 $0x17580;
	s2 =	simm.s32 $0x17600;
	[dreg:$0xc] =	wrdreg s0  }
.LBB2_1:
0x17: {  	[dreg:$0xd] =	wrdreg s7  }
0x18: {  	s0 =	rddreg [dreg:$0x1];
	s4 =	simm.s32 $0x0;
	s25 =	simm.s32 $0x1DA80  }
0x19: {  	[tilespmem:s25], [sflag:$0x5] =	stream.linear.gather [hbm4b:s0+s4], $0x200, $0x38;
	[tilespmem:$0x1E080] =	vst v63  }
0x1a: {  	_ =	swait.ge [sflag:s23], $0x200  }
0x1b: {  	[sflag:s23] =	ssyncset.done $0x0  }
0x1c: {  	[sflag:s23] =	ssyncadd.s32 $0xFFFFFE00  }
0x1d: {  	s31 =	simm.s32 $0x1DC80;
	s30 =	rddreg [dreg:$0x2]  }
0x1e: {  	[tilespmem:s31], [sflag:$0x5] =	stream.linear.gather [hbm4b:s30+s4], $0x400, $0x38;
	[tilespmem:$0x1E080] =	vst v63  }
0x1f: {  	_ =	swait.ge [sflag:s23], $0x400  }
0x20: {  	[sflag:s23] =	ssyncset.done $0x0  }
0x21: {  	s0 =	simm.s32 $0x0;
	s4 =	simm.s32 $0x200;
	[sflag:s23] =	ssyncadd.s32 $0xFFFFFC00  }
.LBB2_2:
0x22: {  	p1 =	sne.s32 s4, $0x4E00;
	[tilespmem:s0+$0x1B2F0] =	vst v0  }
0x23: {  	[tilespmem:s0+$0x1B280] =	vst v0  }
0x24: {  	[tilespmem:s0+$0x1B290] =	vst v0  }
.Ltmp0:
0x25: {  	[tilespmem:s0+$0x1B2A0] =	vst v0;
	(pc) =	sbr.rel @p1 .LBB2_2-.Ltmp0, $4  }
0x26: {  	[tilespmem:s0+$0x1B2B0] =	vst v0  }
0x27: {  	[tilespmem:s0+$0x1B2C0] =	vst v0  }
0x28: {  	[tilespmem:s0+$0x1B2D0] =	vst v0  }
0x29: {  	[tilespmem:s0+$0x1B2E0] =	vst v0;
	s0 =	sshra.s32 s4, $0x2;
	s4 =	sadd.s32 $0x200, s4  }
0x2a: {  	[tilespmem:s0+$0x1B2F0] =	vst v0  }
0x2b: {  	[tilespmem:s0+$0x1B280] =	vst v0  }
0x2c: {  	[tilespmem:s0+$0x1B290] =	vst v0  }
0x2d: {  	[tilespmem:s0+$0x1B2A0] =	vst v0  }
0x2e: {  	[tilespmem:s0+$0x1B2B0] =	vst v0  }
0x2f: {  	[tilespmem:s0+$0x1B2C0] =	vst v0  }
0x30: {  	[tilespmem:s0+$0x1B2D0] =	vst v0;
	p1 =	sle.u32 s13, $0x0  }
0x31: {  	[tilespmem:s0+$0x1B2E0] =	vst v0;
	s0 =	simm.s32 @!p1 $0x1B280;
	s7 =	simm.s32 @!p1 $0x5  }
0x32: {  	[spmem:s22] =	stream.linear.scatter @!p1 [tilespmem:s0], [sflag:$0x5], $0x400, $0x38;
	[tilespmem:$0x1E080] =	vst v63  }
0x33: {  	_ =	swait.ge @!p1 [sflag:s7], $0x400  }
0x34: {  	s4 =	smov.u32 s22;
	s0 =	simm.s32 $0x1;
	[sflag:s7] =	ssyncset.done @!p1 $0x0  }
.LBB2_4:
0x35: {  	[sflag:s7] =	ssyncadd.s32 @!p1 $0xFFFFFC00;
	s7 =	smov.u32 s0;
	s0 =	sadd.s32 $0x1, s0  }
0x36: {  	s4 =	sadd.s32 $0x400, s4;
	p2 =	sne.s32 s0, $0x4F  }
.Ltmp1:
0x37: {  	p1 =	sge.u32 s7, s13;
	(pc) =	sbr.rel @p2 .LBB2_4-.Ltmp1, $4  }
0x38: {  	s14 =	simm.s32 @!p1 $0x1B280;
	s7 =	simm.s32 @!p1 $0x5  }
0x39: {  	[spmem:s4] =	stream.linear.scatter @!p1 [tilespmem:s14], [sflag:$0x5], $0x400, $0x38;
	[tilespmem:$0x1E080] =	vst v63  }
0x3a: {  	_ =	swait.ge @!p1 [sflag:s7], $0x400  }
0x3b: {  	[sflag:s7] =	ssyncset.done @!p1 $0x0  }
0x3c: {  	[sflag:s7] =	ssyncadd.s32 @!p1 $0xFFFFFC00  }
0x3d: {  	[bflag:$0x0] =	sbarrier.arrive $0xFFFF  }
0x3e: {  	v28 =	vld [tilespmem:$0x1DA80]  }
0x3f: {  	v29 =	vld [tilespmem:$0x1DA90]  }
0x40: {  	v15 =	vld [tilespmem:$0x1DAA0]  }
0x41: {  	v1 =	vld [tilespmem:$0x1DAB0]  }
0x42: {  	v63 =	vld [tilespmem:$0x1DAC0]  }
0x43: {  	v61 =	vld [tilespmem:$0x1DAD0]  }
0x44: {  	v24 =	vld [tilespmem:$0x1DAE0]  }
0x45: {  	v23 =	vld [tilespmem:$0x1DAF0]  }
0x46: {  	v17 =	vld [tilespmem:$0x1DB00]  }
0x47: {  	v59 =	vld [tilespmem:$0x1DB10]  }
0x48: {  	v0 =	vld [tilespmem:$0x1DBF0]  }
0x49: {  	v18 =	vld [tilespmem:$0x1DB20]  }
0x4a: {  	v37 =	vld [tilespmem:$0x1DB30]  }
0x4b: {  	v8 =	vld [tilespmem:$0x1DB40]  }
0x4c: {  	v62 =	vld [tilespmem:$0x1DB50]  }
0x4d: {  	[tilespmem:$0x1FE40] =	vst v0;
	v0 =	vld [tilespmem:$0x1DC80]  }
0x4e: {  	v6 =	vld [tilespmem:$0x1DB60]  }
0x4f: {  	v19 =	vld [tilespmem:$0x1DB70]  }
0x50: {  	v38 =	vld [tilespmem:$0x1DB80]  }
0x51: {  	v40 =	vld [tilespmem:$0x1DB90]  }
0x52: {  	[tilespmem:$0x1FE50] =	vst v0;
	v0 =	vld [tilespmem:$0x1DD00]  }
0x53: {  	v42 =	vld [tilespmem:$0x1DBA0]  }
0x54: {  	v20 =	vld [tilespmem:$0x1DBB0]  }
0x55: {  	v21 =	vld [tilespmem:$0x1DBC0]  }
0x56: {  	v16 =	vld [tilespmem:$0x1DBD0]  }
0x57: {  	[tilespmem:$0x1FE60] =	vst v0;
	v0 =	vld [tilespmem:$0x1DE00]  }
0x58: {  	v22 =	vld [tilespmem:$0x1DBE0]  }
0x59: {  	v45 =	vld [tilespmem:$0x1DC00]  }
0x5a: {  	v43 =	vld [tilespmem:$0x1DC10]  }
0x5b: {  	v41 =	vld [tilespmem:$0x1DC20]  }
0x5c: {  	[tilespmem:$0x1FE70] =	vst v0;
	v0 =	vld [tilespmem:$0x1DF80]  }
0x5d: {  	v33 =	vld [tilespmem:$0x1DC30]  }
0x5e: {  	v34 =	vld [tilespmem:$0x1DC40]  }
0x5f: {  	v35 =	vld [tilespmem:$0x1DC50]  }
0x60: {  	v36 =	vld [tilespmem:$0x1DC60]  }
0x61: {  	[tilespmem:$0x1FE80] =	vst v0;
	v0 =	vld [tilespmem:$0x1E000]  }
0x62: {  	v11 =	vld [tilespmem:$0x1DC70]  }
0x63: {  	v60 =	vld [tilespmem:$0x1DD80]  }
0x64: {  	s14 =	simm.s32 $0x0;
	v10 =	vld [tilespmem:$0x1DE80];
	s0 =	rddreg [dreg:$0x6]  }
0x65: {  	v9 =	vld [tilespmem:$0x1DF00];
	[tilespmem:s26], [sflag:$0x5] =	stream.linear.gather [hbm4b:s0+s14], $0x28, $0x38  }
0x66: {  	[tilespmem:$0x1FE90] =	vst v0  }
0x67: {  	_ =	swait.ge [sflag:s23], $0x28  }
0x68: {  	[sflag:s23] =	ssyncset.done $0x0  }
0x69: {  	s24 =	rddreg [dreg:$0x7];
	[sflag:s23] =	ssyncadd.s32 $0xFFFFFFD8  }
0x6a: {  	[tilespmem:s28], [sflag:$0x5] =	stream.linear.gather [hbm4b:s24+s14], $0x28, $0x38;
	[tilespmem:$0x1E080] =	vst v63  }
0x6b: {  	_ =	swait.ge [sflag:s23], $0x28  }
0x6c: {  	[sflag:s23] =	ssyncset.done $0x0  }
0x6d: {  	s25 =	simm.s32 $0x13980;
	[sflag:s23] =	ssyncadd.s32 $0xFFFFFFD8  }
0x6e: {  	[tilespmem:s25], [sflag:$0x1] =	stream.indirect.gather [hbm4b:s5+s29], $0x80, s26, s29, $0xb8;
	[tilespmem:$0x1E080] =	vst v63  }
0x6f: {  	s30 =	simm.s32 $0x14D80  }
0x70: {  	[tilespmem:s30], [sflag:$0x2] =	stream.indirect.gather [hbm4b:s6+s29], $0x80, s28, s29, $0xb8;
	[tilespmem:$0x1E080] =	vst v63  }
0x71: {  	s4 =	simm.s32 $0x16180;
	s31 =	rddreg [dreg:$0x8]  }
0x72: {  	[tilespmem:s4], [sflag:$0x5] =	stream.linear.gather [hbm4b:s31+s14], $0x1400, $0x38;
	[tilespmem:$0x1E080] =	vst v63  }
0x73: {  	_ =	swait.ge [sflag:s23], $0x1400  }
0x74: {  	[tilespmem:$0x1FEA0] =	vst v60  }
0x75: {  	[tilespmem:$0x1FEB0] =	vst v11  }
0x76: {  	[tilespmem:$0x1FEC0] =	vst v10  }
0x77: {  	[tilespmem:$0x1FED0] =	vst v9  }
0x78: {  	[tilespmem:$0x1FEE0] =	vst v20  }
0x79: {  	[tilespmem:$0x1FEF0] =	vst v21  }
0x7a: {  	[tilespmem:$0x1FF00] =	vst v16  }
0x7b: {  	[tilespmem:$0x1FF10] =	vst v59  }
0x7c: {  	[tilespmem:$0x1FF20] =	vst v37  }
0x7d: {  	[tilespmem:$0x1FF30] =	vst v62  }
0x7e: {  	[tilespmem:$0x1FF40] =	vst v19  }
0x7f: {  	[tilespmem:$0x1FF50] =	vst v17  }
0x80: {  	[tilespmem:$0x1FF60] =	vst v18  }
0x81: {  	[tilespmem:$0x1FF70] =	vst v8  }
0x82: {  	[tilespmem:$0x1FF80] =	vst v6  }
0x83: {  	[tilespmem:$0x1FF90] =	vst v15  }
0x84: {  	[tilespmem:$0x1FFA0] =	vst v1  }
0x85: {  	[tilespmem:$0x1FFB0] =	vst v63  }
0x86: {  	[tilespmem:$0x1FFC0] =	vst v61  }
0x87: {  	[tilespmem:$0x1FFD0] =	vst v41  }
0x88: {  	[sflag:s23] =	ssyncset.done $0x0;
	[tilespmem:$0x1FFE0] =	vst v43  }
0x89: {  	s25 =	simm.s32 $0x0;
	[tilespmem:$0x1FFF0] =	vst v22;
	[sflag:s23] =	ssyncadd.s32 $0xFFFFEC00  }
.LBB2_6:
0x8a: {  	s24 =	sshll.u32 s25, $0x6  }
0x8b: {  	s0 =	sor.u32 s21, s24  }
0x8c: {  	s4 =	smul.u32 $0x5, s0;
	_ =	sdelay $0x1  }
0x8d: {  	s7 =	sadd.s32 s8, s4  }
0x8e: {  	[tilespmem:s1], [sflag:$0x5] =	stream.linear.gather [hbm4b:s7+s14], $0x28, $0x38;
	[tilespmem:$0x1E080] =	vst v63  }
0x8f: {  	_ =	swait.ge [sflag:s23], $0x28  }
0x90: {  	[sflag:s23] =	ssyncset.done $0x0  }
0x91: {  	s4 =	sadd.s32 s9, s4;
	[sflag:s23] =	ssyncadd.s32 $0xFFFFFFD8  }
0x92: {  	[tilespmem:s2], [sflag:$0x5] =	stream.linear.gather [hbm4b:s4+s14], $0x28, $0x38;
	[tilespmem:$0x1E080] =	vst v63  }
0x93: {  	_ =	swait.ge [sflag:s23], $0x28  }
0x94: {  	[sflag:s23] =	ssyncset.done $0x0  }
0x95: {  	s22 =	simm.s32 $0x17680;
	[sflag:s23] =	ssyncadd.s32 $0xFFFFFFD8  }
0x96: {  	[tilespmem:s22], [sflag:$0x3] =	stream.indirect.gather [hbm4b:s5+s29], $0x80, s1, s29, $0xb8;
	[tilespmem:$0x1E080] =	vst v63  }
0x97: {  	s7 =	simm.s32 $0x18A80;
	s22 =	smul.u32 $0x280, s0  }
0x98: {  	[tilespmem:s7], [sflag:$0x4] =	stream.indirect.gather [hbm4b:s6+s29], $0x80, s2, s29, $0xb8;
	[tilespmem:$0x1E080] =	vst v63  }
0x99: {  	s4 =	sadd.s32 s10, s22;
	s7 =	simm.s32 $0x19E80  }
0x9a: {  	[tilespmem:s7], [sflag:$0x5] =	stream.linear.gather [hbm4b:s4+s14], $0x1400, $0x38;
	[tilespmem:$0x1E080] =	vst v63  }
0x9b: {  	_ =	swait.ge [sflag:s23], $0x1400  }
0x9c: {  	[sflag:s23] =	ssyncset.done $0x0  }
0x9d: {  	[sflag:s23] =	ssyncadd.s32 $0xFFFFEC00  }
0x9e: {  	_ =	swait.ge [sflag:s15], $0x1400  }
0x9f: {  	[sflag:s15] =	ssyncset.done $0x0  }
0xa0: {  	[sflag:s15] =	ssyncadd.s32 $0xFFFFEC00  }
0xa1: {  	_ =	swait.ge [sflag:s16], $0x1400  }
0xa2: {  	[sflag:s16] =	ssyncset.done $0x0  }
0xa3: {  	s7 =	simm.s32 $0x0;
	[sflag:s16] =	ssyncadd.s32 $0xFFFFEC00  }
0xa4: {  	v0 =	vld [tilespmem:s7+$0x16180]  }
0xa5: {  	v2 =	vld [tilespmem:s7+$0x14D80]  }
0xa6: {  	v47 =	vld [tilespmem:s7+$0x13980]  }
0xa7: {  	v4 =	vld [tilespmem:s7+$0x14DA0]  }
0xa8: {  	v48 =	vld [tilespmem:s7+$0x139A0]  }
0xa9: {  	v39 =	vmov v6;
	v50 =	vld [tilespmem:s7+$0x14DC0];
	v3 =	vperm.xlane v0, v30;
	v6 =	vperm.xlane v0, v25  }
0xaa: {  	v31 =	vld [tilespmem:s7+$0x139C0];
	v7 =	vperm.xlane v0, v26;
	v0 =	vperm.xlane v0, v27  }
0xab: {  	v44 =	vmovc v18;
	v18 =	vmov v10;
	v9 =	vmul.f32 v3, v28;
	v10 =	vmul.f32 v3, v29  }
0xac: {  	v32 =	vmovc v17;
	v56 =	vmovc v15;
	v17 =	vmov v11;
	v11 =	vmul.f32 v3, v23;
	v12 =	vmul.f32 v7, v38  }
0xad: {  	v15 =	vmovc v8;
	v2 =	vadd.f32 v2, v47;
	v13 =	vmul.f32 v7, v40;
	v14 =	vmul.f32 v7, v42  }
0xae: {  	v4 =	vadd.f32 v4, v48;
	v51 =	vmul.f32 v6, v15;
	v52 =	vmul.f32 v3, v63  }
0xaf: {  	v58 =	vmovc v1;
	v50 =	vadd.f32 v50, v31;
	v54 =	vmul.f32 v6, v19;
	v55 =	vmul.f32 v7, v21  }
0xb0: {  	v57 =	vmul.f32 v6, v32;
	v32 =	vmul.f32 v3, v58;
	v51 =	vadd.f32 v51, v52  }
0xb1: {  	v58 =	vmul.f32 v6, v59;
	v52 =	vmul.f32 v6, v44;
	v11 =	vadd.f32 v54, v11  }
0xb2: {  	v54 =	vmul.f32 v3, v56;
	v44 =	vmul.f32 v0, v34;
	v51 =	vadd.f32 v55, v51  }
0xb3: {  	v61 =	vmul.f32 v3, v61;
	v9 =	vadd.f32 v57, v9;
	v10 =	vadd.f32 v58, v10  }
0xb4: {  	v56 =	vmul.f32 v6, v37;
	v52 =	vadd.f32 v52, v54;
	v51 =	vadd.f32 v44, v51  }
0xb5: {  	v3 =	vmul.f32 v3, v24;
	v55 =	vmul.f32 v0, v41;
	v9 =	vadd.f32 v12, v9  }
0xb6: {  	v54 =	vmul.f32 v0, v45;
	v14 =	vadd.f32 v14, v52;
	v50 =	vadd.f32 v50, v51  }
0xb7: {  	v12 =	vmul.f32 v0, v33;
	v59 =	vadd.f32 v56, v32;
	v44 =	vmul.f32 v7, v20  }
0xb8: {  	v32 =	vld [tilespmem:s7+$0x14DD0];
	v9 =	vadd.f32 v54, v9;
	v14 =	vadd.f32 v55, v14;
	v55 =	vmul.f32 $2.000000030e-01, v50  }
0xb9: {  	v52 =	vadd.f32 v44, v59;
	v44 =	vmul.f32 v6, v62;
	v6 =	vmul.f32 v6, v39;
	v39 =	vld [tilespmem:$0x1FE40]  }
0xba: {  	v10 =	vadd.f32 v13, v10;
	v51 =	vld [tilespmem:s7+$0x139D0];
	v4 =	vadd.f32 v4, v14;
	v14 =	vmax.f32 v50, v55  }
0xbb: {  	v2 =	vadd.f32 v2, v9;
	v59 =	vmul.f32 v7, v16;
	v14 =	vmul.f32 v14, v18  }
0xbc: {  	v9 =	vadd.f32 v44, v61;
	v61 =	vld [tilespmem:s7+$0x14DE0];
	v3 =	vadd.f32 v6, v3;
	v6 =	vmul.f32 v7, v22  }
0xbd: {  	v16 =	vmul.f32 v0, v35;
	v12 =	vadd.f32 v12, v52;
	v52 =	vld [tilespmem:s7+$0x139E0];
	(xrf2) =	vadd.scan.msk.f32 $0xffff, v14;
	v14 =	vmul.f32 $2.000000030e-01, v4  }
0xbe: {  	v9 =	vadd.f32 v59, v9;
	v3 =	vadd.f32 v6, v3;
	v7 =	vmul.f32 v7, v39  }
0xbf: {  	v1 =	vld [tilespmem:s7+$0x14DB0];
	v13 =	vadd.f32 v32, v51;
	v32 =	vmul.f32 v0, v36;
	v4 =	vmax.f32 v4, v14  }
0xc0: {  	v46 =	vld [tilespmem:s7+$0x139B0];
	v9 =	vadd.f32 v16, v9;
	v4 =	vmul.f32 v4, v60  }
0xc1: {  	v8 =	vld [tilespmem:s7+$0x14D90];
	v6 =	vadd.f32 v7, v11;
	v3 =	vadd.f32 v32, v3  }
0xc2: {  	v7 =	vadd.f32 v13, v9;
	v9 =	vadd.f32 v61, v52;
	[tilespmem:$0x1FE10] =	vst v4;
	v4 =	vld [tilespmem:$0x1FE50]  }
0xc3: {  	s4 =	simm.s32 $0x80;
	v49 =	vld [tilespmem:s7+$0x13990];
	v53 =	vmul.f32 v0, v43  }
0xc4: {  	v0 =	vmul.f32 v0, v17;
	v13 =	vmul.f32 $2.000000030e-01, v2;
	v3 =	vadd.f32 v9, v3;
	v9 =	vld [tilespmem:s4+$0x16180]  }
0xc5: {  	v62 =	vld [tilespmem:s7+$0x14DF0]  }
0xc6: {  	v50 =	vld [tilespmem:s7+$0x139F0];
	v0 =	vadd.f32 v0, v6;
	v6 =	vmul.f32 $2.000000030e-01, v7;
	v2 =	vmax.f32 v2, v13  }
0xc7: {  	v1 =	vadd.f32 v1, v46;
	v2 =	vmul.f32 v2, v4;
	v4 =	vld [tilespmem:$0x1FE80]  }
0xc8: {  	v8 =	vadd.f32 v8, v49;
	v32 =	vld [tilespmem:$0x1FED0];
	v6 =	vmax.f32 v7, v6;
	v7 =	vadd.f32 v53, v10  }
0xc9: {  	v1 =	vadd.f32 v1, v12;
	v10 =	vmul.f32 $2.000000030e-01, v3;
	v14 =	vperm.xlane v9, v25;
	v12, _, _ =	vpop (xrf2)  }
0xca: {  	v7 =	vadd.f32 v8, v7;
	v8 =	vperm.xlane v12, v5  }
0xcb: {  	v11 =	vadd.f32 v62, v50;
	v3 =	vmax.f32 v3, v10;
	v58 =	vmul.f32 v14, v15  }
0xcc: {  	v15 =	vld [tilespmem:$0x1FF50];
	v3 =	vmul.f32 v3, v4;
	v4 =	vmul.f32 $1.442695020e+00, v8  }
0xcd: {  	v0 =	vadd.f32 v11, v0;
	v6 =	vmul.f32 v6, v32  }
0xce: {  	[tilespmem:$0x1FE20] =	vst v4;
	v4 =	vld [tilespmem:$0x1FE60]  }
0xcf: {  	v11 =	vmul.f32 $2.000000030e-01, v0;
	v13 =	vperm.xlane v9, v30  }
0xd0: {  	[tilespmem:$0x1FE30] =	vst v31;
	v31 =	vmovc v60;
	v60 =	vperm.xlane v9, v26;
	v10 =	vmul.f32 $2.000000030e-01, v7;
	(xrf2) =	vadd.scan.msk.f32 $0xffff, v6  }
0xd1: {  	v6 =	vmovc v17;
	(xrf2) =	vadd.scan.msk.f32 $0xffff, v2;
	v8 =	vmul.f32 v13, v28;
	v17 =	vmul.f32 v14, v15  }
0xd2: {  	v7 =	vmax.f32 v7, v10;
	v10 =	vmul.f32 v60, v38;
	(xrf2) =	vadd.scan.msk.f32 $0xffff, v3;
	v3 =	vld [tilespmem:$0x1FE70]  }
0xd3: {  	v8 =	vadd.f32 v17, v8;
	v7 =	vmul.f32 v7, v4;
	v4 =	vmax.f32 v0, v11;
	v0 =	vld [tilespmem:$0x1FF60]  }
0xd4: {  	v12 =	vmul.f32 $2.000000030e-01, v1  }
0xd5: {  	v8 =	vadd.f32 v10, v8;
	v10 =	vld [tilespmem:$0x1FFA0]  }
0xd6: {  	v44 =	vmul.f32 v13, v63;
	v1 =	vmax.f32 v1, v12  }
0xd7: {  	v1 =	vmul.f32 v1, v3  }
0xd8: {  	v9 =	vperm.xlane v9, v27;
	(xrf2) =	vadd.scan.msk.f32 $0xffff, v7;
	v59 =	vmul.f32 v14, v0;
	v0 =	vld [tilespmem:$0x1FF90]  }
0xd9: {  	v54 =	vld [tilespmem:s4+$0x139C0];
	v58 =	vadd.f32 v58, v44;
	(xrf2) =	vadd.scan.msk.f32 $0xffff, v1;
	v1 =	vmul.f32 v60, v21  }
0xda: {  	v44, _, _ =	vpop (xrf2);
	v10 =	vmul.f32 v13, v10;
	v21 =	vmul.f32 v9, v6;
	v6 =	vld [tilespmem:$0x1FFC0]  }
0xdb: {  	v3 =	vld [tilespmem:s4+$0x14DC0];
	v1 =	vadd.f32 v1, v58;
	v58 =	vperm.xlane v44, v5;
	v44 =	vmul.f32 v14, v37;
	_ =	sdelay $0x1  }
0xdc: {  	v53 =	vld [tilespmem:s4+$0x13980];
	v10 =	vadd.f32 v44, v10;
	v62 =	vmul.f32 v13, v0;
	v0 =	vmul.f32 v60, v20  }
0xdd: {  	v16 =	vmov v18;
	v18 =	vmul.f32 v14, v19;
	v19 =	vmul.f32 v9, v34;
	v15 =	vld [tilespmem:$0x1FE10]  }
0xde: {  	v0 =	vadd.f32 v0, v10;
	v10 =	vmul.f32 v13, v6;
	v6 =	vld [tilespmem:$0x1FE90]  }
0xdf: {  	v2 =	vld [tilespmem:s4+$0x14D80];
	v3 =	vadd.f32 v3, v54;
	v1 =	vadd.f32 v19, v1  }
0xe0: {  	v55 =	vmul.f32 v13, v23;
	v63 =	vld [tilespmem:s4+$0x14DA0]  }
0xe1: {  	v12 =	vmul.f32 v60, v42;
	v19, _, _ =	vpop (xrf2);
	v1 =	vadd.f32 v3, v1;
	v3 =	vld [tilespmem:$0x1FF10];
	v59 =	vadd.f32 v59, v62  }
0xe2: {  	v56 =	vmul.f32 v13, v29;
	v18 =	vadd.f32 v18, v55;
	v55 =	vld [tilespmem:s4+$0x139A0];
	v11 =	vmul.f32 v9, v45;
	v17, _, _ =	vpop (xrf2)  }
0xe3: {  	(xrf2) =	vadd.scan.msk.f32 $0xffff, v15;
	v44, _, _ =	vpop (xrf2);
	v12 =	vadd.f32 v12, v59;
	v59 =	vmul.f32 v9, v33;
	v4 =	vmul.f32 v4, v6;
	v6 =	vld [tilespmem:$0x1FF30]  }
0xe4: {  	v2 =	vadd.f32 v2, v53;
	v7 =	vmul.f32 v9, v41;
	v61 =	vperm.xlane v19, v5;
	v19, _, _ =	vpop (xrf2)  }
0xe5: {  	v20 =	vmul.f32 $1.442695020e+00, v58;
	v58 =	vperm.xlane v19, v5;
	v19 =	vadd.f32 v59, v0;
	v0 =	vld [tilespmem:$0x1FF00]  }
0xe6: {  	v8 =	vadd.f32 v11, v8;
	v11 =	vmul.f32 $2.000000030e-01, v1;
	v3 =	vmul.f32 v14, v3  }
0xe7: {  	v57 =	vmul.f32 v60, v40;
	v63 =	vadd.f32 v63, v55;
	v7 =	vadd.f32 v7, v12  }
0xe8: {  	v1 =	vmax.f32 v1, v11;
	v3 =	vadd.f32 v3, v56;
	v11 =	vmul.f32 v14, v6  }
0xe9: {  	v2 =	vadd.f32 v2, v8;
	v63 =	vadd.f32 v63, v7  }
0xea: {  	v7 =	vadd.f32 v57, v3;
	v3 =	vadd.f32 v11, v10;
	v10 =	vmul.f32 v60, v0;
	v0 =	vld [tilespmem:$0x1FE20]  }
0xeb: {  	v8 =	vld [tilespmem:s4+$0x14DD0];
	v37 =	vmul.f32 $1.442695020e+00, v61;
	v11 =	vmul.f32 $2.000000030e-01, v2  }
0xec: {  	v15 =	vld [tilespmem:$0x1FF80]  }
0xed: {  	v61 =	vld [tilespmem:s4+$0x139D0];
	(erf) = vpow2.f32 v37;
	v58 =	vmul.f32 $1.442695020e+00, v58;
	v11 =	vmax.f32 v2, v11;
	v2, _, _ =	vpop (xrf2)  }
0xee: {  	v57 =	vld [tilespmem:s4+$0x13990];
	(xrf2) =	vadd.scan.msk.f32 $0xffff, v4;
	v4 =	vmul.f32 v9, v35;
	v3 =	vadd.f32 v10, v3;
	v2 =	vperm.xlane v2, v5  }
0xef: {  	v13 =	vmul.f32 v13, v24;
	(erf) = vpow2.f32 v0;
	v0 =	vld [tilespmem:s4+$0x14D90]  }
0xf0: {  	v3 =	vadd.f32 v4, v3;
	v4 =	vld [tilespmem:s4+$0x14DF0];
	v2 =	vmul.f32 $1.442695020e+00, v2;
	(erf) = vpow2.f32 v58  }
0xf1: {  	v14 =	vmul.f32 v14, v15;
	v58 =	vld [tilespmem:s4+$0x139F0];
	(erf) = vpow2.f32 v20  }
0xf2: {  	v1 =	vmul.f32 v1, v16;
	v8 =	vadd.f32 v8, v61;
	(erf) = vpow2.f32 v2;
	v2 =	vld [tilespmem:$0x1FFE0]  }
0xf3: {  	v59 =	vld [tilespmem:s4+$0x139E0];
	v37 =	vmul.f32 $2.000000030e-01, v63;
	v13 =	vadd.f32 v14, v13;
	v10 =	vmul.f32 v60, v39  }
0xf4: {  	v3 =	vadd.f32 v8, v3;
	v8 =	vld [tilespmem:s4+$0x14DE0];
	v62 =	vadd.f32 v0, v57;
	v0 =	vmul.f32 v60, v22  }
0xf5: {  	(xrf2) =	vadd.scan.msk.f32 $0xffff, v1;
	v1 =	vperm.xlane v44, v5  }
0xf6: {  	v56 =	vld [tilespmem:s4+$0x139B0];
	v12 =	vmax.f32 v63, v37;
	v10 =	vadd.f32 v10, v18;
	v0 =	vadd.f32 v0, v13  }
0xf7: {  	v6 =	vld [tilespmem:s4+$0x14DB0];
	v63 =	vmul.f32 v9, v2;
	v2 =	vadd.f32 v4, v58;
	v4 =	vmul.f32 v9, v36  }
0xf8: {  	v10 =	vadd.f32 v21, v10  }
0xf9: {  	v1 =	vmul.f32 $1.442695020e+00, v1;
	v13 =	vadd.f32 v8, v59;
	v0 =	vadd.f32 v4, v0  }
0xfa: {  	v60 =	vmul.f32 v12, v31;
	v12 =	vadd.f32 v2, v10  }
0xfb: {  	(erf) = vpow2.f32 v1;
	v1 =	vmul.f32 $2.000000030e-01, v3;
	v13 =	vadd.f32 v13, v0;
	v0 =	vld [tilespmem:$0x1FE30]  }
0xfc: {  	v15 =	vadd.f32 v6, v56;
	v6, _, _ =	vpop (xrf2);
	v4 =	vmul.f32 $2.000000030e-01, v12  }
0xfd: {  	v14 =	vperm.xlane v6, v5;
	v1 =	vmax.f32 v3, v1;
	v8 =	vpop (erf)  }
0xfe: {  	v44 =	vperm.xlane v17, v5;
	v39 =	vmov v22;
	v9 =	vmul.f32 v1, v32;
	v6 =	vpop (erf)  }
0xff: {  	v14 =	vmul.f32 $1.442695020e+00, v14;
	v3 =	vnsel vm0, $0x0, v8;
	v10 =	vadd.f32 v15, v19;
	v2 =	vpop (erf)  }
0x100: {  	s30 =	sshll.u32 s25, $0x1;
	s31 =	simm.s32 $0x400;
	(xrf2) =	vadd.scan.msk.f32 $0xffff, v9;
	v1 =	vmul.f32 v6, v0;
	v0 =	vmax.f32 v12, v4;
	v4, _, _ =	vpop (xrf2);
	v12 =	vmul.f32 $1.442695020e+00, v44  }
.LBB2_7:
0x101: {  	v9 =	vld [tilespmem:$0x1FE50];
	_ =	sdelay $0x3  }
0x102: {  	v7 =	vadd.f32 v63, v7;
	v16 =	vperm.xlane v4, v5;
	v4 =	vld [tilespmem:$0x1FE80];
	[tilespmem:s7+$0x1B2C0] =	vst v1;
	v1 =	vpop (erf);
	(erf) = vpow2.f32 v14  }
0x103: {  	s0 =	sshra.s32 s31, $0x2;
	v22 =	vld [tilespmem:$0x1FE60];
	v14 =	vmul.f32 $2.000000030e-01, v13;
	v15 =	vmul.f32 v11, v9  }
0x104: {  	v19 =	vmul.f32 v1, v51;
	v7 =	vadd.f32 v62, v7;
	v11 =	vld [tilespmem:s0+$0x16180];
	v9 =	vpop (erf);
	(erf) = vpow2.f32 v12  }
0x105: {  	v8 =	vmul.f32 v8, v47;
	(xrf2) =	vadd.scan.msk.f32 $0xffff, v15  }
0x106: {  	v37 =	vmul.f32 $2.000000030e-01, v7;
	v12 =	vmax.f32 v13, v14;
	[tilespmem:s7+$0x1B2D0] =	vst v19;
	v13 =	vmul.f32 v9, v48  }
0x107: {  	v14 =	vmul.f32 v2, v46;
	v62 =	vld [tilespmem:s0+$0x14DB0];
	v12 =	vmul.f32 v12, v4;
	[tilespmem:s7+$0x1B280] =	vst v8;
	v32 =	vpop (erf)  }
0x108: {  	v47 =	vmovc v53;
	v7 =	vmax.f32 v7, v37;
	v15 =	vmul.f32 $2.000000030e-01, v10;
	[tilespmem:s7+$0x1B2A0] =	vst v13;
	v3 =	vsel vm1, v3, v32  }
0x109: {  	v46 =	vmovc v56;
	v7 =	vmul.f32 v7, v22;
	v53 =	vld [tilespmem:s0+$0x13980];
	v8 =	vsel vm2, v3, v9;
	v3 =	vperm.xlane v11, v30  }
0x10a: {  	(xrf2) =	vadd.scan.msk.f32 $0xffff, v12;
	v49 =	vmul.f32 v32, v49;
	v9 =	vld [tilespmem:s0+$0x14D80];
	v12 =	vsel vm3, v8, v2;
	v2 =	vperm.xlane v11, v26  }
0x10b: {  	v56 =	vld [tilespmem:s0+$0x139B0];
	v4 =	vperm.xlane v11, v25;
	[tilespmem:s7+$0x1B2B0] =	vst v14;
	v14, _, _ =	vpop (xrf2);
	v6 =	vsel vm4, v12, v6;
	v18 =	vmul.f32 v3, v23  }
0x10c: {  	v19 =	vpop (erf);
	v32 =	vsel vm5, v6, v1;
	v6 =	vperm.xlane v11, v27;
	v11 =	vmul.f32 v2, v38  }
0x10d: {  	v10 =	vmax.f32 v10, v15;
	v21 =	vmul.f32 v2, v40;
	v22 =	vmul.f32 v2, v42;
	v15 =	vpop (erf)  }
0x10e: {  	v44 =	vmovc v42;
	v31 =	vld [tilespmem:$0x1FF10];
	v42 =	vmovc v40;
	v40 =	vmov v38;
	v37 =	vmul.f32 v15, v52;
	v15 =	vsel vm6, v32, v15  }
0x10f: {  	v38 =	vmov v23;
	v23, _, _ =	vpop (xrf2);
	(xrf2) =	vadd.scan.msk.f32 $0xffff, v7;
	v7 =	vsel vm7, v15, v19;
	v15 =	vadd.f32 v9, v53;
	v9 =	vld [tilespmem:$0x1FE70]  }
0x110: {  	v25 =	vld [tilespmem:$0x1FF70]  }
0x111: {  	v13 =	vld [tilespmem:s0+$0x14DA0]  }
0x112: {  	v8 =	vmul.f32 $1.442695020e+00, v16;
	v16 =	vld [tilespmem:s0+$0x14D90]  }
0x113: {  	v27 =	vld [tilespmem:$0x1FFB0]  }
0x114: {  	v20 =	vld [tilespmem:s0+$0x13990];
	[tilespmem:s7+$0x1B290] =	vst v49;
	v9 =	vmul.f32 v10, v9  }
0x115: {  	v48 =	vmov v55;
	v55 =	vld [tilespmem:s0+$0x139A0]  }
0x116: {  	v32 =	vmul.f32 v4, v25;
	[tilespmem:s7+$0x1B2E0] =	vst v37;
	(xrf2) =	vadd.scan.msk.f32 $0xffff, v9;
	v9 =	vld [tilespmem:$0x1FF60]  }
0x117: {  	v19 =	vmul.f32 v19, v50;
	v50 =	vmov v58;
	v58 =	vld [tilespmem:$0x1FF20];
	[tilespmem:s7+$0x1C680] =	vst v7  }
0x118: {  	v27 =	vmul.f32 v3, v27;
	v25 =	vld [tilespmem:s0+$0x14DC0]  }
0x119: {  	v10 =	vld [tilespmem:$0x1FF40]  }
0x11a: {  	v17 =	vmul.f32 v3, v29;
	v27 =	vadd.f32 v32, v27;
	v32 =	vmov v29;
	v29 =	vld [tilespmem:$0x1FF90]  }
0x11b: {  	v12 =	vmul.f32 v3, v28;
	v26 =	vmul.f32 v4, v9;
	v9 =	vld [tilespmem:s0+$0x139C0]  }
0x11c: {  	[tilespmem:s7+$0x1B2F0] =	vst v19;
	v19 =	vmul.f32 v4, v58;
	v58 =	vmul.f32 v4, v31;
	v31 =	vmov v28;
	v28 =	vld [tilespmem:$0x1FF50];
	_ =	sdelay $0x1  }
0x11d: {  	v49 =	vmul.f32 v4, v10  }
0x11e: {  	v29 =	vmul.f32 v3, v29;
	_ =	sdelay $0x1  }
0x11f: {  	v1 =	vadd.f32 v62, v56;
	v26 =	vadd.f32 v26, v29;
	v28 =	vmul.f32 v4, v28  }
0x120: {  	v62 =	vadd.f32 v16, v20;
	v16 =	vadd.f32 v49, v18;
	v49 =	vmov v57;
	v57 =	vld [tilespmem:$0x1FEF0]  }
0x121: {  	v51 =	vmovc v61;
	v61 =	vmul.f32 v6, v41;
	v22 =	vadd.f32 v22, v26;
	v12 =	vadd.f32 v28, v12;
	v28 =	vld [tilespmem:$0x1FFA0];
	_ =	sdelay $0x1  }
0x122: {  	v7 =	vadd.f32 v13, v55;
	v10 =	vld [tilespmem:$0x1FEE0];
	v22 =	vadd.f32 v61, v22;
	_ =	sdelay $0x1  }
0x123: {  	v18 =	vmul.f32 v2, v57;
	v22 =	vadd.f32 v7, v22;
	v7 =	vld [tilespmem:$0x1FE90]  }
0x124: {  	v52 =	vmov v59;
	v59 =	vmul.f32 v6, v34;
	v28 =	vmul.f32 v3, v28  }
0x125: {  	v23 =	vperm.xlane v23, v5;
	v25 =	vadd.f32 v25, v9;
	v18 =	vadd.f32 v18, v27  }
0x126: {  	v13 =	vmul.f32 v2, v10;
	v11 =	vadd.f32 v11, v12;
	v12 =	vadd.f32 v19, v28  }
0x127: {  	v37 =	vmovc v24;
	v24 =	vmul.f32 v6, v45;
	v61 =	vld [tilespmem:$0x1FF30];
	v57 =	vmov v20;
	v20 =	vmul.f32 v6, v33  }
0x128: {  	v10, _, _ =	vpop (xrf2);
	v18 =	vadd.f32 v59, v18;
	v59 =	vld [tilespmem:$0x1FFC0];
	v0 =	vmul.f32 v0, v7;
	v12 =	vadd.f32 v13, v12  }
0x129: {  	v23 =	vmul.f32 $1.442695020e+00, v23;
	v29, _, _ =	vpop (xrf2);
	(xrf2) =	vadd.scan.msk.f32 $0xffff, v60;
	v11 =	vadd.f32 v24, v11  }
0x12a: {  	v18 =	vadd.f32 v25, v18;
	v25, _, _ =	vpop (xrf2);
	(xrf2) =	vadd.scan.msk.f32 $0xffff, v0;
	v0 =	vmul.f32 $2.000000030e-01, v22;
	v12 =	vadd.f32 v20, v12;
	v20 =	vld [tilespmem:$0x1FF00];
	_ =	sdelay $0x1  }
0x12b: {  	(erf) = vpow2.f32 v23;
	v11 =	vadd.f32 v15, v11;
	v0 =	vmax.f32 v22, v0;
	v22 =	vld [tilespmem:$0x1FEA0]  }
0x12c: {  	s7 =	smov.u32 s4;
	s4 =	smov.u32 s0;
	v27 =	vld [tilespmem:$0x1FEB0];
	v7 =	vadd.f32 v58, v17;
	v17 =	vmul.f32 v4, v61;
	v59 =	vmul.f32 v3, v59  }
0x12d: {  	(erf) = vpow2.f32 v8;
	v15 =	vld [tilespmem:s4+$0x14DD0];
	v8 =	vmul.f32 $2.000000030e-01, v11  }
0x12e: {  	v61 =	vld [tilespmem:s4+$0x139D0];
	v17 =	vadd.f32 v17, v59;
	v20 =	vmul.f32 v2, v20  }
0x12f: {  	v14 =	vperm.xlane v14, v5;
	v7 =	vadd.f32 v21, v7;
	v21 =	vld [tilespmem:$0x1FEC0];
	v11 =	vmax.f32 v11, v8  }
0x130: {  	v8 =	vld [tilespmem:$0x1FE40];
	v60 =	vmul.f32 v0, v22;
	v0 =	vadd.f32 v20, v17;
	v17 =	vmul.f32 v6, v35  }
0x131: {  	v26 =	vmul.f32 $2.000000030e-01, v18;
	v13 =	vperm.xlane v25, v5  }
0x132: {  	v14 =	vmul.f32 $1.442695020e+00, v14;
	v0 =	vadd.f32 v17, v0;
	v17 =	vld [tilespmem:$0x1FF80]  }
0x133: {  	v63 =	vmul.f32 v6, v43;
	v18 =	vmax.f32 v18, v26;
	v13 =	vmul.f32 $1.442695020e+00, v13  }
0x134: {  	v58 =	vld [tilespmem:s4+$0x139F0];
	v27 =	vmul.f32 v6, v27;
	v18 =	vmul.f32 v18, v21  }
0x135: {  	v23 =	vmul.f32 v2, v8;
	v8 =	vpop (erf);
	(erf) = vpow2.f32 v13;
	v13 =	vadd.f32 v15, v61;
	v20 =	vld [tilespmem:s4+$0x14DF0]  }
0x136: {  	v19 =	vperm.xlane v29, v5;
	v3 =	vmul.f32 v3, v37;
	v22, _, _ =	vpop (xrf2)  }
0x137: {  	(xrf2) =	vadd.scan.msk.f32 $0xffff, v18;
	v15 =	vperm.xlane v22, v5;
	v0 =	vadd.f32 v13, v0;
	v4 =	vmul.f32 v4, v17  }
0x138: {  	v59 =	vld [tilespmem:s4+$0x139E0];
	(erf) = vpow2.f32 v14;
	v2 =	vmul.f32 v2, v39  }
0x139: {  	v21 =	vld [tilespmem:s4+$0x14DE0];
	v16 =	vadd.f32 v23, v16;
	v23 =	vmovc v38;
	v14 =	vmul.f32 $2.000000030e-01, v0;
	v3 =	vadd.f32 v4, v3  }
0x13a: {  	v38 =	vmovc v40;
	v40 =	vmovc v42;
	v42 =	vmov v44;
	v44 =	vmul.f32 $1.442695020e+00, v15;
	v15 =	vadd.f32 v20, v58  }
0x13b: {  	v0 =	vmax.f32 v0, v14;
	v4 =	vadd.f32 v27, v16;
	v14 =	vadd.f32 v2, v3;
	v3 =	vld [tilespmem:$0x1FED0]  }
0x13c: {  	v24 =	vmovc v37;
	v25 =	vimm.s32 $0x1;
	v19 =	vmul.f32 $1.442695020e+00, v19;
	v26 =	vimm.s32 $0x2  }
0x13d: {  	p1 =	sne.s32 s31, $0x4E00;
	(erf) = vpow2.f32 v44;
	v44 =	vmul.f32 v6, v36;
	v13, _, _ =	vpop (xrf2);
	v15 =	vadd.f32 v15, v4  }
.Ltmp2:
0x13e: {  	v29 =	vmovc v32;
	v28 =	vmovc v31;
	(erf) = vpow2.f32 v19;
	v13 =	vperm.xlane v13, v5;
	v17 =	vadd.f32 v21, v59;
	(pc) =	sbr.rel @p1 .LBB2_7-.Ltmp2, $4  }
0x13f: {  	v6 =	vpop (erf);
	v27 =	vimm.s32 $0x3;
	v16 =	vadd.f32 v44, v14;
	v18 =	vmul.f32 $2.000000030e-01, v15  }
0x140: {  	v2 =	vpop (erf);
	v44 =	vperm.xlane v10, v5;
	v10 =	vadd.f32 v1, v12;
	v0 =	vmul.f32 v0, v3  }
0x141: {  	v4, _, _ =	vpop (xrf2);
	v1 =	vmul.f32 v6, v54;
	v14 =	vmul.f32 $1.442695020e+00, v13;
	v13 =	vadd.f32 v17, v16  }
0x142: {  	s31 =	sadd.s32 $0x200, s31;
	v54 =	vmovc v9;
	v12 =	vmul.f32 $1.442695020e+00, v44;
	v3 =	vnsel vm0, $0x0, v8;
	(xrf2) =	vadd.scan.msk.f32 $0xffff, v0;
	v0 =	vmax.f32 v15, v18  }
0x143: {  	v15 =	vld [tilespmem:$0x1FE50];
	_ =	sdelay $0x4  }
0x144: {  	v11 =	vmul.f32 v11, v15;
	_ =	sdelay $0x1  }
0x145: {  	(xrf2) =	vadd.scan.msk.f32 $0xffff, v11;
	v11 =	vld [tilespmem:$0x1FE80];
	_ =	sdelay $0x1  }
0x146: {  	v9 =	vmul.f32 $2.000000030e-01, v13;
	_ =	sdelay $0x1  }
0x147: {  	v7 =	vadd.f32 v63, v7;
	v9 =	vmax.f32 v13, v9  }
0x148: {  	v9 =	vmul.f32 v9, v11  }
0x149: {  	v7 =	vadd.f32 v62, v7;
	v11 =	vld [tilespmem:$0x1FE60]  }
0x14a: {  	(xrf2) =	vadd.scan.msk.f32 $0xffff, v9;
	v9 =	vld [tilespmem:$0x1FE70]  }
0x14b: {  	v15 =	vmul.f32 $2.000000030e-01, v7  }
0x14c: {  	v13 =	vmul.f32 $2.000000030e-01, v10  }
0x14d: {  	v7 =	vmax.f32 v7, v15  }
0x14e: {  	v10 =	vmax.f32 v10, v13;
	v7 =	vmul.f32 v7, v11  }
0x14f: {  	v9 =	vmul.f32 v10, v9  }
0x150: {  	(xrf2) =	vadd.scan.msk.f32 $0xffff, v7;
	v7 =	vld [tilespmem:$0x1FE90]  }
0x151: {  	(xrf2) =	vadd.scan.msk.f32 $0xffff, v9;
	_ =	sdelay $0x1  }
0x152: {  	(xrf2) =	vadd.scan.msk.f32 $0xffff, v60;
	_ =	sdelay $0x1  }
0x153: {  	v0 =	vmul.f32 v0, v7;
	v7, _, _ =	vpop (xrf2)  }
0x154: {  	v9, _, _ =	vpop (xrf2)  }
0x155: {  	(xrf2) =	vadd.scan.msk.f32 $0xffff, v0;
	v9 =	vperm.xlane v9, v5  }
0x156: {  	v4 =	vperm.xlane v4, v5;
	v11, _, _ =	vpop (xrf2)  }
0x157: {  	v0 =	vpop (erf);
	(erf) = vpow2.f32 v14;
	v9 =	vmul.f32 $1.442695020e+00, v9  }
0x158: {  	v7 =	vperm.xlane v7, v5;
	(erf) = vpow2.f32 v12;
	v12, _, _ =	vpop (xrf2)  }
0x159: {  	v4 =	vmul.f32 $1.442695020e+00, v4;
	v13, _, _ =	vpop (xrf2)  }
0x15a: {  	v7 =	vmul.f32 $1.442695020e+00, v7;
	v13 =	vperm.xlane v13, v5  }
0x15b: {  	(erf) = vpow2.f32 v9;
	v12 =	vperm.xlane v12, v5;
	v9, _, _ =	vpop (xrf2)  }
0x15c: {  	v9 =	vperm.xlane v9, v5;
	v13 =	vmul.f32 $1.442695020e+00, v13  }
0x15d: {  	(erf) = vpow2.f32 v4  }
0x15e: {  	v4 =	vmul.f32 $1.442695020e+00, v9;
	(erf) = vpow2.f32 v13  }
0x15f: {  	v9 =	vmul.f32 $1.442695020e+00, v12;
	(erf) = vpow2.f32 v7;
	v7, _, _ =	vpop (xrf2)  }
0x160: {  	v12 =	vpop (erf);
	(erf) = vpow2.f32 v4;
	v4 =	vperm.xlane v7, v5  }
0x161: {  	[tilespmem:s7+$0x1B2C0] =	vst v1;
	v1 =	vmul.f32 v8, v47  }
0x162: {  	v7 =	vpop (erf);
	(erf) = vpow2.f32 v9;
	v4 =	vmul.f32 $1.442695020e+00, v4  }
0x163: {  	v10 =	vmul.f32 v0, v51;
	v3 =	vsel vm1, v3, v7  }
0x164: {  	[tilespmem:s7+$0x1B280] =	vst v1;
	v9 =	vperm.xlane v11, v5;
	v8 =	vpop (erf);
	v3 =	vsel vm2, v3, v12  }
0x165: {  	[tilespmem:s7+$0x1B2D0] =	vst v10;
	v10 =	vmul.f32 v2, v46;
	v1 =	vsel vm3, v3, v2;
	v2 =	vpop (erf);
	v3 =	vmul.f32 v7, v49  }
0x166: {  	v9 =	vmul.f32 $1.442695020e+00, v9;
	(erf) = vpow2.f32 v4;
	v1 =	vsel vm4, v1, v6;
	v4 =	vpop (erf)  }
0x167: {  	[tilespmem:s7+$0x1B2B0] =	vst v10;
	v0 =	vsel vm5, v1, v0;
	v1 =	vmul.f32 v2, v52;
	v6 =	vpop (erf)  }
0x168: {  	[tilespmem:s7+$0x1B290] =	vst v3;
	(erf) = vpow2.f32 v9;
	v0 =	vsel vm6, v0, v2;
	v2 =	vpop (erf)  }
0x169: {  	v0 =	vsel vm7, v0, v8;
	[tilespmem:s7+$0x1B2E0] =	vst v1;
	v1 =	vmul.f32 v8, v50;
	v3 =	vpop (erf)  }
0x16a: {  	v11 =	vmul.f32 v12, v48;
	[tilespmem:s7+$0x1C680] =	vst v0;
	v7 =	vpop (erf)  }
0x16b: {  	v0 =	vmul.f32 v6, v54;
	[tilespmem:s7+$0x1B2F0] =	vst v1;
	v1 =	vnsel vm0, $0x0, v4;
	v9 =	vpop (erf)  }
0x16c: {  	[tilespmem:s7+$0x1B2A0] =	vst v11;
	v8 =	vmul.f32 v3, v61;
	v1 =	vsel vm1, v1, v9  }
0x16d: {  	[tilespmem:s4+$0x1B2C0] =	vst v0;
	v0 =	vmul.f32 v4, v53;
	v4 =	vmul.f32 v7, v55;
	v1 =	vsel vm2, v1, v7;
	_ =	sdelay $0x1  }
0x16e: {  	[tilespmem:s4+$0x1B2D0] =	vst v8  }
0x16f: {  	[tilespmem:s4+$0x1B280] =	vst v0;
	v7 =	vmul.f32 v2, v56;
	v0 =	vsel vm3, v1, v2;
	v1 =	vpop (erf)  }
0x170: {  	[tilespmem:s4+$0x1B2A0] =	vst v4;
	v2 =	vmul.f32 v9, v57;
	v0 =	vsel vm4, v0, v6;
	v4 =	vpop (erf)  }
0x171: {  	[tilespmem:s4+$0x1B2B0] =	vst v7;
	v0 =	vsel vm5, v0, v3;
	v3 =	vmul.f32 v4, v59  }
0x172: {  	[tilespmem:s4+$0x1B290] =	vst v2;
	v0 =	vsel vm6, v0, v4  }
0x173: {  	v0 =	vsel vm7, v0, v1;
	v1 =	vmul.f32 v1, v58;
	[tilespmem:s4+$0x1B2E0] =	vst v3  }
0x174: {  	[tilespmem:s4+$0x1C680] =	vst v0  }
0x175: {  	s0 =	sor.u32 s11, s24;
	[tilespmem:s4+$0x1B2F0] =	vst v1  }
0x176: {  	[spmem:s3] =	stream.indirect.scatter.add.f32 [tilespmem:s17], [sflag:$0x5], $0x80, s28, s29, $0xb8;
	[tilespmem:$0x1E080] =	vst v63  }
0x177: {  	s0 =	smul.u32 $0x280, s0;
	_ =	swait.ge [sflag:s23], $0x1400  }
0x178: {  	s24 =	sadd.s32 $0x2, s30;
	[sflag:s23] =	ssyncset.done $0x0  }
0x179: {  	s0 =	sadd.s32 s12, s0;
	s4 =	simm.s32 $0x0;
	[sflag:s23] =	ssyncadd.s32 $0xFFFFEC00  }
0x17a: {  	[hbm4b:s0+s4] =	stream.linear.scatter [tilespmem:s18], [sflag:$0x5], $0x1400, $0x38;
	[tilespmem:$0x1E080] =	vst v63  }
0x17b: {  	p1 =	seq.s32 s24, $0xFA;
	s0 =	sshll.u32 s24, $0x5  }
0x17c: {  	s0 =	simm.s32 @p1 $0x0  }
0x17d: {  	s0 =	sor.u32 s11, s0  }
0x17e: {  	_ =	swait.ge [sflag:s23], $0x1400;
	s30 =	smul.u32 $0x5, s0  }
0x17f: {  	[sflag:s23] =	ssyncset.done $0x0  }
0x180: {  	[sflag:s23] =	ssyncadd.s32 $0xFFFFEC00;
	s31 =	sadd.s32 s8, s30  }
0x181: {  	[tilespmem:s26], [sflag:$0x5] =	stream.linear.gather [hbm4b:s31+s4], $0x28, $0x38;
	[tilespmem:$0x1E080] =	vst v63  }
0x182: {  	_ =	swait.ge [sflag:s23], $0x28  }
0x183: {  	[sflag:s23] =	ssyncset.done $0x0  }
0x184: {  	s7 =	sadd.s32 s9, s30;
	[sflag:s23] =	ssyncadd.s32 $0xFFFFFFD8  }
0x185: {  	[tilespmem:s28], [sflag:$0x5] =	stream.linear.gather [hbm4b:s7+s4], $0x28, $0x38;
	[tilespmem:$0x1E080] =	vst v63  }
0x186: {  	_ =	swait.ge [sflag:s23], $0x28  }
0x187: {  	[sflag:s23] =	ssyncset.done $0x0  }
0x188: {  	s24 =	simm.s32 $0x13980;
	[sflag:s23] =	ssyncadd.s32 $0xFFFFFFD8  }
0x189: {  	[tilespmem:s24], [sflag:$0x1] =	stream.indirect.gather [hbm4b:s5+s29], $0x80, s26, s29, $0xb8;
	[tilespmem:$0x1E080] =	vst v63  }
0x18a: {  	s0 =	smul.u32 $0x280, s0;
	s30 =	simm.s32 $0x14D80  }
0x18b: {  	[tilespmem:s30], [sflag:$0x2] =	stream.indirect.gather [hbm4b:s6+s29], $0x80, s28, s29, $0xb8;
	[tilespmem:$0x1E080] =	vst v63  }
0x18c: {  	s0 =	sadd.s32 s10, s0;
	s31 =	simm.s32 $0x16180  }
0x18d: {  	[tilespmem:s31], [sflag:$0x5] =	stream.linear.gather [hbm4b:s0+s4], $0x1400, $0x38;
	[tilespmem:$0x1E080] =	vst v63  }
0x18e: {  	_ =	swait.ge [sflag:s23], $0x1400  }
0x18f: {  	[sflag:s23] =	ssyncset.done $0x0  }
0x190: {  	[sflag:s23] =	ssyncadd.s32 $0xFFFFEC00  }
0x191: {  	_ =	swait.ge [sflag:s19], $0x1400  }
0x192: {  	[sflag:s19] =	ssyncset.done $0x0  }
0x193: {  	[sflag:s19] =	ssyncadd.s32 $0xFFFFEC00  }
0x194: {  	_ =	swait.ge [sflag:s20], $0x1400  }
0x195: {  	v54 =	vld [tilespmem:$0x1FF70]  }
0x196: {  	[sflag:s20] =	ssyncset.done $0x0;
	v55 =	vld [tilespmem:$0x1FFB0]  }
0x197: {  	s7 =	simm.s32 $0x0;
	v60 =	vld [tilespmem:$0x1FEF0];
	[sflag:s20] =	ssyncadd.s32 $0xFFFFEC00  }
0x198: {  	v0 =	vld [tilespmem:s7+$0x19E80]  }
0x199: {  	v61 =	vld [tilespmem:$0x1FF60]  }
0x19a: {  	v22 =	vld [tilespmem:$0x1FF50]  }
0x19b: {  	v57 =	vld [tilespmem:$0x1FF90]  }
0x19c: {  	v63 =	vld [tilespmem:$0x1FF20]  }
0x19d: {  	v2 =	vld [tilespmem:s7+$0x18A80];
	v3 =	vperm.xlane v0, v30;
	v6 =	vperm.xlane v0, v25  }
0x19e: {  	v47 =	vld [tilespmem:s7+$0x17680];
	v7 =	vperm.xlane v0, v26  }
0x19f: {  	v16 =	vld [tilespmem:s7+$0x18AC0];
	v9 =	vmul.f32 v3, v28;
	v22 =	vmul.f32 v6, v22  }
0x1a0: {  	v50 =	vld [tilespmem:s7+$0x176C0];
	v17 =	vmul.f32 v6, v54;
	v18 =	vmul.f32 v3, v55  }
0x1a1: {  	v9 =	vadd.f32 v22, v9;
	v22 =	vld [tilespmem:$0x1FFA0]  }
0x1a2: {  	v59 =	vld [tilespmem:$0x1FF40];
	v0 =	vperm.xlane v0, v27;
	v20 =	vmul.f32 v7, v60;
	v17 =	vadd.f32 v17, v18  }
0x1a3: {  	v4 =	vld [tilespmem:s7+$0x18AA0]  }
0x1a4: {  	v48 =	vld [tilespmem:s7+$0x176A0];
	v2 =	vadd.f32 v2, v47;
	v21 =	vmul.f32 v0, v34;
	v17 =	vadd.f32 v20, v17  }
0x1a5: {  	v58 =	vld [tilespmem:$0x1FEE0];
	v16 =	vadd.f32 v16, v50;
	v51 =	vmul.f32 v6, v61;
	v52 =	vmul.f32 v3, v57  }
0x1a6: {  	v62 =	vld [tilespmem:$0x1FF10];
	v17 =	vadd.f32 v21, v17;
	v21 =	vmul.f32 v6, v63;
	v22 =	vmul.f32 v3, v22  }
0x1a7: {  	v10 =	vmul.f32 v3, v29;
	v11 =	vmul.f32 v3, v23;
	v18 =	vadd.f32 v51, v52;
	v51 =	vld [tilespmem:$0x1FFC0]  }
0x1a8: {  	v12 =	vmul.f32 v7, v38;
	v14 =	vmul.f32 v7, v42;
	v21 =	vadd.f32 v21, v22;
	v22 =	vld [tilespmem:$0x1FF30]  }
0x1a9: {  	v4 =	vadd.f32 v4, v48;
	v19 =	vmul.f32 v6, v59;
	v53 =	vmul.f32 v0, v45  }
0x1aa: {  	v52 =	vld [tilespmem:$0x1FF00];
	v20 =	vmul.f32 v0, v41;
	v14 =	vadd.f32 v14, v18;
	v16 =	vadd.f32 v16, v17  }
0x1ab: {  	v56 =	vmul.f32 v7, v58;
	v11 =	vadd.f32 v19, v11;
	v9 =	vadd.f32 v12, v9  }
0x1ac: {  	v44 =	vmovc v41;
	v41 =	vmul.f32 v6, v62;
	v14 =	vadd.f32 v20, v14;
	v20 =	vmul.f32 $2.000000030e-01, v16  }
0x1ad: {  	v9 =	vadd.f32 v53, v9;
	v19 =	vmul.f32 v3, v51;
	v22 =	vmul.f32 v6, v22  }
0x1ae: {  	v10 =	vadd.f32 v41, v10;
	v4 =	vadd.f32 v4, v14;
	v14 =	vmax.f32 v16, v20;
	v20 =	vld [tilespmem:$0x1FF80]  }
0x1af: {  	v41 =	vld [tilespmem:$0x1FE40];
	v2 =	vadd.f32 v2, v9;
	v16 =	vmul.f32 v7, v52;
	v9 =	vadd.f32 v22, v19  }
0x1b0: {  	v51 =	vld [tilespmem:s7+$0x176D0]  }
0x1b1: {  	v18 =	vadd.f32 v56, v21;
	v21 =	vld [tilespmem:s7+$0x18AD0];
	v56 =	vmul.f32 v0, v35;
	v9 =	vadd.f32 v16, v9  }
0x1b2: {  	v53 =	vld [tilespmem:$0x1FEC0]  }
0x1b3: {  	v3 =	vmul.f32 v3, v24;
	v6 =	vmul.f32 v6, v20;
	v9 =	vadd.f32 v56, v9;
	v56 =	vld [tilespmem:$0x1FEB0]  }
0x1b4: {  	v13 =	vmul.f32 v7, v40;
	v15 =	vmul.f32 v0, v43  }
0x1b5: {  	v12 =	vmul.f32 v0, v33;
	v3 =	vadd.f32 v6, v3;
	v6 =	vmul.f32 v7, v39  }
0x1b6: {  	v10 =	vadd.f32 v13, v10;
	v13 =	vadd.f32 v21, v51;
	v7 =	vmul.f32 v7, v41  }
0x1b7: {  	v52 =	vld [tilespmem:s7+$0x176E0];
	v14 =	vmul.f32 v14, v53;
	v53 =	vmul.f32 v0, v36;
	v3 =	vadd.f32 v6, v3  }
0x1b8: {  	v19 =	vld [tilespmem:s7+$0x18AE0];
	v6 =	vadd.f32 v7, v11;
	v7 =	vadd.f32 v13, v9;
	v0 =	vmul.f32 v0, v56;
	_ =	sdelay $0x1  }
0x1b9: {  	v0 =	vadd.f32 v0, v6;
	v6 =	vmul.f32 $2.000000030e-01, v7;
	_ =	sdelay $0x1  }
0x1ba: {  	v6 =	vmax.f32 v7, v6;
	v7 =	vadd.f32 v15, v10;
	v10 =	vld [tilespmem:$0x1FED0]  }
0x1bb: {  	v9 =	vadd.f32 v19, v52;
	v3 =	vadd.f32 v53, v3  }
0x1bc: {  	v8 =	vld [tilespmem:s7+$0x18A90]  }
0x1bd: {  	v49 =	vld [tilespmem:s7+$0x17690];
	v3 =	vadd.f32 v9, v3;
	_ =	sdelay $0x1  }
0x1be: {  	s4 =	simm.s32 $0x80;
	v6 =	vmul.f32 v6, v10;
	v10 =	vmul.f32 $2.000000030e-01, v3  }
0x1bf: {  	(xrf2) =	vadd.scan.msk.f32 $0xffff, v14;
	v14 =	vmul.f32 $2.000000030e-01, v4;
	v9 =	vld [tilespmem:s4+$0x19E80]  }
0x1c0: {  	v3 =	vmax.f32 v3, v10;
	v10 =	vld [tilespmem:$0x1FE80]  }
0x1c1: {  	v8 =	vadd.f32 v8, v49;
	v4 =	vmax.f32 v4, v14;
	v14 =	vld [tilespmem:$0x1FEA0]  }
0x1c2: {  	v1 =	vld [tilespmem:s7+$0x18AB0];
	v13 =	vmul.f32 $2.000000030e-01, v2  }
0x1c3: {  	v39 =	vld [tilespmem:$0x1FE60];
	v7 =	vadd.f32 v8, v7  }
0x1c4: {  	v46 =	vld [tilespmem:s7+$0x176B0];
	v2 =	vmax.f32 v2, v13;
	v13 =	vperm.xlane v9, v30  }
0x1c5: {  	[tilespmem:$0x1FE00] =	vst v50;
	v50 =	vld [tilespmem:s7+$0x176F0];
	v3 =	vmul.f32 v3, v10;
	v10 =	vmul.f32 $2.000000030e-01, v7  }
0x1c6: {  	v17 =	vld [tilespmem:s7+$0x18AF0];
	v4 =	vmul.f32 v4, v14;
	v14 =	vperm.xlane v9, v25  }
0x1c7: {  	v20 =	vmul.f32 v13, v55;
	v7 =	vmax.f32 v7, v10  }
0x1c8: {  	v12 =	vadd.f32 v12, v18;
	v8 =	vld [tilespmem:$0x1FE50];
	v7 =	vmul.f32 v7, v39;
	v39 =	vmul.f32 v14, v54  }
0x1c9: {  	v1 =	vadd.f32 v1, v46  }
0x1ca: {  	v22 =	vmul.f32 v13, v57;
	v19 =	vadd.f32 v39, v20;
	v20 =	vmul.f32 v14, v61  }
0x1cb: {  	v1 =	vadd.f32 v1, v12;
	v11 =	vadd.f32 v17, v50  }
0x1cc: {  	v12, _, _ =	vpop (xrf2);
	v15 =	vperm.xlane v9, v26;
	v17 =	vmul.f32 v13, v23;
	v20 =	vadd.f32 v20, v22;
	v22 =	vld [tilespmem:$0x1FF50]  }
0x1cd: {  	v2 =	vmul.f32 v2, v8;
	v8 =	vperm.xlane v12, v5  }
0x1ce: {  	v18 =	vmul.f32 v15, v40;
	v12 =	vmul.f32 $2.000000030e-01, v1  }
0x1cf: {  	(xrf2) =	vadd.scan.msk.f32 $0xffff, v6;
	v6 =	vmul.f32 $1.442695020e+00, v8;
	v8 =	vmul.f32 v13, v28  }
0x1d0: {  	v55 =	vld [tilespmem:s4+$0x176A0];
	(xrf2) =	vadd.scan.msk.f32 $0xffff, v2;
	v1 =	vmax.f32 v1, v12;
	v12 =	vmul.f32 v15, v42;
	v10 =	vmul.f32 v15, v38  }
0x1d1: {  	v39 =	vmovc v42;
	v42 =	vmovc v40;
	v40 =	vmov v38;
	v38 =	vmov v23;
	v23 =	vld [tilespmem:s4+$0x18AA0];
	v22 =	vmul.f32 v14, v22  }
0x1d2: {  	v9 =	vperm.xlane v9, v27;
	(xrf2) =	vadd.scan.msk.f32 $0xffff, v3;
	v3 =	vld [tilespmem:$0x1FE70]  }
0x1d3: {  	v8 =	vadd.f32 v22, v8  }
0x1d4: {  	(xrf2) =	vadd.scan.msk.f32 $0xffff, v7;
	v7 =	vmul.f32 v9, v44;
	v12 =	vadd.f32 v12, v20  }
0x1d5: {  	v0 =	vadd.f32 v11, v0;
	v8 =	vadd.f32 v10, v8;
	v10 =	vld [tilespmem:$0x1FFA0]  }
0x1d6: {  	v54 =	vld [tilespmem:s4+$0x176C0];
	v7 =	vadd.f32 v7, v12;
	v23 =	vadd.f32 v23, v55  }
0x1d7: {  	v1 =	vmul.f32 v1, v3;
	v3 =	vld [tilespmem:s4+$0x18AC0]  }
0x1d8: {  	v11 =	vmul.f32 $2.000000030e-01, v0;
	v23 =	vadd.f32 v23, v7;
	v7 =	vld [tilespmem:$0x1FE90]  }
0x1d9: {  	v21 =	vmul.f32 v14, v59;
	(xrf2) =	vadd.scan.msk.f32 $0xffff, v1;
	v1 =	vmul.f32 v15, v60  }
0x1da: {  	v22 =	vmul.f32 v14, v63;
	v10 =	vmul.f32 v13, v10  }
0x1db: {  	v17 =	vadd.f32 v21, v17;
	v21 =	vmul.f32 v9, v34;
	v1 =	vadd.f32 v1, v19  }
0x1dc: {  	v53 =	vld [tilespmem:s4+$0x17680];
	v24 =	vmul.f32 v15, v58;
	v0 =	vmax.f32 v0, v11;
	v10 =	vadd.f32 v22, v10  }
0x1dd: {  	v3 =	vadd.f32 v3, v54;
	v1 =	vadd.f32 v21, v1;
	v0 =	vmul.f32 v0, v7;
	v7 =	vld [tilespmem:$0x1FF30]  }
0x1de: {  	v61, _, _ =	vpop (xrf2);
	v10 =	vadd.f32 v24, v10;
	v24 =	vld [tilespmem:$0x1FFC0]  }
0x1df: {  	v16 =	vmul.f32 v13, v29;
	v11 =	vmul.f32 v9, v45;
	v2 =	vld [tilespmem:s4+$0x18A80];
	v21, _, _ =	vpop (xrf2);
	v1 =	vadd.f32 v3, v1  }
0x1e0: {  	v21 =	vperm.xlane v21, v5;
	v3 =	vmul.f32 v14, v62  }
0x1e1: {  	v8 =	vadd.f32 v11, v8;
	v11 =	vmul.f32 $2.000000030e-01, v1  }
0x1e2: {  	v21 =	vmul.f32 $1.442695020e+00, v21;
	v3 =	vadd.f32 v3, v16  }
0x1e3: {  	(xrf2) =	vadd.scan.msk.f32 $0xffff, v4;
	v1 =	vmax.f32 v1, v11;
	v11 =	vmul.f32 v14, v7;
	v24 =	vmul.f32 v13, v24  }
0x1e4: {  	v2 =	vadd.f32 v2, v53  }
0x1e5: {  	v4, _, _ =	vpop (xrf2);
	v7 =	vadd.f32 v18, v3;
	v3 =	vadd.f32 v11, v24;
	v11 =	vld [tilespmem:$0x1FF00]  }
0x1e6: {  	v19 =	vperm.xlane v61, v5;
	v63 =	vld [tilespmem:$0x1FF80];
	v12, _, _ =	vpop (xrf2)  }
0x1e7: {  	(erf) = vpow2.f32 v21;
	v21, _, _ =	vpop (xrf2);
	v2 =	vadd.f32 v2, v8;
	(xrf2) =	vadd.scan.msk.f32 $0xffff, v0;
	v0 =	vld [tilespmem:$0x1FEC0]  }
0x1e8: {  	v61 =	vld [tilespmem:s4+$0x176D0];
	v19 =	vmul.f32 $1.442695020e+00, v19;
	v21 =	vperm.xlane v21, v5  }
0x1e9: {  	(erf) = vpow2.f32 v6;
	v8 =	vld [tilespmem:s4+$0x18AD0];
	v6 =	vmul.f32 $2.000000030e-01, v2  }
0x1ea: {  	v16 =	vmul.f32 $1.442695020e+00, v21;
	v11 =	vmul.f32 v15, v11  }
0x1eb: {  	v22 =	vmul.f32 v9, v56;
	v14 =	vmul.f32 v14, v63  }
0x1ec: {  	(erf) = vpow2.f32 v16;
	v0 =	vmul.f32 v1, v0;
	v1 =	vadd.f32 v11, v3  }
0x1ed: {  	v58 =	vld [tilespmem:s4+$0x176F0];
	v3 =	vmul.f32 v9, v35;
	v11 =	vmax.f32 v2, v6;
	v2, _, _ =	vpop (xrf2);
	v6 =	vmul.f32 v15, v41  }
0x1ee: {  	v59 =	vld [tilespmem:s4+$0x176E0];
	v8 =	vadd.f32 v8, v61;
	(erf) = vpow2.f32 v19;
	v2 =	vperm.xlane v2, v5  }
0x1ef: {  	v21 =	vld [tilespmem:s4+$0x18AB0];
	(xrf2) =	vadd.scan.msk.f32 $0xffff, v0;
	v0 =	vperm.xlane v12, v5;
	v1 =	vadd.f32 v3, v1;
	v6 =	vadd.f32 v6, v17  }
0x1f0: {  	v56 =	vld [tilespmem:s4+$0x176B0];
	v13 =	vmul.f32 v13, v37;
	v2 =	vmul.f32 $1.442695020e+00, v2  }
0x1f1: {  	v0 =	vmul.f32 $1.442695020e+00, v0;
	v1 =	vadd.f32 v8, v1;
	v6 =	vadd.f32 v22, v6;
	v22 =	vld [tilespmem:$0x1FFF0]  }
0x1f2: {  	v20 =	vmul.f32 v9, v33;
	v12 =	vadd.f32 v14, v13;
	v14 =	vld [tilespmem:$0x1FEA0];
	(erf) = vpow2.f32 v2  }
0x1f3: {  	v3 =	vld [tilespmem:s4+$0x18AF0];
	(erf) = vpow2.f32 v0;
	v0 =	vmul.f32 $2.000000030e-01, v1  }
0x1f4: {  	v8 =	vld [tilespmem:s4+$0x18AE0]  }
0x1f5: {  	v10 =	vadd.f32 v20, v10;
	v20 =	vmul.f32 $2.000000030e-01, v23;
	v0 =	vmax.f32 v1, v0;
	v1 =	vld [tilespmem:$0x1FED0]  }
0x1f6: {  	v2 =	vmul.f32 v15, v22  }
0x1f7: {  	v44 =	vmax.f32 v23, v20  }
0x1f8: {  	v60 =	vmul.f32 v44, v14;
	v14 =	vmul.f32 v9, v36;
	v2 =	vadd.f32 v2, v12  }
0x1f9: {  	v13 =	vadd.f32 v21, v56;
	v3 =	vadd.f32 v3, v58  }
0x1fa: {  	v57 =	vld [tilespmem:s4+$0x17690];
	v8 =	vadd.f32 v8, v59;
	v0 =	vmul.f32 v0, v1;
	v1 =	vadd.f32 v14, v2  }
0x1fb: {  	v20 =	vld [tilespmem:s4+$0x18A90];
	v10 =	vadd.f32 v13, v10  }
0x1fc: {  	v15 =	vadd.f32 v3, v6;
	v13 =	vadd.f32 v8, v1;
	v1 =	vld [tilespmem:$0x1FE00]  }
0x1fd: {  	v63 =	vmul.f32 v9, v43;
	v12, _, _ =	vpop (xrf2)  }
0x1fe: {  	v9 =	vpop (erf);
	v12 =	vperm.xlane v12, v5;
	v14 =	vmul.f32 $2.000000030e-01, v15  }
0x1ff: {  	v44 =	vperm.xlane v4, v5;
	v6 =	vpop (erf)  }
0x200: {  	v62 =	vadd.f32 v20, v57;
	v4, _, _ =	vpop (xrf2);
	(xrf2) =	vadd.scan.msk.f32 $0xffff, v0;
	v0 =	vmax.f32 v15, v14;
	v14 =	vmul.f32 $1.442695020e+00, v12  }
0x201: {  	s24 =	simm.s32 $0x400;
	v3 =	vnsel vm0, $0x0, v9;
	v2 =	vpop (erf);
	v12 =	vmul.f32 $1.442695020e+00, v44;
	v1 =	vmul.f32 v6, v1  }
.LBB2_9:
0x202: {  	v8 =	vld [tilespmem:$0x1FE50];
	_ =	sdelay $0x4  }
0x203: {  	[tilespmem:s7+$0x1B2C0] =	vst v1;
	v1 =	vpop (erf);
	(erf) = vpow2.f32 v14;
	v8 =	vmul.f32 v11, v8  }
0x204: {  	v14 =	vmul.f32 $2.000000030e-01, v13;
	v16 =	vmul.f32 v1, v51  }
0x205: {  	s0 =	sshra.s32 s24, $0x2;
	v7 =	vadd.f32 v63, v7;
	v17 =	vperm.xlane v4, v5;
	v4 =	vld [tilespmem:$0x1FE80];
	(xrf2) =	vadd.scan.msk.f32 $0xffff, v8;
	v8 =	vmul.f32 v9, v47;
	v9 =	vpop (erf)  }
0x206: {  	v11 =	vld [tilespmem:s0+$0x19E80];
	[tilespmem:s7+$0x1B2D0] =	vst v16;
	(erf) = vpow2.f32 v12;
	v12 =	vmax.f32 v13, v14;
	v13 =	vmul.f32 v9, v48  }
0x207: {  	v16 =	vld [tilespmem:s0+$0x18AB0];
	[tilespmem:s7+$0x1B280] =	vst v8  }
0x208: {  	v7 =	vadd.f32 v62, v7;
	v62 =	vld [tilespmem:$0x1FE60];
	[tilespmem:s7+$0x1B2A0] =	vst v13  }
0x209: {  	v14 =	vmul.f32 v2, v46;
	v46 =	vmov v56;
	v56 =	vld [tilespmem:s0+$0x176B0]  }
0x20a: {  	v13 =	vld [tilespmem:s0+$0x18A80]  }
0x20b: {  	v47 =	vmov v53;
	v53 =	vld [tilespmem:s0+$0x17680];
	[tilespmem:s7+$0x1B2B0] =	vst v14  }
0x20c: {  	v20 =	vld [tilespmem:s0+$0x18A90]  }
0x20d: {  	v15 =	vpop (erf);
	v23 =	vld [tilespmem:s0+$0x17690]  }
0x20e: {  	v18 =	vmul.f32 $2.000000030e-01, v10;
	v12 =	vmul.f32 v12, v4;
	v3 =	vsel vm1, v3, v15  }
0x20f: {  	v8 =	vmul.f32 $2.000000030e-01, v7;
	v9 =	vsel vm2, v3, v9  }
0x210: {  	v10 =	vmax.f32 v10, v18;
	(xrf2) =	vadd.scan.msk.f32 $0xffff, v12;
	v12 =	vsel vm3, v9, v2;
	v2 =	vperm.xlane v11, v26;
	v26 =	vld [tilespmem:$0x1FE70]  }
0x211: {  	v15 =	vmul.f32 v15, v49;
	v49 =	vld [tilespmem:$0x1FF70];
	v3 =	vperm.xlane v11, v30;
	v7 =	vmax.f32 v7, v8  }
0x212: {  	v44 =	vmovc v22;
	v4 =	vperm.xlane v11, v25;
	v7 =	vmul.f32 v7, v62;
	v62 =	vadd.f32 v20, v23;
	v20 =	vld [tilespmem:$0x1FF40]  }
0x213: {  	v30 =	vld [tilespmem:$0x1FF50];
	v9 =	vmul.f32 $1.442695020e+00, v17;
	v6 =	vsel vm4, v12, v6;
	v21 =	vmul.f32 v3, v29;
	v8 =	vpop (erf)  }
0x214: {  	v14 =	vld [tilespmem:s0+$0x18AA0];
	v22 =	vmul.f32 v3, v38;
	v19 =	vsel vm5, v6, v1;
	v6 =	vperm.xlane v11, v27;
	v63 =	vpop (erf)  }
0x215: {  	v17, _, _ =	vpop (xrf2);
	v27 =	vmul.f32 v10, v26;
	v25 =	vmul.f32 v63, v52;
	v52 =	vld [tilespmem:$0x1FFD0]  }
0x216: {  	[tilespmem:s7+$0x1B290] =	vst v15;
	v29 =	vld [tilespmem:$0x1FFB0];
	v1 =	vadd.f32 v16, v56;
	v24, _, _ =	vpop (xrf2);
	v16 =	vsel vm6, v19, v63;
	(xrf2) =	vadd.scan.msk.f32 $0xffff, v7  }
0x217: {  	v7 =	vsel vm7, v16, v8;
	(xrf2) =	vadd.scan.msk.f32 $0xffff, v27;
	v27 =	vmul.f32 v8, v50;
	v8 =	vld [tilespmem:$0x1FF60];
	v20 =	vmul.f32 v4, v20  }
0x218: {  	v48 =	vmov v55;
	v55 =	vld [tilespmem:s0+$0x176A0]  }
0x219: {  	[tilespmem:s7+$0x1B2E0] =	vst v25;
	v20 =	vadd.f32 v20, v22;
	v22 =	vld [tilespmem:$0x1FEF0]  }
0x21a: {  	[tilespmem:s7+$0x1C680] =	vst v7;
	v16 =	vmul.f32 v6, v52;
	v52 =	vmov v59;
	v59 =	vmul.f32 v4, v30;
	v30 =	vld [tilespmem:$0x1FF90]  }
0x21b: {  	v12 =	vmul.f32 v3, v28;
	v19 =	vmul.f32 v4, v49;
	v26 =	vld [tilespmem:s0+$0x18AC0]  }
0x21c: {  	v29 =	vmul.f32 v3, v29;
	v28 =	vmul.f32 v4, v8;
	v8 =	vld [tilespmem:s0+$0x176C0];
	_ =	sdelay $0x1  }
0x21d: {  	v19 =	vadd.f32 v19, v29;
	v22 =	vmul.f32 v2, v22  }
0x21e: {  	v51 =	vmov v61;
	v61 =	vmul.f32 v3, v30  }
0x21f: {  	v19 =	vadd.f32 v22, v19  }
0x220: {  	v18 =	vmul.f32 v2, v39;
	v22 =	vadd.f32 v26, v8;
	v26 =	vadd.f32 v28, v61;
	_ =	sdelay $0x1  }
0x221: {  	v49 =	vmov v57;
	v57 =	vmov v23;
	v23 =	vld [tilespmem:$0x1FF20];
	v18 =	vadd.f32 v18, v26  }
0x222: {  	v50 =	vmov v58;
	v58 =	vmul.f32 v6, v34;
	v30 =	vld [tilespmem:$0x1FFA0]  }
0x223: {  	v17 =	vperm.xlane v17, v5;
	v7 =	vadd.f32 v14, v55;
	v29 =	vld [tilespmem:$0x1FF10];
	v16 =	vadd.f32 v16, v18  }
0x224: {  	v11 =	vmul.f32 v2, v40;
	v15 =	vmul.f32 v2, v42;
	v13 =	vadd.f32 v13, v53;
	v14 =	vld [tilespmem:$0x1FEE0]  }
0x225: {  	v17 =	vmul.f32 $1.442695020e+00, v17;
	v10, _, _ =	vpop (xrf2);
	v12 =	vadd.f32 v59, v12;
	v16 =	vadd.f32 v7, v16;
	v7 =	vld [tilespmem:$0x1FE90]  }
0x226: {  	v24 =	vperm.xlane v24, v5;
	v25 =	vmul.f32 v6, v45;
	v19 =	vadd.f32 v58, v19;
	v58, _, _ =	vpop (xrf2);
	(xrf2) =	vadd.scan.msk.f32 $0xffff, v60  }
0x227: {  	v23 =	vmul.f32 v4, v23;
	v59 =	vld [tilespmem:$0x1FF30];
	v11 =	vadd.f32 v11, v12;
	v61 =	vmul.f32 v3, v30  }
0x228: {  	v29 =	vmul.f32 v4, v29;
	v30 =	vld [tilespmem:$0x1FFC0];
	v19 =	vadd.f32 v22, v19;
	v22 =	vmul.f32 $1.442695020e+00, v24  }
0x229: {  	v14 =	vmul.f32 v2, v14;
	v11 =	vadd.f32 v25, v11;
	v60 =	vld [tilespmem:$0x1FEC0];
	v12 =	vadd.f32 v23, v61  }
0x22a: {  	(erf) = vpow2.f32 v22;
	v0 =	vmul.f32 v0, v7;
	v7 =	vadd.f32 v29, v21;
	v21 =	vld [tilespmem:$0x1FF00]  }
0x22b: {  	[tilespmem:s7+$0x1B2F0] =	vst v27;
	v11 =	vadd.f32 v13, v11;
	v23 =	vperm.xlane v58, v5;
	v24, _, _ =	vpop (xrf2);
	v58 =	vmul.f32 $2.000000030e-01, v19;
	v22 =	vld [tilespmem:$0x1FEA0]  }
0x22c: {  	s7 =	smov.u32 s4;
	s4 =	smov.u32 s0;
	v12 =	vadd.f32 v14, v12;
	v14 =	vperm.xlane v24, v5;
	(xrf2) =	vadd.scan.msk.f32 $0xffff, v0;
	v0 =	vmul.f32 $2.000000030e-01, v16  }
0x22d: {  	v61 =	vld [tilespmem:s4+$0x176D0];
	v30 =	vmul.f32 v3, v30;
	v18 =	vmax.f32 v19, v58;
	v19 =	vmul.f32 v4, v59  }
0x22e: {  	v13 =	vmul.f32 $1.442695020e+00, v14;
	v14 =	vld [tilespmem:s4+$0x18AD0];
	v0 =	vmax.f32 v16, v0;
	v16 =	vmul.f32 v18, v60  }
0x22f: {  	v63 =	vmul.f32 v6, v43;
	v19 =	vadd.f32 v19, v30;
	v21 =	vmul.f32 v2, v21  }
0x230: {  	v27 =	vmul.f32 v6, v33;
	v60 =	vmul.f32 v0, v22;
	v22, _, _ =	vpop (xrf2);
	(xrf2) =	vadd.scan.msk.f32 $0xffff, v16;
	v16 =	vld [tilespmem:$0x1FF80]  }
0x231: {  	v25 =	vimm.s32 $0x1;
	v28 =	vld [tilespmem:$0x1FEB0];
	v0 =	vadd.f32 v21, v19;
	v19 =	vmul.f32 v6, v35  }
0x232: {  	v26 =	vimm.s32 $0x2;
	v3 =	vmul.f32 v3, v37;
	(erf) = vpow2.f32 v9  }
0x233: {  	v58 =	vld [tilespmem:s4+$0x176F0];
	v9 =	vpop (erf);
	(erf) = vpow2.f32 v13;
	v13 =	vadd.f32 v14, v61;
	v0 =	vadd.f32 v19, v0  }
0x234: {  	v7 =	vadd.f32 v15, v7;
	v15 =	vmul.f32 $1.442695020e+00, v23;
	v23 =	vmul.f32 v2, v41;
	v21 =	vld [tilespmem:s4+$0x18AF0]  }
0x235: {  	v14 =	vperm.xlane v22, v5;
	v4 =	vmul.f32 v4, v16;
	v0 =	vadd.f32 v13, v0  }
0x236: {  	v28 =	vmul.f32 v6, v28;
	v59 =	vld [tilespmem:s4+$0x176E0];
	v2 =	vmul.f32 v2, v44;
	v16 =	vadd.f32 v23, v20  }
0x237: {  	v18 =	vld [tilespmem:s4+$0x18AE0];
	v19 =	vmul.f32 $1.442695020e+00, v14;
	v3 =	vadd.f32 v4, v3;
	v14 =	vmul.f32 $2.000000030e-01, v0  }
0x238: {  	v24 =	vmul.f32 $2.000000030e-01, v11;
	(erf) = vpow2.f32 v17;
	v4 =	vadd.f32 v28, v16  }
0x239: {  	v16 =	vadd.f32 v21, v58;
	v0 =	vmax.f32 v0, v14;
	v14 =	vadd.f32 v2, v3;
	v3 =	vld [tilespmem:$0x1FED0]  }
0x23a: {  	v12 =	vadd.f32 v27, v12;
	v27 =	vimm.s32 $0x3;
	v22 =	vmovc v44;
	(erf) = vpow2.f32 v19  }
0x23b: {  	p1 =	sne.s32 s24, $0x4E00;
	v44 =	vmul.f32 v6, v36;
	v6 =	vpop (erf);
	(erf) = vpow2.f32 v15;
	v15 =	vadd.f32 v16, v4  }
.Ltmp3:
0x23c: {  	v11 =	vmax.f32 v11, v24;
	v30 =	vimm.s32 $0x0;
	v18 =	vadd.f32 v18, v59;
	v13, _, _ =	vpop (xrf2);
	(pc) =	sbr.rel @p1 .LBB2_9-.Ltmp3, $4  }
0x23d: {  	v29 =	vmovc v32;
	v28 =	vmovc v31;
	v13 =	vperm.xlane v13, v5;
	v16 =	vadd.f32 v44, v14;
	v17 =	vmul.f32 $2.000000030e-01, v15  }
0x23e: {  	v2 =	vpop (erf);
	v44 =	vperm.xlane v10, v5;
	v10 =	vadd.f32 v1, v12;
	v0 =	vmul.f32 v0, v3  }
0x23f: {  	v4, _, _ =	vpop (xrf2);
	v1 =	vmul.f32 v6, v54;
	v14 =	vmul.f32 $1.442695020e+00, v13;
	v13 =	vadd.f32 v18, v16  }
0x240: {  	s24 =	sadd.s32 $0x200, s24;
	v54 =	vmovc v8;
	v12 =	vmul.f32 $1.442695020e+00, v44;
	v3 =	vnsel vm0, $0x0, v9;
	(xrf2) =	vadd.scan.msk.f32 $0xffff, v0;
	v0 =	vmax.f32 v15, v17  }
0x241: {  	v15 =	vld [tilespmem:$0x1FE50];
	_ =	sdelay $0x4  }
0x242: {  	v11 =	vmul.f32 v11, v15;
	_ =	sdelay $0x1  }
0x243: {  	(xrf2) =	vadd.scan.msk.f32 $0xffff, v11;
	v11 =	vld [tilespmem:$0x1FE80];
	_ =	sdelay $0x1  }
0x244: {  	v8 =	vmul.f32 $2.000000030e-01, v13;
	_ =	sdelay $0x1  }
0x245: {  	v7 =	vadd.f32 v63, v7;
	v8 =	vmax.f32 v13, v8  }
0x246: {  	v8 =	vmul.f32 v8, v11  }
0x247: {  	v7 =	vadd.f32 v62, v7;
	v11 =	vld [tilespmem:$0x1FE60]  }
0x248: {  	(xrf2) =	vadd.scan.msk.f32 $0xffff, v8;
	v8 =	vld [tilespmem:$0x1FE70]  }
0x249: {  	v15 =	vmul.f32 $2.000000030e-01, v7  }
0x24a: {  	v13 =	vmul.f32 $2.000000030e-01, v10  }
0x24b: {  	v7 =	vmax.f32 v7, v15  }
0x24c: {  	v10 =	vmax.f32 v10, v13;
	v7 =	vmul.f32 v7, v11  }
0x24d: {  	v8 =	vmul.f32 v10, v8  }
0x24e: {  	(xrf2) =	vadd.scan.msk.f32 $0xffff, v7;
	v7 =	vld [tilespmem:$0x1FE90]  }
0x24f: {  	(xrf2) =	vadd.scan.msk.f32 $0xffff, v8;
	_ =	sdelay $0x1  }
0x250: {  	(xrf2) =	vadd.scan.msk.f32 $0xffff, v60;
	_ =	sdelay $0x1  }
0x251: {  	v0 =	vmul.f32 v0, v7;
	v7, _, _ =	vpop (xrf2)  }
0x252: {  	v8, _, _ =	vpop (xrf2)  }
0x253: {  	(xrf2) =	vadd.scan.msk.f32 $0xffff, v0;
	v8 =	vperm.xlane v8, v5  }
0x254: {  	v10, _, _ =	vpop (xrf2)  }
0x255: {  	v0 =	vpop (erf);
	v8 =	vmul.f32 $1.442695020e+00, v8  }
0x256: {  	v4 =	vperm.xlane v4, v5;
	(erf) = vpow2.f32 v14;
	v13, _, _ =	vpop (xrf2)  }
0x257: {  	v7 =	vperm.xlane v7, v5;
	(erf) = vpow2.f32 v12;
	v12, _, _ =	vpop (xrf2)  }
0x258: {  	v4 =	vmul.f32 $1.442695020e+00, v4;
	v12 =	vperm.xlane v12, v5  }
0x259: {  	v7 =	vmul.f32 $1.442695020e+00, v7;
	(erf) = vpow2.f32 v8;
	v8, _, _ =	vpop (xrf2)  }
0x25a: {  	v8 =	vperm.xlane v8, v5;
	v12 =	vmul.f32 $1.442695020e+00, v12  }
0x25b: {  	v13 =	vperm.xlane v13, v5;
	(erf) = vpow2.f32 v4  }
0x25c: {  	v4 =	vmul.f32 $1.442695020e+00, v8;
	(erf) = vpow2.f32 v12  }
0x25d: {  	v8 =	vmul.f32 $1.442695020e+00, v13;
	(erf) = vpow2.f32 v7;
	v7, _, _ =	vpop (xrf2)  }
0x25e: {  	v12 =	vpop (erf);
	(erf) = vpow2.f32 v4;
	v4 =	vperm.xlane v7, v5  }
0x25f: {  	[tilespmem:s7+$0x1B2C0] =	vst v1;
	v1 =	vmul.f32 v9, v47  }
0x260: {  	v7 =	vpop (erf);
	(erf) = vpow2.f32 v8;
	v4 =	vmul.f32 $1.442695020e+00, v4  }
0x261: {  	v11 =	vmul.f32 v0, v51;
	v8 =	vperm.xlane v10, v5;
	v3 =	vsel vm1, v3, v7  }
0x262: {  	[tilespmem:s7+$0x1B280] =	vst v1;
	v9 =	vpop (erf);
	v3 =	vsel vm2, v3, v12  }
0x263: {  	[tilespmem:s7+$0x1B2D0] =	vst v11;
	v11 =	vmul.f32 v2, v46;
	v8 =	vmul.f32 $1.442695020e+00, v8;
	v1 =	vsel vm3, v3, v2;
	v2 =	vpop (erf)  }
0x264: {  	(erf) = vpow2.f32 v4;
	v3 =	vmul.f32 v7, v49;
	v1 =	vsel vm4, v1, v6;
	v4 =	vpop (erf)  }
0x265: {  	v0 =	vsel vm5, v1, v0;
	v1 =	vmul.f32 v2, v52;
	v6 =	vpop (erf)  }
0x266: {  	[tilespmem:s7+$0x1B2B0] =	vst v11;
	(erf) = vpow2.f32 v8;
	v7 =	vpop (erf)  }
0x267: {  	v0 =	vsel vm6, v0, v2;
	[tilespmem:s7+$0x1B2E0] =	vst v1;
	v1 =	vmul.f32 v9, v50;
	v2 =	vpop (erf)  }
0x268: {  	[tilespmem:s7+$0x1B290] =	vst v3;
	v3 =	vpop (erf)  }
0x269: {  	v10 =	vmul.f32 v12, v48;
	v0 =	vsel vm7, v0, v9;
	[tilespmem:s7+$0x1B2F0] =	vst v1;
	v1 =	vnsel vm0, $0x0, v4;
	v9 =	vpop (erf)  }
0x26a: {  	[tilespmem:s7+$0x1C680] =	vst v0;
	v0 =	vmul.f32 v6, v54;
	v1 =	vsel vm1, v1, v9  }
0x26b: {  	[tilespmem:s7+$0x1B2A0] =	vst v10;
	v8 =	vmul.f32 v2, v61;
	v1 =	vsel vm2, v1, v3  }
0x26c: {  	[tilespmem:s4+$0x1B2C0] =	vst v0;
	v0 =	vmul.f32 v4, v53  }
0x26d: {  	v4 =	vmul.f32 v3, v55;
	[tilespmem:s4+$0x1B2D0] =	vst v8  }
0x26e: {  	v3 =	vmul.f32 v7, v56;
	[tilespmem:s4+$0x1B280] =	vst v0;
	v0 =	vsel vm3, v1, v7;
	v1 =	vpop (erf)  }
0x26f: {  	[tilespmem:s4+$0x1B2A0] =	vst v4;
	v4 =	vmul.f32 v9, v57;
	v0 =	vsel vm4, v0, v6;
	v6 =	vpop (erf)  }
0x270: {  	[tilespmem:s4+$0x1B2B0] =	vst v3;
	v0 =	vsel vm5, v0, v2;
	v2 =	vmul.f32 v6, v59  }
0x271: {  	[tilespmem:s4+$0x1B290] =	vst v4;
	v0 =	vsel vm6, v0, v6  }
0x272: {  	v0 =	vsel vm7, v0, v1;
	v1 =	vmul.f32 v1, v58;
	[tilespmem:s4+$0x1B2E0] =	vst v2  }
0x273: {  	[tilespmem:s4+$0x1C680] =	vst v0  }
0x274: {  	[tilespmem:s4+$0x1B2F0] =	vst v1  }
0x275: {  	[spmem:s3] =	stream.indirect.scatter.add.f32 [tilespmem:s17], [sflag:$0x5], $0x80, s2, s29, $0xb8;
	[tilespmem:$0x1E080] =	vst v63  }
0x276: {  	_ =	swait.ge [sflag:s23], $0x1400  }
0x277: {  	[sflag:s23] =	ssyncset.done $0x0  }
0x278: {  	s0 =	sadd.s32 s12, s22;
	s31 =	simm.s32 $0x0;
	[sflag:s23] =	ssyncadd.s32 $0xFFFFEC00  }
0x279: {  	[hbm4b:s0+s31] =	stream.linear.scatter [tilespmem:s18], [sflag:$0x5], $0x1400, $0x38;
	[tilespmem:$0x1E080] =	vst v63  }
0x27a: {  	_ =	swait.ge [sflag:s23], $0x1400  }
0x27b: {  	v15 =	vld [tilespmem:$0x1FF90]  }
0x27c: {  	v1 =	vld [tilespmem:$0x1FFA0]  }
0x27d: {  	v63 =	vld [tilespmem:$0x1FFB0]  }
0x27e: {  	v61 =	vld [tilespmem:$0x1FFC0]  }
0x27f: {  	v17 =	vld [tilespmem:$0x1FF50]  }
0x280: {  	v59 =	vld [tilespmem:$0x1FF10]  }
0x281: {  	v18 =	vld [tilespmem:$0x1FF60]  }
0x282: {  	v24 =	vmov v37;
	v37 =	vld [tilespmem:$0x1FF20]  }
0x283: {  	v8 =	vld [tilespmem:$0x1FF70]  }
0x284: {  	v62 =	vld [tilespmem:$0x1FF30]  }
0x285: {  	v6 =	vld [tilespmem:$0x1FF80]  }
0x286: {  	v19 =	vld [tilespmem:$0x1FF40]  }
0x287: {  	s25 =	sadd.s32 $0x1, s25;
	v20 =	vld [tilespmem:$0x1FEE0]  }
0x288: {  	p1 =	sne.s32 s25, $0x7D;
	v21 =	vld [tilespmem:$0x1FEF0]  }
.Ltmp4:
0x289: {  	v16 =	vld [tilespmem:$0x1FF00];
	(pc) =	sbr.rel @p1 .LBB2_6-.Ltmp4, $4  }
0x28a: {  	v41 =	vld [tilespmem:$0x1FFD0]  }
0x28b: {  	v11 =	vld [tilespmem:$0x1FEB0]  }
0x28c: {  	[sflag:s23] =	ssyncset.done $0x0;
	v60 =	vld [tilespmem:$0x1FEA0]  }
0x28d: {  	v23 =	vmovc v38;
	v38 =	vmov v40;
	v40 =	vmov v42;
	v42 =	vmov v39;
	v10 =	vld [tilespmem:$0x1FEC0];
	[sflag:s23] =	ssyncadd.s32 $0xFFFFEC00  }
0x28e: {  	_ =	swait.ge [sflag:s15], $0x1400  }
0x28f: {  	[sflag:s15] =	ssyncset.done $0x0  }
0x290: {  	[sflag:s15] =	ssyncadd.s32 $0xFFFFEC00  }
0x291: {  	_ =	swait.ge [sflag:s16], $0x1400  }
0x292: {  	[sflag:s16] =	ssyncset.done $0x0  }
0x293: {  	[sflag:s16] =	ssyncadd.s32 $0xFFFFEC00  }
0x294: {  	[bflag:$0x0] =	sbarrier.arrive $0xFFFF  }
0x295: {  	s4 =	rddreg [dreg:$0xa]  }
0x296: {  	s0 =	simm.s32 @p0 $0x1FC5;
	s7 =	rddreg [dreg:$0xc]  }
0x297: {  	[hbm:s4], [sflag:s0] =	dma.local @p0 [spmem:s7], $0x2080  }
0x298: {  	s0 =	simm.s32 @p0 $0x5  }
0x299: {  	_ =	swait.ge @p0 [sflag:s0], $0x2080  }
0x29a: {  	s4 =	stileid.u32;
	s22 =	rddreg [dreg:$0x5]  }
0x29b: {  	s4 =	sshll.u32 @!p0 s4, $0x6;
	[sflag:s0] =	ssyncset.done @p0 $0x0;
	s7 =	rddreg [dreg:$0x9]  }
0x29c: {  	[sflag:s0] =	ssyncadd.s32 @p0 $0xFFFFDF80;
	s0 =	sor.u32 @!p0 $0x1C05, s4;
	s4 =	sshrl.u32 @!p0 s22, $0x3  }
0x29d: {  	[hbm:s7], [sflag:s0] =	dma.local @!p0 [spmem:s4], $0x2780  }
0x29e: {  	s0 =	simm.s32 @!p0 $0x5  }
0x29f: {  	_ =	swait.ge @!p0 [sflag:s0], $0x2780  }
0x2a0: {  	s30 =	rddreg [dreg:$0xd]  }
0x2a1: {  	s31 =	rddreg [dreg:$0xb];
	s7 =	sadd.s32 $0x1, s30  }
0x2a2: {  	p1 =	sne.s32 s7, s31  }
.Ltmp5:
0x2a3: {  	_ = 	snop;
	(pc) =	sbr.rel @p1 .LBB2_1-.Ltmp5, $3  }
0x2a4: {  	_ =	sdelay $0x1  }
0x2a5: {  	[sflag:s0] =	ssyncset.done @!p0 $0x0  }
0x2a6: {  	v0 =	vimm.f32 $0.0e+00;
	[sflag:s0] =	ssyncadd.s32 @!p0 $0xFFFFD880  }
0x2a7: {  	_ =	sfence.sel $0x180000  }
0x2a8: {  	[bflag:$0x0] =	sbarrier.arrive $0xFFFF  }
0x2a9: {  	_ =	strace $0x90000047  }
0x2aa: {  	s0 =	stileid.u32;
	[bflag:$0x2] =	sbarrier.arrive $0xFFFF  }
0x2ab: {  	p0 =	sne.s32 s0, $0x0;
	s0 =	rddreg [dreg:$0x4]  }
0x2ac: {  	s0 =	sadd.s32 @!p0 $0x100000, s0  }
0x2ad: {  	[sflag:s0] =	ssyncadd.tile.s32 @!p0 $0x1;
	_ =	shalt  }
.Lfunc_end2:
_tile_overlayer_lowered:
.L_overlay_start_2:
0x2ae: {  	(tag) =	ssettag $0x2  }
0x2af: {  	s0 =	rddreg [dreg:$0x0];
	s2 =	stileid.u32  }
0x2b0: {  	s1 =	rddreg [dreg:$0x1];
	p0 =	sne.s32 s2, $0x0  }
0x2b1: {  	s3 =	rddreg [dreg:$0x2];
	[bflag:$0x3] =	sbarrier.arrive $0xFFFF;
	s2 =	simm.s32 @!p0 $0x1C05  }
0x2b2: {  	[timem:s3], [sflag:s2] =	dma.local @!p0 [hbm:s0], s1  }
0x2b3: {  	s0 =	simm.s32 @!p0 $0x5  }
0x2b4: {  	_ =	swait.ge @!p0 [sflag:s0], s1  }
0x2b5: {  	s1 =	ssub.s32 @!p0 $0x0, s1;
	[sflag:s0] =	ssyncset.done @!p0 $0x0  }
0x2b6: {  	[sflag:s0] =	ssyncadd.s32 @!p0 s1  }
0x2b7: {  	[bflag:$0x3] =	sbarrier.arrive $0xFFFF  }
0x2b8: {  	_ =	shalt  }

</sc_bundles>
